<compile_context>
chip_gen: v7x
topology: tpu7x:2x2x1
jax: 0.10.2.dev20260603
libtpu: 0.0.44.dev20260713+nightly
codegen_flags: <defaults>
</compile_context>

<pallas_src>
import jax
import jax.numpy as jnp
from jax import lax
from jax.experimental import pallas as pl
from jax.experimental.pallas import tpu as pltpu
from jax.experimental.pallas import tpu_sc as plsc

N, D, H, M, B = 160000, 256, 512, 160000, 10000

NW = 32
LANES = 16
M_PAD = 163840
CHUNK = 128
CHUNKS_PER_TILE = M_PAD // (NW * CHUNK)
B_PAD = 10240
COLS_PER_TILE = B_PAD // NW
NEG_INF = float("-inf")


_BM = 8000


def _mlp_body(x_ref, w1_ref, b1_ref, w2_ref, o_ref):
    x16 = x_ref[...].astype(jnp.bfloat16)
    w16 = w1_ref[...].astype(jnp.bfloat16)
    h = jnp.dot(x16, w16, preferred_element_type=jnp.float32)
    h = jnp.maximum(h + b1_ref[...], 0.0)
    o_ref[0] = jax.lax.dot_general(
        w2_ref[...], h, (((1,), (1,)), ((), ())),
        preferred_element_type=jnp.float32)


def _mlp_preds(features, W1, b1, w2):
    b1r = b1.reshape(1, H)
    w2r = w2.reshape(1, H)
    return pl.pallas_call(
        _mlp_body,
        grid=(N // _BM,),
        in_specs=[
            pl.BlockSpec((_BM, D), lambda i: (i, 0)),
            pl.BlockSpec((D, H), lambda i: (0, 0)),
            pl.BlockSpec((1, H), lambda i: (0, 0)),
            pl.BlockSpec((1, H), lambda i: (0, 0)),
        ],
        out_specs=pl.BlockSpec((1, 1, _BM), lambda i: (i, 0, 0)),
        out_shape=jax.ShapeDtypeStruct((N // _BM, 1, _BM), jnp.float32),
    )(features, W1, b1r, w2r)




def _shift_up(v, perm):
    return v.at[perm].get(mode="promise_in_bounds")


def _seg_update(local_ref, v_id, v_val, iota):
    for s in (1, 2, 4, 8):
        perm = jnp.maximum(iota - s, 0)
        sh_v = _shift_up(v_val, perm)
        sh_id = _shift_up(v_id, perm)
        m = (iota >= s) & (sh_id == v_id)
        v_val = jnp.where(m, jnp.maximum(v_val, sh_v), v_val)
    nxt_id = _shift_up(v_id, jnp.minimum(iota + 1, 15))
    last = (iota == 15) | (nxt_id != v_id)
    cur = plsc.load_gather(local_ref, [v_id], mask=last)
    plsc.store_scatter(local_ref, [v_id], jnp.maximum(cur, v_val), mask=last)


_HALF = CHUNKS_PER_TILE // 2


def _segmax_body(preds_hbm, idx_hbm, ids_hbm, out_hbm, idx_v, ids_v, vals_v,
                 local_v, sem_a, sem_b):
    wid = lax.axis_index("s") * 2 + lax.axis_index("c")
    row0 = wid * CHUNKS_PER_TILE

    pltpu.sync_copy(idx_hbm.at[pl.ds(row0, CHUNKS_PER_TILE)], idx_v)
    pltpu.sync_copy(ids_hbm.at[pl.ds(row0, CHUNKS_PER_TILE)], ids_v)

    def _fire(sem):
        def f(j, _):
            pltpu.make_async_copy(preds_hbm.at[idx_v.at[j]], vals_v.at[j],
                                  sem).start()
            return 0
        return f
    lax.fori_loop(0, _HALF, _fire(sem_a), 0)
    lax.fori_loop(_HALF, CHUNKS_PER_TILE, _fire(sem_b), 0)

    def _init(i, _):
        local_v[pl.ds(i * LANES, LANES)] = jnp.full((LANES,), NEG_INF,
                                                    jnp.float32)
        return 0
    lax.fori_loop(0, B_PAD // LANES, _init, 0)

    def _drain(sem):
        def f(j, _):
            pltpu.make_async_copy(preds_hbm.at[idx_v.at[j]], vals_v.at[j],
                                  sem).wait()
            return 0
        return f

    iota = lax.iota(jnp.int32, LANES)

    def _chunk(j, _):
        for k in range(CHUNK // LANES):
            v_id = ids_v[j, pl.ds(k * LANES, LANES)]
            v_val = vals_v[j, pl.ds(k * LANES, LANES)]
            _seg_update(local_v, v_id, v_val, iota)
        return 0

    lax.fori_loop(0, _HALF, _drain(sem_a), 0)
    lax.fori_loop(0, _HALF, _chunk, 0)
    lax.fori_loop(_HALF, CHUNKS_PER_TILE, _drain(sem_b), 0)
    lax.fori_loop(_HALF, CHUNKS_PER_TILE, _chunk, 0)

    pltpu.sync_copy(local_v, out_hbm.at[wid])


def _merge_body(partial_hbm, out_hbm, blk_v, out_v):
    wid = lax.axis_index("s") * 2 + lax.axis_index("c")
    col0 = wid * COLS_PER_TILE
    pltpu.sync_copy(partial_hbm.at[:, pl.ds(col0, COLS_PER_TILE)], blk_v)

    def _col(c, _):
        def _row(r, acc):
            return jnp.maximum(acc, blk_v[r, pl.ds(c * LANES, LANES)])
        acc = lax.fori_loop(1, NW, _row, blk_v[0, pl.ds(c * LANES, LANES)])
        out_v[pl.ds(c * LANES, LANES)] = acc
        return 0
    lax.fori_loop(0, COLS_PER_TILE // LANES, _col, 0)

    pltpu.sync_copy(out_v, out_hbm.at[pl.ds(col0, COLS_PER_TILE)])


def _sc_segmax(preds_flat, idx2d, ids2d):
    mesh = plsc.VectorSubcoreMesh(core_axis_name="c", subcore_axis_name="s")
    sc_params = pltpu.CompilerParams(needs_layout_passes=False,
                                     use_tc_tiling_on_sc=False)
    partial = pl.kernel(
        _segmax_body,
        mesh=mesh,
        compiler_params=sc_params,
        out_type=jax.ShapeDtypeStruct((NW, B_PAD), jnp.float32),
        scratch_types=[
            pltpu.VMEM((CHUNKS_PER_TILE, CHUNK), jnp.int32),
            pltpu.VMEM((CHUNKS_PER_TILE, CHUNK), jnp.int32),
            pltpu.VMEM((CHUNKS_PER_TILE, CHUNK), jnp.float32),
            pltpu.VMEM((B_PAD,), jnp.float32),
            pltpu.SemaphoreType.DMA,
            pltpu.SemaphoreType.DMA,
        ],
    )(preds_flat, idx2d, ids2d)

    merged = pl.kernel(
        _merge_body,
        mesh=mesh,
        compiler_params=sc_params,
        out_type=jax.ShapeDtypeStruct((B_PAD,), jnp.float32),
        scratch_types=[
            pltpu.VMEM((NW, COLS_PER_TILE), jnp.float32),
            pltpu.VMEM((COLS_PER_TILE,), jnp.float32),
        ],
    )(partial)
    return merged




def kernel(features, gather_idx, segment_ids, W1, b1, w2):
    preds_flat = _mlp_preds(features, W1, b1, w2).reshape(N)

    pad = M_PAD - M
    idx2d = jnp.concatenate(
        [gather_idx.astype(jnp.int32), jnp.zeros((pad,), jnp.int32)]
    ).reshape(M_PAD // CHUNK, CHUNK)
    ids2d = jnp.concatenate(
        [segment_ids.astype(jnp.int32), jnp.full((pad,), B, jnp.int32)]
    ).reshape(M_PAD // CHUNK, CHUNK)

    merged = _sc_segmax(preds_flat, idx2d, ids2d)
    return merged[:B].reshape(B, 1)

# --- scband reference (transcript-rebuilt; emitter-appended) ---
"""Pipeline reference for scband-project-67001489817857 (READ-ONLY COPY).

The authoritative reference and input builder live on the scoring server;
editing this copy changes nothing except your own understanding.
"""

import jax, jax.numpy as jnp
import numpy as np

N, D, H, M, B = 160000, 256, 512, 160000, 10000

def setup_inputs(seed: int = 0) -> dict:
    key = jax.random.key(seed)
    ks = jax.random.split(key, 6)
    features = jax.random.normal(ks[0], (N, D), dtype=jnp.float32)
    gather_idx = jax.random.randint(ks[1], (M,), 0, N)
    segment_ids = jnp.sort(jax.random.randint(ks[2], (M,), 0, B))
    W1 = jax.random.normal(ks[3], (D, H), dtype=jnp.float32) * (1.0 / np.sqrt(D))
    b1 = jnp.zeros((H,), dtype=jnp.float32)
    w2 = jax.random.normal(ks[4], (H, 1), dtype=jnp.float32) * (1.0 / np.sqrt(H))
    return {"features": features, "gather_idx": gather_idx, "segment_ids": segment_ids, "W1": W1, "b1": b1, "w2": w2}

def reference(features, gather_idx, segment_ids, W1, b1, w2):
    # Project.forward: for each tuple id in the mini-batch, gather the rows of the
    # underlying rule's dataframe that belong to that group (self.mat[x[i]]),
    # evaluate the rule on the concatenated index vector, then take the max over
    # each group's predictions (existential projection = segment max).
    gathered = jnp.take(features, gather_idx, axis=0)          # rule input gather
    hidden = jax.nn.relu(gathered @ W1 + b1)                   # rule evaluation (modeled MLP)
    preds = hidden @ w2                                        # preds[:, 0:1]
    ret = jax.ops.segment_max(preds, segment_ids, num_segments=B)  # per-group max
    return ret

if __name__ == "__main__":
    import jax
    _d = setup_inputs()
    print(jax.jit(kernel)(*tuple(_d.values())))

</pallas_src>

<mosaic_0001>
#map = affine_map<(d0, d1) -> (0, 0)>
#map1 = affine_map<(d0, d1) -> (0)>
module attributes {stable_mosaic.version = 14 : i64} {
  func.func @_merge_body(%arg0: i32, %arg1: i32, %arg2: memref<32x10240xf32, #tpu.memory_space<hbm>>, %arg3: memref<10240xf32, #tpu.memory_space<hbm>>, %arg4: memref<32x320xf32, #tpu.memory_space<vmem>>, %arg5: memref<320xf32, #tpu.memory_space<vmem>>) attributes {dimension_semantics = [#tpu.dimension_semantics<core_parallel>, #tpu.dimension_semantics<subcore_parallel>], iteration_bounds = array<i64: 2, 16>, scalar_prefetch = 0 : i64, scratch_operands = 2 : i64, tpu.core_type = #tpu.core_type<sc_vector_subcore>, window_params = [{transform_indices = #map}, {transform_indices = #map1}]} {
    %mul3A = arith.constant 2 : i32
    %mul3A_0 = arith.muli %arg1, %mul3A : i32
    %add3A = arith.addi %mul3A_0, %arg0 : i32
    %mul3A_1 = arith.constant 320 : i32
    %mul3A_2 = arith.muli %add3A, %mul3A_1 : i32
    "tpu.region"() ({
      %run_scoped3A = tpu.sem_alloc : memref<!tpu.dma_semaphore, #tpu.memory_space<semaphore_mem>>
      %dma_start3A = arith.constant 0 : i32
      %dma_start3A_9 = tpu.memref_slice %arg2[%dma_start3A, %mul3A_2] : memref<32x10240xf32, #tpu.memory_space<hbm>> -> memref<32x320xf32, #tpu.memory_space<hbm>>
      %dma_start3A_10 = arith.constant 0 : i32
      %dma_start3A_11 = tpu.memref_slice %arg2[%dma_start3A_10, %mul3A_2] : memref<32x10240xf32, #tpu.memory_space<hbm>> -> memref<32x320xf32, #tpu.memory_space<hbm>>
      tpu.enqueue_dma source(%dma_start3A_11 : memref<32x320xf32, #tpu.memory_space<hbm>>) target(%arg4 : memref<32x320xf32, #tpu.memory_space<vmem>>) target_semaphore(%run_scoped3A : memref<!tpu.dma_semaphore, #tpu.memory_space<semaphore_mem>>)
      %dma_wait3A = arith.constant 0 : i32
      %dma_wait3A_12 = tpu.memref_slice %arg2[%dma_wait3A, %mul3A_2] : memref<32x10240xf32, #tpu.memory_space<hbm>> -> memref<32x320xf32, #tpu.memory_space<hbm>>
      %dma_wait3A_13 = arith.constant 0 : i32
      %dma_wait3A_14 = tpu.memref_slice %arg2[%dma_wait3A_13, %mul3A_2] : memref<32x10240xf32, #tpu.memory_space<hbm>> -> memref<32x320xf32, #tpu.memory_space<hbm>>
      tpu.wait_dma2 semaphore(%run_scoped3A : memref<!tpu.dma_semaphore, #tpu.memory_space<semaphore_mem>>) src(%dma_wait3A_14 : memref<32x320xf32, #tpu.memory_space<hbm>>) dst(%arg4 : memref<32x320xf32, #tpu.memory_space<vmem>>)
      tpu.yield
    }) : () -> ()
    %scan3A = arith.constant 0 : i32
    %scan3A_3 = arith.constant 0 : i32
    %scan3A_4 = arith.constant 20 : i32
    %scan3A_5 = arith.addi %scan3A_3, %scan3A_4 : i32
    %scan3A_6 = arith.constant 1 : i32
    %scan3A_7 = scf.for %scan3A_9 = %scan3A_3 to %scan3A_5 step %scan3A_6 iter_args(%scan3A_10 = %scan3A) -> (i32)  : i32 {
      %mul3A_11 = arith.constant 16 : i32
      %mul3A_12 = arith.muli %scan3A_9, %mul3A_11 : i32
      %get3A = arith.constant 0 : i32
      %get3A_13 = arith.index_cast %get3A : i32 to index
      %get3A_14 = arith.index_cast %mul3A_12 : i32 to index
      %get3A_15 = tpu.vector_load %arg4[%get3A_13, %get3A_14] {strides = array<i32>} : memref<32x320xf32, #tpu.memory_space<vmem>>, vector<16xf32>,
      %scan3A_16 = arith.constant 1 : i32
      %scan3A_17 = arith.constant 31 : i32
      %scan3A_18 = arith.addi %scan3A_16, %scan3A_17 : i32
      %scan3A_19 = arith.constant 1 : i32
      %scan3A_20 = scf.for %scan3A_26 = %scan3A_16 to %scan3A_18 step %scan3A_19 iter_args(%scan3A_27 = %get3A_15) -> (vector<16xf32>)  : i32 {
        %mul3A_28 = arith.constant 16 : i32
        %mul3A_29 = arith.muli %scan3A_9, %mul3A_28 : i32
        %get3A_30 = arith.index_cast %scan3A_26 : i32 to index
        %get3A_31 = arith.index_cast %mul3A_29 : i32 to index
        %get3A_32 = tpu.vector_load %arg4[%get3A_30, %get3A_31] {strides = array<i32>} : memref<32x320xf32, #tpu.memory_space<vmem>>, vector<16xf32>,
        %max3A = arith.maximumf %scan3A_27, %get3A_32 : vector<16xf32>
        scf.yield %max3A : vector<16xf32>
      }
      %scan3A_21 = arith.constant 31 : i32
      %mul3A_22 = arith.constant 16 : i32
      %mul3A_23 = arith.muli %scan3A_9, %mul3A_22 : i32
      %swap3A = arith.index_cast %mul3A_23 : i32 to index
      %swap3A_24 = tpu.vector_load %arg5[%swap3A] {strides = array<i32>} : memref<320xf32, #tpu.memory_space<vmem>>, vector<16xf32>,
      tpu.vector_store %arg5[%swap3A], %scan3A_20 {strides = array<i32>} : memref<320xf32, #tpu.memory_space<vmem>>, vector<16xf32>,
      %scan3A_25 = arith.constant 0 : i32
      scf.yield %scan3A_25 : i32
    }
    %scan3A_8 = arith.constant 20 : i32
    "tpu.region"() ({
      %run_scoped3A = tpu.sem_alloc : memref<!tpu.dma_semaphore, #tpu.memory_space<semaphore_mem>>
      %dma_start3A = tpu.memref_slice %arg3[%mul3A_2] : memref<10240xf32, #tpu.memory_space<hbm>> -> memref<320xf32, #tpu.memory_space<hbm>>
      %dma_start3A_9 = tpu.memref_slice %arg3[%mul3A_2] : memref<10240xf32, #tpu.memory_space<hbm>> -> memref<320xf32, #tpu.memory_space<hbm>>
      tpu.enqueue_dma source(%arg5 : memref<320xf32, #tpu.memory_space<vmem>>) target(%dma_start3A_9 : memref<320xf32, #tpu.memory_space<hbm>>) target_semaphore(%run_scoped3A : memref<!tpu.dma_semaphore, #tpu.memory_space<semaphore_mem>>)
      %dma_wait3A = tpu.memref_slice %arg3[%mul3A_2] : memref<10240xf32, #tpu.memory_space<hbm>> -> memref<320xf32, #tpu.memory_space<hbm>>
      %dma_wait3A_10 = tpu.memref_slice %arg3[%mul3A_2] : memref<10240xf32, #tpu.memory_space<hbm>> -> memref<320xf32, #tpu.memory_space<hbm>>
      tpu.wait_dma2 semaphore(%run_scoped3A : memref<!tpu.dma_semaphore, #tpu.memory_space<semaphore_mem>>) src(%arg5 : memref<320xf32, #tpu.memory_space<vmem>>) dst(%dma_wait3A_10 : memref<320xf32, #tpu.memory_space<hbm>>)
      tpu.yield
    }) : () -> ()
    return
  }
}

#map = affine_map<(d0, d1) -> (0)>
#map1 = affine_map<(d0, d1) -> (0, 0)>
module attributes {stable_mosaic.version = 14 : i64} {
  func.func @_segmax_body(%arg0: i32, %arg1: i32, %arg2: memref<160000xf32, #tpu.memory_space<hbm>>, %arg3: memref<1280x128xi32, #tpu.memory_space<hbm>>, %arg4: memref<1280x128xi32, #tpu.memory_space<hbm>>, %arg5: memref<32x10240xf32, #tpu.memory_space<hbm>>, %arg6: memref<40x128xi32, #tpu.memory_space<vmem>>, %arg7: memref<40x128xi32, #tpu.memory_space<vmem>>, %arg8: memref<40x128xf32, #tpu.memory_space<vmem>>, %arg9: memref<10240xf32, #tpu.memory_space<vmem>>, %arg10: memref<!tpu.dma_semaphore, #tpu.memory_space<semaphore_mem>>, %arg11: memref<!tpu.dma_semaphore, #tpu.memory_space<semaphore_mem>>) attributes {dimension_semantics = [#tpu.dimension_semantics<core_parallel>, #tpu.dimension_semantics<subcore_parallel>], iteration_bounds = array<i64: 2, 16>, scalar_prefetch = 0 : i64, scratch_operands = 6 : i64, tpu.core_type = #tpu.core_type<sc_vector_subcore>, window_params = [{transform_indices = #map}, {transform_indices = #map1}, {transform_indices = #map1}, {transform_indices = #map1}]} {
    %mul3A = arith.constant 2 : i32
    %mul3A_0 = arith.muli %arg1, %mul3A : i32
    %add3A = arith.addi %mul3A_0, %arg0 : i32
    %mul3A_1 = arith.constant 40 : i32
    %mul3A_2 = arith.muli %add3A, %mul3A_1 : i32
    "tpu.region"() ({
      %run_scoped3A = tpu.sem_alloc : memref<!tpu.dma_semaphore, #tpu.memory_space<semaphore_mem>>
      %dma_start3A = arith.constant 0 : i32
      %dma_start3A_51 = tpu.memref_slice %arg3[%mul3A_2, %dma_start3A] : memref<1280x128xi32, #tpu.memory_space<hbm>> -> memref<40x128xi32, #tpu.memory_space<hbm>>
      %dma_start3A_52 = arith.constant 0 : i32
      %dma_start3A_53 = tpu.memref_slice %arg3[%mul3A_2, %dma_start3A_52] : memref<1280x128xi32, #tpu.memory_space<hbm>> -> memref<40x128xi32, #tpu.memory_space<hbm>>
      tpu.enqueue_dma source(%dma_start3A_53 : memref<40x128xi32, #tpu.memory_space<hbm>>) target(%arg6 : memref<40x128xi32, #tpu.memory_space<vmem>>) target_semaphore(%run_scoped3A : memref<!tpu.dma_semaphore, #tpu.memory_space<semaphore_mem>>)
      %dma_wait3A = arith.constant 0 : i32
      %dma_wait3A_54 = tpu.memref_slice %arg3[%mul3A_2, %dma_wait3A] : memref<1280x128xi32, #tpu.memory_space<hbm>> -> memref<40x128xi32, #tpu.memory_space<hbm>>
      %dma_wait3A_55 = arith.constant 0 : i32
      %dma_wait3A_56 = tpu.memref_slice %arg3[%mul3A_2, %dma_wait3A_55] : memref<1280x128xi32, #tpu.memory_space<hbm>> -> memref<40x128xi32, #tpu.memory_space<hbm>>
      tpu.wait_dma2 semaphore(%run_scoped3A : memref<!tpu.dma_semaphore, #tpu.memory_space<semaphore_mem>>) src(%dma_wait3A_56 : memref<40x128xi32, #tpu.memory_space<hbm>>) dst(%arg6 : memref<40x128xi32, #tpu.memory_space<vmem>>)
      tpu.yield
    }) : () -> ()
    "tpu.region"() ({
      %run_scoped3A = tpu.sem_alloc : memref<!tpu.dma_semaphore, #tpu.memory_space<semaphore_mem>>
      %dma_start3A = arith.constant 0 : i32
      %dma_start3A_51 = tpu.memref_slice %arg4[%mul3A_2, %dma_start3A] : memref<1280x128xi32, #tpu.memory_space<hbm>> -> memref<40x128xi32, #tpu.memory_space<hbm>>
      %dma_start3A_52 = arith.constant 0 : i32
      %dma_start3A_53 = tpu.memref_slice %arg4[%mul3A_2, %dma_start3A_52] : memref<1280x128xi32, #tpu.memory_space<hbm>> -> memref<40x128xi32, #tpu.memory_space<hbm>>
      tpu.enqueue_dma source(%dma_start3A_53 : memref<40x128xi32, #tpu.memory_space<hbm>>) target(%arg7 : memref<40x128xi32, #tpu.memory_space<vmem>>) target_semaphore(%run_scoped3A : memref<!tpu.dma_semaphore, #tpu.memory_space<semaphore_mem>>)
      %dma_wait3A = arith.constant 0 : i32
      %dma_wait3A_54 = tpu.memref_slice %arg4[%mul3A_2, %dma_wait3A] : memref<1280x128xi32, #tpu.memory_space<hbm>> -> memref<40x128xi32, #tpu.memory_space<hbm>>
      %dma_wait3A_55 = arith.constant 0 : i32
      %dma_wait3A_56 = tpu.memref_slice %arg4[%mul3A_2, %dma_wait3A_55] : memref<1280x128xi32, #tpu.memory_space<hbm>> -> memref<40x128xi32, #tpu.memory_space<hbm>>
      tpu.wait_dma2 semaphore(%run_scoped3A : memref<!tpu.dma_semaphore, #tpu.memory_space<semaphore_mem>>) src(%dma_wait3A_56 : memref<40x128xi32, #tpu.memory_space<hbm>>) dst(%arg7 : memref<40x128xi32, #tpu.memory_space<vmem>>)
      tpu.yield
    }) : () -> ()
    %scan3A = arith.constant 0 : i32
    %scan3A_3 = arith.constant 0 : i32
    %scan3A_4 = arith.constant 20 : i32
    %scan3A_5 = arith.addi %scan3A_3, %scan3A_4 : i32
    %scan3A_6 = arith.constant 1 : i32
    %scan3A_7 = scf.for %scan3A_51 = %scan3A_3 to %scan3A_5 step %scan3A_6 iter_args(%scan3A_52 = %scan3A) -> (i32)  : i32 {
      %dma_start3A = arith.constant 0 : i32
      %dma_start3A_53 = tpu.memref_slice %arg8[%scan3A_51, %dma_start3A] : memref<40x128xf32, #tpu.memory_space<vmem>> -> memref<1x128xf32, #tpu.memory_space<vmem>>
      %dma_start3A_54 = tpu.memref_squeeze %dma_start3A_53 : memref<1x128xf32, #tpu.memory_space<vmem>> -> memref<128xf32, #tpu.memory_space<vmem>>
      %dma_start3A_55 = arith.constant 0 : i32
      %dma_start3A_56 = tpu.memref_slice %arg6[%scan3A_51, %dma_start3A_55] : memref<40x128xi32, #tpu.memory_space<vmem>> -> memref<1x128xi32, #tpu.memory_space<vmem>>
      %dma_start3A_57 = tpu.memref_squeeze %dma_start3A_56 : memref<1x128xi32, #tpu.memory_space<vmem>> -> memref<128xi32, #tpu.memory_space<vmem>>
      %dma_start3A_58 = arith.constant 0 : i32
      %dma_start3A_59 = tpu.memref_slice %arg2[%dma_start3A_58] : memref<160000xf32, #tpu.memory_space<hbm>> -> memref<160000xf32, #tpu.memory_space<hbm>>
      tpu.enqueue_indirect_dma source(%dma_start3A_59 : memref<160000xf32, #tpu.memory_space<hbm>>) target(%dma_start3A_54 : memref<128xf32, #tpu.memory_space<vmem>>) offsets(%dma_start3A_57 : memref<128xi32, #tpu.memory_space<vmem>>) semaphore(%arg10 : memref<!tpu.dma_semaphore, #tpu.memory_space<semaphore_mem>>)
      %scan3A_60 = arith.constant 0 : i32
      scf.yield %scan3A_60 : i32
    }
    %scan3A_8 = arith.constant 20 : i32
    %scan3A_9 = arith.constant 0 : i32
    %scan3A_10 = arith.constant 20 : i32
    %scan3A_11 = arith.constant 20 : i32
    %scan3A_12 = arith.addi %scan3A_10, %scan3A_11 : i32
    %scan3A_13 = arith.constant 1 : i32
    %scan3A_14 = scf.for %scan3A_51 = %scan3A_10 to %scan3A_12 step %scan3A_13 iter_args(%scan3A_52 = %scan3A_9) -> (i32)  : i32 {
      %dma_start3A = arith.constant 0 : i32
      %dma_start3A_53 = tpu.memref_slice %arg8[%scan3A_51, %dma_start3A] : memref<40x128xf32, #tpu.memory_space<vmem>> -> memref<1x128xf32, #tpu.memory_space<vmem>>
      %dma_start3A_54 = tpu.memref_squeeze %dma_start3A_53 : memref<1x128xf32, #tpu.memory_space<vmem>> -> memref<128xf32, #tpu.memory_space<vmem>>
      %dma_start3A_55 = arith.constant 0 : i32
      %dma_start3A_56 = tpu.memref_slice %arg6[%scan3A_51, %dma_start3A_55] : memref<40x128xi32, #tpu.memory_space<vmem>> -> memref<1x128xi32, #tpu.memory_space<vmem>>
      %dma_start3A_57 = tpu.memref_squeeze %dma_start3A_56 : memref<1x128xi32, #tpu.memory_space<vmem>> -> memref<128xi32, #tpu.memory_space<vmem>>
      %dma_start3A_58 = arith.constant 0 : i32
      %dma_start3A_59 = tpu.memref_slice %arg2[%dma_start3A_58] : memref<160000xf32, #tpu.memory_space<hbm>> -> memref<160000xf32, #tpu.memory_space<hbm>>
      tpu.enqueue_indirect_dma source(%dma_start3A_59 : memref<160000xf32, #tpu.memory_space<hbm>>) target(%dma_start3A_54 : memref<128xf32, #tpu.memory_space<vmem>>) offsets(%dma_start3A_57 : memref<128xi32, #tpu.memory_space<vmem>>) semaphore(%arg11 : memref<!tpu.dma_semaphore, #tpu.memory_space<semaphore_mem>>)
      %scan3A_60 = arith.constant 0 : i32
      scf.yield %scan3A_60 : i32
    }
    %scan3A_15 = arith.constant 20 : i32
    %scan3A_16 = arith.constant 0 : i32
    %scan3A_17 = arith.constant 0 : i32
    %scan3A_18 = arith.constant 640 : i32
    %scan3A_19 = arith.addi %scan3A_17, %scan3A_18 : i32
    %scan3A_20 = arith.constant 1 : i32
    %scan3A_21 = scf.for %scan3A_51 = %scan3A_17 to %scan3A_19 step %scan3A_20 iter_args(%scan3A_52 = %scan3A_16) -> (i32)  : i32 {
      %broadcast_in_dim3A = arith.constant 0xFF800000 : f32
      %broadcast_in_dim3A_53 = vector.broadcast %broadcast_in_dim3A : f32 to vector<16xf32>
      %mul3A_54 = arith.constant 16 : i32
      %mul3A_55 = arith.muli %scan3A_51, %mul3A_54 : i32
      %swap3A = arith.index_cast %mul3A_55 : i32 to index
      %swap3A_56 = tpu.vector_load %arg9[%swap3A] {strides = array<i32>} : memref<10240xf32, #tpu.memory_space<vmem>>, vector<16xf32>,
      tpu.vector_store %arg9[%swap3A], %broadcast_in_dim3A_53 {strides = array<i32>} : memref<10240xf32, #tpu.memory_space<vmem>>, vector<16xf32>,
      %scan3A_57 = arith.constant 0 : i32
      scf.yield %scan3A_57 : i32
    }
    %scan3A_22 = arith.constant 640 : i32
    %iota3A = tpu.iota {dimensions = array<i32: 0>} : vector<16xi32>
    %scan3A_23 = arith.constant 0 : i32
    %scan3A_24 = arith.constant 0 : i32
    %scan3A_25 = arith.constant 20 : i32
    %scan3A_26 = arith.addi %scan3A_24, %scan3A_25 : i32
    %scan3A_27 = arith.constant 1 : i32
    %scan3A_28 = scf.for %scan3A_51 = %scan3A_24 to %scan3A_26 step %scan3A_27 iter_args(%scan3A_52 = %scan3A_23) -> (i32)  : i32 {
      %dma_wait3A = arith.constant 0 : i32
      %dma_wait3A_53 = tpu.memref_slice %arg8[%scan3A_51, %dma_wait3A] : memref<40x128xf32, #tpu.memory_space<vmem>> -> memref<1x128xf32, #tpu.memory_space<vmem>>
      %dma_wait3A_54 = tpu.memref_squeeze %dma_wait3A_53 : memref<1x128xf32, #tpu.memory_space<vmem>> -> memref<128xf32, #tpu.memory_space<vmem>>
      %dma_wait3A_55 = arith.constant 0 : i32
      %dma_wait3A_56 = tpu.memref_slice %arg6[%scan3A_51, %dma_wait3A_55] : memref<40x128xi32, #tpu.memory_space<vmem>> -> memref<1x128xi32, #tpu.memory_space<vmem>>
      %dma_wait3A_57 = tpu.memref_squeeze %dma_wait3A_56 : memref<1x128xi32, #tpu.memory_space<vmem>> -> memref<128xi32, #tpu.memory_space<vmem>>
      %dma_wait3A_58 = arith.constant 0 : i32
      %dma_wait3A_59 = tpu.memref_slice %arg2[%dma_wait3A_58] : memref<160000xf32, #tpu.memory_space<hbm>> -> memref<160000xf32, #tpu.memory_space<hbm>>
      tpu.wait_indirect_dma semaphore(%arg10 : memref<!tpu.dma_semaphore, #tpu.memory_space<semaphore_mem>>) src(%dma_wait3A_59 : memref<160000xf32, #tpu.memory_space<hbm>>) dst(%dma_wait3A_54 : memref<128xf32, #tpu.memory_space<vmem>>)
      %scan3A_60 = arith.constant 0 : i32
      scf.yield %scan3A_60 : i32
    }
    %scan3A_29 = arith.constant 20 : i32
    %scan3A_30 = arith.constant 0 : i32
    %scan3A_31 = arith.constant 0 : i32
    %scan3A_32 = arith.constant 20 : i32
    %scan3A_33 = arith.addi %scan3A_31, %scan3A_32 : i32
    %scan3A_34 = arith.constant 1 : i32
    %scan3A_35 = scf.for %scan3A_51 = %scan3A_31 to %scan3A_33 step %scan3A_34 iter_args(%scan3A_52 = %scan3A_30) -> (i32)  : i32 {
      %get3A = arith.index_cast %scan3A_51 : i32 to index
      %get3A_53 = arith.constant 0 : index
      %get3A_54 = tpu.vector_load %arg7[%get3A, %get3A_53] {strides = array<i32>} : memref<40x128xi32, #tpu.memory_space<vmem>>, vector<16xi32>,
      %get3A_55 = arith.index_cast %scan3A_51 : i32 to index
      %get3A_56 = arith.constant 0 : index
      %get3A_57 = tpu.vector_load %arg8[%get3A_55, %get3A_56] {strides = array<i32>} : memref<40x128xf32, #tpu.memory_space<vmem>>, vector<16xf32>,
      %sub3A = arith.constant 1 : i32
      %sub3A_58 = vector.broadcast %sub3A : i32 to vector<16xi32>
      %sub3A_59 = arith.subi %iota3A, %sub3A_58 : vector<16xi32>
      %max3A = arith.constant 0 : i32
      %max3A_60 = vector.broadcast %max3A : i32 to vector<16xi32>
      %max3A_61 = arith.maxsi %sub3A_59, %max3A_60 : vector<16xi32>
      %lt3A = arith.constant 0 : i32
      %lt3A_62 = vector.broadcast %lt3A : i32 to vector<16xi32>
      %lt3A_63 = arith.cmpi slt, %max3A_61, %lt3A_62 : vector<16xi32>
      %add3A_64 = arith.constant 16 : i32
      %add3A_65 = vector.broadcast %add3A_64 : i32 to vector<16xi32>
      %add3A_66 = arith.addi %max3A_61, %add3A_65 : vector<16xi32>
      %select_n3A = arith.select %lt3A_63, %add3A_66, %max3A_61 : vector<16xi1>, vector<16xi32>
      %broadcast_in_dim3A = vector.shape_cast %select_n3A : vector<16xi32> to vector<16x1xi32>
      %gather3A = vector.shape_cast %broadcast_in_dim3A : vector<16x1xi32> to vector<16xi32>
      %gather3A_67 = tpu.dynamic_gather %get3A_57[%gather3A] in [0] : vector<16xf32>, vector<16xi32> -> vector<16xf32>
      %lt3A_68 = arith.constant 0 : i32
      %lt3A_69 = vector.broadcast %lt3A_68 : i32 to vector<16xi32>
      %lt3A_70 = arith.cmpi slt, %max3A_61, %lt3A_69 : vector<16xi32>
      %add3A_71 = arith.constant 16 : i32
      %add3A_72 = vector.broadcast %add3A_71 : i32 to vector<16xi32>
      %add3A_73 = arith.addi %max3A_61, %add3A_72 : vector<16xi32>
      %select_n3A_74 = arith.select %lt3A_70, %add3A_73, %max3A_61 : vector<16xi1>, vector<16xi32>
      %broadcast_in_dim3A_75 = vector.shape_cast %select_n3A_74 : vector<16xi32> to vector<16x1xi32>
      %gather3A_76 = vector.shape_cast %broadcast_in_dim3A_75 : vector<16x1xi32> to vector<16xi32>
      %gather3A_77 = tpu.dynamic_gather %get3A_54[%gather3A_76] in [0] : vector<16xi32>, vector<16xi32> -> vector<16xi32>
      %ge3A = arith.constant 1 : i32
      %ge3A_78 = vector.broadcast %ge3A : i32 to vector<16xi32>
      %ge3A_79 = arith.cmpi sge, %iota3A, %ge3A_78 : vector<16xi32>
      %eq3A = arith.cmpi eq, %gather3A_77, %get3A_54 : vector<16xi32>
      %and3A = arith.andi %ge3A_79, %eq3A : vector<16xi1>
      %max3A_80 = arith.maximumf %get3A_57, %gather3A_67 : vector<16xf32>
      %select_n3A_81 = arith.select %and3A, %max3A_80, %get3A_57 : vector<16xi1>, vector<16xf32>
      %sub3A_82 = arith.constant 2 : i32
      %sub3A_83 = vector.broadcast %sub3A_82 : i32 to vector<16xi32>
      %sub3A_84 = arith.subi %iota3A, %sub3A_83 : vector<16xi32>
      %max3A_85 = arith.constant 0 : i32
      %max3A_86 = vector.broadcast %max3A_85 : i32 to vector<16xi32>
      %max3A_87 = arith.maxsi %sub3A_84, %max3A_86 : vector<16xi32>
      %lt3A_88 = arith.constant 0 : i32
      %lt3A_89 = vector.broadcast %lt3A_88 : i32 to vector<16xi32>
      %lt3A_90 = arith.cmpi slt, %max3A_87, %lt3A_89 : vector<16xi32>
      %add3A_91 = arith.constant 16 : i32
      %add3A_92 = vector.broadcast %add3A_91 : i32 to vector<16xi32>
      %add3A_93 = arith.addi %max3A_87, %add3A_92 : vector<16xi32>
      %select_n3A_94 = arith.select %lt3A_90, %add3A_93, %max3A_87 : vector<16xi1>, vector<16xi32>
      %broadcast_in_dim3A_95 = vector.shape_cast %select_n3A_94 : vector<16xi32> to vector<16x1xi32>
      %gather3A_96 = vector.shape_cast %broadcast_in_dim3A_95 : vector<16x1xi32> to vector<16xi32>
      %gather3A_97 = tpu.dynamic_gather %select_n3A_81[%gather3A_96] in [0] : vector<16xf32>, vector<16xi32> -> vector<16xf32>
      %lt3A_98 = arith.constant 0 : i32
      %lt3A_99 = vector.broadcast %lt3A_98 : i32 to vector<16xi32>
      %lt3A_100 = arith.cmpi slt, %max3A_87, %lt3A_99 : vector<16xi32>
      %add3A_101 = arith.constant 16 : i32
      %add3A_102 = vector.broadcast %add3A_101 : i32 to vector<16xi32>
      %add3A_103 = arith.addi %max3A_87, %add3A_102 : vector<16xi32>
      %select_n3A_104 = arith.select %lt3A_100, %add3A_103, %max3A_87 : vector<16xi1>, vector<16xi32>
      %broadcast_in_dim3A_105 = vector.shape_cast %select_n3A_104 : vector<16xi32> to vector<16x1xi32>
      %gather3A_106 = vector.shape_cast %broadcast_in_dim3A_105 : vector<16x1xi32> to vector<16xi32>
      %gather3A_107 = tpu.dynamic_gather %get3A_54[%gather3A_106] in [0] : vector<16xi32>, vector<16xi32> -> vector<16xi32>
      %ge3A_108 = arith.constant 2 : i32
      %ge3A_109 = vector.broadcast %ge3A_108 : i32 to vector<16xi32>
      %ge3A_110 = arith.cmpi sge, %iota3A, %ge3A_109 : vector<16xi32>
      %eq3A_111 = arith.cmpi eq, %gather3A_107, %get3A_54 : vector<16xi32>
      %and3A_112 = arith.andi %ge3A_110, %eq3A_111 : vector<16xi1>
      %max3A_113 = arith.maximumf %select_n3A_81, %gather3A_97 : vector<16xf32>
      %select_n3A_114 = arith.select %and3A_112, %max3A_113, %select_n3A_81 : vector<16xi1>, vector<16xf32>
      %sub3A_115 = arith.constant 4 : i32
      %sub3A_116 = vector.broadcast %sub3A_115 : i32 to vector<16xi32>
      %sub3A_117 = arith.subi %iota3A, %sub3A_116 : vector<16xi32>
      %max3A_118 = arith.constant 0 : i32
      %max3A_119 = vector.broadcast %max3A_118 : i32 to vector<16xi32>
      %max3A_120 = arith.maxsi %sub3A_117, %max3A_119 : vector<16xi32>
      %lt3A_121 = arith.constant 0 : i32
      %lt3A_122 = vector.broadcast %lt3A_121 : i32 to vector<16xi32>
      %lt3A_123 = arith.cmpi slt, %max3A_120, %lt3A_122 : vector<16xi32>
      %add3A_124 = arith.constant 16 : i32
      %add3A_125 = vector.broadcast %add3A_124 : i32 to vector<16xi32>
      %add3A_126 = arith.addi %max3A_120, %add3A_125 : vector<16xi32>
      %select_n3A_127 = arith.select %lt3A_123, %add3A_126, %max3A_120 : vector<16xi1>, vector<16xi32>
      %broadcast_in_dim3A_128 = vector.shape_cast %select_n3A_127 : vector<16xi32> to vector<16x1xi32>
      %gather3A_129 = vector.shape_cast %broadcast_in_dim3A_128 : vector<16x1xi32> to vector<16xi32>
      %gather3A_130 = tpu.dynamic_gather %select_n3A_114[%gather3A_129] in [0] : vector<16xf32>, vector<16xi32> -> vector<16xf32>
      %lt3A_131 = arith.constant 0 : i32
      %lt3A_132 = vector.broadcast %lt3A_131 : i32 to vector<16xi32>
      %lt3A_133 = arith.cmpi slt, %max3A_120, %lt3A_132 : vector<16xi32>
      %add3A_134 = arith.constant 16 : i32
      %add3A_135 = vector.broadcast %add3A_134 : i32 to vector<16xi32>
      %add3A_136 = arith.addi %max3A_120, %add3A_135 : vector<16xi32>
      %select_n3A_137 = arith.select %lt3A_133, %add3A_136, %max3A_120 : vector<16xi1>, vector<16xi32>
      %broadcast_in_dim3A_138 = vector.shape_cast %select_n3A_137 : vector<16xi32> to vector<16x1xi32>
      %gather3A_139 = vector.shape_cast %broadcast_in_dim3A_138 : vector<16x1xi32> to vector<16xi32>
      %gather3A_140 = tpu.dynamic_gather %get3A_54[%gather3A_139] in [0] : vector<16xi32>, vector<16xi32> -> vector<16xi32>
      %ge3A_141 = arith.constant 4 : i32
      %ge3A_142 = vector.broadcast %ge3A_141 : i32 to vector<16xi32>
      %ge3A_143 = arith.cmpi sge, %iota3A, %ge3A_142 : vector<16xi32>
      %eq3A_144 = arith.cmpi eq, %gather3A_140, %get3A_54 : vector<16xi32>
      %and3A_145 = arith.andi %ge3A_143, %eq3A_144 : vector<16xi1>
      %max3A_146 = arith.maximumf %select_n3A_114, %gather3A_130 : vector<16xf32>
      %select_n3A_147 = arith.select %and3A_145, %max3A_146, %select_n3A_114 : vector<16xi1>, vector<16xf32>
      %sub3A_148 = arith.constant 8 : i32
      %sub3A_149 = vector.broadcast %sub3A_148 : i32 to vector<16xi32>
      %sub3A_150 = arith.subi %iota3A, %sub3A_149 : vector<16xi32>
      %max3A_151 = arith.constant 0 : i32
      %max3A_152 = vector.broadcast %max3A_151 : i32 to vector<16xi32>
      %max3A_153 = arith.maxsi %sub3A_150, %max3A_152 : vector<16xi32>
      %lt3A_154 = arith.constant 0 : i32
      %lt3A_155 = vector.broadcast %lt3A_154 : i32 to vector<16xi32>
      %lt3A_156 = arith.cmpi slt, %max3A_153, %lt3A_155 : vector<16xi32>
      %add3A_157 = arith.constant 16 : i32
      %add3A_158 = vector.broadcast %add3A_157 : i32 to vector<16xi32>
      %add3A_159 = arith.addi %max3A_153, %add3A_158 : vector<16xi32>
      %select_n3A_160 = arith.select %lt3A_156, %add3A_159, %max3A_153 : vector<16xi1>, vector<16xi32>
      %broadcast_in_dim3A_161 = vector.shape_cast %select_n3A_160 : vector<16xi32> to vector<16x1xi32>
      %gather3A_162 = vector.shape_cast %broadcast_in_dim3A_161 : vector<16x1xi32> to vector<16xi32>
      %gather3A_163 = tpu.dynamic_gather %select_n3A_147[%gather3A_162] in [0] : vector<16xf32>, vector<16xi32> -> vector<16xf32>
      %lt3A_164 = arith.constant 0 : i32
      %lt3A_165 = vector.broadcast %lt3A_164 : i32 to vector<16xi32>
      %lt3A_166 = arith.cmpi slt, %max3A_153, %lt3A_165 : vector<16xi32>
      %add3A_167 = arith.constant 16 : i32
      %add3A_168 = vector.broadcast %add3A_167 : i32 to vector<16xi32>
      %add3A_169 = arith.addi %max3A_153, %add3A_168 : vector<16xi32>
      %select_n3A_170 = arith.select %lt3A_166, %add3A_169, %max3A_153 : vector<16xi1>, vector<16xi32>
      %broadcast_in_dim3A_171 = vector.shape_cast %select_n3A_170 : vector<16xi32> to vector<16x1xi32>
      %gather3A_172 = vector.shape_cast %broadcast_in_dim3A_171 : vector<16x1xi32> to vector<16xi32>
      %gather3A_173 = tpu.dynamic_gather %get3A_54[%gather3A_172] in [0] : vector<16xi32>, vector<16xi32> -> vector<16xi32>
      %ge3A_174 = arith.constant 8 : i32
      %ge3A_175 = vector.broadcast %ge3A_174 : i32 to vector<16xi32>
      %ge3A_176 = arith.cmpi sge, %iota3A, %ge3A_175 : vector<16xi32>
      %eq3A_177 = arith.cmpi eq, %gather3A_173, %get3A_54 : vector<16xi32>
      %and3A_178 = arith.andi %ge3A_176, %eq3A_177 : vector<16xi1>
      %max3A_179 = arith.maximumf %select_n3A_147, %gather3A_163 : vector<16xf32>
      %select_n3A_180 = arith.select %and3A_178, %max3A_179, %select_n3A_147 : vector<16xi1>, vector<16xf32>
      %add3A_181 = arith.constant 1 : i32
      %add3A_182 = vector.broadcast %add3A_181 : i32 to vector<16xi32>
      %add3A_183 = arith.addi %iota3A, %add3A_182 : vector<16xi32>
      %min3A = arith.constant 15 : i32
      %min3A_184 = vector.broadcast %min3A : i32 to vector<16xi32>
      %min3A_185 = arith.minsi %add3A_183, %min3A_184 : vector<16xi32>
      %lt3A_186 = arith.constant 0 : i32
      %lt3A_187 = vector.broadcast %lt3A_186 : i32 to vector<16xi32>
      %lt3A_188 = arith.cmpi slt, %min3A_185, %lt3A_187 : vector<16xi32>
      %add3A_189 = arith.constant 16 : i32
      %add3A_190 = vector.broadcast %add3A_189 : i32 to vector<16xi32>
      %add3A_191 = arith.addi %min3A_185, %add3A_190 : vector<16xi32>
      %select_n3A_192 = arith.select %lt3A_188, %add3A_191, %min3A_185 : vector<16xi1>, vector<16xi32>
      %broadcast_in_dim3A_193 = vector.shape_cast %select_n3A_192 : vector<16xi32> to vector<16x1xi32>
      %gather3A_194 = vector.shape_cast %broadcast_in_dim3A_193 : vector<16x1xi32> to vector<16xi32>
      %gather3A_195 = tpu.dynamic_gather %get3A_54[%gather3A_194] in [0] : vector<16xi32>, vector<16xi32> -> vector<16xi32>
      %eq3A_196 = arith.constant 15 : i32
      %eq3A_197 = vector.broadcast %eq3A_196 : i32 to vector<16xi32>
      %eq3A_198 = arith.cmpi eq, %iota3A, %eq3A_197 : vector<16xi32>
      %ne3A = arith.cmpi ne, %gather3A_195, %get3A_54 : vector<16xi32>
      %or3A = arith.ori %eq3A_198, %ne3A : vector<16xi1>
      %gather3A_199 = tpu.vector_load_idx %arg9[%get3A_54] masked %or3A : memref<10240xf32, #tpu.memory_space<vmem>>[vector<16xi32>], vector<16xf32>, vector<16xi1>
      %max3A_200 = arith.maximumf %gather3A_199, %select_n3A_180 : vector<16xf32>
      tpu.vector_store_idx %arg9[%get3A_54], %max3A_200 masked %or3A : memref<10240xf32, #tpu.memory_space<vmem>>[vector<16xi32>], vector<16xf32>, vector<16xi1>
      %get3A_201 = arith.index_cast %scan3A_51 : i32 to index
      %get3A_202 = arith.constant 16 : index
      %get3A_203 = tpu.vector_load %arg7[%get3A_201, %get3A_202] {strides = array<i32>} : memref<40x128xi32, #tpu.memory_space<vmem>>, vector<16xi32>,
      %get3A_204 = arith.index_cast %scan3A_51 : i32 to index
      %get3A_205 = arith.constant 16 : index
      %get3A_206 = tpu.vector_load %arg8[%get3A_204, %get3A_205] {strides = array<i32>} : memref<40x128xf32, #tpu.memory_space<vmem>>, vector<16xf32>,
      %sub3A_207 = arith.constant 1 : i32
      %sub3A_208 = vector.broadcast %sub3A_207 : i32 to vector<16xi32>
      %sub3A_209 = arith.subi %iota3A, %sub3A_208 : vector<16xi32>
      %max3A_210 = arith.constant 0 : i32
      %max3A_211 = vector.broadcast %max3A_210 : i32 to vector<16xi32>
      %max3A_212 = arith.maxsi %sub3A_209, %max3A_211 : vector<16xi32>
      %lt3A_213 = arith.constant 0 : i32
      %lt3A_214 = vector.broadcast %lt3A_213 : i32 to vector<16xi32>
      %lt3A_215 = arith.cmpi slt, %max3A_212, %lt3A_214 : vector<16xi32>
      %add3A_216 = arith.constant 16 : i32
      %add3A_217 = vector.broadcast %add3A_216 : i32 to vector<16xi32>
      %add3A_218 = arith.addi %max3A_212, %add3A_217 : vector<16xi32>
      %select_n3A_219 = arith.select %lt3A_215, %add3A_218, %max3A_212 : vector<16xi1>, vector<16xi32>
      %broadcast_in_dim3A_220 = vector.shape_cast %select_n3A_219 : vector<16xi32> to vector<16x1xi32>
      %gather3A_221 = vector.shape_cast %broadcast_in_dim3A_220 : vector<16x1xi32> to vector<16xi32>
      %gather3A_222 = tpu.dynamic_gather %get3A_206[%gather3A_221] in [0] : vector<16xf32>, vector<16xi32> -> vector<16xf32>
      %lt3A_223 = arith.constant 0 : i32
      %lt3A_224 = vector.broadcast %lt3A_223 : i32 to vector<16xi32>
      %lt3A_225 = arith.cmpi slt, %max3A_212, %lt3A_224 : vector<16xi32>
      %add3A_226 = arith.constant 16 : i32
      %add3A_227 = vector.broadcast %add3A_226 : i32 to vector<16xi32>
      %add3A_228 = arith.addi %max3A_212, %add3A_227 : vector<16xi32>
      %select_n3A_229 = arith.select %lt3A_225, %add3A_228, %max3A_212 : vector<16xi1>, vector<16xi32>
      %broadcast_in_dim3A_230 = vector.shape_cast %select_n3A_229 : vector<16xi32> to vector<16x1xi32>
      %gather3A_231 = vector.shape_cast %broadcast_in_dim3A_230 : vector<16x1xi32> to vector<16xi32>
      %gather3A_232 = tpu.dynamic_gather %get3A_203[%gather3A_231] in [0] : vector<16xi32>, vector<16xi32> -> vector<16xi32>
      %ge3A_233 = arith.constant 1 : i32
      %ge3A_234 = vector.broadcast %ge3A_233 : i32 to vector<16xi32>
      %ge3A_235 = arith.cmpi sge, %iota3A, %ge3A_234 : vector<16xi32>
      %eq3A_236 = arith.cmpi eq, %gather3A_232, %get3A_203 : vector<16xi32>
      %and3A_237 = arith.andi %ge3A_235, %eq3A_236 : vector<16xi1>
      %max3A_238 = arith.maximumf %get3A_206, %gather3A_222 : vector<16xf32>
      %select_n3A_239 = arith.select %and3A_237, %max3A_238, %get3A_206 : vector<16xi1>, vector<16xf32>
      %sub3A_240 = arith.constant 2 : i32
      %sub3A_241 = vector.broadcast %sub3A_240 : i32 to vector<16xi32>
      %sub3A_242 = arith.subi %iota3A, %sub3A_241 : vector<16xi32>
      %max3A_243 = arith.constant 0 : i32
      %max3A_244 = vector.broadcast %max3A_243 : i32 to vector<16xi32>
      %max3A_245 = arith.maxsi %sub3A_242, %max3A_244 : vector<16xi32>
      %lt3A_246 = arith.constant 0 : i32
      %lt3A_247 = vector.broadcast %lt3A_246 : i32 to vector<16xi32>
      %lt3A_248 = arith.cmpi slt, %max3A_245, %lt3A_247 : vector<16xi32>
      %add3A_249 = arith.constant 16 : i32
      %add3A_250 = vector.broadcast %add3A_249 : i32 to vector<16xi32>
      %add3A_251 = arith.addi %max3A_245, %add3A_250 : vector<16xi32>
      %select_n3A_252 = arith.select %lt3A_248, %add3A_251, %max3A_245 : vector<16xi1>, vector<16xi32>
      %broadcast_in_dim3A_253 = vector.shape_cast %select_n3A_252 : vector<16xi32> to vector<16x1xi32>
      %gather3A_254 = vector.shape_cast %broadcast_in_dim3A_253 : vector<16x1xi32> to vector<16xi32>
      %gather3A_255 = tpu.dynamic_gather %select_n3A_239[%gather3A_254] in [0] : vector<16xf32>, vector<16xi32> -> vector<16xf32>
      %lt3A_256 = arith.constant 0 : i32
      %lt3A_257 = vector.broadcast %lt3A_256 : i32 to vector<16xi32>
      %lt3A_258 = arith.cmpi slt, %max3A_245, %lt3A_257 : vector<16xi32>
      %add3A_259 = arith.constant 16 : i32
      %add3A_260 = vector.broadcast %add3A_259 : i32 to vector<16xi32>
      %add3A_261 = arith.addi %max3A_245, %add3A_260 : vector<16xi32>
      %select_n3A_262 = arith.select %lt3A_258, %add3A_261, %max3A_245 : vector<16xi1>, vector<16xi32>
      %broadcast_in_dim3A_263 = vector.shape_cast %select_n3A_262 : vector<16xi32> to vector<16x1xi32>
      %gather3A_264 = vector.shape_cast %broadcast_in_dim3A_263 : vector<16x1xi32> to vector<16xi32>
      %gather3A_265 = tpu.dynamic_gather %get3A_203[%gather3A_264] in [0] : vector<16xi32>, vector<16xi32> -> vector<16xi32>
      %ge3A_266 = arith.constant 2 : i32
      %ge3A_267 = vector.broadcast %ge3A_266 : i32 to vector<16xi32>
      %ge3A_268 = arith.cmpi sge, %iota3A, %ge3A_267 : vector<16xi32>
      %eq3A_269 = arith.cmpi eq, %gather3A_265, %get3A_203 : vector<16xi32>
      %and3A_270 = arith.andi %ge3A_268, %eq3A_269 : vector<16xi1>
      %max3A_271 = arith.maximumf %select_n3A_239, %gather3A_255 : vector<16xf32>
      %select_n3A_272 = arith.select %and3A_270, %max3A_271, %select_n3A_239 : vector<16xi1>, vector<16xf32>
      %sub3A_273 = arith.constant 4 : i32
      %sub3A_274 = vector.broadcast %sub3A_273 : i32 to vector<16xi32>
      %sub3A_275 = arith.subi %iota3A, %sub3A_274 : vector<16xi32>
      %max3A_276 = arith.constant 0 : i32
      %max3A_277 = vector.broadcast %max3A_276 : i32 to vector<16xi32>
      %max3A_278 = arith.maxsi %sub3A_275, %max3A_277 : vector<16xi32>
      %lt3A_279 = arith.constant 0 : i32
      %lt3A_280 = vector.broadcast %lt3A_279 : i32 to vector<16xi32>
      %lt3A_281 = arith.cmpi slt, %max3A_278, %lt3A_280 : vector<16xi32>
      %add3A_282 = arith.constant 16 : i32
      %add3A_283 = vector.broadcast %add3A_282 : i32 to vector<16xi32>
      %add3A_284 = arith.addi %max3A_278, %add3A_283 : vector<16xi32>
      %select_n3A_285 = arith.select %lt3A_281, %add3A_284, %max3A_278 : vector<16xi1>, vector<16xi32>
      %broadcast_in_dim3A_286 = vector.shape_cast %select_n3A_285 : vector<16xi32> to vector<16x1xi32>
      %gather3A_287 = vector.shape_cast %broadcast_in_dim3A_286 : vector<16x1xi32> to vector<16xi32>
      %gather3A_288 = tpu.dynamic_gather %select_n3A_272[%gather3A_287] in [0] : vector<16xf32>, vector<16xi32> -> vector<16xf32>
      %lt3A_289 = arith.constant 0 : i32
      %lt3A_290 = vector.broadcast %lt3A_289 : i32 to vector<16xi32>
      %lt3A_291 = arith.cmpi slt, %max3A_278, %lt3A_290 : vector<16xi32>
      %add3A_292 = arith.constant 16 : i32
      %add3A_293 = vector.broadcast %add3A_292 : i32 to vector<16xi32>
      %add3A_294 = arith.addi %max3A_278, %add3A_293 : vector<16xi32>
      %select_n3A_295 = arith.select %lt3A_291, %add3A_294, %max3A_278 : vector<16xi1>, vector<16xi32>
      %broadcast_in_dim3A_296 = vector.shape_cast %select_n3A_295 : vector<16xi32> to vector<16x1xi32>
      %gather3A_297 = vector.shape_cast %broadcast_in_dim3A_296 : vector<16x1xi32> to vector<16xi32>
      %gather3A_298 = tpu.dynamic_gather %get3A_203[%gather3A_297] in [0] : vector<16xi32>, vector<16xi32> -> vector<16xi32>
      %ge3A_299 = arith.constant 4 : i32
      %ge3A_300 = vector.broadcast %ge3A_299 : i32 to vector<16xi32>
      %ge3A_301 = arith.cmpi sge, %iota3A, %ge3A_300 : vector<16xi32>
      %eq3A_302 = arith.cmpi eq, %gather3A_298, %get3A_203 : vector<16xi32>
      %and3A_303 = arith.andi %ge3A_301, %eq3A_302 : vector<16xi1>
      %max3A_304 = arith.maximumf %select_n3A_272, %gather3A_288 : vector<16xf32>
      %select_n3A_305 = arith.select %and3A_303, %max3A_304, %select_n3A_272 : vector<16xi1>, vector<16xf32>
      %sub3A_306 = arith.constant 8 : i32
      %sub3A_307 = vector.broadcast %sub3A_306 : i32 to vector<16xi32>
      %sub3A_308 = arith.subi %iota3A, %sub3A_307 : vector<16xi32>
      %max3A_309 = arith.constant 0 : i32
      %max3A_310 = vector.broadcast %max3A_309 : i32 to vector<16xi32>
      %max3A_311 = arith.maxsi %sub3A_308, %max3A_310 : vector<16xi32>
      %lt3A_312 = arith.constant 0 : i32
      %lt3A_313 = vector.broadcast %lt3A_312 : i32 to vector<16xi32>
      %lt3A_314 = arith.cmpi slt, %max3A_311, %lt3A_313 : vector<16xi32>
      %add3A_315 = arith.constant 16 : i32
      %add3A_316 = vector.broadcast %add3A_315 : i32 to vector<16xi32>
      %add3A_317 = arith.addi %max3A_311, %add3A_316 : vector<16xi32>
      %select_n3A_318 = arith.select %lt3A_314, %add3A_317, %max3A_311 : vector<16xi1>, vector<16xi32>
      %broadcast_in_dim3A_319 = vector.shape_cast %select_n3A_318 : vector<16xi32> to vector<16x1xi32>
      %gather3A_320 = vector.shape_cast %broadcast_in_dim3A_319 : vector<16x1xi32> to vector<16xi32>
      %gather3A_321 = tpu.dynamic_gather %select_n3A_305[%gather3A_320] in [0] : vector<16xf32>, vector<16xi32> -> vector<16xf32>
      %lt3A_322 = arith.constant 0 : i32
      %lt3A_323 = vector.broadcast %lt3A_322 : i32 to vector<16xi32>
      %lt3A_324 = arith.cmpi slt, %max3A_311, %lt3A_323 : vector<16xi32>
      %add3A_325 = arith.constant 16 : i32
      %add3A_326 = vector.broadcast %add3A_325 : i32 to vector<16xi32>
      %add3A_327 = arith.addi %max3A_311, %add3A_326 : vector<16xi32>
      %select_n3A_328 = arith.select %lt3A_324, %add3A_327, %max3A_311 : vector<16xi1>, vector<16xi32>
      %broadcast_in_dim3A_329 = vector.shape_cast %select_n3A_328 : vector<16xi32> to vector<16x1xi32>
      %gather3A_330 = vector.shape_cast %broadcast_in_dim3A_329 : vector<16x1xi32> to vector<16xi32>
      %gather3A_331 = tpu.dynamic_gather %get3A_203[%gather3A_330] in [0] : vector<16xi32>, vector<16xi32> -> vector<16xi32>
      %ge3A_332 = arith.constant 8 : i32
      %ge3A_333 = vector.broadcast %ge3A_332 : i32 to vector<16xi32>
      %ge3A_334 = arith.cmpi sge, %iota3A, %ge3A_333 : vector<16xi32>
      %eq3A_335 = arith.cmpi eq, %gather3A_331, %get3A_203 : vector<16xi32>
      %and3A_336 = arith.andi %ge3A_334, %eq3A_335 : vector<16xi1>
      %max3A_337 = arith.maximumf %select_n3A_305, %gather3A_321 : vector<16xf32>
      %select_n3A_338 = arith.select %and3A_336, %max3A_337, %select_n3A_305 : vector<16xi1>, vector<16xf32>
      %add3A_339 = arith.constant 1 : i32
      %add3A_340 = vector.broadcast %add3A_339 : i32 to vector<16xi32>
      %add3A_341 = arith.addi %iota3A, %add3A_340 : vector<16xi32>
      %min3A_342 = arith.constant 15 : i32
      %min3A_343 = vector.broadcast %min3A_342 : i32 to vector<16xi32>
      %min3A_344 = arith.minsi %add3A_341, %min3A_343 : vector<16xi32>
      %lt3A_345 = arith.constant 0 : i32
      %lt3A_346 = vector.broadcast %lt3A_345 : i32 to vector<16xi32>
      %lt3A_347 = arith.cmpi slt, %min3A_344, %lt3A_346 : vector<16xi32>
      %add3A_348 = arith.constant 16 : i32
      %add3A_349 = vector.broadcast %add3A_348 : i32 to vector<16xi32>
      %add3A_350 = arith.addi %min3A_344, %add3A_349 : vector<16xi32>
      %select_n3A_351 = arith.select %lt3A_347, %add3A_350, %min3A_344 : vector<16xi1>, vector<16xi32>
      %broadcast_in_dim3A_352 = vector.shape_cast %select_n3A_351 : vector<16xi32> to vector<16x1xi32>
      %gather3A_353 = vector.shape_cast %broadcast_in_dim3A_352 : vector<16x1xi32> to vector<16xi32>
      %gather3A_354 = tpu.dynamic_gather %get3A_203[%gather3A_353] in [0] : vector<16xi32>, vector<16xi32> -> vector<16xi32>
      %eq3A_355 = arith.constant 15 : i32
      %eq3A_356 = vector.broadcast %eq3A_355 : i32 to vector<16xi32>
      %eq3A_357 = arith.cmpi eq, %iota3A, %eq3A_356 : vector<16xi32>
      %ne3A_358 = arith.cmpi ne, %gather3A_354, %get3A_203 : vector<16xi32>
      %or3A_359 = arith.ori %eq3A_357, %ne3A_358 : vector<16xi1>
      %gather3A_360 = tpu.vector_load_idx %arg9[%get3A_203] masked %or3A_359 : memref<10240xf32, #tpu.memory_space<vmem>>[vector<16xi32>], vector<16xf32>, vector<16xi1>
      %max3A_361 = arith.maximumf %gather3A_360, %select_n3A_338 : vector<16xf32>
      tpu.vector_store_idx %arg9[%get3A_203], %max3A_361 masked %or3A_359 : memref<10240xf32, #tpu.memory_space<vmem>>[vector<16xi32>], vector<16xf32>, vector<16xi1>
      %get3A_362 = arith.index_cast %scan3A_51 : i32 to index
      %get3A_363 = arith.constant 32 : index
      %get3A_364 = tpu.vector_load %arg7[%get3A_362, %get3A_363] {strides = array<i32>} : memref<40x128xi32, #tpu.memory_space<vmem>>, vector<16xi32>,
      %get3A_365 = arith.index_cast %scan3A_51 : i32 to index
      %get3A_366 = arith.constant 32 : index
      %get3A_367 = tpu.vector_load %arg8[%get3A_365, %get3A_366] {strides = array<i32>} : memref<40x128xf32, #tpu.memory_space<vmem>>, vector<16xf32>,
      %sub3A_368 = arith.constant 1 : i32
      %sub3A_369 = vector.broadcast %sub3A_368 : i32 to vector<16xi32>
      %sub3A_370 = arith.subi %iota3A, %sub3A_369 : vector<16xi32>
      %max3A_371 = arith.constant 0 : i32
      %max3A_372 = vector.broadcast %max3A_371 : i32 to vector<16xi32>
      %max3A_373 = arith.maxsi %sub3A_370, %max3A_372 : vector<16xi32>
      %lt3A_374 = arith.constant 0 : i32
      %lt3A_375 = vector.broadcast %lt3A_374 : i32 to vector<16xi32>
      %lt3A_376 = arith.cmpi slt, %max3A_373, %lt3A_375 : vector<16xi32>
      %add3A_377 = arith.constant 16 : i32
      %add3A_378 = vector.broadcast %add3A_377 : i32 to vector<16xi32>
      %add3A_379 = arith.addi %max3A_373, %add3A_378 : vector<16xi32>
      %select_n3A_380 = arith.select %lt3A_376, %add3A_379, %max3A_373 : vector<16xi1>, vector<16xi32>
      %broadcast_in_dim3A_381 = vector.shape_cast %select_n3A_380 : vector<16xi32> to vector<16x1xi32>
      %gather3A_382 = vector.shape_cast %broadcast_in_dim3A_381 : vector<16x1xi32> to vector<16xi32>
      %gather3A_383 = tpu.dynamic_gather %get3A_367[%gather3A_382] in [0] : vector<16xf32>, vector<16xi32> -> vector<16xf32>
      %lt3A_384 = arith.constant 0 : i32
      %lt3A_385 = vector.broadcast %lt3A_384 : i32 to vector<16xi32>
      %lt3A_386 = arith.cmpi slt, %max3A_373, %lt3A_385 : vector<16xi32>
      %add3A_387 = arith.constant 16 : i32
      %add3A_388 = vector.broadcast %add3A_387 : i32 to vector<16xi32>
      %add3A_389 = arith.addi %max3A_373, %add3A_388 : vector<16xi32>
      %select_n3A_390 = arith.select %lt3A_386, %add3A_389, %max3A_373 : vector<16xi1>, vector<16xi32>
      %broadcast_in_dim3A_391 = vector.shape_cast %select_n3A_390 : vector<16xi32> to vector<16x1xi32>
      %gather3A_392 = vector.shape_cast %broadcast_in_dim3A_391 : vector<16x1xi32> to vector<16xi32>
      %gather3A_393 = tpu.dynamic_gather %get3A_364[%gather3A_392] in [0] : vector<16xi32>, vector<16xi32> -> vector<16xi32>
      %ge3A_394 = arith.constant 1 : i32
      %ge3A_395 = vector.broadcast %ge3A_394 : i32 to vector<16xi32>
      %ge3A_396 = arith.cmpi sge, %iota3A, %ge3A_395 : vector<16xi32>
      %eq3A_397 = arith.cmpi eq, %gather3A_393, %get3A_364 : vector<16xi32>
      %and3A_398 = arith.andi %ge3A_396, %eq3A_397 : vector<16xi1>
      %max3A_399 = arith.maximumf %get3A_367, %gather3A_383 : vector<16xf32>
      %select_n3A_400 = arith.select %and3A_398, %max3A_399, %get3A_367 : vector<16xi1>, vector<16xf32>
      %sub3A_401 = arith.constant 2 : i32
      %sub3A_402 = vector.broadcast %sub3A_401 : i32 to vector<16xi32>
      %sub3A_403 = arith.subi %iota3A, %sub3A_402 : vector<16xi32>
      %max3A_404 = arith.constant 0 : i32
      %max3A_405 = vector.broadcast %max3A_404 : i32 to vector<16xi32>
      %max3A_406 = arith.maxsi %sub3A_403, %max3A_405 : vector<16xi32>
      %lt3A_407 = arith.constant 0 : i32
      %lt3A_408 = vector.broadcast %lt3A_407 : i32 to vector<16xi32>
      %lt3A_409 = arith.cmpi slt, %max3A_406, %lt3A_408 : vector<16xi32>
      %add3A_410 = arith.constant 16 : i32
      %add3A_411 = vector.broadcast %add3A_410 : i32 to vector<16xi32>
      %add3A_412 = arith.addi %max3A_406, %add3A_411 : vector<16xi32>
      %select_n3A_413 = arith.select %lt3A_409, %add3A_412, %max3A_406 : vector<16xi1>, vector<16xi32>
      %broadcast_in_dim3A_414 = vector.shape_cast %select_n3A_413 : vector<16xi32> to vector<16x1xi32>
      %gather3A_415 = vector.shape_cast %broadcast_in_dim3A_414 : vector<16x1xi32> to vector<16xi32>
      %gather3A_416 = tpu.dynamic_gather %select_n3A_400[%gather3A_415] in [0] : vector<16xf32>, vector<16xi32> -> vector<16xf32>
      %lt3A_417 = arith.constant 0 : i32
      %lt3A_418 = vector.broadcast %lt3A_417 : i32 to vector<16xi32>
      %lt3A_419 = arith.cmpi slt, %max3A_406, %lt3A_418 : vector<16xi32>
      %add3A_420 = arith.constant 16 : i32
      %add3A_421 = vector.broadcast %add3A_420 : i32 to vector<16xi32>
      %add3A_422 = arith.addi %max3A_406, %add3A_421 : vector<16xi32>
      %select_n3A_423 = arith.select %lt3A_419, %add3A_422, %max3A_406 : vector<16xi1>, vector<16xi32>
      %broadcast_in_dim3A_424 = vector.shape_cast %select_n3A_423 : vector<16xi32> to vector<16x1xi32>
      %gather3A_425 = vector.shape_cast %broadcast_in_dim3A_424 : vector<16x1xi32> to vector<16xi32>
      %gather3A_426 = tpu.dynamic_gather %get3A_364[%gather3A_425] in [0] : vector<16xi32>, vector<16xi32> -> vector<16xi32>
      %ge3A_427 = arith.constant 2 : i32
      %ge3A_428 = vector.broadcast %ge3A_427 : i32 to vector<16xi32>
      %ge3A_429 = arith.cmpi sge, %iota3A, %ge3A_428 : vector<16xi32>
      %eq3A_430 = arith.cmpi eq, %gather3A_426, %get3A_364 : vector<16xi32>
      %and3A_431 = arith.andi %ge3A_429, %eq3A_430 : vector<16xi1>
      %max3A_432 = arith.maximumf %select_n3A_400, %gather3A_416 : vector<16xf32>
      %select_n3A_433 = arith.select %and3A_431, %max3A_432, %select_n3A_400 : vector<16xi1>, vector<16xf32>
      %sub3A_434 = arith.constant 4 : i32
      %sub3A_435 = vector.broadcast %sub3A_434 : i32 to vector<16xi32>
      %sub3A_436 = arith.subi %iota3A, %sub3A_435 : vector<16xi32>
      %max3A_437 = arith.constant 0 : i32
      %max3A_438 = vector.broadcast %max3A_437 : i32 to vector<16xi32>
      %max3A_439 = arith.maxsi %sub3A_436, %max3A_438 : vector<16xi32>
      %lt3A_440 = arith.constant 0 : i32
      %lt3A_441 = vector.broadcast %lt3A_440 : i32 to vector<16xi32>
      %lt3A_442 = arith.cmpi slt, %max3A_439, %lt3A_441 : vector<16xi32>
      %add3A_443 = arith.constant 16 : i32
      %add3A_444 = vector.broadcast %add3A_443 : i32 to vector<16xi32>
      %add3A_445 = arith.addi %max3A_439, %add3A_444 : vector<16xi32>
      %select_n3A_446 = arith.select %lt3A_442, %add3A_445, %max3A_439 : vector<16xi1>, vector<16xi32>
      %broadcast_in_dim3A_447 = vector.shape_cast %select_n3A_446 : vector<16xi32> to vector<16x1xi32>
      %gather3A_448 = vector.shape_cast %broadcast_in_dim3A_447 : vector<16x1xi32> to vector<16xi32>
      %gather3A_449 = tpu.dynamic_gather %select_n3A_433[%gather3A_448] in [0] : vector<16xf32>, vector<16xi32> -> vector<16xf32>
      %lt3A_450 = arith.constant 0 : i32
      %lt3A_451 = vector.broadcast %lt3A_450 : i32 to vector<16xi32>
      %lt3A_452 = arith.cmpi slt, %max3A_439, %lt3A_451 : vector<16xi32>
      %add3A_453 = arith.constant 16 : i32
      %add3A_454 = vector.broadcast %add3A_453 : i32 to vector<16xi32>
      %add3A_455 = arith.addi %max3A_439, %add3A_454 : vector<16xi32>
      %select_n3A_456 = arith.select %lt3A_452, %add3A_455, %max3A_439 : vector<16xi1>, vector<16xi32>
      %broadcast_in_dim3A_457 = vector.shape_cast %select_n3A_456 : vector<16xi32> to vector<16x1xi32>
      %gather3A_458 = vector.shape_cast %broadcast_in_dim3A_457 : vector<16x1xi32> to vector<16xi32>
      %gather3A_459 = tpu.dynamic_gather %get3A_364[%gather3A_458] in [0] : vector<16xi32>, vector<16xi32> -> vector<16xi32>
      %ge3A_460 = arith.constant 4 : i32
      %ge3A_461 = vector.broadcast %ge3A_460 : i32 to vector<16xi32>
      %ge3A_462 = arith.cmpi sge, %iota3A, %ge3A_461 : vector<16xi32>
      %eq3A_463 = arith.cmpi eq, %gather3A_459, %get3A_364 : vector<16xi32>
      %and3A_464 = arith.andi %ge3A_462, %eq3A_463 : vector<16xi1>
      %max3A_465 = arith.maximumf %select_n3A_433, %gather3A_449 : vector<16xf32>
      %select_n3A_466 = arith.select %and3A_464, %max3A_465, %select_n3A_433 : vector<16xi1>, vector<16xf32>
      %sub3A_467 = arith.constant 8 : i32
      %sub3A_468 = vector.broadcast %sub3A_467 : i32 to vector<16xi32>
      %sub3A_469 = arith.subi %iota3A, %sub3A_468 : vector<16xi32>
      %max3A_470 = arith.constant 0 : i32
      %max3A_471 = vector.broadcast %max3A_470 : i32 to vector<16xi32>
      %max3A_472 = arith.maxsi %sub3A_469, %max3A_471 : vector<16xi32>
      %lt3A_473 = arith.constant 0 : i32
      %lt3A_474 = vector.broadcast %lt3A_473 : i32 to vector<16xi32>
      %lt3A_475 = arith.cmpi slt, %max3A_472, %lt3A_474 : vector<16xi32>
      %add3A_476 = arith.constant 16 : i32
      %add3A_477 = vector.broadcast %add3A_476 : i32 to vector<16xi32>
      %add3A_478 = arith.addi %max3A_472, %add3A_477 : vector<16xi32>
      %select_n3A_479 = arith.select %lt3A_475, %add3A_478, %max3A_472 : vector<16xi1>, vector<16xi32>
      %broadcast_in_dim3A_480 = vector.shape_cast %select_n3A_479 : vector<16xi32> to vector<16x1xi32>
      %gather3A_481 = vector.shape_cast %broadcast_in_dim3A_480 : vector<16x1xi32> to vector<16xi32>
      %gather3A_482 = tpu.dynamic_gather %select_n3A_466[%gather3A_481] in [0] : vector<16xf32>, vector<16xi32> -> vector<16xf32>
      %lt3A_483 = arith.constant 0 : i32
      %lt3A_484 = vector.broadcast %lt3A_483 : i32 to vector<16xi32>
      %lt3A_485 = arith.cmpi slt, %max3A_472, %lt3A_484 : vector<16xi32>
      %add3A_486 = arith.constant 16 : i32
      %add3A_487 = vector.broadcast %add3A_486 : i32 to vector<16xi32>
      %add3A_488 = arith.addi %max3A_472, %add3A_487 : vector<16xi32>
      %select_n3A_489 = arith.select %lt3A_485, %add3A_488, %max3A_472 : vector<16xi1>, vector<16xi32>
      %broadcast_in_dim3A_490 = vector.shape_cast %select_n3A_489 : vector<16xi32> to vector<16x1xi32>
      %gather3A_491 = vector.shape_cast %broadcast_in_dim3A_490 : vector<16x1xi32> to vector<16xi32>
      %gather3A_492 = tpu.dynamic_gather %get3A_364[%gather3A_491] in [0] : vector<16xi32>, vector<16xi32> -> vector<16xi32>
      %ge3A_493 = arith.constant 8 : i32
      %ge3A_494 = vector.broadcast %ge3A_493 : i32 to vector<16xi32>
      %ge3A_495 = arith.cmpi sge, %iota3A, %ge3A_494 : vector<16xi32>
      %eq3A_496 = arith.cmpi eq, %gather3A_492, %get3A_364 : vector<16xi32>
      %and3A_497 = arith.andi %ge3A_495, %eq3A_496 : vector<16xi1>
      %max3A_498 = arith.maximumf %select_n3A_466, %gather3A_482 : vector<16xf32>
      %select_n3A_499 = arith.select %and3A_497, %max3A_498, %select_n3A_466 : vector<16xi1>, vector<16xf32>
      %add3A_500 = arith.constant 1 : i32
      %add3A_501 = vector.broadcast %add3A_500 : i32 to vector<16xi32>
      %add3A_502 = arith.addi %iota3A, %add3A_501 : vector<16xi32>
      %min3A_503 = arith.constant 15 : i32
      %min3A_504 = vector.broadcast %min3A_503 : i32 to vector<16xi32>
      %min3A_505 = arith.minsi %add3A_502, %min3A_504 : vector<16xi32>
      %lt3A_506 = arith.constant 0 : i32
      %lt3A_507 = vector.broadcast %lt3A_506 : i32 to vector<16xi32>
      %lt3A_508 = arith.cmpi slt, %min3A_505, %lt3A_507 : vector<16xi32>
      %add3A_509 = arith.constant 16 : i32
      %add3A_510 = vector.broadcast %add3A_509 : i32 to vector<16xi32>
      %add3A_511 = arith.addi %min3A_505, %add3A_510 : vector<16xi32>
      %select_n3A_512 = arith.select %lt3A_508, %add3A_511, %min3A_505 : vector<16xi1>, vector<16xi32>
      %broadcast_in_dim3A_513 = vector.shape_cast %select_n3A_512 : vector<16xi32> to vector<16x1xi32>
      %gather3A_514 = vector.shape_cast %broadcast_in_dim3A_513 : vector<16x1xi32> to vector<16xi32>
      %gather3A_515 = tpu.dynamic_gather %get3A_364[%gather3A_514] in [0] : vector<16xi32>, vector<16xi32> -> vector<16xi32>
      %eq3A_516 = arith.constant 15 : i32
      %eq3A_517 = vector.broadcast %eq3A_516 : i32 to vector<16xi32>
      %eq3A_518 = arith.cmpi eq, %iota3A, %eq3A_517 : vector<16xi32>
      %ne3A_519 = arith.cmpi ne, %gather3A_515, %get3A_364 : vector<16xi32>
      %or3A_520 = arith.ori %eq3A_518, %ne3A_519 : vector<16xi1>
      %gather3A_521 = tpu.vector_load_idx %arg9[%get3A_364] masked %or3A_520 : memref<10240xf32, #tpu.memory_space<vmem>>[vector<16xi32>], vector<16xf32>, vector<16xi1>
      %max3A_522 = arith.maximumf %gather3A_521, %select_n3A_499 : vector<16xf32>
      tpu.vector_store_idx %arg9[%get3A_364], %max3A_522 masked %or3A_520 : memref<10240xf32, #tpu.memory_space<vmem>>[vector<16xi32>], vector<16xf32>, vector<16xi1>
      %get3A_523 = arith.index_cast %scan3A_51 : i32 to index
      %get3A_524 = arith.constant 48 : index
      %get3A_525 = tpu.vector_load %arg7[%get3A_523, %get3A_524] {strides = array<i32>} : memref<40x128xi32, #tpu.memory_space<vmem>>, vector<16xi32>,
      %get3A_526 = arith.index_cast %scan3A_51 : i32 to index
      %get3A_527 = arith.constant 48 : index
      %get3A_528 = tpu.vector_load %arg8[%get3A_526, %get3A_527] {strides = array<i32>} : memref<40x128xf32, #tpu.memory_space<vmem>>, vector<16xf32>,
      %sub3A_529 = arith.constant 1 : i32
      %sub3A_530 = vector.broadcast %sub3A_529 : i32 to vector<16xi32>
      %sub3A_531 = arith.subi %iota3A, %sub3A_530 : vector<16xi32>
      %max3A_532 = arith.constant 0 : i32
      %max3A_533 = vector.broadcast %max3A_532 : i32 to vector<16xi32>
      %max3A_534 = arith.maxsi %sub3A_531, %max3A_533 : vector<16xi32>
      %lt3A_535 = arith.constant 0 : i32
      %lt3A_536 = vector.broadcast %lt3A_535 : i32 to vector<16xi32>
      %lt3A_537 = arith.cmpi slt, %max3A_534, %lt3A_536 : vector<16xi32>
      %add3A_538 = arith.constant 16 : i32
      %add3A_539 = vector.broadcast %add3A_538 : i32 to vector<16xi32>
      %add3A_540 = arith.addi %max3A_534, %add3A_539 : vector<16xi32>
      %select_n3A_541 = arith.select %lt3A_537, %add3A_540, %max3A_534 : vector<16xi1>, vector<16xi32>
      %broadcast_in_dim3A_542 = vector.shape_cast %select_n3A_541 : vector<16xi32> to vector<16x1xi32>
      %gather3A_543 = vector.shape_cast %broadcast_in_dim3A_542 : vector<16x1xi32> to vector<16xi32>
      %gather3A_544 = tpu.dynamic_gather %get3A_528[%gather3A_543] in [0] : vector<16xf32>, vector<16xi32> -> vector<16xf32>
      %lt3A_545 = arith.constant 0 : i32
      %lt3A_546 = vector.broadcast %lt3A_545 : i32 to vector<16xi32>
      %lt3A_547 = arith.cmpi slt, %max3A_534, %lt3A_546 : vector<16xi32>
      %add3A_548 = arith.constant 16 : i32
      %add3A_549 = vector.broadcast %add3A_548 : i32 to vector<16xi32>
      %add3A_550 = arith.addi %max3A_534, %add3A_549 : vector<16xi32>
      %select_n3A_551 = arith.select %lt3A_547, %add3A_550, %max3A_534 : vector<16xi1>, vector<16xi32>
      %broadcast_in_dim3A_552 = vector.shape_cast %select_n3A_551 : vector<16xi32> to vector<16x1xi32>
      %gather3A_553 = vector.shape_cast %broadcast_in_dim3A_552 : vector<16x1xi32> to vector<16xi32>
      %gather3A_554 = tpu.dynamic_gather %get3A_525[%gather3A_553] in [0] : vector<16xi32>, vector<16xi32> -> vector<16xi32>
      %ge3A_555 = arith.constant 1 : i32
      %ge3A_556 = vector.broadcast %ge3A_555 : i32 to vector<16xi32>
      %ge3A_557 = arith.cmpi sge, %iota3A, %ge3A_556 : vector<16xi32>
      %eq3A_558 = arith.cmpi eq, %gather3A_554, %get3A_525 : vector<16xi32>
      %and3A_559 = arith.andi %ge3A_557, %eq3A_558 : vector<16xi1>
      %max3A_560 = arith.maximumf %get3A_528, %gather3A_544 : vector<16xf32>
      %select_n3A_561 = arith.select %and3A_559, %max3A_560, %get3A_528 : vector<16xi1>, vector<16xf32>
      %sub3A_562 = arith.constant 2 : i32
      %sub3A_563 = vector.broadcast %sub3A_562 : i32 to vector<16xi32>
      %sub3A_564 = arith.subi %iota3A, %sub3A_563 : vector<16xi32>
      %max3A_565 = arith.constant 0 : i32
      %max3A_566 = vector.broadcast %max3A_565 : i32 to vector<16xi32>
      %max3A_567 = arith.maxsi %sub3A_564, %max3A_566 : vector<16xi32>
      %lt3A_568 = arith.constant 0 : i32
      %lt3A_569 = vector.broadcast %lt3A_568 : i32 to vector<16xi32>
      %lt3A_570 = arith.cmpi slt, %max3A_567, %lt3A_569 : vector<16xi32>
      %add3A_571 = arith.constant 16 : i32
      %add3A_572 = vector.broadcast %add3A_571 : i32 to vector<16xi32>
      %add3A_573 = arith.addi %max3A_567, %add3A_572 : vector<16xi32>
      %select_n3A_574 = arith.select %lt3A_570, %add3A_573, %max3A_567 : vector<16xi1>, vector<16xi32>
      %broadcast_in_dim3A_575 = vector.shape_cast %select_n3A_574 : vector<16xi32> to vector<16x1xi32>
      %gather3A_576 = vector.shape_cast %broadcast_in_dim3A_575 : vector<16x1xi32> to vector<16xi32>
      %gather3A_577 = tpu.dynamic_gather %select_n3A_561[%gather3A_576] in [0] : vector<16xf32>, vector<16xi32> -> vector<16xf32>
      %lt3A_578 = arith.constant 0 : i32
      %lt3A_579 = vector.broadcast %lt3A_578 : i32 to vector<16xi32>
      %lt3A_580 = arith.cmpi slt, %max3A_567, %lt3A_579 : vector<16xi32>
      %add3A_581 = arith.constant 16 : i32
      %add3A_582 = vector.broadcast %add3A_581 : i32 to vector<16xi32>
      %add3A_583 = arith.addi %max3A_567, %add3A_582 : vector<16xi32>
      %select_n3A_584 = arith.select %lt3A_580, %add3A_583, %max3A_567 : vector<16xi1>, vector<16xi32>
      %broadcast_in_dim3A_585 = vector.shape_cast %select_n3A_584 : vector<16xi32> to vector<16x1xi32>
      %gather3A_586 = vector.shape_cast %broadcast_in_dim3A_585 : vector<16x1xi32> to vector<16xi32>
      %gather3A_587 = tpu.dynamic_gather %get3A_525[%gather3A_586] in [0] : vector<16xi32>, vector<16xi32> -> vector<16xi32>
      %ge3A_588 = arith.constant 2 : i32
      %ge3A_589 = vector.broadcast %ge3A_588 : i32 to vector<16xi32>
      %ge3A_590 = arith.cmpi sge, %iota3A, %ge3A_589 : vector<16xi32>
      %eq3A_591 = arith.cmpi eq, %gather3A_587, %get3A_525 : vector<16xi32>
      %and3A_592 = arith.andi %ge3A_590, %eq3A_591 : vector<16xi1>
      %max3A_593 = arith.maximumf %select_n3A_561, %gather3A_577 : vector<16xf32>
      %select_n3A_594 = arith.select %and3A_592, %max3A_593, %select_n3A_561 : vector<16xi1>, vector<16xf32>
      %sub3A_595 = arith.constant 4 : i32
      %sub3A_596 = vector.broadcast %sub3A_595 : i32 to vector<16xi32>
      %sub3A_597 = arith.subi %iota3A, %sub3A_596 : vector<16xi32>
      %max3A_598 = arith.constant 0 : i32
      %max3A_599 = vector.broadcast %max3A_598 : i32 to vector<16xi32>
      %max3A_600 = arith.maxsi %sub3A_597, %max3A_599 : vector<16xi32>
      %lt3A_601 = arith.constant 0 : i32
      %lt3A_602 = vector.broadcast %lt3A_601 : i32 to vector<16xi32>
      %lt3A_603 = arith.cmpi slt, %max3A_600, %lt3A_602 : vector<16xi32>
      %add3A_604 = arith.constant 16 : i32
      %add3A_605 = vector.broadcast %add3A_604 : i32 to vector<16xi32>
      %add3A_606 = arith.addi %max3A_600, %add3A_605 : vector<16xi32>
      %select_n3A_607 = arith.select %lt3A_603, %add3A_606, %max3A_600 : vector<16xi1>, vector<16xi32>
      %broadcast_in_dim3A_608 = vector.shape_cast %select_n3A_607 : vector<16xi32> to vector<16x1xi32>
      %gather3A_609 = vector.shape_cast %broadcast_in_dim3A_608 : vector<16x1xi32> to vector<16xi32>
      %gather3A_610 = tpu.dynamic_gather %select_n3A_594[%gather3A_609] in [0] : vector<16xf32>, vector<16xi32> -> vector<16xf32>
      %lt3A_611 = arith.constant 0 : i32
      %lt3A_612 = vector.broadcast %lt3A_611 : i32 to vector<16xi32>
      %lt3A_613 = arith.cmpi slt, %max3A_600, %lt3A_612 : vector<16xi32>
      %add3A_614 = arith.constant 16 : i32
      %add3A_615 = vector.broadcast %add3A_614 : i32 to vector<16xi32>
      %add3A_616 = arith.addi %max3A_600, %add3A_615 : vector<16xi32>
      %select_n3A_617 = arith.select %lt3A_613, %add3A_616, %max3A_600 : vector<16xi1>, vector<16xi32>
      %broadcast_in_dim3A_618 = vector.shape_cast %select_n3A_617 : vector<16xi32> to vector<16x1xi32>
      %gather3A_619 = vector.shape_cast %broadcast_in_dim3A_618 : vector<16x1xi32> to vector<16xi32>
      %gather3A_620 = tpu.dynamic_gather %get3A_525[%gather3A_619] in [0] : vector<16xi32>, vector<16xi32> -> vector<16xi32>
      %ge3A_621 = arith.constant 4 : i32
      %ge3A_622 = vector.broadcast %ge3A_621 : i32 to vector<16xi32>
      %ge3A_623 = arith.cmpi sge, %iota3A, %ge3A_622 : vector<16xi32>
      %eq3A_624 = arith.cmpi eq, %gather3A_620, %get3A_525 : vector<16xi32>
      %and3A_625 = arith.andi %ge3A_623, %eq3A_624 : vector<16xi1>
      %max3A_626 = arith.maximumf %select_n3A_594, %gather3A_610 : vector<16xf32>
      %select_n3A_627 = arith.select %and3A_625, %max3A_626, %select_n3A_594 : vector<16xi1>, vector<16xf32>
      %sub3A_628 = arith.constant 8 : i32
      %sub3A_629 = vector.broadcast %sub3A_628 : i32 to vector<16xi32>
      %sub3A_630 = arith.subi %iota3A, %sub3A_629 : vector<16xi32>
      %max3A_631 = arith.constant 0 : i32
      %max3A_632 = vector.broadcast %max3A_631 : i32 to vector<16xi32>
      %max3A_633 = arith.maxsi %sub3A_630, %max3A_632 : vector<16xi32>
      %lt3A_634 = arith.constant 0 : i32
      %lt3A_635 = vector.broadcast %lt3A_634 : i32 to vector<16xi32>
      %lt3A_636 = arith.cmpi slt, %max3A_633, %lt3A_635 : vector<16xi32>
      %add3A_637 = arith.constant 16 : i32
      %add3A_638 = vector.broadcast %add3A_637 : i32 to vector<16xi32>
      %add3A_639 = arith.addi %max3A_633, %add3A_638 : vector<16xi32>
      %select_n3A_640 = arith.select %lt3A_636, %add3A_639, %max3A_633 : vector<16xi1>, vector<16xi32>
      %broadcast_in_dim3A_641 = vector.shape_cast %select_n3A_640 : vector<16xi32> to vector<16x1xi32>
      %gather3A_642 = vector.shape_cast %broadcast_in_dim3A_641 : vector<16x1xi32> to vector<16xi32>
      %gather3A_643 = tpu.dynamic_gather %select_n3A_627[%gather3A_642] in [0] : vector<16xf32>, vector<16xi32> -> vector<16xf32>
      %lt3A_644 = arith.constant 0 : i32
      %lt3A_645 = vector.broadcast %lt3A_644 : i32 to vector<16xi32>
      %lt3A_646 = arith.cmpi slt, %max3A_633, %lt3A_645 : vector<16xi32>
      %add3A_647 = arith.constant 16 : i32
      %add3A_648 = vector.broadcast %add3A_647 : i32 to vector<16xi32>
      %add3A_649 = arith.addi %max3A_633, %add3A_648 : vector<16xi32>
      %select_n3A_650 = arith.select %lt3A_646, %add3A_649, %max3A_633 : vector<16xi1>, vector<16xi32>
      %broadcast_in_dim3A_651 = vector.shape_cast %select_n3A_650 : vector<16xi32> to vector<16x1xi32>
      %gather3A_652 = vector.shape_cast %broadcast_in_dim3A_651 : vector<16x1xi32> to vector<16xi32>
      %gather3A_653 = tpu.dynamic_gather %get3A_525[%gather3A_652] in [0] : vector<16xi32>, vector<16xi32> -> vector<16xi32>
      %ge3A_654 = arith.constant 8 : i32
      %ge3A_655 = vector.broadcast %ge3A_654 : i32 to vector<16xi32>
      %ge3A_656 = arith.cmpi sge, %iota3A, %ge3A_655 : vector<16xi32>
      %eq3A_657 = arith.cmpi eq, %gather3A_653, %get3A_525 : vector<16xi32>
      %and3A_658 = arith.andi %ge3A_656, %eq3A_657 : vector<16xi1>
      %max3A_659 = arith.maximumf %select_n3A_627, %gather3A_643 : vector<16xf32>
      %select_n3A_660 = arith.select %and3A_658, %max3A_659, %select_n3A_627 : vector<16xi1>, vector<16xf32>
      %add3A_661 = arith.constant 1 : i32
      %add3A_662 = vector.broadcast %add3A_661 : i32 to vector<16xi32>
      %add3A_663 = arith.addi %iota3A, %add3A_662 : vector<16xi32>
      %min3A_664 = arith.constant 15 : i32
      %min3A_665 = vector.broadcast %min3A_664 : i32 to vector<16xi32>
      %min3A_666 = arith.minsi %add3A_663, %min3A_665 : vector<16xi32>
      %lt3A_667 = arith.constant 0 : i32
      %lt3A_668 = vector.broadcast %lt3A_667 : i32 to vector<16xi32>
      %lt3A_669 = arith.cmpi slt, %min3A_666, %lt3A_668 : vector<16xi32>
      %add3A_670 = arith.constant 16 : i32
      %add3A_671 = vector.broadcast %add3A_670 : i32 to vector<16xi32>
      %add3A_672 = arith.addi %min3A_666, %add3A_671 : vector<16xi32>
      %select_n3A_673 = arith.select %lt3A_669, %add3A_672, %min3A_666 : vector<16xi1>, vector<16xi32>
      %broadcast_in_dim3A_674 = vector.shape_cast %select_n3A_673 : vector<16xi32> to vector<16x1xi32>
      %gather3A_675 = vector.shape_cast %broadcast_in_dim3A_674 : vector<16x1xi32> to vector<16xi32>
      %gather3A_676 = tpu.dynamic_gather %get3A_525[%gather3A_675] in [0] : vector<16xi32>, vector<16xi32> -> vector<16xi32>
      %eq3A_677 = arith.constant 15 : i32
      %eq3A_678 = vector.broadcast %eq3A_677 : i32 to vector<16xi32>
      %eq3A_679 = arith.cmpi eq, %iota3A, %eq3A_678 : vector<16xi32>
      %ne3A_680 = arith.cmpi ne, %gather3A_676, %get3A_525 : vector<16xi32>
      %or3A_681 = arith.ori %eq3A_679, %ne3A_680 : vector<16xi1>
      %gather3A_682 = tpu.vector_load_idx %arg9[%get3A_525] masked %or3A_681 : memref<10240xf32, #tpu.memory_space<vmem>>[vector<16xi32>], vector<16xf32>, vector<16xi1>
      %max3A_683 = arith.maximumf %gather3A_682, %select_n3A_660 : vector<16xf32>
      tpu.vector_store_idx %arg9[%get3A_525], %max3A_683 masked %or3A_681 : memref<10240xf32, #tpu.memory_space<vmem>>[vector<16xi32>], vector<16xf32>, vector<16xi1>
      %get3A_684 = arith.index_cast %scan3A_51 : i32 to index
      %get3A_685 = arith.constant 64 : index
      %get3A_686 = tpu.vector_load %arg7[%get3A_684, %get3A_685] {strides = array<i32>} : memref<40x128xi32, #tpu.memory_space<vmem>>, vector<16xi32>,
      %get3A_687 = arith.index_cast %scan3A_51 : i32 to index
      %get3A_688 = arith.constant 64 : index
      %get3A_689 = tpu.vector_load %arg8[%get3A_687, %get3A_688] {strides = array<i32>} : memref<40x128xf32, #tpu.memory_space<vmem>>, vector<16xf32>,
      %sub3A_690 = arith.constant 1 : i32
      %sub3A_691 = vector.broadcast %sub3A_690 : i32 to vector<16xi32>
      %sub3A_692 = arith.subi %iota3A, %sub3A_691 : vector<16xi32>
      %max3A_693 = arith.constant 0 : i32
      %max3A_694 = vector.broadcast %max3A_693 : i32 to vector<16xi32>
      %max3A_695 = arith.maxsi %sub3A_692, %max3A_694 : vector<16xi32>
      %lt3A_696 = arith.constant 0 : i32
      %lt3A_697 = vector.broadcast %lt3A_696 : i32 to vector<16xi32>
      %lt3A_698 = arith.cmpi slt, %max3A_695, %lt3A_697 : vector<16xi32>
      %add3A_699 = arith.constant 16 : i32
      %add3A_700 = vector.broadcast %add3A_699 : i32 to vector<16xi32>
      %add3A_701 = arith.addi %max3A_695, %add3A_700 : vector<16xi32>
      %select_n3A_702 = arith.select %lt3A_698, %add3A_701, %max3A_695 : vector<16xi1>, vector<16xi32>
      %broadcast_in_dim3A_703 = vector.shape_cast %select_n3A_702 : vector<16xi32> to vector<16x1xi32>
      %gather3A_704 = vector.shape_cast %broadcast_in_dim3A_703 : vector<16x1xi32> to vector<16xi32>
      %gather3A_705 = tpu.dynamic_gather %get3A_689[%gather3A_704] in [0] : vector<16xf32>, vector<16xi32> -> vector<16xf32>
      %lt3A_706 = arith.constant 0 : i32
      %lt3A_707 = vector.broadcast %lt3A_706 : i32 to vector<16xi32>
      %lt3A_708 = arith.cmpi slt, %max3A_695, %lt3A_707 : vector<16xi32>
      %add3A_709 = arith.constant 16 : i32
      %add3A_710 = vector.broadcast %add3A_709 : i32 to vector<16xi32>
      %add3A_711 = arith.addi %max3A_695, %add3A_710 : vector<16xi32>
      %select_n3A_712 = arith.select %lt3A_708, %add3A_711, %max3A_695 : vector<16xi1>, vector<16xi32>
      %broadcast_in_dim3A_713 = vector.shape_cast %select_n3A_712 : vector<16xi32> to vector<16x1xi32>
      %gather3A_714 = vector.shape_cast %broadcast_in_dim3A_713 : vector<16x1xi32> to vector<16xi32>
      %gather3A_715 = tpu.dynamic_gather %get3A_686[%gather3A_714] in [0] : vector<16xi32>, vector<16xi32> -> vector<16xi32>
      %ge3A_716 = arith.constant 1 : i32
      %ge3A_717 = vector.broadcast %ge3A_716 : i32 to vector<16xi32>
      %ge3A_718 = arith.cmpi sge, %iota3A, %ge3A_717 : vector<16xi32>
      %eq3A_719 = arith.cmpi eq, %gather3A_715, %get3A_686 : vector<16xi32>
      %and3A_720 = arith.andi %ge3A_718, %eq3A_719 : vector<16xi1>
      %max3A_721 = arith.maximumf %get3A_689, %gather3A_705 : vector<16xf32>
      %select_n3A_722 = arith.select %and3A_720, %max3A_721, %get3A_689 : vector<16xi1>, vector<16xf32>
      %sub3A_723 = arith.constant 2 : i32
      %sub3A_724 = vector.broadcast %sub3A_723 : i32 to vector<16xi32>
      %sub3A_725 = arith.subi %iota3A, %sub3A_724 : vector<16xi32>
      %max3A_726 = arith.constant 0 : i32
      %max3A_727 = vector.broadcast %max3A_726 : i32 to vector<16xi32>
      %max3A_728 = arith.maxsi %sub3A_725, %max3A_727 : vector<16xi32>
      %lt3A_729 = arith.constant 0 : i32
      %lt3A_730 = vector.broadcast %lt3A_729 : i32 to vector<16xi32>
      %lt3A_731 = arith.cmpi slt, %max3A_728, %lt3A_730 : vector<16xi32>
      %add3A_732 = arith.constant 16 : i32
      %add3A_733 = vector.broadcast %add3A_732 : i32 to vector<16xi32>
      %add3A_734 = arith.addi %max3A_728, %add3A_733 : vector<16xi32>
      %select_n3A_735 = arith.select %lt3A_731, %add3A_734, %max3A_728 : vector<16xi1>, vector<16xi32>
      %broadcast_in_dim3A_736 = vector.shape_cast %select_n3A_735 : vector<16xi32> to vector<16x1xi32>
      %gather3A_737 = vector.shape_cast %broadcast_in_dim3A_736 : vector<16x1xi32> to vector<16xi32>
      %gather3A_738 = tpu.dynamic_gather %select_n3A_722[%gather3A_737] in [0] : vector<16xf32>, vector<16xi32> -> vector<16xf32>
      %lt3A_739 = arith.constant 0 : i32
      %lt3A_740 = vector.broadcast %lt3A_739 : i32 to vector<16xi32>
      %lt3A_741 = arith.cmpi slt, %max3A_728, %lt3A_740 : vector<16xi32>
      %add3A_742 = arith.constant 16 : i32
      %add3A_743 = vector.broadcast %add3A_742 : i32 to vector<16xi32>
      %add3A_744 = arith.addi %max3A_728, %add3A_743 : vector<16xi32>
      %select_n3A_745 = arith.select %lt3A_741, %add3A_744, %max3A_728 : vector<16xi1>, vector<16xi32>
      %broadcast_in_dim3A_746 = vector.shape_cast %select_n3A_745 : vector<16xi32> to vector<16x1xi32>
      %gather3A_747 = vector.shape_cast %broadcast_in_dim3A_746 : vector<16x1xi32> to vector<16xi32>
      %gather3A_748 = tpu.dynamic_gather %get3A_686[%gather3A_747] in [0] : vector<16xi32>, vector<16xi32> -> vector<16xi32>
      %ge3A_749 = arith.constant 2 : i32
      %ge3A_750 = vector.broadcast %ge3A_749 : i32 to vector<16xi32>
      %ge3A_751 = arith.cmpi sge, %iota3A, %ge3A_750 : vector<16xi32>
      %eq3A_752 = arith.cmpi eq, %gather3A_748, %get3A_686 : vector<16xi32>
      %and3A_753 = arith.andi %ge3A_751, %eq3A_752 : vector<16xi1>
      %max3A_754 = arith.maximumf %select_n3A_722, %gather3A_738 : vector<16xf32>
      %select_n3A_755 = arith.select %and3A_753, %max3A_754, %select_n3A_722 : vector<16xi1>, vector<16xf32>
      %sub3A_756 = arith.constant 4 : i32
      %sub3A_757 = vector.broadcast %sub3A_756 : i32 to vector<16xi32>
      %sub3A_758 = arith.subi %iota3A, %sub3A_757 : vector<16xi32>
      %max3A_759 = arith.constant 0 : i32
      %max3A_760 = vector.broadcast %max3A_759 : i32 to vector<16xi32>
      %max3A_761 = arith.maxsi %sub3A_758, %max3A_760 : vector<16xi32>
      %lt3A_762 = arith.constant 0 : i32
      %lt3A_763 = vector.broadcast %lt3A_762 : i32 to vector<16xi32>
      %lt3A_764 = arith.cmpi slt, %max3A_761, %lt3A_763 : vector<16xi32>
      %add3A_765 = arith.constant 16 : i32
      %add3A_766 = vector.broadcast %add3A_765 : i32 to vector<16xi32>
      %add3A_767 = arith.addi %max3A_761, %add3A_766 : vector<16xi32>
      %select_n3A_768 = arith.select %lt3A_764, %add3A_767, %max3A_761 : vector<16xi1>, vector<16xi32>
      %broadcast_in_dim3A_769 = vector.shape_cast %select_n3A_768 : vector<16xi32> to vector<16x1xi32>
      %gather3A_770 = vector.shape_cast %broadcast_in_dim3A_769 : vector<16x1xi32> to vector<16xi32>
      %gather3A_771 = tpu.dynamic_gather %select_n3A_755[%gather3A_770] in [0] : vector<16xf32>, vector<16xi32> -> vector<16xf32>
      %lt3A_772 = arith.constant 0 : i32
      %lt3A_773 = vector.broadcast %lt3A_772 : i32 to vector<16xi32>
      %lt3A_774 = arith.cmpi slt, %max3A_761, %lt3A_773 : vector<16xi32>
      %add3A_775 = arith.constant 16 : i32
      %add3A_776 = vector.broadcast %add3A_775 : i32 to vector<16xi32>
      %add3A_777 = arith.addi %max3A_761, %add3A_776 : vector<16xi32>
      %select_n3A_778 = arith.select %lt3A_774, %add3A_777, %max3A_761 : vector<16xi1>, vector<16xi32>
      %broadcast_in_dim3A_779 = vector.shape_cast %select_n3A_778 : vector<16xi32> to vector<16x1xi32>
      %gather3A_780 = vector.shape_cast %broadcast_in_dim3A_779 : vector<16x1xi32> to vector<16xi32>
      %gather3A_781 = tpu.dynamic_gather %get3A_686[%gather3A_780] in [0] : vector<16xi32>, vector<16xi32> -> vector<16xi32>
      %ge3A_782 = arith.constant 4 : i32
      %ge3A_783 = vector.broadcast %ge3A_782 : i32 to vector<16xi32>
      %ge3A_784 = arith.cmpi sge, %iota3A, %ge3A_783 : vector<16xi32>
      %eq3A_785 = arith.cmpi eq, %gather3A_781, %get3A_686 : vector<16xi32>
      %and3A_786 = arith.andi %ge3A_784, %eq3A_785 : vector<16xi1>
      %max3A_787 = arith.maximumf %select_n3A_755, %gather3A_771 : vector<16xf32>
      %select_n3A_788 = arith.select %and3A_786, %max3A_787, %select_n3A_755 : vector<16xi1>, vector<16xf32>
      %sub3A_789 = arith.constant 8 : i32
      %sub3A_790 = vector.broadcast %sub3A_789 : i32 to vector<16xi32>
      %sub3A_791 = arith.subi %iota3A, %sub3A_790 : vector<16xi32>
      %max3A_792 = arith.constant 0 : i32
      %max3A_793 = vector.broadcast %max3A_792 : i32 to vector<16xi32>
      %max3A_794 = arith.maxsi %sub3A_791, %max3A_793 : vector<16xi32>
      %lt3A_795 = arith.constant 0 : i32
      %lt3A_796 = vector.broadcast %lt3A_795 : i32 to vector<16xi32>
      %lt3A_797 = arith.cmpi slt, %max3A_794, %lt3A_796 : vector<16xi32>
      %add3A_798 = arith.constant 16 : i32
      %add3A_799 = vector.broadcast %add3A_798 : i32 to vector<16xi32>
      %add3A_800 = arith.addi %max3A_794, %add3A_799 : vector<16xi32>
      %select_n3A_801 = arith.select %lt3A_797, %add3A_800, %max3A_794 : vector<16xi1>, vector<16xi32>
      %broadcast_in_dim3A_802 = vector.shape_cast %select_n3A_801 : vector<16xi32> to vector<16x1xi32>
      %gather3A_803 = vector.shape_cast %broadcast_in_dim3A_802 : vector<16x1xi32> to vector<16xi32>
      %gather3A_804 = tpu.dynamic_gather %select_n3A_788[%gather3A_803] in [0] : vector<16xf32>, vector<16xi32> -> vector<16xf32>
      %lt3A_805 = arith.constant 0 : i32
      %lt3A_806 = vector.broadcast %lt3A_805 : i32 to vector<16xi32>
      %lt3A_807 = arith.cmpi slt, %max3A_794, %lt3A_806 : vector<16xi32>
      %add3A_808 = arith.constant 16 : i32
      %add3A_809 = vector.broadcast %add3A_808 : i32 to vector<16xi32>
      %add3A_810 = arith.addi %max3A_794, %add3A_809 : vector<16xi32>
      %select_n3A_811 = arith.select %lt3A_807, %add3A_810, %max3A_794 : vector<16xi1>, vector<16xi32>
      %broadcast_in_dim3A_812 = vector.shape_cast %select_n3A_811 : vector<16xi32> to vector<16x1xi32>
      %gather3A_813 = vector.shape_cast %broadcast_in_dim3A_812 : vector<16x1xi32> to vector<16xi32>
      %gather3A_814 = tpu.dynamic_gather %get3A_686[%gather3A_813] in [0] : vector<16xi32>, vector<16xi32> -> vector<16xi32>
      %ge3A_815 = arith.constant 8 : i32
      %ge3A_816 = vector.broadcast %ge3A_815 : i32 to vector<16xi32>
      %ge3A_817 = arith.cmpi sge, %iota3A, %ge3A_816 : vector<16xi32>
      %eq3A_818 = arith.cmpi eq, %gather3A_814, %get3A_686 : vector<16xi32>
      %and3A_819 = arith.andi %ge3A_817, %eq3A_818 : vector<16xi1>
      %max3A_820 = arith.maximumf %select_n3A_788, %gather3A_804 : vector<16xf32>
      %select_n3A_821 = arith.select %and3A_819, %max3A_820, %select_n3A_788 : vector<16xi1>, vector<16xf32>
      %add3A_822 = arith.constant 1 : i32
      %add3A_823 = vector.broadcast %add3A_822 : i32 to vector<16xi32>
      %add3A_824 = arith.addi %iota3A, %add3A_823 : vector<16xi32>
      %min3A_825 = arith.constant 15 : i32
      %min3A_826 = vector.broadcast %min3A_825 : i32 to vector<16xi32>
      %min3A_827 = arith.minsi %add3A_824, %min3A_826 : vector<16xi32>
      %lt3A_828 = arith.constant 0 : i32
      %lt3A_829 = vector.broadcast %lt3A_828 : i32 to vector<16xi32>
      %lt3A_830 = arith.cmpi slt, %min3A_827, %lt3A_829 : vector<16xi32>
      %add3A_831 = arith.constant 16 : i32
      %add3A_832 = vector.broadcast %add3A_831 : i32 to vector<16xi32>
      %add3A_833 = arith.addi %min3A_827, %add3A_832 : vector<16xi32>
      %select_n3A_834 = arith.select %lt3A_830, %add3A_833, %min3A_827 : vector<16xi1>, vector<16xi32>
      %broadcast_in_dim3A_835 = vector.shape_cast %select_n3A_834 : vector<16xi32> to vector<16x1xi32>
      %gather3A_836 = vector.shape_cast %broadcast_in_dim3A_835 : vector<16x1xi32> to vector<16xi32>
      %gather3A_837 = tpu.dynamic_gather %get3A_686[%gather3A_836] in [0] : vector<16xi32>, vector<16xi32> -> vector<16xi32>
      %eq3A_838 = arith.constant 15 : i32
      %eq3A_839 = vector.broadcast %eq3A_838 : i32 to vector<16xi32>
      %eq3A_840 = arith.cmpi eq, %iota3A, %eq3A_839 : vector<16xi32>
      %ne3A_841 = arith.cmpi ne, %gather3A_837, %get3A_686 : vector<16xi32>
      %or3A_842 = arith.ori %eq3A_840, %ne3A_841 : vector<16xi1>
      %gather3A_843 = tpu.vector_load_idx %arg9[%get3A_686] masked %or3A_842 : memref<10240xf32, #tpu.memory_space<vmem>>[vector<16xi32>], vector<16xf32>, vector<16xi1>
      %max3A_844 = arith.maximumf %gather3A_843, %select_n3A_821 : vector<16xf32>
      tpu.vector_store_idx %arg9[%get3A_686], %max3A_844 masked %or3A_842 : memref<10240xf32, #tpu.memory_space<vmem>>[vector<16xi32>], vector<16xf32>, vector<16xi1>
      %get3A_845 = arith.index_cast %scan3A_51 : i32 to index
      %get3A_846 = arith.constant 80 : index
      %get3A_847 = tpu.vector_load %arg7[%get3A_845, %get3A_846] {strides = array<i32>} : memref<40x128xi32, #tpu.memory_space<vmem>>, vector<16xi32>,
      %get3A_848 = arith.index_cast %scan3A_51 : i32 to index
      %get3A_849 = arith.constant 80 : index
      %get3A_850 = tpu.vector_load %arg8[%get3A_848, %get3A_849] {strides = array<i32>} : memref<40x128xf32, #tpu.memory_space<vmem>>, vector<16xf32>,
      %sub3A_851 = arith.constant 1 : i32
      %sub3A_852 = vector.broadcast %sub3A_851 : i32 to vector<16xi32>
      %sub3A_853 = arith.subi %iota3A, %sub3A_852 : vector<16xi32>
      %max3A_854 = arith.constant 0 : i32
      %max3A_855 = vector.broadcast %max3A_854 : i32 to vector<16xi32>
      %max3A_856 = arith.maxsi %sub3A_853, %max3A_855 : vector<16xi32>
      %lt3A_857 = arith.constant 0 : i32
      %lt3A_858 = vector.broadcast %lt3A_857 : i32 to vector<16xi32>
      %lt3A_859 = arith.cmpi slt, %max3A_856, %lt3A_858 : vector<16xi32>
      %add3A_860 = arith.constant 16 : i32
      %add3A_861 = vector.broadcast %add3A_860 : i32 to vector<16xi32>
      %add3A_862 = arith.addi %max3A_856, %add3A_861 : vector<16xi32>
      %select_n3A_863 = arith.select %lt3A_859, %add3A_862, %max3A_856 : vector<16xi1>, vector<16xi32>
      %broadcast_in_dim3A_864 = vector.shape_cast %select_n3A_863 : vector<16xi32> to vector<16x1xi32>
      %gather3A_865 = vector.shape_cast %broadcast_in_dim3A_864 : vector<16x1xi32> to vector<16xi32>
      %gather3A_866 = tpu.dynamic_gather %get3A_850[%gather3A_865] in [0] : vector<16xf32>, vector<16xi32> -> vector<16xf32>
      %lt3A_867 = arith.constant 0 : i32
      %lt3A_868 = vector.broadcast %lt3A_867 : i32 to vector<16xi32>
      %lt3A_869 = arith.cmpi slt, %max3A_856, %lt3A_868 : vector<16xi32>
      %add3A_870 = arith.constant 16 : i32
      %add3A_871 = vector.broadcast %add3A_870 : i32 to vector<16xi32>
      %add3A_872 = arith.addi %max3A_856, %add3A_871 : vector<16xi32>
      %select_n3A_873 = arith.select %lt3A_869, %add3A_872, %max3A_856 : vector<16xi1>, vector<16xi32>
      %broadcast_in_dim3A_874 = vector.shape_cast %select_n3A_873 : vector<16xi32> to vector<16x1xi32>
      %gather3A_875 = vector.shape_cast %broadcast_in_dim3A_874 : vector<16x1xi32> to vector<16xi32>
      %gather3A_876 = tpu.dynamic_gather %get3A_847[%gather3A_875] in [0] : vector<16xi32>, vector<16xi32> -> vector<16xi32>
      %ge3A_877 = arith.constant 1 : i32
      %ge3A_878 = vector.broadcast %ge3A_877 : i32 to vector<16xi32>
      %ge3A_879 = arith.cmpi sge, %iota3A, %ge3A_878 : vector<16xi32>
      %eq3A_880 = arith.cmpi eq, %gather3A_876, %get3A_847 : vector<16xi32>
      %and3A_881 = arith.andi %ge3A_879, %eq3A_880 : vector<16xi1>
      %max3A_882 = arith.maximumf %get3A_850, %gather3A_866 : vector<16xf32>
      %select_n3A_883 = arith.select %and3A_881, %max3A_882, %get3A_850 : vector<16xi1>, vector<16xf32>
      %sub3A_884 = arith.constant 2 : i32
      %sub3A_885 = vector.broadcast %sub3A_884 : i32 to vector<16xi32>
      %sub3A_886 = arith.subi %iota3A, %sub3A_885 : vector<16xi32>
      %max3A_887 = arith.constant 0 : i32
      %max3A_888 = vector.broadcast %max3A_887 : i32 to vector<16xi32>
      %max3A_889 = arith.maxsi %sub3A_886, %max3A_888 : vector<16xi32>
      %lt3A_890 = arith.constant 0 : i32
      %lt3A_891 = vector.broadcast %lt3A_890 : i32 to vector<16xi32>
      %lt3A_892 = arith.cmpi slt, %max3A_889, %lt3A_891 : vector<16xi32>
      %add3A_893 = arith.constant 16 : i32
      %add3A_894 = vector.broadcast %add3A_893 : i32 to vector<16xi32>
      %add3A_895 = arith.addi %max3A_889, %add3A_894 : vector<16xi32>
      %select_n3A_896 = arith.select %lt3A_892, %add3A_895, %max3A_889 : vector<16xi1>, vector<16xi32>
      %broadcast_in_dim3A_897 = vector.shape_cast %select_n3A_896 : vector<16xi32> to vector<16x1xi32>
      %gather3A_898 = vector.shape_cast %broadcast_in_dim3A_897 : vector<16x1xi32> to vector<16xi32>
      %gather3A_899 = tpu.dynamic_gather %select_n3A_883[%gather3A_898] in [0] : vector<16xf32>, vector<16xi32> -> vector<16xf32>
      %lt3A_900 = arith.constant 0 : i32
      %lt3A_901 = vector.broadcast %lt3A_900 : i32 to vector<16xi32>
      %lt3A_902 = arith.cmpi slt, %max3A_889, %lt3A_901 : vector<16xi32>
      %add3A_903 = arith.constant 16 : i32
      %add3A_904 = vector.broadcast %add3A_903 : i32 to vector<16xi32>
      %add3A_905 = arith.addi %max3A_889, %add3A_904 : vector<16xi32>
      %select_n3A_906 = arith.select %lt3A_902, %add3A_905, %max3A_889 : vector<16xi1>, vector<16xi32>
      %broadcast_in_dim3A_907 = vector.shape_cast %select_n3A_906 : vector<16xi32> to vector<16x1xi32>
      %gather3A_908 = vector.shape_cast %broadcast_in_dim3A_907 : vector<16x1xi32> to vector<16xi32>
      %gather3A_909 = tpu.dynamic_gather %get3A_847[%gather3A_908] in [0] : vector<16xi32>, vector<16xi32> -> vector<16xi32>
      %ge3A_910 = arith.constant 2 : i32
      %ge3A_911 = vector.broadcast %ge3A_910 : i32 to vector<16xi32>
      %ge3A_912 = arith.cmpi sge, %iota3A, %ge3A_911 : vector<16xi32>
      %eq3A_913 = arith.cmpi eq, %gather3A_909, %get3A_847 : vector<16xi32>
      %and3A_914 = arith.andi %ge3A_912, %eq3A_913 : vector<16xi1>
      %max3A_915 = arith.maximumf %select_n3A_883, %gather3A_899 : vector<16xf32>
      %select_n3A_916 = arith.select %and3A_914, %max3A_915, %select_n3A_883 : vector<16xi1>, vector<16xf32>
      %sub3A_917 = arith.constant 4 : i32
      %sub3A_918 = vector.broadcast %sub3A_917 : i32 to vector<16xi32>
      %sub3A_919 = arith.subi %iota3A, %sub3A_918 : vector<16xi32>
      %max3A_920 = arith.constant 0 : i32
      %max3A_921 = vector.broadcast %max3A_920 : i32 to vector<16xi32>
      %max3A_922 = arith.maxsi %sub3A_919, %max3A_921 : vector<16xi32>
      %lt3A_923 = arith.constant 0 : i32
      %lt3A_924 = vector.broadcast %lt3A_923 : i32 to vector<16xi32>
      %lt3A_925 = arith.cmpi slt, %max3A_922, %lt3A_924 : vector<16xi32>
      %add3A_926 = arith.constant 16 : i32
      %add3A_927 = vector.broadcast %add3A_926 : i32 to vector<16xi32>
      %add3A_928 = arith.addi %max3A_922, %add3A_927 : vector<16xi32>
      %select_n3A_929 = arith.select %lt3A_925, %add3A_928, %max3A_922 : vector<16xi1>, vector<16xi32>
      %broadcast_in_dim3A_930 = vector.shape_cast %select_n3A_929 : vector<16xi32> to vector<16x1xi32>
      %gather3A_931 = vector.shape_cast %broadcast_in_dim3A_930 : vector<16x1xi32> to vector<16xi32>
      %gather3A_932 = tpu.dynamic_gather %select_n3A_916[%gather3A_931] in [0] : vector<16xf32>, vector<16xi32> -> vector<16xf32>
      %lt3A_933 = arith.constant 0 : i32
      %lt3A_934 = vector.broadcast %lt3A_933 : i32 to vector<16xi32>
      %lt3A_935 = arith.cmpi slt, %max3A_922, %lt3A_934 : vector<16xi32>
      %add3A_936 = arith.constant 16 : i32
      %add3A_937 = vector.broadcast %add3A_936 : i32 to vector<16xi32>
      %add3A_938 = arith.addi %max3A_922, %add3A_937 : vector<16xi32>
      %select_n3A_939 = arith.select %lt3A_935, %add3A_938, %max3A_922 : vector<16xi1>, vector<16xi32>
      %broadcast_in_dim3A_940 = vector.shape_cast %select_n3A_939 : vector<16xi32> to vector<16x1xi32>
      %gather3A_941 = vector.shape_cast %broadcast_in_dim3A_940 : vector<16x1xi32> to vector<16xi32>
      %gather3A_942 = tpu.dynamic_gather %get3A_847[%gather3A_941] in [0] : vector<16xi32>, vector<16xi32> -> vector<16xi32>
      %ge3A_943 = arith.constant 4 : i32
      %ge3A_944 = vector.broadcast %ge3A_943 : i32 to vector<16xi32>
      %ge3A_945 = arith.cmpi sge, %iota3A, %ge3A_944 : vector<16xi32>
      %eq3A_946 = arith.cmpi eq, %gather3A_942, %get3A_847 : vector<16xi32>
      %and3A_947 = arith.andi %ge3A_945, %eq3A_946 : vector<16xi1>
      %max3A_948 = arith.maximumf %select_n3A_916, %gather3A_932 : vector<16xf32>
      %select_n3A_949 = arith.select %and3A_947, %max3A_948, %select_n3A_916 : vector<16xi1>, vector<16xf32>
      %sub3A_950 = arith.constant 8 : i32
      %sub3A_951 = vector.broadcast %sub3A_950 : i32 to vector<16xi32>
      %sub3A_952 = arith.subi %iota3A, %sub3A_951 : vector<16xi32>
      %max3A_953 = arith.constant 0 : i32
      %max3A_954 = vector.broadcast %max3A_953 : i32 to vector<16xi32>
      %max3A_955 = arith.maxsi %sub3A_952, %max3A_954 : vector<16xi32>
      %lt3A_956 = arith.constant 0 : i32
      %lt3A_957 = vector.broadcast %lt3A_956 : i32 to vector<16xi32>
      %lt3A_958 = arith.cmpi slt, %max3A_955, %lt3A_957 : vector<16xi32>
      %add3A_959 = arith.constant 16 : i32
      %add3A_960 = vector.broadcast %add3A_959 : i32 to vector<16xi32>
      %add3A_961 = arith.addi %max3A_955, %add3A_960 : vector<16xi32>
      %select_n3A_962 = arith.select %lt3A_958, %add3A_961, %max3A_955 : vector<16xi1>, vector<16xi32>
      %broadcast_in_dim3A_963 = vector.shape_cast %select_n3A_962 : vector<16xi32> to vector<16x1xi32>
      %gather3A_964 = vector.shape_cast %broadcast_in_dim3A_963 : vector<16x1xi32> to vector<16xi32>
      %gather3A_965 = tpu.dynamic_gather %select_n3A_949[%gather3A_964] in [0] : vector<16xf32>, vector<16xi32> -> vector<16xf32>
      %lt3A_966 = arith.constant 0 : i32
      %lt3A_967 = vector.broadcast %lt3A_966 : i32 to vector<16xi32>
      %lt3A_968 = arith.cmpi slt, %max3A_955, %lt3A_967 : vector<16xi32>
      %add3A_969 = arith.constant 16 : i32
      %add3A_970 = vector.broadcast %add3A_969 : i32 to vector<16xi32>
      %add3A_971 = arith.addi %max3A_955, %add3A_970 : vector<16xi32>
      %select_n3A_972 = arith.select %lt3A_968, %add3A_971, %max3A_955 : vector<16xi1>, vector<16xi32>
      %broadcast_in_dim3A_973 = vector.shape_cast %select_n3A_972 : vector<16xi32> to vector<16x1xi32>
      %gather3A_974 = vector.shape_cast %broadcast_in_dim3A_973 : vector<16x1xi32> to vector<16xi32>
      %gather3A_975 = tpu.dynamic_gather %get3A_847[%gather3A_974] in [0] : vector<16xi32>, vector<16xi32> -> vector<16xi32>
      %ge3A_976 = arith.constant 8 : i32
      %ge3A_977 = vector.broadcast %ge3A_976 : i32 to vector<16xi32>
      %ge3A_978 = arith.cmpi sge, %iota3A, %ge3A_977 : vector<16xi32>
      %eq3A_979 = arith.cmpi eq, %gather3A_975, %get3A_847 : vector<16xi32>
      %and3A_980 = arith.andi %ge3A_978, %eq3A_979 : vector<16xi1>
      %max3A_981 = arith.maximumf %select_n3A_949, %gather3A_965 : vector<16xf32>
      %select_n3A_982 = arith.select %and3A_980, %max3A_981, %select_n3A_949 : vector<16xi1>, vector<16xf32>
      %add3A_983 = arith.constant 1 : i32
      %add3A_984 = vector.broadcast %add3A_983 : i32 to vector<16xi32>
      %add3A_985 = arith.addi %iota3A, %add3A_984 : vector<16xi32>
      %min3A_986 = arith.constant 15 : i32
      %min3A_987 = vector.broadcast %min3A_986 : i32 to vector<16xi32>
      %min3A_988 = arith.minsi %add3A_985, %min3A_987 : vector<16xi32>
      %lt3A_989 = arith.constant 0 : i32
      %lt3A_990 = vector.broadcast %lt3A_989 : i32 to vector<16xi32>
      %lt3A_991 = arith.cmpi slt, %min3A_988, %lt3A_990 : vector<16xi32>
      %add3A_992 = arith.constant 16 : i32
      %add3A_993 = vector.broadcast %add3A_992 : i32 to vector<16xi32>
      %add3A_994 = arith.addi %min3A_988, %add3A_993 : vector<16xi32>
      %select_n3A_995 = arith.select %lt3A_991, %add3A_994, %min3A_988 : vector<16xi1>, vector<16xi32>
      %broadcast_in_dim3A_996 = vector.shape_cast %select_n3A_995 : vector<16xi32> to vector<16x1xi32>
      %gather3A_997 = vector.shape_cast %broadcast_in_dim3A_996 : vector<16x1xi32> to vector<16xi32>
      %gather3A_998 = tpu.dynamic_gather %get3A_847[%gather3A_997] in [0] : vector<16xi32>, vector<16xi32> -> vector<16xi32>
      %eq3A_999 = arith.constant 15 : i32
      %eq3A_1000 = vector.broadcast %eq3A_999 : i32 to vector<16xi32>
      %eq3A_1001 = arith.cmpi eq, %iota3A, %eq3A_1000 : vector<16xi32>
      %ne3A_1002 = arith.cmpi ne, %gather3A_998, %get3A_847 : vector<16xi32>
      %or3A_1003 = arith.ori %eq3A_1001, %ne3A_1002 : vector<16xi1>
      %gather3A_1004 = tpu.vector_load_idx %arg9[%get3A_847] masked %or3A_1003 : memref<10240xf32, #tpu.memory_space<vmem>>[vector<16xi32>], vector<16xf32>, vector<16xi1>
      %max3A_1005 = arith.maximumf %gather3A_1004, %select_n3A_982 : vector<16xf32>
      tpu.vector_store_idx %arg9[%get3A_847], %max3A_1005 masked %or3A_1003 : memref<10240xf32, #tpu.memory_space<vmem>>[vector<16xi32>], vector<16xf32>, vector<16xi1>
      %get3A_1006 = arith.index_cast %scan3A_51 : i32 to index
      %get3A_1007 = arith.constant 96 : index
      %get3A_1008 = tpu.vector_load %arg7[%get3A_1006, %get3A_1007] {strides = array<i32>} : memref<40x128xi32, #tpu.memory_space<vmem>>, vector<16xi32>,
      %get3A_1009 = arith.index_cast %scan3A_51 : i32 to index
      %get3A_1010 = arith.constant 96 : index
      %get3A_1011 = tpu.vector_load %arg8[%get3A_1009, %get3A_1010] {strides = array<i32>} : memref<40x128xf32, #tpu.memory_space<vmem>>, vector<16xf32>,
      %sub3A_1012 = arith.constant 1 : i32
      %sub3A_1013 = vector.broadcast %sub3A_1012 : i32 to vector<16xi32>
      %sub3A_1014 = arith.subi %iota3A, %sub3A_1013 : vector<16xi32>
      %max3A_1015 = arith.constant 0 : i32
      %max3A_1016 = vector.broadcast %max3A_1015 : i32 to vector<16xi32>
      %max3A_1017 = arith.maxsi %sub3A_1014, %max3A_1016 : vector<16xi32>
      %lt3A_1018 = arith.constant 0 : i32
      %lt3A_1019 = vector.broadcast %lt3A_1018 : i32 to vector<16xi32>
      %lt3A_1020 = arith.cmpi slt, %max3A_1017, %lt3A_1019 : vector<16xi32>
      %add3A_1021 = arith.constant 16 : i32
      %add3A_1022 = vector.broadcast %add3A_1021 : i32 to vector<16xi32>
      %add3A_1023 = arith.addi %max3A_1017, %add3A_1022 : vector<16xi32>
      %select_n3A_1024 = arith.select %lt3A_1020, %add3A_1023, %max3A_1017 : vector<16xi1>, vector<16xi32>
      %broadcast_in_dim3A_1025 = vector.shape_cast %select_n3A_1024 : vector<16xi32> to vector<16x1xi32>
      %gather3A_1026 = vector.shape_cast %broadcast_in_dim3A_1025 : vector<16x1xi32> to vector<16xi32>
      %gather3A_1027 = tpu.dynamic_gather %get3A_1011[%gather3A_1026] in [0] : vector<16xf32>, vector<16xi32> -> vector<16xf32>
      %lt3A_1028 = arith.constant 0 : i32
      %lt3A_1029 = vector.broadcast %lt3A_1028 : i32 to vector<16xi32>
      %lt3A_1030 = arith.cmpi slt, %max3A_1017, %lt3A_1029 : vector<16xi32>
      %add3A_1031 = arith.constant 16 : i32
      %add3A_1032 = vector.broadcast %add3A_1031 : i32 to vector<16xi32>
      %add3A_1033 = arith.addi %max3A_1017, %add3A_1032 : vector<16xi32>
      %select_n3A_1034 = arith.select %lt3A_1030, %add3A_1033, %max3A_1017 : vector<16xi1>, vector<16xi32>
      %broadcast_in_dim3A_1035 = vector.shape_cast %select_n3A_1034 : vector<16xi32> to vector<16x1xi32>
      %gather3A_1036 = vector.shape_cast %broadcast_in_dim3A_1035 : vector<16x1xi32> to vector<16xi32>
      %gather3A_1037 = tpu.dynamic_gather %get3A_1008[%gather3A_1036] in [0] : vector<16xi32>, vector<16xi32> -> vector<16xi32>
      %ge3A_1038 = arith.constant 1 : i32
      %ge3A_1039 = vector.broadcast %ge3A_1038 : i32 to vector<16xi32>
      %ge3A_1040 = arith.cmpi sge, %iota3A, %ge3A_1039 : vector<16xi32>
      %eq3A_1041 = arith.cmpi eq, %gather3A_1037, %get3A_1008 : vector<16xi32>
      %and3A_1042 = arith.andi %ge3A_1040, %eq3A_1041 : vector<16xi1>
      %max3A_1043 = arith.maximumf %get3A_1011, %gather3A_1027 : vector<16xf32>
      %select_n3A_1044 = arith.select %and3A_1042, %max3A_1043, %get3A_1011 : vector<16xi1>, vector<16xf32>
      %sub3A_1045 = arith.constant 2 : i32
      %sub3A_1046 = vector.broadcast %sub3A_1045 : i32 to vector<16xi32>
      %sub3A_1047 = arith.subi %iota3A, %sub3A_1046 : vector<16xi32>
      %max3A_1048 = arith.constant 0 : i32
      %max3A_1049 = vector.broadcast %max3A_1048 : i32 to vector<16xi32>
      %max3A_1050 = arith.maxsi %sub3A_1047, %max3A_1049 : vector<16xi32>
      %lt3A_1051 = arith.constant 0 : i32
      %lt3A_1052 = vector.broadcast %lt3A_1051 : i32 to vector<16xi32>
      %lt3A_1053 = arith.cmpi slt, %max3A_1050, %lt3A_1052 : vector<16xi32>
      %add3A_1054 = arith.constant 16 : i32
      %add3A_1055 = vector.broadcast %add3A_1054 : i32 to vector<16xi32>
      %add3A_1056 = arith.addi %max3A_1050, %add3A_1055 : vector<16xi32>
      %select_n3A_1057 = arith.select %lt3A_1053, %add3A_1056, %max3A_1050 : vector<16xi1>, vector<16xi32>
      %broadcast_in_dim3A_1058 = vector.shape_cast %select_n3A_1057 : vector<16xi32> to vector<16x1xi32>
      %gather3A_1059 = vector.shape_cast %broadcast_in_dim3A_1058 : vector<16x1xi32> to vector<16xi32>
      %gather3A_1060 = tpu.dynamic_gather %select_n3A_1044[%gather3A_1059] in [0] : vector<16xf32>, vector<16xi32> -> vector<16xf32>
      %lt3A_1061 = arith.constant 0 : i32
      %lt3A_1062 = vector.broadcast %lt3A_1061 : i32 to vector<16xi32>
      %lt3A_1063 = arith.cmpi slt, %max3A_1050, %lt3A_1062 : vector<16xi32>
      %add3A_1064 = arith.constant 16 : i32
      %add3A_1065 = vector.broadcast %add3A_1064 : i32 to vector<16xi32>
      %add3A_1066 = arith.addi %max3A_1050, %add3A_1065 : vector<16xi32>
      %select_n3A_1067 = arith.select %lt3A_1063, %add3A_1066, %max3A_1050 : vector<16xi1>, vector<16xi32>
      %broadcast_in_dim3A_1068 = vector.shape_cast %select_n3A_1067 : vector<16xi32> to vector<16x1xi32>
      %gather3A_1069 = vector.shape_cast %broadcast_in_dim3A_1068 : vector<16x1xi32> to vector<16xi32>
      %gather3A_1070 = tpu.dynamic_gather %get3A_1008[%gather3A_1069] in [0] : vector<16xi32>, vector<16xi32> -> vector<16xi32>
      %ge3A_1071 = arith.constant 2 : i32
      %ge3A_1072 = vector.broadcast %ge3A_1071 : i32 to vector<16xi32>
      %ge3A_1073 = arith.cmpi sge, %iota3A, %ge3A_1072 : vector<16xi32>
      %eq3A_1074 = arith.cmpi eq, %gather3A_1070, %get3A_1008 : vector<16xi32>
      %and3A_1075 = arith.andi %ge3A_1073, %eq3A_1074 : vector<16xi1>
      %max3A_1076 = arith.maximumf %select_n3A_1044, %gather3A_1060 : vector<16xf32>
      %select_n3A_1077 = arith.select %and3A_1075, %max3A_1076, %select_n3A_1044 : vector<16xi1>, vector<16xf32>
      %sub3A_1078 = arith.constant 4 : i32
      %sub3A_1079 = vector.broadcast %sub3A_1078 : i32 to vector<16xi32>
      %sub3A_1080 = arith.subi %iota3A, %sub3A_1079 : vector<16xi32>
      %max3A_1081 = arith.constant 0 : i32
      %max3A_1082 = vector.broadcast %max3A_1081 : i32 to vector<16xi32>
      %max3A_1083 = arith.maxsi %sub3A_1080, %max3A_1082 : vector<16xi32>
      %lt3A_1084 = arith.constant 0 : i32
      %lt3A_1085 = vector.broadcast %lt3A_1084 : i32 to vector<16xi32>
      %lt3A_1086 = arith.cmpi slt, %max3A_1083, %lt3A_1085 : vector<16xi32>
      %add3A_1087 = arith.constant 16 : i32
      %add3A_1088 = vector.broadcast %add3A_1087 : i32 to vector<16xi32>
      %add3A_1089 = arith.addi %max3A_1083, %add3A_1088 : vector<16xi32>
      %select_n3A_1090 = arith.select %lt3A_1086, %add3A_1089, %max3A_1083 : vector<16xi1>, vector<16xi32>
      %broadcast_in_dim3A_1091 = vector.shape_cast %select_n3A_1090 : vector<16xi32> to vector<16x1xi32>
      %gather3A_1092 = vector.shape_cast %broadcast_in_dim3A_1091 : vector<16x1xi32> to vector<16xi32>
      %gather3A_1093 = tpu.dynamic_gather %select_n3A_1077[%gather3A_1092] in [0] : vector<16xf32>, vector<16xi32> -> vector<16xf32>
      %lt3A_1094 = arith.constant 0 : i32
      %lt3A_1095 = vector.broadcast %lt3A_1094 : i32 to vector<16xi32>
      %lt3A_1096 = arith.cmpi slt, %max3A_1083, %lt3A_1095 : vector<16xi32>
      %add3A_1097 = arith.constant 16 : i32
      %add3A_1098 = vector.broadcast %add3A_1097 : i32 to vector<16xi32>
      %add3A_1099 = arith.addi %max3A_1083, %add3A_1098 : vector<16xi32>
      %select_n3A_1100 = arith.select %lt3A_1096, %add3A_1099, %max3A_1083 : vector<16xi1>, vector<16xi32>
      %broadcast_in_dim3A_1101 = vector.shape_cast %select_n3A_1100 : vector<16xi32> to vector<16x1xi32>
      %gather3A_1102 = vector.shape_cast %broadcast_in_dim3A_1101 : vector<16x1xi32> to vector<16xi32>
      %gather3A_1103 = tpu.dynamic_gather %get3A_1008[%gather3A_1102] in [0] : vector<16xi32>, vector<16xi32> -> vector<16xi32>
      %ge3A_1104 = arith.constant 4 : i32
      %ge3A_1105 = vector.broadcast %ge3A_1104 : i32 to vector<16xi32>
      %ge3A_1106 = arith.cmpi sge, %iota3A, %ge3A_1105 : vector<16xi32>
      %eq3A_1107 = arith.cmpi eq, %gather3A_1103, %get3A_1008 : vector<16xi32>
      %and3A_1108 = arith.andi %ge3A_1106, %eq3A_1107 : vector<16xi1>
      %max3A_1109 = arith.maximumf %select_n3A_1077, %gather3A_1093 : vector<16xf32>
      %select_n3A_1110 = arith.select %and3A_1108, %max3A_1109, %select_n3A_1077 : vector<16xi1>, vector<16xf32>
      %sub3A_1111 = arith.constant 8 : i32
      %sub3A_1112 = vector.broadcast %sub3A_1111 : i32 to vector<16xi32>
      %sub3A_1113 = arith.subi %iota3A, %sub3A_1112 : vector<16xi32>
      %max3A_1114 = arith.constant 0 : i32
      %max3A_1115 = vector.broadcast %max3A_1114 : i32 to vector<16xi32>
      %max3A_1116 = arith.maxsi %sub3A_1113, %max3A_1115 : vector<16xi32>
      %lt3A_1117 = arith.constant 0 : i32
      %lt3A_1118 = vector.broadcast %lt3A_1117 : i32 to vector<16xi32>
      %lt3A_1119 = arith.cmpi slt, %max3A_1116, %lt3A_1118 : vector<16xi32>
      %add3A_1120 = arith.constant 16 : i32
      %add3A_1121 = vector.broadcast %add3A_1120 : i32 to vector<16xi32>
      %add3A_1122 = arith.addi %max3A_1116, %add3A_1121 : vector<16xi32>
      %select_n3A_1123 = arith.select %lt3A_1119, %add3A_1122, %max3A_1116 : vector<16xi1>, vector<16xi32>
      %broadcast_in_dim3A_1124 = vector.shape_cast %select_n3A_1123 : vector<16xi32> to vector<16x1xi32>
      %gather3A_1125 = vector.shape_cast %broadcast_in_dim3A_1124 : vector<16x1xi32> to vector<16xi32>
      %gather3A_1126 = tpu.dynamic_gather %select_n3A_1110[%gather3A_1125] in [0] : vector<16xf32>, vector<16xi32> -> vector<16xf32>
      %lt3A_1127 = arith.constant 0 : i32
      %lt3A_1128 = vector.broadcast %lt3A_1127 : i32 to vector<16xi32>
      %lt3A_1129 = arith.cmpi slt, %max3A_1116, %lt3A_1128 : vector<16xi32>
      %add3A_1130 = arith.constant 16 : i32
      %add3A_1131 = vector.broadcast %add3A_1130 : i32 to vector<16xi32>
      %add3A_1132 = arith.addi %max3A_1116, %add3A_1131 : vector<16xi32>
      %select_n3A_1133 = arith.select %lt3A_1129, %add3A_1132, %max3A_1116 : vector<16xi1>, vector<16xi32>
      %broadcast_in_dim3A_1134 = vector.shape_cast %select_n3A_1133 : vector<16xi32> to vector<16x1xi32>
      %gather3A_1135 = vector.shape_cast %broadcast_in_dim3A_1134 : vector<16x1xi32> to vector<16xi32>
      %gather3A_1136 = tpu.dynamic_gather %get3A_1008[%gather3A_1135] in [0] : vector<16xi32>, vector<16xi32> -> vector<16xi32>
      %ge3A_1137 = arith.constant 8 : i32
      %ge3A_1138 = vector.broadcast %ge3A_1137 : i32 to vector<16xi32>
      %ge3A_1139 = arith.cmpi sge, %iota3A, %ge3A_1138 : vector<16xi32>
      %eq3A_1140 = arith.cmpi eq, %gather3A_1136, %get3A_1008 : vector<16xi32>
      %and3A_1141 = arith.andi %ge3A_1139, %eq3A_1140 : vector<16xi1>
      %max3A_1142 = arith.maximumf %select_n3A_1110, %gather3A_1126 : vector<16xf32>
      %select_n3A_1143 = arith.select %and3A_1141, %max3A_1142, %select_n3A_1110 : vector<16xi1>, vector<16xf32>
      %add3A_1144 = arith.constant 1 : i32
      %add3A_1145 = vector.broadcast %add3A_1144 : i32 to vector<16xi32>
      %add3A_1146 = arith.addi %iota3A, %add3A_1145 : vector<16xi32>
      %min3A_1147 = arith.constant 15 : i32
      %min3A_1148 = vector.broadcast %min3A_1147 : i32 to vector<16xi32>
      %min3A_1149 = arith.minsi %add3A_1146, %min3A_1148 : vector<16xi32>
      %lt3A_1150 = arith.constant 0 : i32
      %lt3A_1151 = vector.broadcast %lt3A_1150 : i32 to vector<16xi32>
      %lt3A_1152 = arith.cmpi slt, %min3A_1149, %lt3A_1151 : vector<16xi32>
      %add3A_1153 = arith.constant 16 : i32
      %add3A_1154 = vector.broadcast %add3A_1153 : i32 to vector<16xi32>
      %add3A_1155 = arith.addi %min3A_1149, %add3A_1154 : vector<16xi32>
      %select_n3A_1156 = arith.select %lt3A_1152, %add3A_1155, %min3A_1149 : vector<16xi1>, vector<16xi32>
      %broadcast_in_dim3A_1157 = vector.shape_cast %select_n3A_1156 : vector<16xi32> to vector<16x1xi32>
      %gather3A_1158 = vector.shape_cast %broadcast_in_dim3A_1157 : vector<16x1xi32> to vector<16xi32>
      %gather3A_1159 = tpu.dynamic_gather %get3A_1008[%gather3A_1158] in [0] : vector<16xi32>, vector<16xi32> -> vector<16xi32>
      %eq3A_1160 = arith.constant 15 : i32
      %eq3A_1161 = vector.broadcast %eq3A_1160 : i32 to vector<16xi32>
      %eq3A_1162 = arith.cmpi eq, %iota3A, %eq3A_1161 : vector<16xi32>
      %ne3A_1163 = arith.cmpi ne, %gather3A_1159, %get3A_1008 : vector<16xi32>
      %or3A_1164 = arith.ori %eq3A_1162, %ne3A_1163 : vector<16xi1>
      %gather3A_1165 = tpu.vector_load_idx %arg9[%get3A_1008] masked %or3A_1164 : memref<10240xf32, #tpu.memory_space<vmem>>[vector<16xi32>], vector<16xf32>, vector<16xi1>
      %max3A_1166 = arith.maximumf %gather3A_1165, %select_n3A_1143 : vector<16xf32>
      tpu.vector_store_idx %arg9[%get3A_1008], %max3A_1166 masked %or3A_1164 : memref<10240xf32, #tpu.memory_space<vmem>>[vector<16xi32>], vector<16xf32>, vector<16xi1>
      %get3A_1167 = arith.index_cast %scan3A_51 : i32 to index
      %get3A_1168 = arith.constant 112 : index
      %get3A_1169 = tpu.vector_load %arg7[%get3A_1167, %get3A_1168] {strides = array<i32>} : memref<40x128xi32, #tpu.memory_space<vmem>>, vector<16xi32>,
      %get3A_1170 = arith.index_cast %scan3A_51 : i32 to index
      %get3A_1171 = arith.constant 112 : index
      %get3A_1172 = tpu.vector_load %arg8[%get3A_1170, %get3A_1171] {strides = array<i32>} : memref<40x128xf32, #tpu.memory_space<vmem>>, vector<16xf32>,
      %sub3A_1173 = arith.constant 1 : i32
      %sub3A_1174 = vector.broadcast %sub3A_1173 : i32 to vector<16xi32>
      %sub3A_1175 = arith.subi %iota3A, %sub3A_1174 : vector<16xi32>
      %max3A_1176 = arith.constant 0 : i32
      %max3A_1177 = vector.broadcast %max3A_1176 : i32 to vector<16xi32>
      %max3A_1178 = arith.maxsi %sub3A_1175, %max3A_1177 : vector<16xi32>
      %lt3A_1179 = arith.constant 0 : i32
      %lt3A_1180 = vector.broadcast %lt3A_1179 : i32 to vector<16xi32>
      %lt3A_1181 = arith.cmpi slt, %max3A_1178, %lt3A_1180 : vector<16xi32>
      %add3A_1182 = arith.constant 16 : i32
      %add3A_1183 = vector.broadcast %add3A_1182 : i32 to vector<16xi32>
      %add3A_1184 = arith.addi %max3A_1178, %add3A_1183 : vector<16xi32>
      %select_n3A_1185 = arith.select %lt3A_1181, %add3A_1184, %max3A_1178 : vector<16xi1>, vector<16xi32>
      %broadcast_in_dim3A_1186 = vector.shape_cast %select_n3A_1185 : vector<16xi32> to vector<16x1xi32>
      %gather3A_1187 = vector.shape_cast %broadcast_in_dim3A_1186 : vector<16x1xi32> to vector<16xi32>
      %gather3A_1188 = tpu.dynamic_gather %get3A_1172[%gather3A_1187] in [0] : vector<16xf32>, vector<16xi32> -> vector<16xf32>
      %lt3A_1189 = arith.constant 0 : i32
      %lt3A_1190 = vector.broadcast %lt3A_1189 : i32 to vector<16xi32>
      %lt3A_1191 = arith.cmpi slt, %max3A_1178, %lt3A_1190 : vector<16xi32>
      %add3A_1192 = arith.constant 16 : i32
      %add3A_1193 = vector.broadcast %add3A_1192 : i32 to vector<16xi32>
      %add3A_1194 = arith.addi %max3A_1178, %add3A_1193 : vector<16xi32>
      %select_n3A_1195 = arith.select %lt3A_1191, %add3A_1194, %max3A_1178 : vector<16xi1>, vector<16xi32>
      %broadcast_in_dim3A_1196 = vector.shape_cast %select_n3A_1195 : vector<16xi32> to vector<16x1xi32>
      %gather3A_1197 = vector.shape_cast %broadcast_in_dim3A_1196 : vector<16x1xi32> to vector<16xi32>
      %gather3A_1198 = tpu.dynamic_gather %get3A_1169[%gather3A_1197] in [0] : vector<16xi32>, vector<16xi32> -> vector<16xi32>
      %ge3A_1199 = arith.constant 1 : i32
      %ge3A_1200 = vector.broadcast %ge3A_1199 : i32 to vector<16xi32>
      %ge3A_1201 = arith.cmpi sge, %iota3A, %ge3A_1200 : vector<16xi32>
      %eq3A_1202 = arith.cmpi eq, %gather3A_1198, %get3A_1169 : vector<16xi32>
      %and3A_1203 = arith.andi %ge3A_1201, %eq3A_1202 : vector<16xi1>
      %max3A_1204 = arith.maximumf %get3A_1172, %gather3A_1188 : vector<16xf32>
      %select_n3A_1205 = arith.select %and3A_1203, %max3A_1204, %get3A_1172 : vector<16xi1>, vector<16xf32>
      %sub3A_1206 = arith.constant 2 : i32
      %sub3A_1207 = vector.broadcast %sub3A_1206 : i32 to vector<16xi32>
      %sub3A_1208 = arith.subi %iota3A, %sub3A_1207 : vector<16xi32>
      %max3A_1209 = arith.constant 0 : i32
      %max3A_1210 = vector.broadcast %max3A_1209 : i32 to vector<16xi32>
      %max3A_1211 = arith.maxsi %sub3A_1208, %max3A_1210 : vector<16xi32>
      %lt3A_1212 = arith.constant 0 : i32
      %lt3A_1213 = vector.broadcast %lt3A_1212 : i32 to vector<16xi32>
      %lt3A_1214 = arith.cmpi slt, %max3A_1211, %lt3A_1213 : vector<16xi32>
      %add3A_1215 = arith.constant 16 : i32
      %add3A_1216 = vector.broadcast %add3A_1215 : i32 to vector<16xi32>
      %add3A_1217 = arith.addi %max3A_1211, %add3A_1216 : vector<16xi32>
      %select_n3A_1218 = arith.select %lt3A_1214, %add3A_1217, %max3A_1211 : vector<16xi1>, vector<16xi32>
      %broadcast_in_dim3A_1219 = vector.shape_cast %select_n3A_1218 : vector<16xi32> to vector<16x1xi32>
      %gather3A_1220 = vector.shape_cast %broadcast_in_dim3A_1219 : vector<16x1xi32> to vector<16xi32>
      %gather3A_1221 = tpu.dynamic_gather %select_n3A_1205[%gather3A_1220] in [0] : vector<16xf32>, vector<16xi32> -> vector<16xf32>
      %lt3A_1222 = arith.constant 0 : i32
      %lt3A_1223 = vector.broadcast %lt3A_1222 : i32 to vector<16xi32>
      %lt3A_1224 = arith.cmpi slt, %max3A_1211, %lt3A_1223 : vector<16xi32>
      %add3A_1225 = arith.constant 16 : i32
      %add3A_1226 = vector.broadcast %add3A_1225 : i32 to vector<16xi32>
      %add3A_1227 = arith.addi %max3A_1211, %add3A_1226 : vector<16xi32>
      %select_n3A_1228 = arith.select %lt3A_1224, %add3A_1227, %max3A_1211 : vector<16xi1>, vector<16xi32>
      %broadcast_in_dim3A_1229 = vector.shape_cast %select_n3A_1228 : vector<16xi32> to vector<16x1xi32>
      %gather3A_1230 = vector.shape_cast %broadcast_in_dim3A_1229 : vector<16x1xi32> to vector<16xi32>
      %gather3A_1231 = tpu.dynamic_gather %get3A_1169[%gather3A_1230] in [0] : vector<16xi32>, vector<16xi32> -> vector<16xi32>
      %ge3A_1232 = arith.constant 2 : i32
      %ge3A_1233 = vector.broadcast %ge3A_1232 : i32 to vector<16xi32>
      %ge3A_1234 = arith.cmpi sge, %iota3A, %ge3A_1233 : vector<16xi32>
      %eq3A_1235 = arith.cmpi eq, %gather3A_1231, %get3A_1169 : vector<16xi32>
      %and3A_1236 = arith.andi %ge3A_1234, %eq3A_1235 : vector<16xi1>
      %max3A_1237 = arith.maximumf %select_n3A_1205, %gather3A_1221 : vector<16xf32>
      %select_n3A_1238 = arith.select %and3A_1236, %max3A_1237, %select_n3A_1205 : vector<16xi1>, vector<16xf32>
      %sub3A_1239 = arith.constant 4 : i32
      %sub3A_1240 = vector.broadcast %sub3A_1239 : i32 to vector<16xi32>
      %sub3A_1241 = arith.subi %iota3A, %sub3A_1240 : vector<16xi32>
      %max3A_1242 = arith.constant 0 : i32
      %max3A_1243 = vector.broadcast %max3A_1242 : i32 to vector<16xi32>
      %max3A_1244 = arith.maxsi %sub3A_1241, %max3A_1243 : vector<16xi32>
      %lt3A_1245 = arith.constant 0 : i32
      %lt3A_1246 = vector.broadcast %lt3A_1245 : i32 to vector<16xi32>
      %lt3A_1247 = arith.cmpi slt, %max3A_1244, %lt3A_1246 : vector<16xi32>
      %add3A_1248 = arith.constant 16 : i32
      %add3A_1249 = vector.broadcast %add3A_1248 : i32 to vector<16xi32>
      %add3A_1250 = arith.addi %max3A_1244, %add3A_1249 : vector<16xi32>
      %select_n3A_1251 = arith.select %lt3A_1247, %add3A_1250, %max3A_1244 : vector<16xi1>, vector<16xi32>
      %broadcast_in_dim3A_1252 = vector.shape_cast %select_n3A_1251 : vector<16xi32> to vector<16x1xi32>
      %gather3A_1253 = vector.shape_cast %broadcast_in_dim3A_1252 : vector<16x1xi32> to vector<16xi32>
      %gather3A_1254 = tpu.dynamic_gather %select_n3A_1238[%gather3A_1253] in [0] : vector<16xf32>, vector<16xi32> -> vector<16xf32>
      %lt3A_1255 = arith.constant 0 : i32
      %lt3A_1256 = vector.broadcast %lt3A_1255 : i32 to vector<16xi32>
      %lt3A_1257 = arith.cmpi slt, %max3A_1244, %lt3A_1256 : vector<16xi32>
      %add3A_1258 = arith.constant 16 : i32
      %add3A_1259 = vector.broadcast %add3A_1258 : i32 to vector<16xi32>
      %add3A_1260 = arith.addi %max3A_1244, %add3A_1259 : vector<16xi32>
      %select_n3A_1261 = arith.select %lt3A_1257, %add3A_1260, %max3A_1244 : vector<16xi1>, vector<16xi32>
      %broadcast_in_dim3A_1262 = vector.shape_cast %select_n3A_1261 : vector<16xi32> to vector<16x1xi32>
      %gather3A_1263 = vector.shape_cast %broadcast_in_dim3A_1262 : vector<16x1xi32> to vector<16xi32>
      %gather3A_1264 = tpu.dynamic_gather %get3A_1169[%gather3A_1263] in [0] : vector<16xi32>, vector<16xi32> -> vector<16xi32>
      %ge3A_1265 = arith.constant 4 : i32
      %ge3A_1266 = vector.broadcast %ge3A_1265 : i32 to vector<16xi32>
      %ge3A_1267 = arith.cmpi sge, %iota3A, %ge3A_1266 : vector<16xi32>
      %eq3A_1268 = arith.cmpi eq, %gather3A_1264, %get3A_1169 : vector<16xi32>
      %and3A_1269 = arith.andi %ge3A_1267, %eq3A_1268 : vector<16xi1>
      %max3A_1270 = arith.maximumf %select_n3A_1238, %gather3A_1254 : vector<16xf32>
      %select_n3A_1271 = arith.select %and3A_1269, %max3A_1270, %select_n3A_1238 : vector<16xi1>, vector<16xf32>
      %sub3A_1272 = arith.constant 8 : i32
      %sub3A_1273 = vector.broadcast %sub3A_1272 : i32 to vector<16xi32>
      %sub3A_1274 = arith.subi %iota3A, %sub3A_1273 : vector<16xi32>
      %max3A_1275 = arith.constant 0 : i32
      %max3A_1276 = vector.broadcast %max3A_1275 : i32 to vector<16xi32>
      %max3A_1277 = arith.maxsi %sub3A_1274, %max3A_1276 : vector<16xi32>
      %lt3A_1278 = arith.constant 0 : i32
      %lt3A_1279 = vector.broadcast %lt3A_1278 : i32 to vector<16xi32>
      %lt3A_1280 = arith.cmpi slt, %max3A_1277, %lt3A_1279 : vector<16xi32>
      %add3A_1281 = arith.constant 16 : i32
      %add3A_1282 = vector.broadcast %add3A_1281 : i32 to vector<16xi32>
      %add3A_1283 = arith.addi %max3A_1277, %add3A_1282 : vector<16xi32>
      %select_n3A_1284 = arith.select %lt3A_1280, %add3A_1283, %max3A_1277 : vector<16xi1>, vector<16xi32>
      %broadcast_in_dim3A_1285 = vector.shape_cast %select_n3A_1284 : vector<16xi32> to vector<16x1xi32>
      %gather3A_1286 = vector.shape_cast %broadcast_in_dim3A_1285 : vector<16x1xi32> to vector<16xi32>
      %gather3A_1287 = tpu.dynamic_gather %select_n3A_1271[%gather3A_1286] in [0] : vector<16xf32>, vector<16xi32> -> vector<16xf32>
      %lt3A_1288 = arith.constant 0 : i32
      %lt3A_1289 = vector.broadcast %lt3A_1288 : i32 to vector<16xi32>
      %lt3A_1290 = arith.cmpi slt, %max3A_1277, %lt3A_1289 : vector<16xi32>
      %add3A_1291 = arith.constant 16 : i32
      %add3A_1292 = vector.broadcast %add3A_1291 : i32 to vector<16xi32>
      %add3A_1293 = arith.addi %max3A_1277, %add3A_1292 : vector<16xi32>
      %select_n3A_1294 = arith.select %lt3A_1290, %add3A_1293, %max3A_1277 : vector<16xi1>, vector<16xi32>
      %broadcast_in_dim3A_1295 = vector.shape_cast %select_n3A_1294 : vector<16xi32> to vector<16x1xi32>
      %gather3A_1296 = vector.shape_cast %broadcast_in_dim3A_1295 : vector<16x1xi32> to vector<16xi32>
      %gather3A_1297 = tpu.dynamic_gather %get3A_1169[%gather3A_1296] in [0] : vector<16xi32>, vector<16xi32> -> vector<16xi32>
      %ge3A_1298 = arith.constant 8 : i32
      %ge3A_1299 = vector.broadcast %ge3A_1298 : i32 to vector<16xi32>
      %ge3A_1300 = arith.cmpi sge, %iota3A, %ge3A_1299 : vector<16xi32>
      %eq3A_1301 = arith.cmpi eq, %gather3A_1297, %get3A_1169 : vector<16xi32>
      %and3A_1302 = arith.andi %ge3A_1300, %eq3A_1301 : vector<16xi1>
      %max3A_1303 = arith.maximumf %select_n3A_1271, %gather3A_1287 : vector<16xf32>
      %select_n3A_1304 = arith.select %and3A_1302, %max3A_1303, %select_n3A_1271 : vector<16xi1>, vector<16xf32>
      %add3A_1305 = arith.constant 1 : i32
      %add3A_1306 = vector.broadcast %add3A_1305 : i32 to vector<16xi32>
      %add3A_1307 = arith.addi %iota3A, %add3A_1306 : vector<16xi32>
      %min3A_1308 = arith.constant 15 : i32
      %min3A_1309 = vector.broadcast %min3A_1308 : i32 to vector<16xi32>
      %min3A_1310 = arith.minsi %add3A_1307, %min3A_1309 : vector<16xi32>
      %lt3A_1311 = arith.constant 0 : i32
      %lt3A_1312 = vector.broadcast %lt3A_1311 : i32 to vector<16xi32>
      %lt3A_1313 = arith.cmpi slt, %min3A_1310, %lt3A_1312 : vector<16xi32>
      %add3A_1314 = arith.constant 16 : i32
      %add3A_1315 = vector.broadcast %add3A_1314 : i32 to vector<16xi32>
      %add3A_1316 = arith.addi %min3A_1310, %add3A_1315 : vector<16xi32>
      %select_n3A_1317 = arith.select %lt3A_1313, %add3A_1316, %min3A_1310 : vector<16xi1>, vector<16xi32>
      %broadcast_in_dim3A_1318 = vector.shape_cast %select_n3A_1317 : vector<16xi32> to vector<16x1xi32>
      %gather3A_1319 = vector.shape_cast %broadcast_in_dim3A_1318 : vector<16x1xi32> to vector<16xi32>
      %gather3A_1320 = tpu.dynamic_gather %get3A_1169[%gather3A_1319] in [0] : vector<16xi32>, vector<16xi32> -> vector<16xi32>
      %eq3A_1321 = arith.constant 15 : i32
      %eq3A_1322 = vector.broadcast %eq3A_1321 : i32 to vector<16xi32>
      %eq3A_1323 = arith.cmpi eq, %iota3A, %eq3A_1322 : vector<16xi32>
      %ne3A_1324 = arith.cmpi ne, %gather3A_1320, %get3A_1169 : vector<16xi32>
      %or3A_1325 = arith.ori %eq3A_1323, %ne3A_1324 : vector<16xi1>
      %gather3A_1326 = tpu.vector_load_idx %arg9[%get3A_1169] masked %or3A_1325 : memref<10240xf32, #tpu.memory_space<vmem>>[vector<16xi32>], vector<16xf32>, vector<16xi1>
      %max3A_1327 = arith.maximumf %gather3A_1326, %select_n3A_1304 : vector<16xf32>
      tpu.vector_store_idx %arg9[%get3A_1169], %max3A_1327 masked %or3A_1325 : memref<10240xf32, #tpu.memory_space<vmem>>[vector<16xi32>], vector<16xf32>, vector<16xi1>
      %scan3A_1328 = arith.constant 0 : i32
      scf.yield %scan3A_1328 : i32
    }
    %scan3A_36 = arith.constant 20 : i32
    %scan3A_37 = arith.constant 0 : i32
    %scan3A_38 = arith.constant 20 : i32
    %scan3A_39 = arith.constant 20 : i32
    %scan3A_40 = arith.addi %scan3A_38, %scan3A_39 : i32
    %scan3A_41 = arith.constant 1 : i32
    %scan3A_42 = scf.for %scan3A_51 = %scan3A_38 to %scan3A_40 step %scan3A_41 iter_args(%scan3A_52 = %scan3A_37) -> (i32)  : i32 {
      %dma_wait3A = arith.constant 0 : i32
      %dma_wait3A_53 = tpu.memref_slice %arg8[%scan3A_51, %dma_wait3A] : memref<40x128xf32, #tpu.memory_space<vmem>> -> memref<1x128xf32, #tpu.memory_space<vmem>>
      %dma_wait3A_54 = tpu.memref_squeeze %dma_wait3A_53 : memref<1x128xf32, #tpu.memory_space<vmem>> -> memref<128xf32, #tpu.memory_space<vmem>>
      %dma_wait3A_55 = arith.constant 0 : i32
      %dma_wait3A_56 = tpu.memref_slice %arg6[%scan3A_51, %dma_wait3A_55] : memref<40x128xi32, #tpu.memory_space<vmem>> -> memref<1x128xi32, #tpu.memory_space<vmem>>
      %dma_wait3A_57 = tpu.memref_squeeze %dma_wait3A_56 : memref<1x128xi32, #tpu.memory_space<vmem>> -> memref<128xi32, #tpu.memory_space<vmem>>
      %dma_wait3A_58 = arith.constant 0 : i32
      %dma_wait3A_59 = tpu.memref_slice %arg2[%dma_wait3A_58] : memref<160000xf32, #tpu.memory_space<hbm>> -> memref<160000xf32, #tpu.memory_space<hbm>>
      tpu.wait_indirect_dma semaphore(%arg11 : memref<!tpu.dma_semaphore, #tpu.memory_space<semaphore_mem>>) src(%dma_wait3A_59 : memref<160000xf32, #tpu.memory_space<hbm>>) dst(%dma_wait3A_54 : memref<128xf32, #tpu.memory_space<vmem>>)
      %scan3A_60 = arith.constant 0 : i32
      scf.yield %scan3A_60 : i32
    }
    %scan3A_43 = arith.constant 20 : i32
    %scan3A_44 = arith.constant 0 : i32
    %scan3A_45 = arith.constant 20 : i32
    %scan3A_46 = arith.constant 20 : i32
    %scan3A_47 = arith.addi %scan3A_45, %scan3A_46 : i32
    %scan3A_48 = arith.constant 1 : i32
    %scan3A_49 = scf.for %scan3A_51 = %scan3A_45 to %scan3A_47 step %scan3A_48 iter_args(%scan3A_52 = %scan3A_44) -> (i32)  : i32 {
      %get3A = arith.index_cast %scan3A_51 : i32 to index
      %get3A_53 = arith.constant 0 : index
      %get3A_54 = tpu.vector_load %arg7[%get3A, %get3A_53] {strides = array<i32>} : memref<40x128xi32, #tpu.memory_space<vmem>>, vector<16xi32>,
      %get3A_55 = arith.index_cast %scan3A_51 : i32 to index
      %get3A_56 = arith.constant 0 : index
      %get3A_57 = tpu.vector_load %arg8[%get3A_55, %get3A_56] {strides = array<i32>} : memref<40x128xf32, #tpu.memory_space<vmem>>, vector<16xf32>,
      %sub3A = arith.constant 1 : i32
      %sub3A_58 = vector.broadcast %sub3A : i32 to vector<16xi32>
      %sub3A_59 = arith.subi %iota3A, %sub3A_58 : vector<16xi32>
      %max3A = arith.constant 0 : i32
      %max3A_60 = vector.broadcast %max3A : i32 to vector<16xi32>
      %max3A_61 = arith.maxsi %sub3A_59, %max3A_60 : vector<16xi32>
      %lt3A = arith.constant 0 : i32
      %lt3A_62 = vector.broadcast %lt3A : i32 to vector<16xi32>
      %lt3A_63 = arith.cmpi slt, %max3A_61, %lt3A_62 : vector<16xi32>
      %add3A_64 = arith.constant 16 : i32
      %add3A_65 = vector.broadcast %add3A_64 : i32 to vector<16xi32>
      %add3A_66 = arith.addi %max3A_61, %add3A_65 : vector<16xi32>
      %select_n3A = arith.select %lt3A_63, %add3A_66, %max3A_61 : vector<16xi1>, vector<16xi32>
      %broadcast_in_dim3A = vector.shape_cast %select_n3A : vector<16xi32> to vector<16x1xi32>
      %gather3A = vector.shape_cast %broadcast_in_dim3A : vector<16x1xi32> to vector<16xi32>
      %gather3A_67 = tpu.dynamic_gather %get3A_57[%gather3A] in [0] : vector<16xf32>, vector<16xi32> -> vector<16xf32>
      %lt3A_68 = arith.constant 0 : i32
      %lt3A_69 = vector.broadcast %lt3A_68 : i32 to vector<16xi32>
      %lt3A_70 = arith.cmpi slt, %max3A_61, %lt3A_69 : vector<16xi32>
      %add3A_71 = arith.constant 16 : i32
      %add3A_72 = vector.broadcast %add3A_71 : i32 to vector<16xi32>
      %add3A_73 = arith.addi %max3A_61, %add3A_72 : vector<16xi32>
      %select_n3A_74 = arith.select %lt3A_70, %add3A_73, %max3A_61 : vector<16xi1>, vector<16xi32>
      %broadcast_in_dim3A_75 = vector.shape_cast %select_n3A_74 : vector<16xi32> to vector<16x1xi32>
      %gather3A_76 = vector.shape_cast %broadcast_in_dim3A_75 : vector<16x1xi32> to vector<16xi32>
      %gather3A_77 = tpu.dynamic_gather %get3A_54[%gather3A_76] in [0] : vector<16xi32>, vector<16xi32> -> vector<16xi32>
      %ge3A = arith.constant 1 : i32
      %ge3A_78 = vector.broadcast %ge3A : i32 to vector<16xi32>
      %ge3A_79 = arith.cmpi sge, %iota3A, %ge3A_78 : vector<16xi32>
      %eq3A = arith.cmpi eq, %gather3A_77, %get3A_54 : vector<16xi32>
      %and3A = arith.andi %ge3A_79, %eq3A : vector<16xi1>
      %max3A_80 = arith.maximumf %get3A_57, %gather3A_67 : vector<16xf32>
      %select_n3A_81 = arith.select %and3A, %max3A_80, %get3A_57 : vector<16xi1>, vector<16xf32>
      %sub3A_82 = arith.constant 2 : i32
      %sub3A_83 = vector.broadcast %sub3A_82 : i32 to vector<16xi32>
      %sub3A_84 = arith.subi %iota3A, %sub3A_83 : vector<16xi32>
      %max3A_85 = arith.constant 0 : i32
      %max3A_86 = vector.broadcast %max3A_85 : i32 to vector<16xi32>
      %max3A_87 = arith.maxsi %sub3A_84, %max3A_86 : vector<16xi32>
      %lt3A_88 = arith.constant 0 : i32
      %lt3A_89 = vector.broadcast %lt3A_88 : i32 to vector<16xi32>
      %lt3A_90 = arith.cmpi slt, %max3A_87, %lt3A_89 : vector<16xi32>
      %add3A_91 = arith.constant 16 : i32
      %add3A_92 = vector.broadcast %add3A_91 : i32 to vector<16xi32>
      %add3A_93 = arith.addi %max3A_87, %add3A_92 : vector<16xi32>
      %select_n3A_94 = arith.select %lt3A_90, %add3A_93, %max3A_87 : vector<16xi1>, vector<16xi32>
      %broadcast_in_dim3A_95 = vector.shape_cast %select_n3A_94 : vector<16xi32> to vector<16x1xi32>
      %gather3A_96 = vector.shape_cast %broadcast_in_dim3A_95 : vector<16x1xi32> to vector<16xi32>
      %gather3A_97 = tpu.dynamic_gather %select_n3A_81[%gather3A_96] in [0] : vector<16xf32>, vector<16xi32> -> vector<16xf32>
      %lt3A_98 = arith.constant 0 : i32
      %lt3A_99 = vector.broadcast %lt3A_98 : i32 to vector<16xi32>
      %lt3A_100 = arith.cmpi slt, %max3A_87, %lt3A_99 : vector<16xi32>
      %add3A_101 = arith.constant 16 : i32
      %add3A_102 = vector.broadcast %add3A_101 : i32 to vector<16xi32>
      %add3A_103 = arith.addi %max3A_87, %add3A_102 : vector<16xi32>
      %select_n3A_104 = arith.select %lt3A_100, %add3A_103, %max3A_87 : vector<16xi1>, vector<16xi32>
      %broadcast_in_dim3A_105 = vector.shape_cast %select_n3A_104 : vector<16xi32> to vector<16x1xi32>
      %gather3A_106 = vector.shape_cast %broadcast_in_dim3A_105 : vector<16x1xi32> to vector<16xi32>
      %gather3A_107 = tpu.dynamic_gather %get3A_54[%gather3A_106] in [0] : vector<16xi32>, vector<16xi32> -> vector<16xi32>
      %ge3A_108 = arith.constant 2 : i32
      %ge3A_109 = vector.broadcast %ge3A_108 : i32 to vector<16xi32>
      %ge3A_110 = arith.cmpi sge, %iota3A, %ge3A_109 : vector<16xi32>
      %eq3A_111 = arith.cmpi eq, %gather3A_107, %get3A_54 : vector<16xi32>
      %and3A_112 = arith.andi %ge3A_110, %eq3A_111 : vector<16xi1>
      %max3A_113 = arith.maximumf %select_n3A_81, %gather3A_97 : vector<16xf32>
      %select_n3A_114 = arith.select %and3A_112, %max3A_113, %select_n3A_81 : vector<16xi1>, vector<16xf32>
      %sub3A_115 = arith.constant 4 : i32
      %sub3A_116 = vector.broadcast %sub3A_115 : i32 to vector<16xi32>
      %sub3A_117 = arith.subi %iota3A, %sub3A_116 : vector<16xi32>
      %max3A_118 = arith.constant 0 : i32
      %max3A_119 = vector.broadcast %max3A_118 : i32 to vector<16xi32>
      %max3A_120 = arith.maxsi %sub3A_117, %max3A_119 : vector<16xi32>
      %lt3A_121 = arith.constant 0 : i32
      %lt3A_122 = vector.broadcast %lt3A_121 : i32 to vector<16xi32>
      %lt3A_123 = arith.cmpi slt, %max3A_120, %lt3A_122 : vector<16xi32>
      %add3A_124 = arith.constant 16 : i32
      %add3A_125 = vector.broadcast %add3A_124 : i32 to vector<16xi32>
      %add3A_126 = arith.addi %max3A_120, %add3A_125 : vector<16xi32>
      %select_n3A_127 = arith.select %lt3A_123, %add3A_126, %max3A_120 : vector<16xi1>, vector<16xi32>
      %broadcast_in_dim3A_128 = vector.shape_cast %select_n3A_127 : vector<16xi32> to vector<16x1xi32>
      %gather3A_129 = vector.shape_cast %broadcast_in_dim3A_128 : vector<16x1xi32> to vector<16xi32>
      %gather3A_130 = tpu.dynamic_gather %select_n3A_114[%gather3A_129] in [0] : vector<16xf32>, vector<16xi32> -> vector<16xf32>
      %lt3A_131 = arith.constant 0 : i32
      %lt3A_132 = vector.broadcast %lt3A_131 : i32 to vector<16xi32>
      %lt3A_133 = arith.cmpi slt, %max3A_120, %lt3A_132 : vector<16xi32>
      %add3A_134 = arith.constant 16 : i32
      %add3A_135 = vector.broadcast %add3A_134 : i32 to vector<16xi32>
      %add3A_136 = arith.addi %max3A_120, %add3A_135 : vector<16xi32>
      %select_n3A_137 = arith.select %lt3A_133, %add3A_136, %max3A_120 : vector<16xi1>, vector<16xi32>
      %broadcast_in_dim3A_138 = vector.shape_cast %select_n3A_137 : vector<16xi32> to vector<16x1xi32>
      %gather3A_139 = vector.shape_cast %broadcast_in_dim3A_138 : vector<16x1xi32> to vector<16xi32>
      %gather3A_140 = tpu.dynamic_gather %get3A_54[%gather3A_139] in [0] : vector<16xi32>, vector<16xi32> -> vector<16xi32>
      %ge3A_141 = arith.constant 4 : i32
      %ge3A_142 = vector.broadcast %ge3A_141 : i32 to vector<16xi32>
      %ge3A_143 = arith.cmpi sge, %iota3A, %ge3A_142 : vector<16xi32>
      %eq3A_144 = arith.cmpi eq, %gather3A_140, %get3A_54 : vector<16xi32>
      %and3A_145 = arith.andi %ge3A_143, %eq3A_144 : vector<16xi1>
      %max3A_146 = arith.maximumf %select_n3A_114, %gather3A_130 : vector<16xf32>
      %select_n3A_147 = arith.select %and3A_145, %max3A_146, %select_n3A_114 : vector<16xi1>, vector<16xf32>
      %sub3A_148 = arith.constant 8 : i32
      %sub3A_149 = vector.broadcast %sub3A_148 : i32 to vector<16xi32>
      %sub3A_150 = arith.subi %iota3A, %sub3A_149 : vector<16xi32>
      %max3A_151 = arith.constant 0 : i32
      %max3A_152 = vector.broadcast %max3A_151 : i32 to vector<16xi32>
      %max3A_153 = arith.maxsi %sub3A_150, %max3A_152 : vector<16xi32>
      %lt3A_154 = arith.constant 0 : i32
      %lt3A_155 = vector.broadcast %lt3A_154 : i32 to vector<16xi32>
      %lt3A_156 = arith.cmpi slt, %max3A_153, %lt3A_155 : vector<16xi32>
      %add3A_157 = arith.constant 16 : i32
      %add3A_158 = vector.broadcast %add3A_157 : i32 to vector<16xi32>
      %add3A_159 = arith.addi %max3A_153, %add3A_158 : vector<16xi32>
      %select_n3A_160 = arith.select %lt3A_156, %add3A_159, %max3A_153 : vector<16xi1>, vector<16xi32>
      %broadcast_in_dim3A_161 = vector.shape_cast %select_n3A_160 : vector<16xi32> to vector<16x1xi32>
      %gather3A_162 = vector.shape_cast %broadcast_in_dim3A_161 : vector<16x1xi32> to vector<16xi32>
      %gather3A_163 = tpu.dynamic_gather %select_n3A_147[%gather3A_162] in [0] : vector<16xf32>, vector<16xi32> -> vector<16xf32>
      %lt3A_164 = arith.constant 0 : i32
      %lt3A_165 = vector.broadcast %lt3A_164 : i32 to vector<16xi32>
      %lt3A_166 = arith.cmpi slt, %max3A_153, %lt3A_165 : vector<16xi32>
      %add3A_167 = arith.constant 16 : i32
      %add3A_168 = vector.broadcast %add3A_167 : i32 to vector<16xi32>
      %add3A_169 = arith.addi %max3A_153, %add3A_168 : vector<16xi32>
      %select_n3A_170 = arith.select %lt3A_166, %add3A_169, %max3A_153 : vector<16xi1>, vector<16xi32>
      %broadcast_in_dim3A_171 = vector.shape_cast %select_n3A_170 : vector<16xi32> to vector<16x1xi32>
      %gather3A_172 = vector.shape_cast %broadcast_in_dim3A_171 : vector<16x1xi32> to vector<16xi32>
      %gather3A_173 = tpu.dynamic_gather %get3A_54[%gather3A_172] in [0] : vector<16xi32>, vector<16xi32> -> vector<16xi32>
      %ge3A_174 = arith.constant 8 : i32
      %ge3A_175 = vector.broadcast %ge3A_174 : i32 to vector<16xi32>
      %ge3A_176 = arith.cmpi sge, %iota3A, %ge3A_175 : vector<16xi32>
      %eq3A_177 = arith.cmpi eq, %gather3A_173, %get3A_54 : vector<16xi32>
      %and3A_178 = arith.andi %ge3A_176, %eq3A_177 : vector<16xi1>
      %max3A_179 = arith.maximumf %select_n3A_147, %gather3A_163 : vector<16xf32>
      %select_n3A_180 = arith.select %and3A_178, %max3A_179, %select_n3A_147 : vector<16xi1>, vector<16xf32>
      %add3A_181 = arith.constant 1 : i32
      %add3A_182 = vector.broadcast %add3A_181 : i32 to vector<16xi32>
      %add3A_183 = arith.addi %iota3A, %add3A_182 : vector<16xi32>
      %min3A = arith.constant 15 : i32
      %min3A_184 = vector.broadcast %min3A : i32 to vector<16xi32>
      %min3A_185 = arith.minsi %add3A_183, %min3A_184 : vector<16xi32>
      %lt3A_186 = arith.constant 0 : i32
      %lt3A_187 = vector.broadcast %lt3A_186 : i32 to vector<16xi32>
      %lt3A_188 = arith.cmpi slt, %min3A_185, %lt3A_187 : vector<16xi32>
      %add3A_189 = arith.constant 16 : i32
      %add3A_190 = vector.broadcast %add3A_189 : i32 to vector<16xi32>
      %add3A_191 = arith.addi %min3A_185, %add3A_190 : vector<16xi32>
      %select_n3A_192 = arith.select %lt3A_188, %add3A_191, %min3A_185 : vector<16xi1>, vector<16xi32>
      %broadcast_in_dim3A_193 = vector.shape_cast %select_n3A_192 : vector<16xi32> to vector<16x1xi32>
      %gather3A_194 = vector.shape_cast %broadcast_in_dim3A_193 : vector<16x1xi32> to vector<16xi32>
      %gather3A_195 = tpu.dynamic_gather %get3A_54[%gather3A_194] in [0] : vector<16xi32>, vector<16xi32> -> vector<16xi32>
      %eq3A_196 = arith.constant 15 : i32
      %eq3A_197 = vector.broadcast %eq3A_196 : i32 to vector<16xi32>
      %eq3A_198 = arith.cmpi eq, %iota3A, %eq3A_197 : vector<16xi32>
      %ne3A = arith.cmpi ne, %gather3A_195, %get3A_54 : vector<16xi32>
      %or3A = arith.ori %eq3A_198, %ne3A : vector<16xi1>
      %gather3A_199 = tpu.vector_load_idx %arg9[%get3A_54] masked %or3A : memref<10240xf32, #tpu.memory_space<vmem>>[vector<16xi32>], vector<16xf32>, vector<16xi1>
      %max3A_200 = arith.maximumf %gather3A_199, %select_n3A_180 : vector<16xf32>
      tpu.vector_store_idx %arg9[%get3A_54], %max3A_200 masked %or3A : memref<10240xf32, #tpu.memory_space<vmem>>[vector<16xi32>], vector<16xf32>, vector<16xi1>
      %get3A_201 = arith.index_cast %scan3A_51 : i32 to index
      %get3A_202 = arith.constant 16 : index
      %get3A_203 = tpu.vector_load %arg7[%get3A_201, %get3A_202] {strides = array<i32>} : memref<40x128xi32, #tpu.memory_space<vmem>>, vector<16xi32>,
      %get3A_204 = arith.index_cast %scan3A_51 : i32 to index
      %get3A_205 = arith.constant 16 : index
      %get3A_206 = tpu.vector_load %arg8[%get3A_204, %get3A_205] {strides = array<i32>} : memref<40x128xf32, #tpu.memory_space<vmem>>, vector<16xf32>,
      %sub3A_207 = arith.constant 1 : i32
      %sub3A_208 = vector.broadcast %sub3A_207 : i32 to vector<16xi32>
      %sub3A_209 = arith.subi %iota3A, %sub3A_208 : vector<16xi32>
      %max3A_210 = arith.constant 0 : i32
      %max3A_211 = vector.broadcast %max3A_210 : i32 to vector<16xi32>
      %max3A_212 = arith.maxsi %sub3A_209, %max3A_211 : vector<16xi32>
      %lt3A_213 = arith.constant 0 : i32
      %lt3A_214 = vector.broadcast %lt3A_213 : i32 to vector<16xi32>
      %lt3A_215 = arith.cmpi slt, %max3A_212, %lt3A_214 : vector<16xi32>
      %add3A_216 = arith.constant 16 : i32
      %add3A_217 = vector.broadcast %add3A_216 : i32 to vector<16xi32>
      %add3A_218 = arith.addi %max3A_212, %add3A_217 : vector<16xi32>
      %select_n3A_219 = arith.select %lt3A_215, %add3A_218, %max3A_212 : vector<16xi1>, vector<16xi32>
      %broadcast_in_dim3A_220 = vector.shape_cast %select_n3A_219 : vector<16xi32> to vector<16x1xi32>
      %gather3A_221 = vector.shape_cast %broadcast_in_dim3A_220 : vector<16x1xi32> to vector<16xi32>
      %gather3A_222 = tpu.dynamic_gather %get3A_206[%gather3A_221] in [0] : vector<16xf32>, vector<16xi32> -> vector<16xf32>
      %lt3A_223 = arith.constant 0 : i32
      %lt3A_224 = vector.broadcast %lt3A_223 : i32 to vector<16xi32>
      %lt3A_225 = arith.cmpi slt, %max3A_212, %lt3A_224 : vector<16xi32>
      %add3A_226 = arith.constant 16 : i32
      %add3A_227 = vector.broadcast %add3A_226 : i32 to vector<16xi32>
      %add3A_228 = arith.addi %max3A_212, %add3A_227 : vector<16xi32>
      %select_n3A_229 = arith.select %lt3A_225, %add3A_228, %max3A_212 : vector<16xi1>, vector<16xi32>
      %broadcast_in_dim3A_230 = vector.shape_cast %select_n3A_229 : vector<16xi32> to vector<16x1xi32>
      %gather3A_231 = vector.shape_cast %broadcast_in_dim3A_230 : vector<16x1xi32> to vector<16xi32>
      %gather3A_232 = tpu.dynamic_gather %get3A_203[%gather3A_231] in [0] : vector<16xi32>, vector<16xi32> -> vector<16xi32>
      %ge3A_233 = arith.constant 1 : i32
      %ge3A_234 = vector.broadcast %ge3A_233 : i32 to vector<16xi32>
      %ge3A_235 = arith.cmpi sge, %iota3A, %ge3A_234 : vector<16xi32>
      %eq3A_236 = arith.cmpi eq, %gather3A_232, %get3A_203 : vector<16xi32>
      %and3A_237 = arith.andi %ge3A_235, %eq3A_236 : vector<16xi1>
      %max3A_238 = arith.maximumf %get3A_206, %gather3A_222 : vector<16xf32>
      %select_n3A_239 = arith.select %and3A_237, %max3A_238, %get3A_206 : vector<16xi1>, vector<16xf32>
      %sub3A_240 = arith.constant 2 : i32
      %sub3A_241 = vector.broadcast %sub3A_240 : i32 to vector<16xi32>
      %sub3A_242 = arith.subi %iota3A, %sub3A_241 : vector<16xi32>
      %max3A_243 = arith.constant 0 : i32
      %max3A_244 = vector.broadcast %max3A_243 : i32 to vector<16xi32>
      %max3A_245 = arith.maxsi %sub3A_242, %max3A_244 : vector<16xi32>
      %lt3A_246 = arith.constant 0 : i32
      %lt3A_247 = vector.broadcast %lt3A_246 : i32 to vector<16xi32>
      %lt3A_248 = arith.cmpi slt, %max3A_245, %lt3A_247 : vector<16xi32>
      %add3A_249 = arith.constant 16 : i32
      %add3A_250 = vector.broadcast %add3A_249 : i32 to vector<16xi32>
      %add3A_251 = arith.addi %max3A_245, %add3A_250 : vector<16xi32>
      %select_n3A_252 = arith.select %lt3A_248, %add3A_251, %max3A_245 : vector<16xi1>, vector<16xi32>
      %broadcast_in_dim3A_253 = vector.shape_cast %select_n3A_252 : vector<16xi32> to vector<16x1xi32>
      %gather3A_254 = vector.shape_cast %broadcast_in_dim3A_253 : vector<16x1xi32> to vector<16xi32>
      %gather3A_255 = tpu.dynamic_gather %select_n3A_239[%gather3A_254] in [0] : vector<16xf32>, vector<16xi32> -> vector<16xf32>
      %lt3A_256 = arith.constant 0 : i32
      %lt3A_257 = vector.broadcast %lt3A_256 : i32 to vector<16xi32>
      %lt3A_258 = arith.cmpi slt, %max3A_245, %lt3A_257 : vector<16xi32>
      %add3A_259 = arith.constant 16 : i32
      %add3A_260 = vector.broadcast %add3A_259 : i32 to vector<16xi32>
      %add3A_261 = arith.addi %max3A_245, %add3A_260 : vector<16xi32>
      %select_n3A_262 = arith.select %lt3A_258, %add3A_261, %max3A_245 : vector<16xi1>, vector<16xi32>
      %broadcast_in_dim3A_263 = vector.shape_cast %select_n3A_262 : vector<16xi32> to vector<16x1xi32>
      %gather3A_264 = vector.shape_cast %broadcast_in_dim3A_263 : vector<16x1xi32> to vector<16xi32>
      %gather3A_265 = tpu.dynamic_gather %get3A_203[%gather3A_264] in [0] : vector<16xi32>, vector<16xi32> -> vector<16xi32>
      %ge3A_266 = arith.constant 2 : i32
      %ge3A_267 = vector.broadcast %ge3A_266 : i32 to vector<16xi32>
      %ge3A_268 = arith.cmpi sge, %iota3A, %ge3A_267 : vector<16xi32>
      %eq3A_269 = arith.cmpi eq, %gather3A_265, %get3A_203 : vector<16xi32>
      %and3A_270 = arith.andi %ge3A_268, %eq3A_269 : vector<16xi1>
      %max3A_271 = arith.maximumf %select_n3A_239, %gather3A_255 : vector<16xf32>
      %select_n3A_272 = arith.select %and3A_270, %max3A_271, %select_n3A_239 : vector<16xi1>, vector<16xf32>
      %sub3A_273 = arith.constant 4 : i32
      %sub3A_274 = vector.broadcast %sub3A_273 : i32 to vector<16xi32>
      %sub3A_275 = arith.subi %iota3A, %sub3A_274 : vector<16xi32>
      %max3A_276 = arith.constant 0 : i32
      %max3A_277 = vector.broadcast %max3A_276 : i32 to vector<16xi32>
      %max3A_278 = arith.maxsi %sub3A_275, %max3A_277 : vector<16xi32>
      %lt3A_279 = arith.constant 0 : i32
      %lt3A_280 = vector.broadcast %lt3A_279 : i32 to vector<16xi32>
      %lt3A_281 = arith.cmpi slt, %max3A_278, %lt3A_280 : vector<16xi32>
      %add3A_282 = arith.constant 16 : i32
      %add3A_283 = vector.broadcast %add3A_282 : i32 to vector<16xi32>
      %add3A_284 = arith.addi %max3A_278, %add3A_283 : vector<16xi32>
      %select_n3A_285 = arith.select %lt3A_281, %add3A_284, %max3A_278 : vector<16xi1>, vector<16xi32>
      %broadcast_in_dim3A_286 = vector.shape_cast %select_n3A_285 : vector<16xi32> to vector<16x1xi32>
      %gather3A_287 = vector.shape_cast %broadcast_in_dim3A_286 : vector<16x1xi32> to vector<16xi32>
      %gather3A_288 = tpu.dynamic_gather %select_n3A_272[%gather3A_287] in [0] : vector<16xf32>, vector<16xi32> -> vector<16xf32>
      %lt3A_289 = arith.constant 0 : i32
      %lt3A_290 = vector.broadcast %lt3A_289 : i32 to vector<16xi32>
      %lt3A_291 = arith.cmpi slt, %max3A_278, %lt3A_290 : vector<16xi32>
      %add3A_292 = arith.constant 16 : i32
      %add3A_293 = vector.broadcast %add3A_292 : i32 to vector<16xi32>
      %add3A_294 = arith.addi %max3A_278, %add3A_293 : vector<16xi32>
      %select_n3A_295 = arith.select %lt3A_291, %add3A_294, %max3A_278 : vector<16xi1>, vector<16xi32>
      %broadcast_in_dim3A_296 = vector.shape_cast %select_n3A_295 : vector<16xi32> to vector<16x1xi32>
      %gather3A_297 = vector.shape_cast %broadcast_in_dim3A_296 : vector<16x1xi32> to vector<16xi32>
      %gather3A_298 = tpu.dynamic_gather %get3A_203[%gather3A_297] in [0] : vector<16xi32>, vector<16xi32> -> vector<16xi32>
      %ge3A_299 = arith.constant 4 : i32
      %ge3A_300 = vector.broadcast %ge3A_299 : i32 to vector<16xi32>
      %ge3A_301 = arith.cmpi sge, %iota3A, %ge3A_300 : vector<16xi32>
      %eq3A_302 = arith.cmpi eq, %gather3A_298, %get3A_203 : vector<16xi32>
      %and3A_303 = arith.andi %ge3A_301, %eq3A_302 : vector<16xi1>
      %max3A_304 = arith.maximumf %select_n3A_272, %gather3A_288 : vector<16xf32>
      %select_n3A_305 = arith.select %and3A_303, %max3A_304, %select_n3A_272 : vector<16xi1>, vector<16xf32>
      %sub3A_306 = arith.constant 8 : i32
      %sub3A_307 = vector.broadcast %sub3A_306 : i32 to vector<16xi32>
      %sub3A_308 = arith.subi %iota3A, %sub3A_307 : vector<16xi32>
      %max3A_309 = arith.constant 0 : i32
      %max3A_310 = vector.broadcast %max3A_309 : i32 to vector<16xi32>
      %max3A_311 = arith.maxsi %sub3A_308, %max3A_310 : vector<16xi32>
      %lt3A_312 = arith.constant 0 : i32
      %lt3A_313 = vector.broadcast %lt3A_312 : i32 to vector<16xi32>
      %lt3A_314 = arith.cmpi slt, %max3A_311, %lt3A_313 : vector<16xi32>
      %add3A_315 = arith.constant 16 : i32
      %add3A_316 = vector.broadcast %add3A_315 : i32 to vector<16xi32>
      %add3A_317 = arith.addi %max3A_311, %add3A_316 : vector<16xi32>
      %select_n3A_318 = arith.select %lt3A_314, %add3A_317, %max3A_311 : vector<16xi1>, vector<16xi32>
      %broadcast_in_dim3A_319 = vector.shape_cast %select_n3A_318 : vector<16xi32> to vector<16x1xi32>
      %gather3A_320 = vector.shape_cast %broadcast_in_dim3A_319 : vector<16x1xi32> to vector<16xi32>
      %gather3A_321 = tpu.dynamic_gather %select_n3A_305[%gather3A_320] in [0] : vector<16xf32>, vector<16xi32> -> vector<16xf32>
      %lt3A_322 = arith.constant 0 : i32
      %lt3A_323 = vector.broadcast %lt3A_322 : i32 to vector<16xi32>
      %lt3A_324 = arith.cmpi slt, %max3A_311, %lt3A_323 : vector<16xi32>
      %add3A_325 = arith.constant 16 : i32
      %add3A_326 = vector.broadcast %add3A_325 : i32 to vector<16xi32>
      %add3A_327 = arith.addi %max3A_311, %add3A_326 : vector<16xi32>
      %select_n3A_328 = arith.select %lt3A_324, %add3A_327, %max3A_311 : vector<16xi1>, vector<16xi32>
      %broadcast_in_dim3A_329 = vector.shape_cast %select_n3A_328 : vector<16xi32> to vector<16x1xi32>
      %gather3A_330 = vector.shape_cast %broadcast_in_dim3A_329 : vector<16x1xi32> to vector<16xi32>
      %gather3A_331 = tpu.dynamic_gather %get3A_203[%gather3A_330] in [0] : vector<16xi32>, vector<16xi32> -> vector<16xi32>
      %ge3A_332 = arith.constant 8 : i32
      %ge3A_333 = vector.broadcast %ge3A_332 : i32 to vector<16xi32>
      %ge3A_334 = arith.cmpi sge, %iota3A, %ge3A_333 : vector<16xi32>
      %eq3A_335 = arith.cmpi eq, %gather3A_331, %get3A_203 : vector<16xi32>
      %and3A_336 = arith.andi %ge3A_334, %eq3A_335 : vector<16xi1>
      %max3A_337 = arith.maximumf %select_n3A_305, %gather3A_321 : vector<16xf32>
      %select_n3A_338 = arith.select %and3A_336, %max3A_337, %select_n3A_305 : vector<16xi1>, vector<16xf32>
      %add3A_339 = arith.constant 1 : i32
      %add3A_340 = vector.broadcast %add3A_339 : i32 to vector<16xi32>
      %add3A_341 = arith.addi %iota3A, %add3A_340 : vector<16xi32>
      %min3A_342 = arith.constant 15 : i32
      %min3A_343 = vector.broadcast %min3A_342 : i32 to vector<16xi32>
      %min3A_344 = arith.minsi %add3A_341, %min3A_343 : vector<16xi32>
      %lt3A_345 = arith.constant 0 : i32
      %lt3A_346 = vector.broadcast %lt3A_345 : i32 to vector<16xi32>
      %lt3A_347 = arith.cmpi slt, %min3A_344, %lt3A_346 : vector<16xi32>
      %add3A_348 = arith.constant 16 : i32
      %add3A_349 = vector.broadcast %add3A_348 : i32 to vector<16xi32>
      %add3A_350 = arith.addi %min3A_344, %add3A_349 : vector<16xi32>
      %select_n3A_351 = arith.select %lt3A_347, %add3A_350, %min3A_344 : vector<16xi1>, vector<16xi32>
      %broadcast_in_dim3A_352 = vector.shape_cast %select_n3A_351 : vector<16xi32> to vector<16x1xi32>
      %gather3A_353 = vector.shape_cast %broadcast_in_dim3A_352 : vector<16x1xi32> to vector<16xi32>
      %gather3A_354 = tpu.dynamic_gather %get3A_203[%gather3A_353] in [0] : vector<16xi32>, vector<16xi32> -> vector<16xi32>
      %eq3A_355 = arith.constant 15 : i32
      %eq3A_356 = vector.broadcast %eq3A_355 : i32 to vector<16xi32>
      %eq3A_357 = arith.cmpi eq, %iota3A, %eq3A_356 : vector<16xi32>
      %ne3A_358 = arith.cmpi ne, %gather3A_354, %get3A_203 : vector<16xi32>
      %or3A_359 = arith.ori %eq3A_357, %ne3A_358 : vector<16xi1>
      %gather3A_360 = tpu.vector_load_idx %arg9[%get3A_203] masked %or3A_359 : memref<10240xf32, #tpu.memory_space<vmem>>[vector<16xi32>], vector<16xf32>, vector<16xi1>
      %max3A_361 = arith.maximumf %gather3A_360, %select_n3A_338 : vector<16xf32>
      tpu.vector_store_idx %arg9[%get3A_203], %max3A_361 masked %or3A_359 : memref<10240xf32, #tpu.memory_space<vmem>>[vector<16xi32>], vector<16xf32>, vector<16xi1>
      %get3A_362 = arith.index_cast %scan3A_51 : i32 to index
      %get3A_363 = arith.constant 32 : index
      %get3A_364 = tpu.vector_load %arg7[%get3A_362, %get3A_363] {strides = array<i32>} : memref<40x128xi32, #tpu.memory_space<vmem>>, vector<16xi32>,
      %get3A_365 = arith.index_cast %scan3A_51 : i32 to index
      %get3A_366 = arith.constant 32 : index
      %get3A_367 = tpu.vector_load %arg8[%get3A_365, %get3A_366] {strides = array<i32>} : memref<40x128xf32, #tpu.memory_space<vmem>>, vector<16xf32>,
      %sub3A_368 = arith.constant 1 : i32
      %sub3A_369 = vector.broadcast %sub3A_368 : i32 to vector<16xi32>
      %sub3A_370 = arith.subi %iota3A, %sub3A_369 : vector<16xi32>
      %max3A_371 = arith.constant 0 : i32
      %max3A_372 = vector.broadcast %max3A_371 : i32 to vector<16xi32>
      %max3A_373 = arith.maxsi %sub3A_370, %max3A_372 : vector<16xi32>
      %lt3A_374 = arith.constant 0 : i32
      %lt3A_375 = vector.broadcast %lt3A_374 : i32 to vector<16xi32>
      %lt3A_376 = arith.cmpi slt, %max3A_373, %lt3A_375 : vector<16xi32>
      %add3A_377 = arith.constant 16 : i32
      %add3A_378 = vector.broadcast %add3A_377 : i32 to vector<16xi32>
      %add3A_379 = arith.addi %max3A_373, %add3A_378 : vector<16xi32>
      %select_n3A_380 = arith.select %lt3A_376, %add3A_379, %max3A_373 : vector<16xi1>, vector<16xi32>
      %broadcast_in_dim3A_381 = vector.shape_cast %select_n3A_380 : vector<16xi32> to vector<16x1xi32>
      %gather3A_382 = vector.shape_cast %broadcast_in_dim3A_381 : vector<16x1xi32> to vector<16xi32>
      %gather3A_383 = tpu.dynamic_gather %get3A_367[%gather3A_382] in [0] : vector<16xf32>, vector<16xi32> -> vector<16xf32>
      %lt3A_384 = arith.constant 0 : i32
      %lt3A_385 = vector.broadcast %lt3A_384 : i32 to vector<16xi32>
      %lt3A_386 = arith.cmpi slt, %max3A_373, %lt3A_385 : vector<16xi32>
      %add3A_387 = arith.constant 16 : i32
      %add3A_388 = vector.broadcast %add3A_387 : i32 to vector<16xi32>
      %add3A_389 = arith.addi %max3A_373, %add3A_388 : vector<16xi32>
      %select_n3A_390 = arith.select %lt3A_386, %add3A_389, %max3A_373 : vector<16xi1>, vector<16xi32>
      %broadcast_in_dim3A_391 = vector.shape_cast %select_n3A_390 : vector<16xi32> to vector<16x1xi32>
      %gather3A_392 = vector.shape_cast %broadcast_in_dim3A_391 : vector<16x1xi32> to vector<16xi32>
      %gather3A_393 = tpu.dynamic_gather %get3A_364[%gather3A_392] in [0] : vector<16xi32>, vector<16xi32> -> vector<16xi32>
      %ge3A_394 = arith.constant 1 : i32
      %ge3A_395 = vector.broadcast %ge3A_394 : i32 to vector<16xi32>
      %ge3A_396 = arith.cmpi sge, %iota3A, %ge3A_395 : vector<16xi32>
      %eq3A_397 = arith.cmpi eq, %gather3A_393, %get3A_364 : vector<16xi32>
      %and3A_398 = arith.andi %ge3A_396, %eq3A_397 : vector<16xi1>
      %max3A_399 = arith.maximumf %get3A_367, %gather3A_383 : vector<16xf32>
      %select_n3A_400 = arith.select %and3A_398, %max3A_399, %get3A_367 : vector<16xi1>, vector<16xf32>
      %sub3A_401 = arith.constant 2 : i32
      %sub3A_402 = vector.broadcast %sub3A_401 : i32 to vector<16xi32>
      %sub3A_403 = arith.subi %iota3A, %sub3A_402 : vector<16xi32>
      %max3A_404 = arith.constant 0 : i32
      %max3A_405 = vector.broadcast %max3A_404 : i32 to vector<16xi32>
      %max3A_406 = arith.maxsi %sub3A_403, %max3A_405 : vector<16xi32>
      %lt3A_407 = arith.constant 0 : i32
      %lt3A_408 = vector.broadcast %lt3A_407 : i32 to vector<16xi32>
      %lt3A_409 = arith.cmpi slt, %max3A_406, %lt3A_408 : vector<16xi32>
      %add3A_410 = arith.constant 16 : i32
      %add3A_411 = vector.broadcast %add3A_410 : i32 to vector<16xi32>
      %add3A_412 = arith.addi %max3A_406, %add3A_411 : vector<16xi32>
      %select_n3A_413 = arith.select %lt3A_409, %add3A_412, %max3A_406 : vector<16xi1>, vector<16xi32>
      %broadcast_in_dim3A_414 = vector.shape_cast %select_n3A_413 : vector<16xi32> to vector<16x1xi32>
      %gather3A_415 = vector.shape_cast %broadcast_in_dim3A_414 : vector<16x1xi32> to vector<16xi32>
      %gather3A_416 = tpu.dynamic_gather %select_n3A_400[%gather3A_415] in [0] : vector<16xf32>, vector<16xi32> -> vector<16xf32>
      %lt3A_417 = arith.constant 0 : i32
      %lt3A_418 = vector.broadcast %lt3A_417 : i32 to vector<16xi32>
      %lt3A_419 = arith.cmpi slt, %max3A_406, %lt3A_418 : vector<16xi32>
      %add3A_420 = arith.constant 16 : i32
      %add3A_421 = vector.broadcast %add3A_420 : i32 to vector<16xi32>
      %add3A_422 = arith.addi %max3A_406, %add3A_421 : vector<16xi32>
      %select_n3A_423 = arith.select %lt3A_419, %add3A_422, %max3A_406 : vector<16xi1>, vector<16xi32>
      %broadcast_in_dim3A_424 = vector.shape_cast %select_n3A_423 : vector<16xi32> to vector<16x1xi32>
      %gather3A_425 = vector.shape_cast %broadcast_in_dim3A_424 : vector<16x1xi32> to vector<16xi32>
      %gather3A_426 = tpu.dynamic_gather %get3A_364[%gather3A_425] in [0] : vector<16xi32>, vector<16xi32> -> vector<16xi32>
      %ge3A_427 = arith.constant 2 : i32
      %ge3A_428 = vector.broadcast %ge3A_427 : i32 to vector<16xi32>
      %ge3A_429 = arith.cmpi sge, %iota3A, %ge3A_428 : vector<16xi32>
      %eq3A_430 = arith.cmpi eq, %gather3A_426, %get3A_364 : vector<16xi32>
      %and3A_431 = arith.andi %ge3A_429, %eq3A_430 : vector<16xi1>
      %max3A_432 = arith.maximumf %select_n3A_400, %gather3A_416 : vector<16xf32>
      %select_n3A_433 = arith.select %and3A_431, %max3A_432, %select_n3A_400 : vector<16xi1>, vector<16xf32>
      %sub3A_434 = arith.constant 4 : i32
      %sub3A_435 = vector.broadcast %sub3A_434 : i32 to vector<16xi32>
      %sub3A_436 = arith.subi %iota3A, %sub3A_435 : vector<16xi32>
      %max3A_437 = arith.constant 0 : i32
      %max3A_438 = vector.broadcast %max3A_437 : i32 to vector<16xi32>
      %max3A_439 = arith.maxsi %sub3A_436, %max3A_438 : vector<16xi32>
      %lt3A_440 = arith.constant 0 : i32
      %lt3A_441 = vector.broadcast %lt3A_440 : i32 to vector<16xi32>
      %lt3A_442 = arith.cmpi slt, %max3A_439, %lt3A_441 : vector<16xi32>
      %add3A_443 = arith.constant 16 : i32
      %add3A_444 = vector.broadcast %add3A_443 : i32 to vector<16xi32>
      %add3A_445 = arith.addi %max3A_439, %add3A_444 : vector<16xi32>
      %select_n3A_446 = arith.select %lt3A_442, %add3A_445, %max3A_439 : vector<16xi1>, vector<16xi32>
      %broadcast_in_dim3A_447 = vector.shape_cast %select_n3A_446 : vector<16xi32> to vector<16x1xi32>
      %gather3A_448 = vector.shape_cast %broadcast_in_dim3A_447 : vector<16x1xi32> to vector<16xi32>
      %gather3A_449 = tpu.dynamic_gather %select_n3A_433[%gather3A_448] in [0] : vector<16xf32>, vector<16xi32> -> vector<16xf32>
      %lt3A_450 = arith.constant 0 : i32
      %lt3A_451 = vector.broadcast %lt3A_450 : i32 to vector<16xi32>
      %lt3A_452 = arith.cmpi slt, %max3A_439, %lt3A_451 : vector<16xi32>
      %add3A_453 = arith.constant 16 : i32
      %add3A_454 = vector.broadcast %add3A_453 : i32 to vector<16xi32>
      %add3A_455 = arith.addi %max3A_439, %add3A_454 : vector<16xi32>
      %select_n3A_456 = arith.select %lt3A_452, %add3A_455, %max3A_439 : vector<16xi1>, vector<16xi32>
      %broadcast_in_dim3A_457 = vector.shape_cast %select_n3A_456 : vector<16xi32> to vector<16x1xi32>
      %gather3A_458 = vector.shape_cast %broadcast_in_dim3A_457 : vector<16x1xi32> to vector<16xi32>
      %gather3A_459 = tpu.dynamic_gather %get3A_364[%gather3A_458] in [0] : vector<16xi32>, vector<16xi32> -> vector<16xi32>
      %ge3A_460 = arith.constant 4 : i32
      %ge3A_461 = vector.broadcast %ge3A_460 : i32 to vector<16xi32>
      %ge3A_462 = arith.cmpi sge, %iota3A, %ge3A_461 : vector<16xi32>
      %eq3A_463 = arith.cmpi eq, %gather3A_459, %get3A_364 : vector<16xi32>
      %and3A_464 = arith.andi %ge3A_462, %eq3A_463 : vector<16xi1>
      %max3A_465 = arith.maximumf %select_n3A_433, %gather3A_449 : vector<16xf32>
      %select_n3A_466 = arith.select %and3A_464, %max3A_465, %select_n3A_433 : vector<16xi1>, vector<16xf32>
      %sub3A_467 = arith.constant 8 : i32
      %sub3A_468 = vector.broadcast %sub3A_467 : i32 to vector<16xi32>
      %sub3A_469 = arith.subi %iota3A, %sub3A_468 : vector<16xi32>
      %max3A_470 = arith.constant 0 : i32
      %max3A_471 = vector.broadcast %max3A_470 : i32 to vector<16xi32>
      %max3A_472 = arith.maxsi %sub3A_469, %max3A_471 : vector<16xi32>
      %lt3A_473 = arith.constant 0 : i32
      %lt3A_474 = vector.broadcast %lt3A_473 : i32 to vector<16xi32>
      %lt3A_475 = arith.cmpi slt, %max3A_472, %lt3A_474 : vector<16xi32>
      %add3A_476 = arith.constant 16 : i32
      %add3A_477 = vector.broadcast %add3A_476 : i32 to vector<16xi32>
      %add3A_478 = arith.addi %max3A_472, %add3A_477 : vector<16xi32>
      %select_n3A_479 = arith.select %lt3A_475, %add3A_478, %max3A_472 : vector<16xi1>, vector<16xi32>
      %broadcast_in_dim3A_480 = vector.shape_cast %select_n3A_479 : vector<16xi32> to vector<16x1xi32>
      %gather3A_481 = vector.shape_cast %broadcast_in_dim3A_480 : vector<16x1xi32> to vector<16xi32>
      %gather3A_482 = tpu.dynamic_gather %select_n3A_466[%gather3A_481] in [0] : vector<16xf32>, vector<16xi32> -> vector<16xf32>
      %lt3A_483 = arith.constant 0 : i32
      %lt3A_484 = vector.broadcast %lt3A_483 : i32 to vector<16xi32>
      %lt3A_485 = arith.cmpi slt, %max3A_472, %lt3A_484 : vector<16xi32>
      %add3A_486 = arith.constant 16 : i32
      %add3A_487 = vector.broadcast %add3A_486 : i32 to vector<16xi32>
      %add3A_488 = arith.addi %max3A_472, %add3A_487 : vector<16xi32>
      %select_n3A_489 = arith.select %lt3A_485, %add3A_488, %max3A_472 : vector<16xi1>, vector<16xi32>
      %broadcast_in_dim3A_490 = vector.shape_cast %select_n3A_489 : vector<16xi32> to vector<16x1xi32>
      %gather3A_491 = vector.shape_cast %broadcast_in_dim3A_490 : vector<16x1xi32> to vector<16xi32>
      %gather3A_492 = tpu.dynamic_gather %get3A_364[%gather3A_491] in [0] : vector<16xi32>, vector<16xi32> -> vector<16xi32>
      %ge3A_493 = arith.constant 8 : i32
      %ge3A_494 = vector.broadcast %ge3A_493 : i32 to vector<16xi32>
      %ge3A_495 = arith.cmpi sge, %iota3A, %ge3A_494 : vector<16xi32>
      %eq3A_496 = arith.cmpi eq, %gather3A_492, %get3A_364 : vector<16xi32>
      %and3A_497 = arith.andi %ge3A_495, %eq3A_496 : vector<16xi1>
      %max3A_498 = arith.maximumf %select_n3A_466, %gather3A_482 : vector<16xf32>
      %select_n3A_499 = arith.select %and3A_497, %max3A_498, %select_n3A_466 : vector<16xi1>, vector<16xf32>
      %add3A_500 = arith.constant 1 : i32
      %add3A_501 = vector.broadcast %add3A_500 : i32 to vector<16xi32>
      %add3A_502 = arith.addi %iota3A, %add3A_501 : vector<16xi32>
      %min3A_503 = arith.constant 15 : i32
      %min3A_504 = vector.broadcast %min3A_503 : i32 to vector<16xi32>
      %min3A_505 = arith.minsi %add3A_502, %min3A_504 : vector<16xi32>
      %lt3A_506 = arith.constant 0 : i32
      %lt3A_507 = vector.broadcast %lt3A_506 : i32 to vector<16xi32>
      %lt3A_508 = arith.cmpi slt, %min3A_505, %lt3A_507 : vector<16xi32>
      %add3A_509 = arith.constant 16 : i32
      %add3A_510 = vector.broadcast %add3A_509 : i32 to vector<16xi32>
      %add3A_511 = arith.addi %min3A_505, %add3A_510 : vector<16xi32>
      %select_n3A_512 = arith.select %lt3A_508, %add3A_511, %min3A_505 : vector<16xi1>, vector<16xi32>
      %broadcast_in_dim3A_513 = vector.shape_cast %select_n3A_512 : vector<16xi32> to vector<16x1xi32>
      %gather3A_514 = vector.shape_cast %broadcast_in_dim3A_513 : vector<16x1xi32> to vector<16xi32>
      %gather3A_515 = tpu.dynamic_gather %get3A_364[%gather3A_514] in [0] : vector<16xi32>, vector<16xi32> -> vector<16xi32>
      %eq3A_516 = arith.constant 15 : i32
      %eq3A_517 = vector.broadcast %eq3A_516 : i32 to vector<16xi32>
      %eq3A_518 = arith.cmpi eq, %iota3A, %eq3A_517 : vector<16xi32>
      %ne3A_519 = arith.cmpi ne, %gather3A_515, %get3A_364 : vector<16xi32>
      %or3A_520 = arith.ori %eq3A_518, %ne3A_519 : vector<16xi1>
      %gather3A_521 = tpu.vector_load_idx %arg9[%get3A_364] masked %or3A_520 : memref<10240xf32, #tpu.memory_space<vmem>>[vector<16xi32>], vector<16xf32>, vector<16xi1>
      %max3A_522 = arith.maximumf %gather3A_521, %select_n3A_499 : vector<16xf32>
      tpu.vector_store_idx %arg9[%get3A_364], %max3A_522 masked %or3A_520 : memref<10240xf32, #tpu.memory_space<vmem>>[vector<16xi32>], vector<16xf32>, vector<16xi1>
      %get3A_523 = arith.index_cast %scan3A_51 : i32 to index
      %get3A_524 = arith.constant 48 : index
      %get3A_525 = tpu.vector_load %arg7[%get3A_523, %get3A_524] {strides = array<i32>} : memref<40x128xi32, #tpu.memory_space<vmem>>, vector<16xi32>,
      %get3A_526 = arith.index_cast %scan3A_51 : i32 to index
      %get3A_527 = arith.constant 48 : index
      %get3A_528 = tpu.vector_load %arg8[%get3A_526, %get3A_527] {strides = array<i32>} : memref<40x128xf32, #tpu.memory_space<vmem>>, vector<16xf32>,
      %sub3A_529 = arith.constant 1 : i32
      %sub3A_530 = vector.broadcast %sub3A_529 : i32 to vector<16xi32>
      %sub3A_531 = arith.subi %iota3A, %sub3A_530 : vector<16xi32>
      %max3A_532 = arith.constant 0 : i32
      %max3A_533 = vector.broadcast %max3A_532 : i32 to vector<16xi32>
      %max3A_534 = arith.maxsi %sub3A_531, %max3A_533 : vector<16xi32>
      %lt3A_535 = arith.constant 0 : i32
      %lt3A_536 = vector.broadcast %lt3A_535 : i32 to vector<16xi32>
      %lt3A_537 = arith.cmpi slt, %max3A_534, %lt3A_536 : vector<16xi32>
      %add3A_538 = arith.constant 16 : i32
      %add3A_539 = vector.broadcast %add3A_538 : i32 to vector<16xi32>
      %add3A_540 = arith.addi %max3A_534, %add3A_539 : vector<16xi32>
      %select_n3A_541 = arith.select %lt3A_537, %add3A_540, %max3A_534 : vector<16xi1>, vector<16xi32>
      %broadcast_in_dim3A_542 = vector.shape_cast %select_n3A_541 : vector<16xi32> to vector<16x1xi32>
      %gather3A_543 = vector.shape_cast %broadcast_in_dim3A_542 : vector<16x1xi32> to vector<16xi32>
      %gather3A_544 = tpu.dynamic_gather %get3A_528[%gather3A_543] in [0] : vector<16xf32>, vector<16xi32> -> vector<16xf32>
      %lt3A_545 = arith.constant 0 : i32
      %lt3A_546 = vector.broadcast %lt3A_545 : i32 to vector<16xi32>
      %lt3A_547 = arith.cmpi slt, %max3A_534, %lt3A_546 : vector<16xi32>
      %add3A_548 = arith.constant 16 : i32
      %add3A_549 = vector.broadcast %add3A_548 : i32 to vector<16xi32>
      %add3A_550 = arith.addi %max3A_534, %add3A_549 : vector<16xi32>
      %select_n3A_551 = arith.select %lt3A_547, %add3A_550, %max3A_534 : vector<16xi1>, vector<16xi32>
      %broadcast_in_dim3A_552 = vector.shape_cast %select_n3A_551 : vector<16xi32> to vector<16x1xi32>
      %gather3A_553 = vector.shape_cast %broadcast_in_dim3A_552 : vector<16x1xi32> to vector<16xi32>
      %gather3A_554 = tpu.dynamic_gather %get3A_525[%gather3A_553] in [0] : vector<16xi32>, vector<16xi32> -> vector<16xi32>
      %ge3A_555 = arith.constant 1 : i32
      %ge3A_556 = vector.broadcast %ge3A_555 : i32 to vector<16xi32>
      %ge3A_557 = arith.cmpi sge, %iota3A, %ge3A_556 : vector<16xi32>
      %eq3A_558 = arith.cmpi eq, %gather3A_554, %get3A_525 : vector<16xi32>
      %and3A_559 = arith.andi %ge3A_557, %eq3A_558 : vector<16xi1>
      %max3A_560 = arith.maximumf %get3A_528, %gather3A_544 : vector<16xf32>
      %select_n3A_561 = arith.select %and3A_559, %max3A_560, %get3A_528 : vector<16xi1>, vector<16xf32>
      %sub3A_562 = arith.constant 2 : i32
      %sub3A_563 = vector.broadcast %sub3A_562 : i32 to vector<16xi32>
      %sub3A_564 = arith.subi %iota3A, %sub3A_563 : vector<16xi32>
      %max3A_565 = arith.constant 0 : i32
      %max3A_566 = vector.broadcast %max3A_565 : i32 to vector<16xi32>
      %max3A_567 = arith.maxsi %sub3A_564, %max3A_566 : vector<16xi32>
      %lt3A_568 = arith.constant 0 : i32
      %lt3A_569 = vector.broadcast %lt3A_568 : i32 to vector<16xi32>
      %lt3A_570 = arith.cmpi slt, %max3A_567, %lt3A_569 : vector<16xi32>
      %add3A_571 = arith.constant 16 : i32
      %add3A_572 = vector.broadcast %add3A_571 : i32 to vector<16xi32>
      %add3A_573 = arith.addi %max3A_567, %add3A_572 : vector<16xi32>
      %select_n3A_574 = arith.select %lt3A_570, %add3A_573, %max3A_567 : vector<16xi1>, vector<16xi32>
      %broadcast_in_dim3A_575 = vector.shape_cast %select_n3A_574 : vector<16xi32> to vector<16x1xi32>
      %gather3A_576 = vector.shape_cast %broadcast_in_dim3A_575 : vector<16x1xi32> to vector<16xi32>
      %gather3A_577 = tpu.dynamic_gather %select_n3A_561[%gather3A_576] in [0] : vector<16xf32>, vector<16xi32> -> vector<16xf32>
      %lt3A_578 = arith.constant 0 : i32
      %lt3A_579 = vector.broadcast %lt3A_578 : i32 to vector<16xi32>
      %lt3A_580 = arith.cmpi slt, %max3A_567, %lt3A_579 : vector<16xi32>
      %add3A_581 = arith.constant 16 : i32
      %add3A_582 = vector.broadcast %add3A_581 : i32 to vector<16xi32>
      %add3A_583 = arith.addi %max3A_567, %add3A_582 : vector<16xi32>
      %select_n3A_584 = arith.select %lt3A_580, %add3A_583, %max3A_567 : vector<16xi1>, vector<16xi32>
      %broadcast_in_dim3A_585 = vector.shape_cast %select_n3A_584 : vector<16xi32> to vector<16x1xi32>
      %gather3A_586 = vector.shape_cast %broadcast_in_dim3A_585 : vector<16x1xi32> to vector<16xi32>
      %gather3A_587 = tpu.dynamic_gather %get3A_525[%gather3A_586] in [0] : vector<16xi32>, vector<16xi32> -> vector<16xi32>
      %ge3A_588 = arith.constant 2 : i32
      %ge3A_589 = vector.broadcast %ge3A_588 : i32 to vector<16xi32>
      %ge3A_590 = arith.cmpi sge, %iota3A, %ge3A_589 : vector<16xi32>
      %eq3A_591 = arith.cmpi eq, %gather3A_587, %get3A_525 : vector<16xi32>
      %and3A_592 = arith.andi %ge3A_590, %eq3A_591 : vector<16xi1>
      %max3A_593 = arith.maximumf %select_n3A_561, %gather3A_577 : vector<16xf32>
      %select_n3A_594 = arith.select %and3A_592, %max3A_593, %select_n3A_561 : vector<16xi1>, vector<16xf32>
      %sub3A_595 = arith.constant 4 : i32
      %sub3A_596 = vector.broadcast %sub3A_595 : i32 to vector<16xi32>
      %sub3A_597 = arith.subi %iota3A, %sub3A_596 : vector<16xi32>
      %max3A_598 = arith.constant 0 : i32
      %max3A_599 = vector.broadcast %max3A_598 : i32 to vector<16xi32>
      %max3A_600 = arith.maxsi %sub3A_597, %max3A_599 : vector<16xi32>
      %lt3A_601 = arith.constant 0 : i32
      %lt3A_602 = vector.broadcast %lt3A_601 : i32 to vector<16xi32>
      %lt3A_603 = arith.cmpi slt, %max3A_600, %lt3A_602 : vector<16xi32>
      %add3A_604 = arith.constant 16 : i32
      %add3A_605 = vector.broadcast %add3A_604 : i32 to vector<16xi32>
      %add3A_606 = arith.addi %max3A_600, %add3A_605 : vector<16xi32>
      %select_n3A_607 = arith.select %lt3A_603, %add3A_606, %max3A_600 : vector<16xi1>, vector<16xi32>
      %broadcast_in_dim3A_608 = vector.shape_cast %select_n3A_607 : vector<16xi32> to vector<16x1xi32>
      %gather3A_609 = vector.shape_cast %broadcast_in_dim3A_608 : vector<16x1xi32> to vector<16xi32>
      %gather3A_610 = tpu.dynamic_gather %select_n3A_594[%gather3A_609] in [0] : vector<16xf32>, vector<16xi32> -> vector<16xf32>
      %lt3A_611 = arith.constant 0 : i32
      %lt3A_612 = vector.broadcast %lt3A_611 : i32 to vector<16xi32>
      %lt3A_613 = arith.cmpi slt, %max3A_600, %lt3A_612 : vector<16xi32>
      %add3A_614 = arith.constant 16 : i32
      %add3A_615 = vector.broadcast %add3A_614 : i32 to vector<16xi32>
      %add3A_616 = arith.addi %max3A_600, %add3A_615 : vector<16xi32>
      %select_n3A_617 = arith.select %lt3A_613, %add3A_616, %max3A_600 : vector<16xi1>, vector<16xi32>
      %broadcast_in_dim3A_618 = vector.shape_cast %select_n3A_617 : vector<16xi32> to vector<16x1xi32>
      %gather3A_619 = vector.shape_cast %broadcast_in_dim3A_618 : vector<16x1xi32> to vector<16xi32>
      %gather3A_620 = tpu.dynamic_gather %get3A_525[%gather3A_619] in [0] : vector<16xi32>, vector<16xi32> -> vector<16xi32>
      %ge3A_621 = arith.constant 4 : i32
      %ge3A_622 = vector.broadcast %ge3A_621 : i32 to vector<16xi32>
      %ge3A_623 = arith.cmpi sge, %iota3A, %ge3A_622 : vector<16xi32>
      %eq3A_624 = arith.cmpi eq, %gather3A_620, %get3A_525 : vector<16xi32>
      %and3A_625 = arith.andi %ge3A_623, %eq3A_624 : vector<16xi1>
      %max3A_626 = arith.maximumf %select_n3A_594, %gather3A_610 : vector<16xf32>
      %select_n3A_627 = arith.select %and3A_625, %max3A_626, %select_n3A_594 : vector<16xi1>, vector<16xf32>
      %sub3A_628 = arith.constant 8 : i32
      %sub3A_629 = vector.broadcast %sub3A_628 : i32 to vector<16xi32>
      %sub3A_630 = arith.subi %iota3A, %sub3A_629 : vector<16xi32>
      %max3A_631 = arith.constant 0 : i32
      %max3A_632 = vector.broadcast %max3A_631 : i32 to vector<16xi32>
      %max3A_633 = arith.maxsi %sub3A_630, %max3A_632 : vector<16xi32>
      %lt3A_634 = arith.constant 0 : i32
      %lt3A_635 = vector.broadcast %lt3A_634 : i32 to vector<16xi32>
      %lt3A_636 = arith.cmpi slt, %max3A_633, %lt3A_635 : vector<16xi32>
      %add3A_637 = arith.constant 16 : i32
      %add3A_638 = vector.broadcast %add3A_637 : i32 to vector<16xi32>
      %add3A_639 = arith.addi %max3A_633, %add3A_638 : vector<16xi32>
      %select_n3A_640 = arith.select %lt3A_636, %add3A_639, %max3A_633 : vector<16xi1>, vector<16xi32>
      %broadcast_in_dim3A_641 = vector.shape_cast %select_n3A_640 : vector<16xi32> to vector<16x1xi32>
      %gather3A_642 = vector.shape_cast %broadcast_in_dim3A_641 : vector<16x1xi32> to vector<16xi32>
      %gather3A_643 = tpu.dynamic_gather %select_n3A_627[%gather3A_642] in [0] : vector<16xf32>, vector<16xi32> -> vector<16xf32>
      %lt3A_644 = arith.constant 0 : i32
      %lt3A_645 = vector.broadcast %lt3A_644 : i32 to vector<16xi32>
      %lt3A_646 = arith.cmpi slt, %max3A_633, %lt3A_645 : vector<16xi32>
      %add3A_647 = arith.constant 16 : i32
      %add3A_648 = vector.broadcast %add3A_647 : i32 to vector<16xi32>
      %add3A_649 = arith.addi %max3A_633, %add3A_648 : vector<16xi32>
      %select_n3A_650 = arith.select %lt3A_646, %add3A_649, %max3A_633 : vector<16xi1>, vector<16xi32>
      %broadcast_in_dim3A_651 = vector.shape_cast %select_n3A_650 : vector<16xi32> to vector<16x1xi32>
      %gather3A_652 = vector.shape_cast %broadcast_in_dim3A_651 : vector<16x1xi32> to vector<16xi32>
      %gather3A_653 = tpu.dynamic_gather %get3A_525[%gather3A_652] in [0] : vector<16xi32>, vector<16xi32> -> vector<16xi32>
      %ge3A_654 = arith.constant 8 : i32
      %ge3A_655 = vector.broadcast %ge3A_654 : i32 to vector<16xi32>
      %ge3A_656 = arith.cmpi sge, %iota3A, %ge3A_655 : vector<16xi32>
      %eq3A_657 = arith.cmpi eq, %gather3A_653, %get3A_525 : vector<16xi32>
      %and3A_658 = arith.andi %ge3A_656, %eq3A_657 : vector<16xi1>
      %max3A_659 = arith.maximumf %select_n3A_627, %gather3A_643 : vector<16xf32>
      %select_n3A_660 = arith.select %and3A_658, %max3A_659, %select_n3A_627 : vector<16xi1>, vector<16xf32>
      %add3A_661 = arith.constant 1 : i32
      %add3A_662 = vector.broadcast %add3A_661 : i32 to vector<16xi32>
      %add3A_663 = arith.addi %iota3A, %add3A_662 : vector<16xi32>
      %min3A_664 = arith.constant 15 : i32
      %min3A_665 = vector.broadcast %min3A_664 : i32 to vector<16xi32>
      %min3A_666 = arith.minsi %add3A_663, %min3A_665 : vector<16xi32>
      %lt3A_667 = arith.constant 0 : i32
      %lt3A_668 = vector.broadcast %lt3A_667 : i32 to vector<16xi32>
      %lt3A_669 = arith.cmpi slt, %min3A_666, %lt3A_668 : vector<16xi32>
      %add3A_670 = arith.constant 16 : i32
      %add3A_671 = vector.broadcast %add3A_670 : i32 to vector<16xi32>
      %add3A_672 = arith.addi %min3A_666, %add3A_671 : vector<16xi32>
      %select_n3A_673 = arith.select %lt3A_669, %add3A_672, %min3A_666 : vector<16xi1>, vector<16xi32>
      %broadcast_in_dim3A_674 = vector.shape_cast %select_n3A_673 : vector<16xi32> to vector<16x1xi32>
      %gather3A_675 = vector.shape_cast %broadcast_in_dim3A_674 : vector<16x1xi32> to vector<16xi32>
      %gather3A_676 = tpu.dynamic_gather %get3A_525[%gather3A_675] in [0] : vector<16xi32>, vector<16xi32> -> vector<16xi32>
      %eq3A_677 = arith.constant 15 : i32
      %eq3A_678 = vector.broadcast %eq3A_677 : i32 to vector<16xi32>
      %eq3A_679 = arith.cmpi eq, %iota3A, %eq3A_678 : vector<16xi32>
      %ne3A_680 = arith.cmpi ne, %gather3A_676, %get3A_525 : vector<16xi32>
      %or3A_681 = arith.ori %eq3A_679, %ne3A_680 : vector<16xi1>
      %gather3A_682 = tpu.vector_load_idx %arg9[%get3A_525] masked %or3A_681 : memref<10240xf32, #tpu.memory_space<vmem>>[vector<16xi32>], vector<16xf32>, vector<16xi1>
      %max3A_683 = arith.maximumf %gather3A_682, %select_n3A_660 : vector<16xf32>
      tpu.vector_store_idx %arg9[%get3A_525], %max3A_683 masked %or3A_681 : memref<10240xf32, #tpu.memory_space<vmem>>[vector<16xi32>], vector<16xf32>, vector<16xi1>
      %get3A_684 = arith.index_cast %scan3A_51 : i32 to index
      %get3A_685 = arith.constant 64 : index
      %get3A_686 = tpu.vector_load %arg7[%get3A_684, %get3A_685] {strides = array<i32>} : memref<40x128xi32, #tpu.memory_space<vmem>>, vector<16xi32>,
      %get3A_687 = arith.index_cast %scan3A_51 : i32 to index
      %get3A_688 = arith.constant 64 : index
      %get3A_689 = tpu.vector_load %arg8[%get3A_687, %get3A_688] {strides = array<i32>} : memref<40x128xf32, #tpu.memory_space<vmem>>, vector<16xf32>,
      %sub3A_690 = arith.constant 1 : i32
      %sub3A_691 = vector.broadcast %sub3A_690 : i32 to vector<16xi32>
      %sub3A_692 = arith.subi %iota3A, %sub3A_691 : vector<16xi32>
      %max3A_693 = arith.constant 0 : i32
      %max3A_694 = vector.broadcast %max3A_693 : i32 to vector<16xi32>
      %max3A_695 = arith.maxsi %sub3A_692, %max3A_694 : vector<16xi32>
      %lt3A_696 = arith.constant 0 : i32
      %lt3A_697 = vector.broadcast %lt3A_696 : i32 to vector<16xi32>
      %lt3A_698 = arith.cmpi slt, %max3A_695, %lt3A_697 : vector<16xi32>
      %add3A_699 = arith.constant 16 : i32
      %add3A_700 = vector.broadcast %add3A_699 : i32 to vector<16xi32>
      %add3A_701 = arith.addi %max3A_695, %add3A_700 : vector<16xi32>
      %select_n3A_702 = arith.select %lt3A_698, %add3A_701, %max3A_695 : vector<16xi1>, vector<16xi32>
      %broadcast_in_dim3A_703 = vector.shape_cast %select_n3A_702 : vector<16xi32> to vector<16x1xi32>
      %gather3A_704 = vector.shape_cast %broadcast_in_dim3A_703 : vector<16x1xi32> to vector<16xi32>
      %gather3A_705 = tpu.dynamic_gather %get3A_689[%gather3A_704] in [0] : vector<16xf32>, vector<16xi32> -> vector<16xf32>
      %lt3A_706 = arith.constant 0 : i32
      %lt3A_707 = vector.broadcast %lt3A_706 : i32 to vector<16xi32>
      %lt3A_708 = arith.cmpi slt, %max3A_695, %lt3A_707 : vector<16xi32>
      %add3A_709 = arith.constant 16 : i32
      %add3A_710 = vector.broadcast %add3A_709 : i32 to vector<16xi32>
      %add3A_711 = arith.addi %max3A_695, %add3A_710 : vector<16xi32>
      %select_n3A_712 = arith.select %lt3A_708, %add3A_711, %max3A_695 : vector<16xi1>, vector<16xi32>
      %broadcast_in_dim3A_713 = vector.shape_cast %select_n3A_712 : vector<16xi32> to vector<16x1xi32>
      %gather3A_714 = vector.shape_cast %broadcast_in_dim3A_713 : vector<16x1xi32> to vector<16xi32>
      %gather3A_715 = tpu.dynamic_gather %get3A_686[%gather3A_714] in [0] : vector<16xi32>, vector<16xi32> -> vector<16xi32>
      %ge3A_716 = arith.constant 1 : i32
      %ge3A_717 = vector.broadcast %ge3A_716 : i32 to vector<16xi32>
      %ge3A_718 = arith.cmpi sge, %iota3A, %ge3A_717 : vector<16xi32>
      %eq3A_719 = arith.cmpi eq, %gather3A_715, %get3A_686 : vector<16xi32>
      %and3A_720 = arith.andi %ge3A_718, %eq3A_719 : vector<16xi1>
      %max3A_721 = arith.maximumf %get3A_689, %gather3A_705 : vector<16xf32>
      %select_n3A_722 = arith.select %and3A_720, %max3A_721, %get3A_689 : vector<16xi1>, vector<16xf32>
      %sub3A_723 = arith.constant 2 : i32
      %sub3A_724 = vector.broadcast %sub3A_723 : i32 to vector<16xi32>
      %sub3A_725 = arith.subi %iota3A, %sub3A_724 : vector<16xi32>
      %max3A_726 = arith.constant 0 : i32
      %max3A_727 = vector.broadcast %max3A_726 : i32 to vector<16xi32>
      %max3A_728 = arith.maxsi %sub3A_725, %max3A_727 : vector<16xi32>
      %lt3A_729 = arith.constant 0 : i32
      %lt3A_730 = vector.broadcast %lt3A_729 : i32 to vector<16xi32>
      %lt3A_731 = arith.cmpi slt, %max3A_728, %lt3A_730 : vector<16xi32>
      %add3A_732 = arith.constant 16 : i32
      %add3A_733 = vector.broadcast %add3A_732 : i32 to vector<16xi32>
      %add3A_734 = arith.addi %max3A_728, %add3A_733 : vector<16xi32>
      %select_n3A_735 = arith.select %lt3A_731, %add3A_734, %max3A_728 : vector<16xi1>, vector<16xi32>
      %broadcast_in_dim3A_736 = vector.shape_cast %select_n3A_735 : vector<16xi32> to vector<16x1xi32>
      %gather3A_737 = vector.shape_cast %broadcast_in_dim3A_736 : vector<16x1xi32> to vector<16xi32>
      %gather3A_738 = tpu.dynamic_gather %select_n3A_722[%gather3A_737] in [0] : vector<16xf32>, vector<16xi32> -> vector<16xf32>
      %lt3A_739 = arith.constant 0 : i32
      %lt3A_740 = vector.broadcast %lt3A_739 : i32 to vector<16xi32>
      %lt3A_741 = arith.cmpi slt, %max3A_728, %lt3A_740 : vector<16xi32>
      %add3A_742 = arith.constant 16 : i32
      %add3A_743 = vector.broadcast %add3A_742 : i32 to vector<16xi32>
      %add3A_744 = arith.addi %max3A_728, %add3A_743 : vector<16xi32>
      %select_n3A_745 = arith.select %lt3A_741, %add3A_744, %max3A_728 : vector<16xi1>, vector<16xi32>
      %broadcast_in_dim3A_746 = vector.shape_cast %select_n3A_745 : vector<16xi32> to vector<16x1xi32>
      %gather3A_747 = vector.shape_cast %broadcast_in_dim3A_746 : vector<16x1xi32> to vector<16xi32>
      %gather3A_748 = tpu.dynamic_gather %get3A_686[%gather3A_747] in [0] : vector<16xi32>, vector<16xi32> -> vector<16xi32>
      %ge3A_749 = arith.constant 2 : i32
      %ge3A_750 = vector.broadcast %ge3A_749 : i32 to vector<16xi32>
      %ge3A_751 = arith.cmpi sge, %iota3A, %ge3A_750 : vector<16xi32>
      %eq3A_752 = arith.cmpi eq, %gather3A_748, %get3A_686 : vector<16xi32>
      %and3A_753 = arith.andi %ge3A_751, %eq3A_752 : vector<16xi1>
      %max3A_754 = arith.maximumf %select_n3A_722, %gather3A_738 : vector<16xf32>
      %select_n3A_755 = arith.select %and3A_753, %max3A_754, %select_n3A_722 : vector<16xi1>, vector<16xf32>
      %sub3A_756 = arith.constant 4 : i32
      %sub3A_757 = vector.broadcast %sub3A_756 : i32 to vector<16xi32>
      %sub3A_758 = arith.subi %iota3A, %sub3A_757 : vector<16xi32>
      %max3A_759 = arith.constant 0 : i32
      %max3A_760 = vector.broadcast %max3A_759 : i32 to vector<16xi32>
      %max3A_761 = arith.maxsi %sub3A_758, %max3A_760 : vector<16xi32>
      %lt3A_762 = arith.constant 0 : i32
      %lt3A_763 = vector.broadcast %lt3A_762 : i32 to vector<16xi32>
      %lt3A_764 = arith.cmpi slt, %max3A_761, %lt3A_763 : vector<16xi32>
      %add3A_765 = arith.constant 16 : i32
      %add3A_766 = vector.broadcast %add3A_765 : i32 to vector<16xi32>
      %add3A_767 = arith.addi %max3A_761, %add3A_766 : vector<16xi32>
      %select_n3A_768 = arith.select %lt3A_764, %add3A_767, %max3A_761 : vector<16xi1>, vector<16xi32>
      %broadcast_in_dim3A_769 = vector.shape_cast %select_n3A_768 : vector<16xi32> to vector<16x1xi32>
      %gather3A_770 = vector.shape_cast %broadcast_in_dim3A_769 : vector<16x1xi32> to vector<16xi32>
      %gather3A_771 = tpu.dynamic_gather %select_n3A_755[%gather3A_770] in [0] : vector<16xf32>, vector<16xi32> -> vector<16xf32>
      %lt3A_772 = arith.constant 0 : i32
      %lt3A_773 = vector.broadcast %lt3A_772 : i32 to vector<16xi32>
      %lt3A_774 = arith.cmpi slt, %max3A_761, %lt3A_773 : vector<16xi32>
      %add3A_775 = arith.constant 16 : i32
      %add3A_776 = vector.broadcast %add3A_775 : i32 to vector<16xi32>
      %add3A_777 = arith.addi %max3A_761, %add3A_776 : vector<16xi32>
      %select_n3A_778 = arith.select %lt3A_774, %add3A_777, %max3A_761 : vector<16xi1>, vector<16xi32>
      %broadcast_in_dim3A_779 = vector.shape_cast %select_n3A_778 : vector<16xi32> to vector<16x1xi32>
      %gather3A_780 = vector.shape_cast %broadcast_in_dim3A_779 : vector<16x1xi32> to vector<16xi32>
      %gather3A_781 = tpu.dynamic_gather %get3A_686[%gather3A_780] in [0] : vector<16xi32>, vector<16xi32> -> vector<16xi32>
      %ge3A_782 = arith.constant 4 : i32
      %ge3A_783 = vector.broadcast %ge3A_782 : i32 to vector<16xi32>
      %ge3A_784 = arith.cmpi sge, %iota3A, %ge3A_783 : vector<16xi32>
      %eq3A_785 = arith.cmpi eq, %gather3A_781, %get3A_686 : vector<16xi32>
      %and3A_786 = arith.andi %ge3A_784, %eq3A_785 : vector<16xi1>
      %max3A_787 = arith.maximumf %select_n3A_755, %gather3A_771 : vector<16xf32>
      %select_n3A_788 = arith.select %and3A_786, %max3A_787, %select_n3A_755 : vector<16xi1>, vector<16xf32>
      %sub3A_789 = arith.constant 8 : i32
      %sub3A_790 = vector.broadcast %sub3A_789 : i32 to vector<16xi32>
      %sub3A_791 = arith.subi %iota3A, %sub3A_790 : vector<16xi32>
      %max3A_792 = arith.constant 0 : i32
      %max3A_793 = vector.broadcast %max3A_792 : i32 to vector<16xi32>
      %max3A_794 = arith.maxsi %sub3A_791, %max3A_793 : vector<16xi32>
      %lt3A_795 = arith.constant 0 : i32
      %lt3A_796 = vector.broadcast %lt3A_795 : i32 to vector<16xi32>
      %lt3A_797 = arith.cmpi slt, %max3A_794, %lt3A_796 : vector<16xi32>
      %add3A_798 = arith.constant 16 : i32
      %add3A_799 = vector.broadcast %add3A_798 : i32 to vector<16xi32>
      %add3A_800 = arith.addi %max3A_794, %add3A_799 : vector<16xi32>
      %select_n3A_801 = arith.select %lt3A_797, %add3A_800, %max3A_794 : vector<16xi1>, vector<16xi32>
      %broadcast_in_dim3A_802 = vector.shape_cast %select_n3A_801 : vector<16xi32> to vector<16x1xi32>
      %gather3A_803 = vector.shape_cast %broadcast_in_dim3A_802 : vector<16x1xi32> to vector<16xi32>
      %gather3A_804 = tpu.dynamic_gather %select_n3A_788[%gather3A_803] in [0] : vector<16xf32>, vector<16xi32> -> vector<16xf32>
      %lt3A_805 = arith.constant 0 : i32
      %lt3A_806 = vector.broadcast %lt3A_805 : i32 to vector<16xi32>
      %lt3A_807 = arith.cmpi slt, %max3A_794, %lt3A_806 : vector<16xi32>
      %add3A_808 = arith.constant 16 : i32
      %add3A_809 = vector.broadcast %add3A_808 : i32 to vector<16xi32>
      %add3A_810 = arith.addi %max3A_794, %add3A_809 : vector<16xi32>
      %select_n3A_811 = arith.select %lt3A_807, %add3A_810, %max3A_794 : vector<16xi1>, vector<16xi32>
      %broadcast_in_dim3A_812 = vector.shape_cast %select_n3A_811 : vector<16xi32> to vector<16x1xi32>
      %gather3A_813 = vector.shape_cast %broadcast_in_dim3A_812 : vector<16x1xi32> to vector<16xi32>
      %gather3A_814 = tpu.dynamic_gather %get3A_686[%gather3A_813] in [0] : vector<16xi32>, vector<16xi32> -> vector<16xi32>
      %ge3A_815 = arith.constant 8 : i32
      %ge3A_816 = vector.broadcast %ge3A_815 : i32 to vector<16xi32>
      %ge3A_817 = arith.cmpi sge, %iota3A, %ge3A_816 : vector<16xi32>
      %eq3A_818 = arith.cmpi eq, %gather3A_814, %get3A_686 : vector<16xi32>
      %and3A_819 = arith.andi %ge3A_817, %eq3A_818 : vector<16xi1>
      %max3A_820 = arith.maximumf %select_n3A_788, %gather3A_804 : vector<16xf32>
      %select_n3A_821 = arith.select %and3A_819, %max3A_820, %select_n3A_788 : vector<16xi1>, vector<16xf32>
      %add3A_822 = arith.constant 1 : i32
      %add3A_823 = vector.broadcast %add3A_822 : i32 to vector<16xi32>
      %add3A_824 = arith.addi %iota3A, %add3A_823 : vector<16xi32>
      %min3A_825 = arith.constant 15 : i32
      %min3A_826 = vector.broadcast %min3A_825 : i32 to vector<16xi32>
      %min3A_827 = arith.minsi %add3A_824, %min3A_826 : vector<16xi32>
      %lt3A_828 = arith.constant 0 : i32
      %lt3A_829 = vector.broadcast %lt3A_828 : i32 to vector<16xi32>
      %lt3A_830 = arith.cmpi slt, %min3A_827, %lt3A_829 : vector<16xi32>
      %add3A_831 = arith.constant 16 : i32
      %add3A_832 = vector.broadcast %add3A_831 : i32 to vector<16xi32>
      %add3A_833 = arith.addi %min3A_827, %add3A_832 : vector<16xi32>
      %select_n3A_834 = arith.select %lt3A_830, %add3A_833, %min3A_827 : vector<16xi1>, vector<16xi32>
      %broadcast_in_dim3A_835 = vector.shape_cast %select_n3A_834 : vector<16xi32> to vector<16x1xi32>
      %gather3A_836 = vector.shape_cast %broadcast_in_dim3A_835 : vector<16x1xi32> to vector<16xi32>
      %gather3A_837 = tpu.dynamic_gather %get3A_686[%gather3A_836] in [0] : vector<16xi32>, vector<16xi32> -> vector<16xi32>
      %eq3A_838 = arith.constant 15 : i32
      %eq3A_839 = vector.broadcast %eq3A_838 : i32 to vector<16xi32>
      %eq3A_840 = arith.cmpi eq, %iota3A, %eq3A_839 : vector<16xi32>
      %ne3A_841 = arith.cmpi ne, %gather3A_837, %get3A_686 : vector<16xi32>
      %or3A_842 = arith.ori %eq3A_840, %ne3A_841 : vector<16xi1>
      %gather3A_843 = tpu.vector_load_idx %arg9[%get3A_686] masked %or3A_842 : memref<10240xf32, #tpu.memory_space<vmem>>[vector<16xi32>], vector<16xf32>, vector<16xi1>
      %max3A_844 = arith.maximumf %gather3A_843, %select_n3A_821 : vector<16xf32>
      tpu.vector_store_idx %arg9[%get3A_686], %max3A_844 masked %or3A_842 : memref<10240xf32, #tpu.memory_space<vmem>>[vector<16xi32>], vector<16xf32>, vector<16xi1>
      %get3A_845 = arith.index_cast %scan3A_51 : i32 to index
      %get3A_846 = arith.constant 80 : index
      %get3A_847 = tpu.vector_load %arg7[%get3A_845, %get3A_846] {strides = array<i32>} : memref<40x128xi32, #tpu.memory_space<vmem>>, vector<16xi32>,
      %get3A_848 = arith.index_cast %scan3A_51 : i32 to index
      %get3A_849 = arith.constant 80 : index
      %get3A_850 = tpu.vector_load %arg8[%get3A_848, %get3A_849] {strides = array<i32>} : memref<40x128xf32, #tpu.memory_space<vmem>>, vector<16xf32>,
      %sub3A_851 = arith.constant 1 : i32
      %sub3A_852 = vector.broadcast %sub3A_851 : i32 to vector<16xi32>
      %sub3A_853 = arith.subi %iota3A, %sub3A_852 : vector<16xi32>
      %max3A_854 = arith.constant 0 : i32
      %max3A_855 = vector.broadcast %max3A_854 : i32 to vector<16xi32>
      %max3A_856 = arith.maxsi %sub3A_853, %max3A_855 : vector<16xi32>
      %lt3A_857 = arith.constant 0 : i32
      %lt3A_858 = vector.broadcast %lt3A_857 : i32 to vector<16xi32>
      %lt3A_859 = arith.cmpi slt, %max3A_856, %lt3A_858 : vector<16xi32>
      %add3A_860 = arith.constant 16 : i32
      %add3A_861 = vector.broadcast %add3A_860 : i32 to vector<16xi32>
      %add3A_862 = arith.addi %max3A_856, %add3A_861 : vector<16xi32>
      %select_n3A_863 = arith.select %lt3A_859, %add3A_862, %max3A_856 : vector<16xi1>, vector<16xi32>
      %broadcast_in_dim3A_864 = vector.shape_cast %select_n3A_863 : vector<16xi32> to vector<16x1xi32>
      %gather3A_865 = vector.shape_cast %broadcast_in_dim3A_864 : vector<16x1xi32> to vector<16xi32>
      %gather3A_866 = tpu.dynamic_gather %get3A_850[%gather3A_865] in [0] : vector<16xf32>, vector<16xi32> -> vector<16xf32>
      %lt3A_867 = arith.constant 0 : i32
      %lt3A_868 = vector.broadcast %lt3A_867 : i32 to vector<16xi32>
      %lt3A_869 = arith.cmpi slt, %max3A_856, %lt3A_868 : vector<16xi32>
      %add3A_870 = arith.constant 16 : i32
      %add3A_871 = vector.broadcast %add3A_870 : i32 to vector<16xi32>
      %add3A_872 = arith.addi %max3A_856, %add3A_871 : vector<16xi32>
      %select_n3A_873 = arith.select %lt3A_869, %add3A_872, %max3A_856 : vector<16xi1>, vector<16xi32>
      %broadcast_in_dim3A_874 = vector.shape_cast %select_n3A_873 : vector<16xi32> to vector<16x1xi32>
      %gather3A_875 = vector.shape_cast %broadcast_in_dim3A_874 : vector<16x1xi32> to vector<16xi32>
      %gather3A_876 = tpu.dynamic_gather %get3A_847[%gather3A_875] in [0] : vector<16xi32>, vector<16xi32> -> vector<16xi32>
      %ge3A_877 = arith.constant 1 : i32
      %ge3A_878 = vector.broadcast %ge3A_877 : i32 to vector<16xi32>
      %ge3A_879 = arith.cmpi sge, %iota3A, %ge3A_878 : vector<16xi32>
      %eq3A_880 = arith.cmpi eq, %gather3A_876, %get3A_847 : vector<16xi32>
      %and3A_881 = arith.andi %ge3A_879, %eq3A_880 : vector<16xi1>
      %max3A_882 = arith.maximumf %get3A_850, %gather3A_866 : vector<16xf32>
      %select_n3A_883 = arith.select %and3A_881, %max3A_882, %get3A_850 : vector<16xi1>, vector<16xf32>
      %sub3A_884 = arith.constant 2 : i32
      %sub3A_885 = vector.broadcast %sub3A_884 : i32 to vector<16xi32>
      %sub3A_886 = arith.subi %iota3A, %sub3A_885 : vector<16xi32>
      %max3A_887 = arith.constant 0 : i32
      %max3A_888 = vector.broadcast %max3A_887 : i32 to vector<16xi32>
      %max3A_889 = arith.maxsi %sub3A_886, %max3A_888 : vector<16xi32>
      %lt3A_890 = arith.constant 0 : i32
      %lt3A_891 = vector.broadcast %lt3A_890 : i32 to vector<16xi32>
      %lt3A_892 = arith.cmpi slt, %max3A_889, %lt3A_891 : vector<16xi32>
      %add3A_893 = arith.constant 16 : i32
      %add3A_894 = vector.broadcast %add3A_893 : i32 to vector<16xi32>
      %add3A_895 = arith.addi %max3A_889, %add3A_894 : vector<16xi32>
      %select_n3A_896 = arith.select %lt3A_892, %add3A_895, %max3A_889 : vector<16xi1>, vector<16xi32>
      %broadcast_in_dim3A_897 = vector.shape_cast %select_n3A_896 : vector<16xi32> to vector<16x1xi32>
      %gather3A_898 = vector.shape_cast %broadcast_in_dim3A_897 : vector<16x1xi32> to vector<16xi32>
      %gather3A_899 = tpu.dynamic_gather %select_n3A_883[%gather3A_898] in [0] : vector<16xf32>, vector<16xi32> -> vector<16xf32>
      %lt3A_900 = arith.constant 0 : i32
      %lt3A_901 = vector.broadcast %lt3A_900 : i32 to vector<16xi32>
      %lt3A_902 = arith.cmpi slt, %max3A_889, %lt3A_901 : vector<16xi32>
      %add3A_903 = arith.constant 16 : i32
      %add3A_904 = vector.broadcast %add3A_903 : i32 to vector<16xi32>
      %add3A_905 = arith.addi %max3A_889, %add3A_904 : vector<16xi32>
      %select_n3A_906 = arith.select %lt3A_902, %add3A_905, %max3A_889 : vector<16xi1>, vector<16xi32>
      %broadcast_in_dim3A_907 = vector.shape_cast %select_n3A_906 : vector<16xi32> to vector<16x1xi32>
      %gather3A_908 = vector.shape_cast %broadcast_in_dim3A_907 : vector<16x1xi32> to vector<16xi32>
      %gather3A_909 = tpu.dynamic_gather %get3A_847[%gather3A_908] in [0] : vector<16xi32>, vector<16xi32> -> vector<16xi32>
      %ge3A_910 = arith.constant 2 : i32
      %ge3A_911 = vector.broadcast %ge3A_910 : i32 to vector<16xi32>
      %ge3A_912 = arith.cmpi sge, %iota3A, %ge3A_911 : vector<16xi32>
      %eq3A_913 = arith.cmpi eq, %gather3A_909, %get3A_847 : vector<16xi32>
      %and3A_914 = arith.andi %ge3A_912, %eq3A_913 : vector<16xi1>
      %max3A_915 = arith.maximumf %select_n3A_883, %gather3A_899 : vector<16xf32>
      %select_n3A_916 = arith.select %and3A_914, %max3A_915, %select_n3A_883 : vector<16xi1>, vector<16xf32>
      %sub3A_917 = arith.constant 4 : i32
      %sub3A_918 = vector.broadcast %sub3A_917 : i32 to vector<16xi32>
      %sub3A_919 = arith.subi %iota3A, %sub3A_918 : vector<16xi32>
      %max3A_920 = arith.constant 0 : i32
      %max3A_921 = vector.broadcast %max3A_920 : i32 to vector<16xi32>
      %max3A_922 = arith.maxsi %sub3A_919, %max3A_921 : vector<16xi32>
      %lt3A_923 = arith.constant 0 : i32
      %lt3A_924 = vector.broadcast %lt3A_923 : i32 to vector<16xi32>
      %lt3A_925 = arith.cmpi slt, %max3A_922, %lt3A_924 : vector<16xi32>
      %add3A_926 = arith.constant 16 : i32
      %add3A_927 = vector.broadcast %add3A_926 : i32 to vector<16xi32>
      %add3A_928 = arith.addi %max3A_922, %add3A_927 : vector<16xi32>
      %select_n3A_929 = arith.select %lt3A_925, %add3A_928, %max3A_922 : vector<16xi1>, vector<16xi32>
      %broadcast_in_dim3A_930 = vector.shape_cast %select_n3A_929 : vector<16xi32> to vector<16x1xi32>
      %gather3A_931 = vector.shape_cast %broadcast_in_dim3A_930 : vector<16x1xi32> to vector<16xi32>
      %gather3A_932 = tpu.dynamic_gather %select_n3A_916[%gather3A_931] in [0] : vector<16xf32>, vector<16xi32> -> vector<16xf32>
      %lt3A_933 = arith.constant 0 : i32
      %lt3A_934 = vector.broadcast %lt3A_933 : i32 to vector<16xi32>
      %lt3A_935 = arith.cmpi slt, %max3A_922, %lt3A_934 : vector<16xi32>
      %add3A_936 = arith.constant 16 : i32
      %add3A_937 = vector.broadcast %add3A_936 : i32 to vector<16xi32>
      %add3A_938 = arith.addi %max3A_922, %add3A_937 : vector<16xi32>
      %select_n3A_939 = arith.select %lt3A_935, %add3A_938, %max3A_922 : vector<16xi1>, vector<16xi32>
      %broadcast_in_dim3A_940 = vector.shape_cast %select_n3A_939 : vector<16xi32> to vector<16x1xi32>
      %gather3A_941 = vector.shape_cast %broadcast_in_dim3A_940 : vector<16x1xi32> to vector<16xi32>
      %gather3A_942 = tpu.dynamic_gather %get3A_847[%gather3A_941] in [0] : vector<16xi32>, vector<16xi32> -> vector<16xi32>
      %ge3A_943 = arith.constant 4 : i32
      %ge3A_944 = vector.broadcast %ge3A_943 : i32 to vector<16xi32>
      %ge3A_945 = arith.cmpi sge, %iota3A, %ge3A_944 : vector<16xi32>
      %eq3A_946 = arith.cmpi eq, %gather3A_942, %get3A_847 : vector<16xi32>
      %and3A_947 = arith.andi %ge3A_945, %eq3A_946 : vector<16xi1>
      %max3A_948 = arith.maximumf %select_n3A_916, %gather3A_932 : vector<16xf32>
      %select_n3A_949 = arith.select %and3A_947, %max3A_948, %select_n3A_916 : vector<16xi1>, vector<16xf32>
      %sub3A_950 = arith.constant 8 : i32
      %sub3A_951 = vector.broadcast %sub3A_950 : i32 to vector<16xi32>
      %sub3A_952 = arith.subi %iota3A, %sub3A_951 : vector<16xi32>
      %max3A_953 = arith.constant 0 : i32
      %max3A_954 = vector.broadcast %max3A_953 : i32 to vector<16xi32>
      %max3A_955 = arith.maxsi %sub3A_952, %max3A_954 : vector<16xi32>
      %lt3A_956 = arith.constant 0 : i32
      %lt3A_957 = vector.broadcast %lt3A_956 : i32 to vector<16xi32>
      %lt3A_958 = arith.cmpi slt, %max3A_955, %lt3A_957 : vector<16xi32>
      %add3A_959 = arith.constant 16 : i32
      %add3A_960 = vector.broadcast %add3A_959 : i32 to vector<16xi32>
      %add3A_961 = arith.addi %max3A_955, %add3A_960 : vector<16xi32>
      %select_n3A_962 = arith.select %lt3A_958, %add3A_961, %max3A_955 : vector<16xi1>, vector<16xi32>
      %broadcast_in_dim3A_963 = vector.shape_cast %select_n3A_962 : vector<16xi32> to vector<16x1xi32>
      %gather3A_964 = vector.shape_cast %broadcast_in_dim3A_963 : vector<16x1xi32> to vector<16xi32>
      %gather3A_965 = tpu.dynamic_gather %select_n3A_949[%gather3A_964] in [0] : vector<16xf32>, vector<16xi32> -> vector<16xf32>
      %lt3A_966 = arith.constant 0 : i32
      %lt3A_967 = vector.broadcast %lt3A_966 : i32 to vector<16xi32>
      %lt3A_968 = arith.cmpi slt, %max3A_955, %lt3A_967 : vector<16xi32>
      %add3A_969 = arith.constant 16 : i32
      %add3A_970 = vector.broadcast %add3A_969 : i32 to vector<16xi32>
      %add3A_971 = arith.addi %max3A_955, %add3A_970 : vector<16xi32>
      %select_n3A_972 = arith.select %lt3A_968, %add3A_971, %max3A_955 : vector<16xi1>, vector<16xi32>
      %broadcast_in_dim3A_973 = vector.shape_cast %select_n3A_972 : vector<16xi32> to vector<16x1xi32>
      %gather3A_974 = vector.shape_cast %broadcast_in_dim3A_973 : vector<16x1xi32> to vector<16xi32>
      %gather3A_975 = tpu.dynamic_gather %get3A_847[%gather3A_974] in [0] : vector<16xi32>, vector<16xi32> -> vector<16xi32>
      %ge3A_976 = arith.constant 8 : i32
      %ge3A_977 = vector.broadcast %ge3A_976 : i32 to vector<16xi32>
      %ge3A_978 = arith.cmpi sge, %iota3A, %ge3A_977 : vector<16xi32>
      %eq3A_979 = arith.cmpi eq, %gather3A_975, %get3A_847 : vector<16xi32>
      %and3A_980 = arith.andi %ge3A_978, %eq3A_979 : vector<16xi1>
      %max3A_981 = arith.maximumf %select_n3A_949, %gather3A_965 : vector<16xf32>
      %select_n3A_982 = arith.select %and3A_980, %max3A_981, %select_n3A_949 : vector<16xi1>, vector<16xf32>
      %add3A_983 = arith.constant 1 : i32
      %add3A_984 = vector.broadcast %add3A_983 : i32 to vector<16xi32>
      %add3A_985 = arith.addi %iota3A, %add3A_984 : vector<16xi32>
      %min3A_986 = arith.constant 15 : i32
      %min3A_987 = vector.broadcast %min3A_986 : i32 to vector<16xi32>
      %min3A_988 = arith.minsi %add3A_985, %min3A_987 : vector<16xi32>
      %lt3A_989 = arith.constant 0 : i32
      %lt3A_990 = vector.broadcast %lt3A_989 : i32 to vector<16xi32>
      %lt3A_991 = arith.cmpi slt, %min3A_988, %lt3A_990 : vector<16xi32>
      %add3A_992 = arith.constant 16 : i32
      %add3A_993 = vector.broadcast %add3A_992 : i32 to vector<16xi32>
      %add3A_994 = arith.addi %min3A_988, %add3A_993 : vector<16xi32>
      %select_n3A_995 = arith.select %lt3A_991, %add3A_994, %min3A_988 : vector<16xi1>, vector<16xi32>
      %broadcast_in_dim3A_996 = vector.shape_cast %select_n3A_995 : vector<16xi32> to vector<16x1xi32>
      %gather3A_997 = vector.shape_cast %broadcast_in_dim3A_996 : vector<16x1xi32> to vector<16xi32>
      %gather3A_998 = tpu.dynamic_gather %get3A_847[%gather3A_997] in [0] : vector<16xi32>, vector<16xi32> -> vector<16xi32>
      %eq3A_999 = arith.constant 15 : i32
      %eq3A_1000 = vector.broadcast %eq3A_999 : i32 to vector<16xi32>
      %eq3A_1001 = arith.cmpi eq, %iota3A, %eq3A_1000 : vector<16xi32>
      %ne3A_1002 = arith.cmpi ne, %gather3A_998, %get3A_847 : vector<16xi32>
      %or3A_1003 = arith.ori %eq3A_1001, %ne3A_1002 : vector<16xi1>
      %gather3A_1004 = tpu.vector_load_idx %arg9[%get3A_847] masked %or3A_1003 : memref<10240xf32, #tpu.memory_space<vmem>>[vector<16xi32>], vector<16xf32>, vector<16xi1>
      %max3A_1005 = arith.maximumf %gather3A_1004, %select_n3A_982 : vector<16xf32>
      tpu.vector_store_idx %arg9[%get3A_847], %max3A_1005 masked %or3A_1003 : memref<10240xf32, #tpu.memory_space<vmem>>[vector<16xi32>], vector<16xf32>, vector<16xi1>
      %get3A_1006 = arith.index_cast %scan3A_51 : i32 to index
      %get3A_1007 = arith.constant 96 : index
      %get3A_1008 = tpu.vector_load %arg7[%get3A_1006, %get3A_1007] {strides = array<i32>} : memref<40x128xi32, #tpu.memory_space<vmem>>, vector<16xi32>,
      %get3A_1009 = arith.index_cast %scan3A_51 : i32 to index
      %get3A_1010 = arith.constant 96 : index
      %get3A_1011 = tpu.vector_load %arg8[%get3A_1009, %get3A_1010] {strides = array<i32>} : memref<40x128xf32, #tpu.memory_space<vmem>>, vector<16xf32>,
      %sub3A_1012 = arith.constant 1 : i32
      %sub3A_1013 = vector.broadcast %sub3A_1012 : i32 to vector<16xi32>
      %sub3A_1014 = arith.subi %iota3A, %sub3A_1013 : vector<16xi32>
      %max3A_1015 = arith.constant 0 : i32
      %max3A_1016 = vector.broadcast %max3A_1015 : i32 to vector<16xi32>
      %max3A_1017 = arith.maxsi %sub3A_1014, %max3A_1016 : vector<16xi32>
      %lt3A_1018 = arith.constant 0 : i32
      %lt3A_1019 = vector.broadcast %lt3A_1018 : i32 to vector<16xi32>
      %lt3A_1020 = arith.cmpi slt, %max3A_1017, %lt3A_1019 : vector<16xi32>
      %add3A_1021 = arith.constant 16 : i32
      %add3A_1022 = vector.broadcast %add3A_1021 : i32 to vector<16xi32>
      %add3A_1023 = arith.addi %max3A_1017, %add3A_1022 : vector<16xi32>
      %select_n3A_1024 = arith.select %lt3A_1020, %add3A_1023, %max3A_1017 : vector<16xi1>, vector<16xi32>
      %broadcast_in_dim3A_1025 = vector.shape_cast %select_n3A_1024 : vector<16xi32> to vector<16x1xi32>
      %gather3A_1026 = vector.shape_cast %broadcast_in_dim3A_1025 : vector<16x1xi32> to vector<16xi32>
      %gather3A_1027 = tpu.dynamic_gather %get3A_1011[%gather3A_1026] in [0] : vector<16xf32>, vector<16xi32> -> vector<16xf32>
      %lt3A_1028 = arith.constant 0 : i32
      %lt3A_1029 = vector.broadcast %lt3A_1028 : i32 to vector<16xi32>
      %lt3A_1030 = arith.cmpi slt, %max3A_1017, %lt3A_1029 : vector<16xi32>
      %add3A_1031 = arith.constant 16 : i32
      %add3A_1032 = vector.broadcast %add3A_1031 : i32 to vector<16xi32>
      %add3A_1033 = arith.addi %max3A_1017, %add3A_1032 : vector<16xi32>
      %select_n3A_1034 = arith.select %lt3A_1030, %add3A_1033, %max3A_1017 : vector<16xi1>, vector<16xi32>
      %broadcast_in_dim3A_1035 = vector.shape_cast %select_n3A_1034 : vector<16xi32> to vector<16x1xi32>
      %gather3A_1036 = vector.shape_cast %broadcast_in_dim3A_1035 : vector<16x1xi32> to vector<16xi32>
      %gather3A_1037 = tpu.dynamic_gather %get3A_1008[%gather3A_1036] in [0] : vector<16xi32>, vector<16xi32> -> vector<16xi32>
      %ge3A_1038 = arith.constant 1 : i32
      %ge3A_1039 = vector.broadcast %ge3A_1038 : i32 to vector<16xi32>
      %ge3A_1040 = arith.cmpi sge, %iota3A, %ge3A_1039 : vector<16xi32>
      %eq3A_1041 = arith.cmpi eq, %gather3A_1037, %get3A_1008 : vector<16xi32>
      %and3A_1042 = arith.andi %ge3A_1040, %eq3A_1041 : vector<16xi1>
      %max3A_1043 = arith.maximumf %get3A_1011, %gather3A_1027 : vector<16xf32>
      %select_n3A_1044 = arith.select %and3A_1042, %max3A_1043, %get3A_1011 : vector<16xi1>, vector<16xf32>
      %sub3A_1045 = arith.constant 2 : i32
      %sub3A_1046 = vector.broadcast %sub3A_1045 : i32 to vector<16xi32>
      %sub3A_1047 = arith.subi %iota3A, %sub3A_1046 : vector<16xi32>
      %max3A_1048 = arith.constant 0 : i32
      %max3A_1049 = vector.broadcast %max3A_1048 : i32 to vector<16xi32>
      %max3A_1050 = arith.maxsi %sub3A_1047, %max3A_1049 : vector<16xi32>
      %lt3A_1051 = arith.constant 0 : i32
      %lt3A_1052 = vector.broadcast %lt3A_1051 : i32 to vector<16xi32>
      %lt3A_1053 = arith.cmpi slt, %max3A_1050, %lt3A_1052 : vector<16xi32>
      %add3A_1054 = arith.constant 16 : i32
      %add3A_1055 = vector.broadcast %add3A_1054 : i32 to vector<16xi32>
      %add3A_1056 = arith.addi %max3A_1050, %add3A_1055 : vector<16xi32>
      %select_n3A_1057 = arith.select %lt3A_1053, %add3A_1056, %max3A_1050 : vector<16xi1>, vector<16xi32>
      %broadcast_in_dim3A_1058 = vector.shape_cast %select_n3A_1057 : vector<16xi32> to vector<16x1xi32>
      %gather3A_1059 = vector.shape_cast %broadcast_in_dim3A_1058 : vector<16x1xi32> to vector<16xi32>
      %gather3A_1060 = tpu.dynamic_gather %select_n3A_1044[%gather3A_1059] in [0] : vector<16xf32>, vector<16xi32> -> vector<16xf32>
      %lt3A_1061 = arith.constant 0 : i32
      %lt3A_1062 = vector.broadcast %lt3A_1061 : i32 to vector<16xi32>
      %lt3A_1063 = arith.cmpi slt, %max3A_1050, %lt3A_1062 : vector<16xi32>
      %add3A_1064 = arith.constant 16 : i32
      %add3A_1065 = vector.broadcast %add3A_1064 : i32 to vector<16xi32>
      %add3A_1066 = arith.addi %max3A_1050, %add3A_1065 : vector<16xi32>
      %select_n3A_1067 = arith.select %lt3A_1063, %add3A_1066, %max3A_1050 : vector<16xi1>, vector<16xi32>
      %broadcast_in_dim3A_1068 = vector.shape_cast %select_n3A_1067 : vector<16xi32> to vector<16x1xi32>
      %gather3A_1069 = vector.shape_cast %broadcast_in_dim3A_1068 : vector<16x1xi32> to vector<16xi32>
      %gather3A_1070 = tpu.dynamic_gather %get3A_1008[%gather3A_1069] in [0] : vector<16xi32>, vector<16xi32> -> vector<16xi32>
      %ge3A_1071 = arith.constant 2 : i32
      %ge3A_1072 = vector.broadcast %ge3A_1071 : i32 to vector<16xi32>
      %ge3A_1073 = arith.cmpi sge, %iota3A, %ge3A_1072 : vector<16xi32>
      %eq3A_1074 = arith.cmpi eq, %gather3A_1070, %get3A_1008 : vector<16xi32>
      %and3A_1075 = arith.andi %ge3A_1073, %eq3A_1074 : vector<16xi1>
      %max3A_1076 = arith.maximumf %select_n3A_1044, %gather3A_1060 : vector<16xf32>
      %select_n3A_1077 = arith.select %and3A_1075, %max3A_1076, %select_n3A_1044 : vector<16xi1>, vector<16xf32>
      %sub3A_1078 = arith.constant 4 : i32
      %sub3A_1079 = vector.broadcast %sub3A_1078 : i32 to vector<16xi32>
      %sub3A_1080 = arith.subi %iota3A, %sub3A_1079 : vector<16xi32>
      %max3A_1081 = arith.constant 0 : i32
      %max3A_1082 = vector.broadcast %max3A_1081 : i32 to vector<16xi32>
      %max3A_1083 = arith.maxsi %sub3A_1080, %max3A_1082 : vector<16xi32>
      %lt3A_1084 = arith.constant 0 : i32
      %lt3A_1085 = vector.broadcast %lt3A_1084 : i32 to vector<16xi32>
      %lt3A_1086 = arith.cmpi slt, %max3A_1083, %lt3A_1085 : vector<16xi32>
      %add3A_1087 = arith.constant 16 : i32
      %add3A_1088 = vector.broadcast %add3A_1087 : i32 to vector<16xi32>
      %add3A_1089 = arith.addi %max3A_1083, %add3A_1088 : vector<16xi32>
      %select_n3A_1090 = arith.select %lt3A_1086, %add3A_1089, %max3A_1083 : vector<16xi1>, vector<16xi32>
      %broadcast_in_dim3A_1091 = vector.shape_cast %select_n3A_1090 : vector<16xi32> to vector<16x1xi32>
      %gather3A_1092 = vector.shape_cast %broadcast_in_dim3A_1091 : vector<16x1xi32> to vector<16xi32>
      %gather3A_1093 = tpu.dynamic_gather %select_n3A_1077[%gather3A_1092] in [0] : vector<16xf32>, vector<16xi32> -> vector<16xf32>
      %lt3A_1094 = arith.constant 0 : i32
      %lt3A_1095 = vector.broadcast %lt3A_1094 : i32 to vector<16xi32>
      %lt3A_1096 = arith.cmpi slt, %max3A_1083, %lt3A_1095 : vector<16xi32>
      %add3A_1097 = arith.constant 16 : i32
      %add3A_1098 = vector.broadcast %add3A_1097 : i32 to vector<16xi32>
      %add3A_1099 = arith.addi %max3A_1083, %add3A_1098 : vector<16xi32>
      %select_n3A_1100 = arith.select %lt3A_1096, %add3A_1099, %max3A_1083 : vector<16xi1>, vector<16xi32>
      %broadcast_in_dim3A_1101 = vector.shape_cast %select_n3A_1100 : vector<16xi32> to vector<16x1xi32>
      %gather3A_1102 = vector.shape_cast %broadcast_in_dim3A_1101 : vector<16x1xi32> to vector<16xi32>
      %gather3A_1103 = tpu.dynamic_gather %get3A_1008[%gather3A_1102] in [0] : vector<16xi32>, vector<16xi32> -> vector<16xi32>
      %ge3A_1104 = arith.constant 4 : i32
      %ge3A_1105 = vector.broadcast %ge3A_1104 : i32 to vector<16xi32>
      %ge3A_1106 = arith.cmpi sge, %iota3A, %ge3A_1105 : vector<16xi32>
      %eq3A_1107 = arith.cmpi eq, %gather3A_1103, %get3A_1008 : vector<16xi32>
      %and3A_1108 = arith.andi %ge3A_1106, %eq3A_1107 : vector<16xi1>
      %max3A_1109 = arith.maximumf %select_n3A_1077, %gather3A_1093 : vector<16xf32>
      %select_n3A_1110 = arith.select %and3A_1108, %max3A_1109, %select_n3A_1077 : vector<16xi1>, vector<16xf32>
      %sub3A_1111 = arith.constant 8 : i32
      %sub3A_1112 = vector.broadcast %sub3A_1111 : i32 to vector<16xi32>
      %sub3A_1113 = arith.subi %iota3A, %sub3A_1112 : vector<16xi32>
      %max3A_1114 = arith.constant 0 : i32
      %max3A_1115 = vector.broadcast %max3A_1114 : i32 to vector<16xi32>
      %max3A_1116 = arith.maxsi %sub3A_1113, %max3A_1115 : vector<16xi32>
      %lt3A_1117 = arith.constant 0 : i32
      %lt3A_1118 = vector.broadcast %lt3A_1117 : i32 to vector<16xi32>
      %lt3A_1119 = arith.cmpi slt, %max3A_1116, %lt3A_1118 : vector<16xi32>
      %add3A_1120 = arith.constant 16 : i32
      %add3A_1121 = vector.broadcast %add3A_1120 : i32 to vector<16xi32>
      %add3A_1122 = arith.addi %max3A_1116, %add3A_1121 : vector<16xi32>
      %select_n3A_1123 = arith.select %lt3A_1119, %add3A_1122, %max3A_1116 : vector<16xi1>, vector<16xi32>
      %broadcast_in_dim3A_1124 = vector.shape_cast %select_n3A_1123 : vector<16xi32> to vector<16x1xi32>
      %gather3A_1125 = vector.shape_cast %broadcast_in_dim3A_1124 : vector<16x1xi32> to vector<16xi32>
      %gather3A_1126 = tpu.dynamic_gather %select_n3A_1110[%gather3A_1125] in [0] : vector<16xf32>, vector<16xi32> -> vector<16xf32>
      %lt3A_1127 = arith.constant 0 : i32
      %lt3A_1128 = vector.broadcast %lt3A_1127 : i32 to vector<16xi32>
      %lt3A_1129 = arith.cmpi slt, %max3A_1116, %lt3A_1128 : vector<16xi32>
      %add3A_1130 = arith.constant 16 : i32
      %add3A_1131 = vector.broadcast %add3A_1130 : i32 to vector<16xi32>
      %add3A_1132 = arith.addi %max3A_1116, %add3A_1131 : vector<16xi32>
      %select_n3A_1133 = arith.select %lt3A_1129, %add3A_1132, %max3A_1116 : vector<16xi1>, vector<16xi32>
      %broadcast_in_dim3A_1134 = vector.shape_cast %select_n3A_1133 : vector<16xi32> to vector<16x1xi32>
      %gather3A_1135 = vector.shape_cast %broadcast_in_dim3A_1134 : vector<16x1xi32> to vector<16xi32>
      %gather3A_1136 = tpu.dynamic_gather %get3A_1008[%gather3A_1135] in [0] : vector<16xi32>, vector<16xi32> -> vector<16xi32>
      %ge3A_1137 = arith.constant 8 : i32
      %ge3A_1138 = vector.broadcast %ge3A_1137 : i32 to vector<16xi32>
      %ge3A_1139 = arith.cmpi sge, %iota3A, %ge3A_1138 : vector<16xi32>
      %eq3A_1140 = arith.cmpi eq, %gather3A_1136, %get3A_1008 : vector<16xi32>
      %and3A_1141 = arith.andi %ge3A_1139, %eq3A_1140 : vector<16xi1>
      %max3A_1142 = arith.maximumf %select_n3A_1110, %gather3A_1126 : vector<16xf32>
      %select_n3A_1143 = arith.select %and3A_1141, %max3A_1142, %select_n3A_1110 : vector<16xi1>, vector<16xf32>
      %add3A_1144 = arith.constant 1 : i32
      %add3A_1145 = vector.broadcast %add3A_1144 : i32 to vector<16xi32>
      %add3A_1146 = arith.addi %iota3A, %add3A_1145 : vector<16xi32>
      %min3A_1147 = arith.constant 15 : i32
      %min3A_1148 = vector.broadcast %min3A_1147 : i32 to vector<16xi32>
      %min3A_1149 = arith.minsi %add3A_1146, %min3A_1148 : vector<16xi32>
      %lt3A_1150 = arith.constant 0 : i32
      %lt3A_1151 = vector.broadcast %lt3A_1150 : i32 to vector<16xi32>
      %lt3A_1152 = arith.cmpi slt, %min3A_1149, %lt3A_1151 : vector<16xi32>
      %add3A_1153 = arith.constant 16 : i32
      %add3A_1154 = vector.broadcast %add3A_1153 : i32 to vector<16xi32>
      %add3A_1155 = arith.addi %min3A_1149, %add3A_1154 : vector<16xi32>
      %select_n3A_1156 = arith.select %lt3A_1152, %add3A_1155, %min3A_1149 : vector<16xi1>, vector<16xi32>
      %broadcast_in_dim3A_1157 = vector.shape_cast %select_n3A_1156 : vector<16xi32> to vector<16x1xi32>
      %gather3A_1158 = vector.shape_cast %broadcast_in_dim3A_1157 : vector<16x1xi32> to vector<16xi32>
      %gather3A_1159 = tpu.dynamic_gather %get3A_1008[%gather3A_1158] in [0] : vector<16xi32>, vector<16xi32> -> vector<16xi32>
      %eq3A_1160 = arith.constant 15 : i32
      %eq3A_1161 = vector.broadcast %eq3A_1160 : i32 to vector<16xi32>
      %eq3A_1162 = arith.cmpi eq, %iota3A, %eq3A_1161 : vector<16xi32>
      %ne3A_1163 = arith.cmpi ne, %gather3A_1159, %get3A_1008 : vector<16xi32>
      %or3A_1164 = arith.ori %eq3A_1162, %ne3A_1163 : vector<16xi1>
      %gather3A_1165 = tpu.vector_load_idx %arg9[%get3A_1008] masked %or3A_1164 : memref<10240xf32, #tpu.memory_space<vmem>>[vector<16xi32>], vector<16xf32>, vector<16xi1>
      %max3A_1166 = arith.maximumf %gather3A_1165, %select_n3A_1143 : vector<16xf32>
      tpu.vector_store_idx %arg9[%get3A_1008], %max3A_1166 masked %or3A_1164 : memref<10240xf32, #tpu.memory_space<vmem>>[vector<16xi32>], vector<16xf32>, vector<16xi1>
      %get3A_1167 = arith.index_cast %scan3A_51 : i32 to index
      %get3A_1168 = arith.constant 112 : index
      %get3A_1169 = tpu.vector_load %arg7[%get3A_1167, %get3A_1168] {strides = array<i32>} : memref<40x128xi32, #tpu.memory_space<vmem>>, vector<16xi32>,
      %get3A_1170 = arith.index_cast %scan3A_51 : i32 to index
      %get3A_1171 = arith.constant 112 : index
      %get3A_1172 = tpu.vector_load %arg8[%get3A_1170, %get3A_1171] {strides = array<i32>} : memref<40x128xf32, #tpu.memory_space<vmem>>, vector<16xf32>,
      %sub3A_1173 = arith.constant 1 : i32
      %sub3A_1174 = vector.broadcast %sub3A_1173 : i32 to vector<16xi32>
      %sub3A_1175 = arith.subi %iota3A, %sub3A_1174 : vector<16xi32>
      %max3A_1176 = arith.constant 0 : i32
      %max3A_1177 = vector.broadcast %max3A_1176 : i32 to vector<16xi32>
      %max3A_1178 = arith.maxsi %sub3A_1175, %max3A_1177 : vector<16xi32>
      %lt3A_1179 = arith.constant 0 : i32
      %lt3A_1180 = vector.broadcast %lt3A_1179 : i32 to vector<16xi32>
      %lt3A_1181 = arith.cmpi slt, %max3A_1178, %lt3A_1180 : vector<16xi32>
      %add3A_1182 = arith.constant 16 : i32
      %add3A_1183 = vector.broadcast %add3A_1182 : i32 to vector<16xi32>
      %add3A_1184 = arith.addi %max3A_1178, %add3A_1183 : vector<16xi32>
      %select_n3A_1185 = arith.select %lt3A_1181, %add3A_1184, %max3A_1178 : vector<16xi1>, vector<16xi32>
      %broadcast_in_dim3A_1186 = vector.shape_cast %select_n3A_1185 : vector<16xi32> to vector<16x1xi32>
      %gather3A_1187 = vector.shape_cast %broadcast_in_dim3A_1186 : vector<16x1xi32> to vector<16xi32>
      %gather3A_1188 = tpu.dynamic_gather %get3A_1172[%gather3A_1187] in [0] : vector<16xf32>, vector<16xi32> -> vector<16xf32>
      %lt3A_1189 = arith.constant 0 : i32
      %lt3A_1190 = vector.broadcast %lt3A_1189 : i32 to vector<16xi32>
      %lt3A_1191 = arith.cmpi slt, %max3A_1178, %lt3A_1190 : vector<16xi32>
      %add3A_1192 = arith.constant 16 : i32
      %add3A_1193 = vector.broadcast %add3A_1192 : i32 to vector<16xi32>
      %add3A_1194 = arith.addi %max3A_1178, %add3A_1193 : vector<16xi32>
      %select_n3A_1195 = arith.select %lt3A_1191, %add3A_1194, %max3A_1178 : vector<16xi1>, vector<16xi32>
      %broadcast_in_dim3A_1196 = vector.shape_cast %select_n3A_1195 : vector<16xi32> to vector<16x1xi32>
      %gather3A_1197 = vector.shape_cast %broadcast_in_dim3A_1196 : vector<16x1xi32> to vector<16xi32>
      %gather3A_1198 = tpu.dynamic_gather %get3A_1169[%gather3A_1197] in [0] : vector<16xi32>, vector<16xi32> -> vector<16xi32>
      %ge3A_1199 = arith.constant 1 : i32
      %ge3A_1200 = vector.broadcast %ge3A_1199 : i32 to vector<16xi32>
      %ge3A_1201 = arith.cmpi sge, %iota3A, %ge3A_1200 : vector<16xi32>
      %eq3A_1202 = arith.cmpi eq, %gather3A_1198, %get3A_1169 : vector<16xi32>
      %and3A_1203 = arith.andi %ge3A_1201, %eq3A_1202 : vector<16xi1>
      %max3A_1204 = arith.maximumf %get3A_1172, %gather3A_1188 : vector<16xf32>
      %select_n3A_1205 = arith.select %and3A_1203, %max3A_1204, %get3A_1172 : vector<16xi1>, vector<16xf32>
      %sub3A_1206 = arith.constant 2 : i32
      %sub3A_1207 = vector.broadcast %sub3A_1206 : i32 to vector<16xi32>
      %sub3A_1208 = arith.subi %iota3A, %sub3A_1207 : vector<16xi32>
      %max3A_1209 = arith.constant 0 : i32
      %max3A_1210 = vector.broadcast %max3A_1209 : i32 to vector<16xi32>
      %max3A_1211 = arith.maxsi %sub3A_1208, %max3A_1210 : vector<16xi32>
      %lt3A_1212 = arith.constant 0 : i32
      %lt3A_1213 = vector.broadcast %lt3A_1212 : i32 to vector<16xi32>
      %lt3A_1214 = arith.cmpi slt, %max3A_1211, %lt3A_1213 : vector<16xi32>
      %add3A_1215 = arith.constant 16 : i32
      %add3A_1216 = vector.broadcast %add3A_1215 : i32 to vector<16xi32>
      %add3A_1217 = arith.addi %max3A_1211, %add3A_1216 : vector<16xi32>
      %select_n3A_1218 = arith.select %lt3A_1214, %add3A_1217, %max3A_1211 : vector<16xi1>, vector<16xi32>
      %broadcast_in_dim3A_1219 = vector.shape_cast %select_n3A_1218 : vector<16xi32> to vector<16x1xi32>
      %gather3A_1220 = vector.shape_cast %broadcast_in_dim3A_1219 : vector<16x1xi32> to vector<16xi32>
      %gather3A_1221 = tpu.dynamic_gather %select_n3A_1205[%gather3A_1220] in [0] : vector<16xf32>, vector<16xi32> -> vector<16xf32>
      %lt3A_1222 = arith.constant 0 : i32
      %lt3A_1223 = vector.broadcast %lt3A_1222 : i32 to vector<16xi32>
      %lt3A_1224 = arith.cmpi slt, %max3A_1211, %lt3A_1223 : vector<16xi32>
      %add3A_1225 = arith.constant 16 : i32
      %add3A_1226 = vector.broadcast %add3A_1225 : i32 to vector<16xi32>
      %add3A_1227 = arith.addi %max3A_1211, %add3A_1226 : vector<16xi32>
      %select_n3A_1228 = arith.select %lt3A_1224, %add3A_1227, %max3A_1211 : vector<16xi1>, vector<16xi32>
      %broadcast_in_dim3A_1229 = vector.shape_cast %select_n3A_1228 : vector<16xi32> to vector<16x1xi32>
      %gather3A_1230 = vector.shape_cast %broadcast_in_dim3A_1229 : vector<16x1xi32> to vector<16xi32>
      %gather3A_1231 = tpu.dynamic_gather %get3A_1169[%gather3A_1230] in [0] : vector<16xi32>, vector<16xi32> -> vector<16xi32>
      %ge3A_1232 = arith.constant 2 : i32
      %ge3A_1233 = vector.broadcast %ge3A_1232 : i32 to vector<16xi32>
      %ge3A_1234 = arith.cmpi sge, %iota3A, %ge3A_1233 : vector<16xi32>
      %eq3A_1235 = arith.cmpi eq, %gather3A_1231, %get3A_1169 : vector<16xi32>
      %and3A_1236 = arith.andi %ge3A_1234, %eq3A_1235 : vector<16xi1>
      %max3A_1237 = arith.maximumf %select_n3A_1205, %gather3A_1221 : vector<16xf32>
      %select_n3A_1238 = arith.select %and3A_1236, %max3A_1237, %select_n3A_1205 : vector<16xi1>, vector<16xf32>
      %sub3A_1239 = arith.constant 4 : i32
      %sub3A_1240 = vector.broadcast %sub3A_1239 : i32 to vector<16xi32>
      %sub3A_1241 = arith.subi %iota3A, %sub3A_1240 : vector<16xi32>
      %max3A_1242 = arith.constant 0 : i32
      %max3A_1243 = vector.broadcast %max3A_1242 : i32 to vector<16xi32>
      %max3A_1244 = arith.maxsi %sub3A_1241, %max3A_1243 : vector<16xi32>
      %lt3A_1245 = arith.constant 0 : i32
      %lt3A_1246 = vector.broadcast %lt3A_1245 : i32 to vector<16xi32>
      %lt3A_1247 = arith.cmpi slt, %max3A_1244, %lt3A_1246 : vector<16xi32>
      %add3A_1248 = arith.constant 16 : i32
      %add3A_1249 = vector.broadcast %add3A_1248 : i32 to vector<16xi32>
      %add3A_1250 = arith.addi %max3A_1244, %add3A_1249 : vector<16xi32>
      %select_n3A_1251 = arith.select %lt3A_1247, %add3A_1250, %max3A_1244 : vector<16xi1>, vector<16xi32>
      %broadcast_in_dim3A_1252 = vector.shape_cast %select_n3A_1251 : vector<16xi32> to vector<16x1xi32>
      %gather3A_1253 = vector.shape_cast %broadcast_in_dim3A_1252 : vector<16x1xi32> to vector<16xi32>
      %gather3A_1254 = tpu.dynamic_gather %select_n3A_1238[%gather3A_1253] in [0] : vector<16xf32>, vector<16xi32> -> vector<16xf32>
      %lt3A_1255 = arith.constant 0 : i32
      %lt3A_1256 = vector.broadcast %lt3A_1255 : i32 to vector<16xi32>
      %lt3A_1257 = arith.cmpi slt, %max3A_1244, %lt3A_1256 : vector<16xi32>
      %add3A_1258 = arith.constant 16 : i32
      %add3A_1259 = vector.broadcast %add3A_1258 : i32 to vector<16xi32>
      %add3A_1260 = arith.addi %max3A_1244, %add3A_1259 : vector<16xi32>
      %select_n3A_1261 = arith.select %lt3A_1257, %add3A_1260, %max3A_1244 : vector<16xi1>, vector<16xi32>
      %broadcast_in_dim3A_1262 = vector.shape_cast %select_n3A_1261 : vector<16xi32> to vector<16x1xi32>
      %gather3A_1263 = vector.shape_cast %broadcast_in_dim3A_1262 : vector<16x1xi32> to vector<16xi32>
      %gather3A_1264 = tpu.dynamic_gather %get3A_1169[%gather3A_1263] in [0] : vector<16xi32>, vector<16xi32> -> vector<16xi32>
      %ge3A_1265 = arith.constant 4 : i32
      %ge3A_1266 = vector.broadcast %ge3A_1265 : i32 to vector<16xi32>
      %ge3A_1267 = arith.cmpi sge, %iota3A, %ge3A_1266 : vector<16xi32>
      %eq3A_1268 = arith.cmpi eq, %gather3A_1264, %get3A_1169 : vector<16xi32>
      %and3A_1269 = arith.andi %ge3A_1267, %eq3A_1268 : vector<16xi1>
      %max3A_1270 = arith.maximumf %select_n3A_1238, %gather3A_1254 : vector<16xf32>
      %select_n3A_1271 = arith.select %and3A_1269, %max3A_1270, %select_n3A_1238 : vector<16xi1>, vector<16xf32>
      %sub3A_1272 = arith.constant 8 : i32
      %sub3A_1273 = vector.broadcast %sub3A_1272 : i32 to vector<16xi32>
      %sub3A_1274 = arith.subi %iota3A, %sub3A_1273 : vector<16xi32>
      %max3A_1275 = arith.constant 0 : i32
      %max3A_1276 = vector.broadcast %max3A_1275 : i32 to vector<16xi32>
      %max3A_1277 = arith.maxsi %sub3A_1274, %max3A_1276 : vector<16xi32>
      %lt3A_1278 = arith.constant 0 : i32
      %lt3A_1279 = vector.broadcast %lt3A_1278 : i32 to vector<16xi32>
      %lt3A_1280 = arith.cmpi slt, %max3A_1277, %lt3A_1279 : vector<16xi32>
      %add3A_1281 = arith.constant 16 : i32
      %add3A_1282 = vector.broadcast %add3A_1281 : i32 to vector<16xi32>
      %add3A_1283 = arith.addi %max3A_1277, %add3A_1282 : vector<16xi32>
      %select_n3A_1284 = arith.select %lt3A_1280, %add3A_1283, %max3A_1277 : vector<16xi1>, vector<16xi32>
      %broadcast_in_dim3A_1285 = vector.shape_cast %select_n3A_1284 : vector<16xi32> to vector<16x1xi32>
      %gather3A_1286 = vector.shape_cast %broadcast_in_dim3A_1285 : vector<16x1xi32> to vector<16xi32>
      %gather3A_1287 = tpu.dynamic_gather %select_n3A_1271[%gather3A_1286] in [0] : vector<16xf32>, vector<16xi32> -> vector<16xf32>
      %lt3A_1288 = arith.constant 0 : i32
      %lt3A_1289 = vector.broadcast %lt3A_1288 : i32 to vector<16xi32>
      %lt3A_1290 = arith.cmpi slt, %max3A_1277, %lt3A_1289 : vector<16xi32>
      %add3A_1291 = arith.constant 16 : i32
      %add3A_1292 = vector.broadcast %add3A_1291 : i32 to vector<16xi32>
      %add3A_1293 = arith.addi %max3A_1277, %add3A_1292 : vector<16xi32>
      %select_n3A_1294 = arith.select %lt3A_1290, %add3A_1293, %max3A_1277 : vector<16xi1>, vector<16xi32>
      %broadcast_in_dim3A_1295 = vector.shape_cast %select_n3A_1294 : vector<16xi32> to vector<16x1xi32>
      %gather3A_1296 = vector.shape_cast %broadcast_in_dim3A_1295 : vector<16x1xi32> to vector<16xi32>
      %gather3A_1297 = tpu.dynamic_gather %get3A_1169[%gather3A_1296] in [0] : vector<16xi32>, vector<16xi32> -> vector<16xi32>
      %ge3A_1298 = arith.constant 8 : i32
      %ge3A_1299 = vector.broadcast %ge3A_1298 : i32 to vector<16xi32>
      %ge3A_1300 = arith.cmpi sge, %iota3A, %ge3A_1299 : vector<16xi32>
      %eq3A_1301 = arith.cmpi eq, %gather3A_1297, %get3A_1169 : vector<16xi32>
      %and3A_1302 = arith.andi %ge3A_1300, %eq3A_1301 : vector<16xi1>
      %max3A_1303 = arith.maximumf %select_n3A_1271, %gather3A_1287 : vector<16xf32>
      %select_n3A_1304 = arith.select %and3A_1302, %max3A_1303, %select_n3A_1271 : vector<16xi1>, vector<16xf32>
      %add3A_1305 = arith.constant 1 : i32
      %add3A_1306 = vector.broadcast %add3A_1305 : i32 to vector<16xi32>
      %add3A_1307 = arith.addi %iota3A, %add3A_1306 : vector<16xi32>
      %min3A_1308 = arith.constant 15 : i32
      %min3A_1309 = vector.broadcast %min3A_1308 : i32 to vector<16xi32>
      %min3A_1310 = arith.minsi %add3A_1307, %min3A_1309 : vector<16xi32>
      %lt3A_1311 = arith.constant 0 : i32
      %lt3A_1312 = vector.broadcast %lt3A_1311 : i32 to vector<16xi32>
      %lt3A_1313 = arith.cmpi slt, %min3A_1310, %lt3A_1312 : vector<16xi32>
      %add3A_1314 = arith.constant 16 : i32
      %add3A_1315 = vector.broadcast %add3A_1314 : i32 to vector<16xi32>
      %add3A_1316 = arith.addi %min3A_1310, %add3A_1315 : vector<16xi32>
      %select_n3A_1317 = arith.select %lt3A_1313, %add3A_1316, %min3A_1310 : vector<16xi1>, vector<16xi32>
      %broadcast_in_dim3A_1318 = vector.shape_cast %select_n3A_1317 : vector<16xi32> to vector<16x1xi32>
      %gather3A_1319 = vector.shape_cast %broadcast_in_dim3A_1318 : vector<16x1xi32> to vector<16xi32>
      %gather3A_1320 = tpu.dynamic_gather %get3A_1169[%gather3A_1319] in [0] : vector<16xi32>, vector<16xi32> -> vector<16xi32>
      %eq3A_1321 = arith.constant 15 : i32
      %eq3A_1322 = vector.broadcast %eq3A_1321 : i32 to vector<16xi32>
      %eq3A_1323 = arith.cmpi eq, %iota3A, %eq3A_1322 : vector<16xi32>
      %ne3A_1324 = arith.cmpi ne, %gather3A_1320, %get3A_1169 : vector<16xi32>
      %or3A_1325 = arith.ori %eq3A_1323, %ne3A_1324 : vector<16xi1>
      %gather3A_1326 = tpu.vector_load_idx %arg9[%get3A_1169] masked %or3A_1325 : memref<10240xf32, #tpu.memory_space<vmem>>[vector<16xi32>], vector<16xf32>, vector<16xi1>
      %max3A_1327 = arith.maximumf %gather3A_1326, %select_n3A_1304 : vector<16xf32>
      tpu.vector_store_idx %arg9[%get3A_1169], %max3A_1327 masked %or3A_1325 : memref<10240xf32, #tpu.memory_space<vmem>>[vector<16xi32>], vector<16xf32>, vector<16xi1>
      %scan3A_1328 = arith.constant 0 : i32
      scf.yield %scan3A_1328 : i32
    }
    %scan3A_50 = arith.constant 20 : i32
    "tpu.region"() ({
      %run_scoped3A = tpu.sem_alloc : memref<!tpu.dma_semaphore, #tpu.memory_space<semaphore_mem>>
      %dma_start3A = arith.constant 0 : i32
      %dma_start3A_51 = tpu.memref_slice %arg5[%add3A, %dma_start3A] : memref<32x10240xf32, #tpu.memory_space<hbm>> -> memref<1x10240xf32, #tpu.memory_space<hbm>>
      %dma_start3A_52 = tpu.memref_squeeze %dma_start3A_51 : memref<1x10240xf32, #tpu.memory_space<hbm>> -> memref<10240xf32, #tpu.memory_space<hbm>>
      %dma_start3A_53 = arith.constant 0 : i32
      %dma_start3A_54 = tpu.memref_slice %arg5[%add3A, %dma_start3A_53] : memref<32x10240xf32, #tpu.memory_space<hbm>> -> memref<1x10240xf32, #tpu.memory_space<hbm>>
      %dma_start3A_55 = tpu.memref_squeeze %dma_start3A_54 : memref<1x10240xf32, #tpu.memory_space<hbm>> -> memref<10240xf32, #tpu.memory_space<hbm>>
      tpu.enqueue_dma source(%arg9 : memref<10240xf32, #tpu.memory_space<vmem>>) target(%dma_start3A_55 : memref<10240xf32, #tpu.memory_space<hbm>>) target_semaphore(%run_scoped3A : memref<!tpu.dma_semaphore, #tpu.memory_space<semaphore_mem>>)
      %dma_wait3A = arith.constant 0 : i32
      %dma_wait3A_56 = tpu.memref_slice %arg5[%add3A, %dma_wait3A] : memref<32x10240xf32, #tpu.memory_space<hbm>> -> memref<1x10240xf32, #tpu.memory_space<hbm>>
      %dma_wait3A_57 = tpu.memref_squeeze %dma_wait3A_56 : memref<1x10240xf32, #tpu.memory_space<hbm>> -> memref<10240xf32, #tpu.memory_space<hbm>>
      %dma_wait3A_58 = arith.constant 0 : i32
      %dma_wait3A_59 = tpu.memref_slice %arg5[%add3A, %dma_wait3A_58] : memref<32x10240xf32, #tpu.memory_space<hbm>> -> memref<1x10240xf32, #tpu.memory_space<hbm>>
      %dma_wait3A_60 = tpu.memref_squeeze %dma_wait3A_59 : memref<1x10240xf32, #tpu.memory_space<hbm>> -> memref<10240xf32, #tpu.memory_space<hbm>>
      tpu.wait_dma2 semaphore(%run_scoped3A : memref<!tpu.dma_semaphore, #tpu.memory_space<semaphore_mem>>) src(%arg9 : memref<10240xf32, #tpu.memory_space<vmem>>) dst(%dma_wait3A_60 : memref<10240xf32, #tpu.memory_space<hbm>>)
      tpu.yield
    }) : () -> ()
    return
  }
}

module attributes {stable_mosaic.version = 14 : i64} {
  func.func @_mlp_body(%arg0: i32, %arg1: memref<8000x256xf32, #tpu.memory_space<vmem>>, %arg2: memref<256x512xf32, #tpu.memory_space<vmem>>, %arg3: memref<1x512xf32, #tpu.memory_space<vmem>>, %arg4: memref<1x512xf32, #tpu.memory_space<vmem>>, %arg5: memref<1x1x8000xf32, #tpu.memory_space<vmem>>) attributes {dimension_semantics = [#tpu.dimension_semantics<arbitrary>], iteration_bounds = array<i64: 20>, scalar_prefetch = 0 : i64, scratch_operands = 0 : i64, tpu.core_type = #tpu.core_type<tc>, window_params = [{transform_indices = @transform_0, window_bounds = array<i64: 8000, 256>}, {pipeline_mode = #tpu.pipeline_mode<synchronous>, transform_indices = @transform_1, window_bounds = array<i64: 256, 512>}, {pipeline_mode = #tpu.pipeline_mode<synchronous>, transform_indices = @transform_2, window_bounds = array<i64: 1, 512>}, {pipeline_mode = #tpu.pipeline_mode<synchronous>, transform_indices = @transform_3, window_bounds = array<i64: 1, 512>}, {transform_indices = @transform_4, window_bounds = array<i64: 1, 1, 8000>}]} {
    %get3A = arith.constant 0 : index
    %get3A_0 = arith.constant 0 : index
    %get3A_1 = vector.load %arg1[%get3A, %get3A_0] : memref<8000x256xf32, #tpu.memory_space<vmem>>, vector<8000x256xf32>
    %convert_element_type3A = arith.truncf %get3A_1 : vector<8000x256xf32> to vector<8000x256xbf16>
    %get3A_2 = arith.constant 0 : index
    %get3A_3 = arith.constant 0 : index
    %get3A_4 = vector.load %arg2[%get3A_2, %get3A_3] : memref<256x512xf32, #tpu.memory_space<vmem>>, vector<256x512xf32>
    %convert_element_type3A_5 = arith.truncf %get3A_4 : vector<256x512xf32> to vector<256x512xbf16>
    %dot_general3A = arith.constant dense<0.000000e+00> : vector<8000x512xf32>
    %dot_general3A_6 = tpu.matmul %convert_element_type3A, %convert_element_type3A_5, %dot_general3A {dimension_numbers = #tpu.dot_dimension_numbers<[1], [0], [0], [1], [0, 0, 1, 1], [], []>, transpose_lhs_hint = false} : vector<8000x256xbf16>, vector<256x512xbf16>, vector<8000x512xf32> -> vector<8000x512xf32>
    %get3A_7 = arith.constant 0 : index
    %get3A_8 = arith.constant 0 : index
    %get3A_9 = vector.load %arg3[%get3A_7, %get3A_8] : memref<1x512xf32, #tpu.memory_space<vmem>>, vector<1x512xf32>
    %add3A = vector.broadcast %get3A_9 : vector<1x512xf32> to vector<8000x512xf32>
    %add3A_10 = arith.addf %dot_general3A_6, %add3A : vector<8000x512xf32>
    %max3A = arith.constant 0.000000e+00 : f32
    %max3A_11 = vector.broadcast %max3A : f32 to vector<8000x512xf32>
    %max3A_12 = arith.maximumf %add3A_10, %max3A_11 : vector<8000x512xf32>
    %get3A_13 = arith.constant 0 : index
    %get3A_14 = arith.constant 0 : index
    %get3A_15 = vector.load %arg4[%get3A_13, %get3A_14] : memref<1x512xf32, #tpu.memory_space<vmem>>, vector<1x512xf32>
    %dot_general3A_16 = arith.constant dense<0.000000e+00> : vector<1x8000xf32>
    %dot_general3A_17 = tpu.matmul %get3A_15, %max3A_12, %dot_general3A_16 {dimension_numbers = #tpu.dot_dimension_numbers<[1], [1], [0], [0], [0, 0, 1, 0], [], []>, transpose_lhs_hint = false} : vector<1x512xf32>, vector<8000x512xf32>, vector<1x8000xf32> -> vector<1x8000xf32>
    %swap3A = arith.constant 0 : index
    %swap3A_18 = arith.constant 0 : index
    %swap3A_19 = arith.constant 0 : index
    %swap3A_20 = vector.load %arg5[%swap3A, %swap3A_18, %swap3A_19] : memref<1x1x8000xf32, #tpu.memory_space<vmem>>, vector<1x1x8000xf32>
    %swap3A_21 = vector.shape_cast %swap3A_20 : vector<1x1x8000xf32> to vector<1x8000xf32>
    %swap3A_22 = vector.shape_cast %dot_general3A_17 : vector<1x8000xf32> to vector<1x1x8000xf32>
    tpu.vector_store %arg5[%swap3A, %swap3A_18, %swap3A_19], %swap3A_22 {strides = array<i32>} : memref<1x1x8000xf32, #tpu.memory_space<vmem>>, vector<1x1x8000xf32>,
    return
  }
  func.func @transform_0(%arg0: i32) -> (i32, i32) {
    %c0_i32 = arith.constant 0 : i32
    %c0_i32_0 = arith.constant 0 : i32
    return %arg0, %c0_i32 : i32, i32
  }
  func.func @transform_1(%arg0: i32) -> (i32, i32) {
    %c0_i32 = arith.constant 0 : i32
    %c0_i32_0 = arith.constant 0 : i32
    %c0_i32_1 = arith.constant 0 : i32
    return %c0_i32, %c0_i32_0 : i32, i32
  }
  func.func @transform_2(%arg0: i32) -> (i32, i32) {
    %c0_i32 = arith.constant 0 : i32
    %c0_i32_0 = arith.constant 0 : i32
    %c0_i32_1 = arith.constant 0 : i32
    return %c0_i32, %c0_i32_0 : i32, i32
  }
  func.func @transform_3(%arg0: i32) -> (i32, i32) {
    %c0_i32 = arith.constant 0 : i32
    %c0_i32_0 = arith.constant 0 : i32
    %c0_i32_1 = arith.constant 0 : i32
    return %c0_i32, %c0_i32_0 : i32, i32
  }
  func.func @transform_4(%arg0: i32) -> (i32, i32, i32) {
    %c0_i32 = arith.constant 0 : i32
    %c0_i32_0 = arith.constant 0 : i32
    %c0_i32_1 = arith.constant 0 : i32
    return %arg0, %c0_i32, %c0_i32_0 : i32, i32, i32
  }
}

</mosaic_0001>

<sc_bundles>
// kernel: kernel.5.cloned.1.call-start
scs
__scs_entry_jumppad:
0x0: {  	(pc) =	sbr.rel $0x88, $3  }
0x1: {  	(tag) =	ssettag $0x0;
	lr =	simm.s32 $0x1  }
0x2: {  	[smem:$0x3F9B] =	sst lr;
	_ =	strace $0xD0000000  }
0x3: {  	_ = 	snop  }
0x4: {  	_ = 	snop  }
0x5: {  	_ = 	snop  }
0x6: {  	_ = 	snop  }
0x7: {  	_ = 	snop  }
__scs_overlays_trampoline_lowered:
0x8: {  	[smem:$0x3FAA] =	sst s0  }
0x9: {  	[smem:$0x3FAB] =	sst s1  }
0xa: {  	[smem:$0x3FAC] =	sst s2  }
0xb: {  	[smem:$0x3FAD] =	sst s3  }
0xc: {  	[smem:$0x3FAE] =	sst s4  }
0xd: {  	[smem:$0x3FAF] =	sst s5  }
0xe: {  	[smem:$0x3FB0] =	sst s6  }
0xf: {  	[smem:$0x3FB1] =	sst s7  }
0x10: {  	[smem:$0x3FB2] =	sst s8  }
0x11: {  	[smem:$0x3FB3] =	sst s9;
	s0 =	simm.s32 @!p0 $0x0  }
0x12: {  	s1 =	sld [smem:$0x3F99];
	s0 =	simm.s32 @p0 $0x1  }
0x13: {  	[smem:$0x3FB4] =	sst s0;
	s0 =	simm.s32 @!p1 $0x0  }
0x14: {  	s2 =	sld [smem:$0x3F98];
	s0 =	simm.s32 @p1 $0x1  }
0x15: {  	[smem:$0x3FB5] =	sst s0;
	s0 =	simm.s32 @!p2 $0x0  }
0x16: {  	s3 =	sld [smem:$0x3FDB];
	s0 =	simm.s32 @p2 $0x1  }
0x17: {  	s4 =	simm.s32 $0x1BF5;
	[smem:$0x3FB7] =	sst s0  }
0x18: {  	s0 =	sld [smem:$0x3F9A];
	_ =	swait.ge [sflag:s4], $0x0  }
0x19: {  	s7 =	sld [smem:$0x3F9B]  }
0x1a: {  	s8 =	sadd.s32 $0xFFFFE003, lr  }
0x1b: {  	s9 =	sadd.s32 $0xFFFFFEF7, lr;
	s5 =	simm.s32 $0xFFFFFFFF;
	p2 =	slt.u32 s8, $0xFFFFF086  }
0x1c: {  	p1 =	slt.u32 s9, $0xF7A;
	s5 =	simm.s32 @!p2 $0x0  }
0x1d: {  	s5 =	simm.s32 @p1 $0x1;
	p0 =	seq.s32 s7, s2  }
0x1e: {  	s7 =	smul.u32 @!p0 $0xF7A, s2;
	p2 =	seq.s32 @!p0 s5, $0x0  }
0x1f: {  	s9 =	smul.u32 $0xF7A, s1;
	s8 =	simm.s32 @!p0 $0x1BF5;
	p2 =	por !p2, p0  }
0x20: {  	[sflag:s8] =	ssyncset.s32 @!p0 $0xFFFFF086;
	s6 =	sadd.s32 @!p0 s3, s7;
	s7 =	simm.s32 @!p0 $0x108  }
0x21: {  	s3 =	sadd.s32 s3, s9;
	s6 =	sadd.s32 @!p0 $0x88, s6;
	s7 =	simm.s32 @p2 $0x1082  }
0x22: {  	[simem:s7], [sflag:s8] =	dma.local @!p0 [hbm:s6], $0xF7A  }
0x23: {  	s9 =	sor.u32 $0xD0000000, s2;
	s6 =	simm.s32 $0x108;
	_ =	swait.ge @!p0 [sflag:s8], $0x0  }
0x24: {  	s3 =	sadd.s32 $0x88, s3;
	s6 =	simm.s32 @!p1 $0x1082;
	[sflag:s4] =	ssyncset.s32 $0xFFFFF086  }
0x25: {  	[simem:s6], [sflag:s4] =	dma.local [hbm:s3], $0xF7A  }
0x26: {  	[smem:$0x3F9B] =	sst s1;
	(tag) =	ssettag s2;
	_ =	strace s9  }
0x27: {  	s1 =	sld [smem:$0x3FAB]  }
0x28: {  	s2 =	sld [smem:$0x3FAC]  }
0x29: {  	s4 =	sld [smem:$0x3FAE]  }
0x2a: {  	p0 =	seq.s32 s5, $0x0;
	s5 =	sld [smem:$0x3FAF]  }
0x2b: {  	s6 =	sld [smem:$0x3FB0]  }
0x2c: {  	s7 =	sld [smem:$0x3FB1]  }
0x2d: {  	s3 =	simm.s32 $0x108;
	s8 =	sld [smem:$0x3FB2]  }
0x2e: {  	s3 =	simm.s32 @!p0 $0x1082;
	s9 =	sld [smem:$0x3FB3]  }
0x2f: {  	lr =	sadd.s32 s0, s3;
	s0 =	sld [smem:$0x3FAA]  }
0x30: {  	s3 =	sld [smem:$0x3FAD]  }
0x31: {  	[smem:$0x3FB6] =	sst s10  }
0x32: {  	s10 =	sld [smem:$0x3FB4];
	_ =	sdelay $0x3  }
0x33: {  	p0 =	seq.s32 s10, $0x1;
	s10 =	sld [smem:$0x3FB6];
	_ =	sdelay $0x3  }
0x34: {  	[smem:$0x3FB6] =	sst s10  }
0x35: {  	s10 =	sld [smem:$0x3FB5];
	_ =	sdelay $0x3  }
0x36: {  	p1 =	seq.s32 s10, $0x1;
	s10 =	sld [smem:$0x3FB6];
	_ =	sdelay $0x3  }
0x37: {  	[smem:$0x3FB6] =	sst s10  }
0x38: {  	s10 =	sld [smem:$0x3FB7]  }
0x39: {  	_ = 	snop;
	(pc) =	sbr.ind lr, $3  }
0x3a: {  	_ = 	snop  }
0x3b: {  	_ = 	snop  }
0x3c: {  	p2 =	seq.s32 s10, $0x1;
	s10 =	sld [smem:$0x3FB6]  }
0x3d: {  	_ =	shalt  }
0x3e: {  	_ =	shalt  }
0x3f: {  	_ =	shalt  }
0x40: {  	_ =	shalt  }
0x41: {  	_ =	shalt  }
0x42: {  	_ =	shalt  }
0x43: {  	_ =	shalt  }
0x44: {  	_ =	shalt  }
0x45: {  	_ =	shalt  }
0x46: {  	_ =	shalt  }
0x47: {  	_ =	shalt  }
0x48: {  	_ =	shalt  }
0x49: {  	_ =	shalt  }
0x4a: {  	_ =	shalt  }
0x4b: {  	_ =	shalt  }
0x4c: {  	_ =	shalt  }
0x4d: {  	_ =	shalt  }
0x4e: {  	_ =	shalt  }
0x4f: {  	_ =	shalt  }
0x50: {  	_ =	shalt  }
0x51: {  	_ =	shalt  }
0x52: {  	_ =	shalt  }
0x53: {  	_ =	shalt  }
0x54: {  	_ =	shalt  }
0x55: {  	_ =	shalt  }
0x56: {  	_ =	shalt  }
0x57: {  	_ =	shalt  }
0x58: {  	_ =	shalt  }
0x59: {  	_ =	shalt  }
0x5a: {  	_ =	shalt  }
0x5b: {  	_ =	shalt  }
0x5c: {  	_ =	shalt  }
0x5d: {  	_ =	shalt  }
0x5e: {  	_ =	shalt  }
0x5f: {  	_ =	shalt  }
0x60: {  	_ =	shalt  }
0x61: {  	_ =	shalt  }
0x62: {  	_ =	shalt  }
0x63: {  	_ =	shalt  }
0x64: {  	_ =	shalt  }
0x65: {  	_ =	shalt  }
0x66: {  	_ =	shalt  }
0x67: {  	_ =	shalt  }
0x68: {  	_ =	shalt  }
0x69: {  	_ =	shalt  }
0x6a: {  	_ =	shalt  }
0x6b: {  	_ =	shalt  }
0x6c: {  	_ =	shalt  }
0x6d: {  	_ =	shalt  }
0x6e: {  	_ =	shalt  }
0x6f: {  	_ =	shalt  }
0x70: {  	_ =	shalt  }
0x71: {  	_ =	shalt  }
0x72: {  	_ =	shalt  }
0x73: {  	_ =	shalt  }
0x74: {  	_ =	shalt  }
0x75: {  	_ =	shalt  }
0x76: {  	_ =	shalt  }
0x77: {  	_ =	shalt  }
0x78: {  	_ =	shalt  }
0x79: {  	_ =	shalt  }
0x7a: {  	_ =	shalt  }
0x7b: {  	_ =	shalt  }
0x7c: {  	_ =	shalt  }
0x7d: {  	_ =	shalt  }
0x7e: {  	_ =	shalt  }
0x7f: {  	_ =	shalt  }
0x80: {  	_ =	shalt  }
0x81: {  	_ =	shalt  }
0x82: {  	_ =	shalt  }
0x83: {  	_ =	shalt  }
0x84: {  	_ =	shalt  }
0x85: {  	_ =	shalt  }
0x86: {  	_ =	shalt  }
0x87: {  	_ =	shalt  }
.Lfunc_end0:
.L_simem_size_0:
called_computation_lowered:
.L_overlay_start_0:
0x88: {  	s2 =	sld [smem:$0x3FD9]  }
0x89: {  	s3 =	sld [smem:$0x3FFE];
	_ =	sdelay $0x1  }
0x8a: {  	s1 =	srdreg.scid  }
0x8b: {  	s0 =	sand.u32 $0x1, s1  }
0x8c: {  	s16 =	sshll.u32 s0, $0xA;
	s2 =	sadd.s32 s3, s2  }
0x8d: {  	s2 =	sadd.s32 s2, s16  }
0x8e: {  	[smem:$0x3FC2] =	sst s2  }
0x8f: {  	_ = 	snop  }
0x90: {  	(tm) =	ssettm $0x1  }
0x91: {  	s17 =	sld [smem:$0x3FFB];
	_ =	sdelay $0x3  }
0x92: {  	_ =	strace s17  }
0x93: {  	s2 =	sld [smem:$0x3FFC];
	_ =	sdelay $0x3  }
0x94: {  	_ =	strace s2  }
0x95: {  	s2 =	sld [smem:$0x3FFD];
	_ =	sdelay $0x3  }
0x96: {  	_ =	strace s2  }
0x97: {  	_ =	strace $0x8FFFFFFF  }
0x98: {  	s18 =	sld [smem:$0x3FDB];
	_ =	sdelay $0x1  }
0x99: {  	s19 =	simm.s32 $_scs_section_size  }
0x9a: {  	s4 =	simm.s32 $_size__tile_overlayer_lowered;
	s5 =	simm.s32 $_tile_overlayer_lowered  }
0x9b: {  	s22 =	simm.s32 $0x1BFF;
	s21 =	sshll.u32 s5, $0x1;
	s2 =	sadd.s32 s19, s18  }
0x9c: {  	s6 =	simm.s32 $0x0;
	s20 =	sshll.u32 s4, $0x1;
	s4 =	sadd.s32 s21, s2  }
0x9d: {  	[timem:s6], [sflag:s22] =	dma.local [hbm:s4], s20  }
0x9e: {  	_ =	swait.ge [sflag:s22], s20  }
0x9f: {  	s3 =	ssub.s32 $0x0, s20;
	[sflag:s22] =	ssyncset.done $0x0  }
0xa0: {  	[sflag:s22] =	ssyncadd.s32 s3;
	_ =	sdelay $0x1  }
0xa1: {  	s23 =	simm.s32 $0x1B8B  }
0xa2: {  	_ =	swait.ge [sflag:s23], $0x1  }
0xa3: {  	[sflag:s23] =	ssyncset.done $0x0  }
0xa4: {  	s25 =	simm.s32 $0x1B8E;
	s24 =	sld [smem:$0x3FFE];
	[sflag:s23] =	ssyncadd.s32 $0xFFFFFFFF  }
0xa5: {  	s26 =	simm.s32 $execute0_lowered;
	[smem:$0x3FD2] =	sst s25  }
0xa6: {  	s4 =	sshll.u32 s26, $0x1;
	_ =	strace $0x80000046;
	[dreg:$0x1] =	wrdreg $0xFFFFFFFF  }
0xa7: {  	s28 =	simm.s32 $_size_execute0_lowered;
	s2 =	sadd.s32 s2, s4;
	[dreg:$0x0] =	wrdreg $0x0  }
0xa8: {  	s4 =	sshll.u32 s28, $0x1;
	[dreg:$0x2] =	wrdreg s2  }
0xa9: {  	[dreg:$0x3] =	wrdreg s4  }
0xaa: {  	[dreg:$0x4] =	wrdreg $0xC0  }
0xab: {  	_ =	task [dreg:s6], $0x5FFFF  }
0xac: {  	[dreg:$0x1] =	wrdreg $0xFFFFFFFF  }
0xad: {  	[dreg:$0x0] =	wrdreg $0x60  }
0xae: {  	[dreg:$0x2] =	wrdreg s24  }
0xaf: {  	[dreg:$0x3] =	wrdreg $0x9  }
0xb0: {  	_ =	task.clear_ibuf [dreg:s6], $0x4FFFF;
	_ =	strace $0x90000046  }
0xb1: {  	s29 =	simm.s32 $0x9;
	_ =	strace $0x80000048  }
0xb2: {  	_ =	swait.ge [sflag:s29], $0x1  }
0xb3: {  	[sflag:s29] =	ssyncadd.s32 $0xFFFFFFFF  }
0xb4: {  	_ =	strace $0x90000048  }
0xb5: {  	_ =	sfence  }
0xb6: {  	s30 =	sld [smem:$0x0];
	_ =	sdelay $0x2  }
0xb7: {  	s31 =	sshll.u32 s1, $0xD;
	s1 =	sshrl.u32 s1, $0x2  }
0xb8: {  	s3 =	sand.u32 $0x4000, s31;
	s1 =	sadd.s32 s1, s30  }
0xb9: {  	s0 =	sor.u32 s3, s0;
	s1 =	sshll.u32 s1, $0x11  }
0xba: {  	s0 =	sor.u32 s1, s0  }
0xbb: {  	s0 =	sadd.s32 $0x8F2B, s0  }
0xbc: {  	[sflag:s0] =	ssyncadd.remote.s32 $0x1  }
0xbd: {  	_ =	sfence.sel $0xFFFF  }
0xbe: {  	[dreg:$0x0] =	wrdreg $0xFFFFFFFF;
	(pc) =	sbr.abs _section_cstart, $3  }
0xbf: {  	[dreg:$0x1] =	wrdreg $0xFFFFFFFF  }
0xc0: {  	_ =	task.clear_ibuf [dreg:s6], $0x2FFFF;
	_ =	strace $0x9FFFFFFF  }
0xc1: {  	(tm) =	ssettm $0x7FFFFFFF  }
tec
execute0_lowered:
.L_overlay_start_1:
0x0: {  	(tag) =	ssettag $0x1  }
0x1: {  	v0 =	vimm.s32 $0x65432100;
	v1 =	vimm.s32 $0xEDCBA987  }
0x2: {  	s0 =	srdreg.scid;
	v2 =	vimm.s32 $0xDCBA9876;
	v3 =	vimm.s32 $0x54321000;
	v1 =	vunpack.c.l.s4.s8 v1  }
0x3: {  	s1 =	stileid.u32;
	s4 =	rddreg [dreg:$0x0];
	s2 =	simm.s32 $0x0;
	v4 =	vimm.s32 $0xBA987654;
	v6 =	vimm.s32 $0xFFEDCBA9;
	v0 =	vunpack.c.l.s4.s8 v0  }
0x4: {  	s8 =	simm.s32 $0x3;
	s10 =	simm.s32 $0x80;
	v7 =	vimm.s32 $0x87654321;
	s28 =	simm.s32 $0x1000;
	v2 =	vunpack.c.l.s4.s8 v2;
	v1 =	vunpack.c.0.s8.s32 v1  }
0x5: {  	v5 =	vimm.s32 $0xE40000;
	s29 =	simm.s32 $0x3800;
	s30 =	simm.s32 $0x1080;
	s31 =	simm.s32 $0x3880;
	vm0 =	vcmask $0x3F04;
	v0 =	vunpack.c.0.s8.s32 v0  }
0x6: {  	s9 =	simm.s32 $0x1180;
	s11 =	simm.s32 $0x3980;
	s12 =	simm.s32 $0x1200;
	v3 =	vunpack.c.l.s4.s8 v3;
	v2 =	vunpack.c.0.s8.s32 v2;
	v1 =	vand.u32 $0xF, v1  }
0x7: {  	s13 =	simm.s32 $0x3A00;
	s14 =	simm.s32 $0x1280;
	vm3 =	vcmask $0x3F30;
	s15 =	simm.s32 $0x3A80;
	v4 =	vunpack.c.l.s4.s8 v4;
	v0 =	vcombine.low v0, v1  }
0x8: {  	s16 =	simm.s32 $0x1300;
	s17 =	simm.s32 $0x3B00;
	s18 =	simm.s32 $0x1380;
	v1 =	vand.u32 $0xF, v2;
	v2 =	vunpack.c.0.s8.s32 v3;
	v3 =	vimm.s32 $0x32100000  }
0x9: {  	vm1 =	vcmask $0x3F08;
	s19 =	simm.s32 $0x3B80;
	s0 =	sand.u32 $0x1, s0;
	s1 =	sshll.u32 s1, $0x1;
	v5 =	vunpack.c.l.s2.s4 v5;
	v3 =	vunpack.c.l.s4.s8 v3  }
0xa: {  	s20 =	simm.s32 $0x1;
	s21 =	simm.s32 $0x3C00;
	v6 =	vunpack.c.l.s4.s8 v6;
	v7 =	vunpack.c.l.s4.s8 v7;
	s1 =	sor.u32 s0, s1;
	v4 =	vunpack.c.0.s8.s32 v4  }
0xb: {  	s22 =	simm.s32 $0x2;
	s23 =	simm.s32 $0x0;
	s5 =	smul.u32 $0x280, s1;
	v1 =	vcombine.low v2, v1;
	v2 =	vunpack.c.0.s8.s32 v3;
	v3 =	vunpack.c.l.s4.s8 v5  }
0xc: {  	[smem:$0x7FF] =	sst s2;
	s0 =	ssub.s32 $0x2, s0;
	s1 =	smul.u32 $0x500, s1;
	v4 =	vand.u32 $0xF, v4;
	v5 =	vunpack.c.0.s8.s32 v6;
	v6 =	vunpack.c.0.s8.s32 v7  }
0xd: {  	s3 =	sadd.s32 $0xE00, s4;
	_ =	strace $0x80000047;
	s26 =	sshrl.u32 s0, $0x1;
	v2 =	vcombine.low v2, v4;
	v4 =	vimm.s32 $0x7060504;
	v7 =	vunpack.c.0.s8.s32 v3  }
0xe: {  	vm2 =	vcmask $0x3F10;
	s0 =	ssub.s32 s0, s26;
	s5 =	sadd.s32 s5, s4;
	s1 =	sadd.s32 s1, s4;
	v5 =	vcombine.low v6, v5;
	v4 =	vunpack.c.0.s8.s32 v4  }
0xf: {  	vm4 =	vcmask $0x3F3C;
	s7 =	smax.u32 s0, $0x1;
	s0 =	simm.s32 $0x3900;
	s4 =	sadd.s32 $0x5E00, s5;
	v3 =	vimm.f32 $-Inf;
	v6 =	vand.u32 $0x3, v7  }
0x10: {  	s5 =	sadd.s32 $0xAE00, s5;
	s6 =	sadd.s32 $0xFE00, s1;
	s1 =	simm.s32 $0x1100;
	v5 =	vand.u32 $0xF, v5;
	v4 =	vsel vm3, v4, v6;
	vm3 =	vcmask $0x3F20  }
.LBB2_1:
0x11: {  	[tilespmem:s2], [sflag:$0x3] =	stream.linear.gather [hbm4b:s4+s2], $0x1400, $0x38;
	[tilespmem:$0x6400] =	vst v63  }
0x12: {  	_ =	swait.ge [sflag:s8], $0x1400  }
0x13: {  	[sflag:s8] =	ssyncset.done $0x0  }
0x14: {  	s24 =	simm.s32 $0x1400;
	[sflag:s8] =	ssyncadd.s32 $0xFFFFEC00  }
0x15: {  	[tilespmem:s24], [sflag:$0x3] =	stream.linear.gather [hbm4b:s5+s2], $0x1400, $0x38;
	[tilespmem:$0x6400] =	vst v63  }
0x16: {  	_ =	swait.ge [sflag:s8], $0x1400  }
0x17: {  	[sflag:s8] =	ssyncset.done $0x0  }
0x18: {  	s26 =	simm.s32 $0x2800;
	[sflag:s8] =	ssyncadd.s32 $0xFFFFEC00  }
0x19: {  	[tilespmem:s26], [sflag:$0x1] =	stream.indirect.gather [hbm4b:s3+s10], $0x1, s2, s10, $0xb8;
	[tilespmem:$0x6400] =	vst v63  }
0x1a: {  	s25 =	simm.s32 $0x2880  }
0x1b: {  	[tilespmem:s25], [sflag:$0x1] =	stream.indirect.gather [hbm4b:s3+s10], $0x1, s10, s10, $0xb8;
	[tilespmem:$0x6400] =	vst v63  }
0x1c: {  	s26 =	simm.s32 $0x100;
	s25 =	simm.s32 $0x2900  }
0x1d: {  	[tilespmem:s25], [sflag:$0x1] =	stream.indirect.gather [hbm4b:s3+s10], $0x1, s26, s10, $0xb8;
	[tilespmem:$0x6400] =	vst v63  }
0x1e: {  	s25 =	simm.s32 $0x180;
	s26 =	simm.s32 $0x2980  }
0x1f: {  	[tilespmem:s26], [sflag:$0x1] =	stream.indirect.gather [hbm4b:s3+s10], $0x1, s25, s10, $0xb8;
	[tilespmem:$0x6400] =	vst v63  }
0x20: {  	s25 =	simm.s32 $0x200;
	s26 =	simm.s32 $0x2A00  }
0x21: {  	[tilespmem:s26], [sflag:$0x1] =	stream.indirect.gather [hbm4b:s3+s10], $0x1, s25, s10, $0xb8;
	[tilespmem:$0x6400] =	vst v63  }
0x22: {  	s25 =	simm.s32 $0x280;
	s26 =	simm.s32 $0x2A80  }
0x23: {  	[tilespmem:s26], [sflag:$0x1] =	stream.indirect.gather [hbm4b:s3+s10], $0x1, s25, s10, $0xb8;
	[tilespmem:$0x6400] =	vst v63  }
0x24: {  	s25 =	simm.s32 $0x300;
	s26 =	simm.s32 $0x2B00  }
0x25: {  	[tilespmem:s26], [sflag:$0x1] =	stream.indirect.gather [hbm4b:s3+s10], $0x1, s25, s10, $0xb8;
	[tilespmem:$0x6400] =	vst v63  }
0x26: {  	s25 =	simm.s32 $0x380;
	s26 =	simm.s32 $0x2B80  }
0x27: {  	[tilespmem:s26], [sflag:$0x1] =	stream.indirect.gather [hbm4b:s3+s10], $0x1, s25, s10, $0xb8;
	[tilespmem:$0x6400] =	vst v63  }
0x28: {  	s25 =	simm.s32 $0x400;
	s26 =	simm.s32 $0x2C00  }
0x29: {  	[tilespmem:s26], [sflag:$0x1] =	stream.indirect.gather [hbm4b:s3+s10], $0x1, s25, s10, $0xb8;
	[tilespmem:$0x6400] =	vst v63  }
0x2a: {  	s25 =	simm.s32 $0x480;
	s26 =	simm.s32 $0x2C80  }
0x2b: {  	[tilespmem:s26], [sflag:$0x1] =	stream.indirect.gather [hbm4b:s3+s10], $0x1, s25, s10, $0xb8;
	[tilespmem:$0x6400] =	vst v63  }
0x2c: {  	s25 =	simm.s32 $0x500;
	s26 =	simm.s32 $0x2D00  }
0x2d: {  	[tilespmem:s26], [sflag:$0x1] =	stream.indirect.gather [hbm4b:s3+s10], $0x1, s25, s10, $0xb8;
	[tilespmem:$0x6400] =	vst v63  }
0x2e: {  	s25 =	simm.s32 $0x580;
	s26 =	simm.s32 $0x2D80  }
0x2f: {  	[tilespmem:s26], [sflag:$0x1] =	stream.indirect.gather [hbm4b:s3+s10], $0x1, s25, s10, $0xb8;
	[tilespmem:$0x6400] =	vst v63  }
0x30: {  	s25 =	simm.s32 $0x600;
	s26 =	simm.s32 $0x2E00  }
0x31: {  	[tilespmem:s26], [sflag:$0x1] =	stream.indirect.gather [hbm4b:s3+s10], $0x1, s25, s10, $0xb8;
	[tilespmem:$0x6400] =	vst v63  }
0x32: {  	s25 =	simm.s32 $0x680;
	s26 =	simm.s32 $0x2E80  }
0x33: {  	[tilespmem:s26], [sflag:$0x1] =	stream.indirect.gather [hbm4b:s3+s10], $0x1, s25, s10, $0xb8;
	[tilespmem:$0x6400] =	vst v63  }
0x34: {  	s25 =	simm.s32 $0x700;
	s26 =	simm.s32 $0x2F00  }
0x35: {  	[tilespmem:s26], [sflag:$0x1] =	stream.indirect.gather [hbm4b:s3+s10], $0x1, s25, s10, $0xb8;
	[tilespmem:$0x6400] =	vst v63  }
0x36: {  	s25 =	simm.s32 $0x780;
	s26 =	simm.s32 $0x2F80  }
0x37: {  	[tilespmem:s26], [sflag:$0x1] =	stream.indirect.gather [hbm4b:s3+s10], $0x1, s25, s10, $0xb8;
	[tilespmem:$0x6400] =	vst v63  }
0x38: {  	s25 =	simm.s32 $0x800;
	s26 =	simm.s32 $0x3000  }
0x39: {  	[tilespmem:s26], [sflag:$0x1] =	stream.indirect.gather [hbm4b:s3+s10], $0x1, s25, s10, $0xb8;
	[tilespmem:$0x6400] =	vst v63  }
0x3a: {  	s25 =	simm.s32 $0x880;
	s26 =	simm.s32 $0x3080  }
0x3b: {  	[tilespmem:s26], [sflag:$0x1] =	stream.indirect.gather [hbm4b:s3+s10], $0x1, s25, s10, $0xb8;
	[tilespmem:$0x6400] =	vst v63  }
0x3c: {  	s25 =	simm.s32 $0x900;
	s26 =	simm.s32 $0x3100  }
0x3d: {  	[tilespmem:s26], [sflag:$0x1] =	stream.indirect.gather [hbm4b:s3+s10], $0x1, s25, s10, $0xb8;
	[tilespmem:$0x6400] =	vst v63  }
0x3e: {  	s25 =	simm.s32 $0x980;
	s26 =	simm.s32 $0x3180  }
0x3f: {  	[tilespmem:s26], [sflag:$0x1] =	stream.indirect.gather [hbm4b:s3+s10], $0x1, s25, s10, $0xb8;
	[tilespmem:$0x6400] =	vst v63  }
0x40: {  	s25 =	simm.s32 $0xA00;
	s26 =	simm.s32 $0x3200  }
0x41: {  	[tilespmem:s26], [sflag:$0x2] =	stream.indirect.gather [hbm4b:s3+s10], $0x1, s25, s10, $0xb8;
	[tilespmem:$0x6400] =	vst v63  }
0x42: {  	s25 =	simm.s32 $0xA80;
	s26 =	simm.s32 $0x3280  }
0x43: {  	[tilespmem:s26], [sflag:$0x2] =	stream.indirect.gather [hbm4b:s3+s10], $0x1, s25, s10, $0xb8;
	[tilespmem:$0x6400] =	vst v63  }
0x44: {  	s25 =	simm.s32 $0xB00;
	s26 =	simm.s32 $0x3300  }
0x45: {  	[tilespmem:s26], [sflag:$0x2] =	stream.indirect.gather [hbm4b:s3+s10], $0x1, s25, s10, $0xb8;
	[tilespmem:$0x6400] =	vst v63  }
0x46: {  	s25 =	simm.s32 $0xB80;
	s26 =	simm.s32 $0x3380  }
0x47: {  	[tilespmem:s26], [sflag:$0x2] =	stream.indirect.gather [hbm4b:s3+s10], $0x1, s25, s10, $0xb8;
	[tilespmem:$0x6400] =	vst v63  }
0x48: {  	s25 =	simm.s32 $0xC00;
	s26 =	simm.s32 $0x3400  }
0x49: {  	[tilespmem:s26], [sflag:$0x2] =	stream.indirect.gather [hbm4b:s3+s10], $0x1, s25, s10, $0xb8;
	[tilespmem:$0x6400] =	vst v63  }
0x4a: {  	s25 =	simm.s32 $0xC80;
	s26 =	simm.s32 $0x3480  }
0x4b: {  	[tilespmem:s26], [sflag:$0x2] =	stream.indirect.gather [hbm4b:s3+s10], $0x1, s25, s10, $0xb8;
	[tilespmem:$0x6400] =	vst v63  }
0x4c: {  	s25 =	simm.s32 $0xD00;
	s26 =	simm.s32 $0x3500  }
0x4d: {  	[tilespmem:s26], [sflag:$0x2] =	stream.indirect.gather [hbm4b:s3+s10], $0x1, s25, s10, $0xb8;
	[tilespmem:$0x6400] =	vst v63  }
0x4e: {  	s25 =	simm.s32 $0xD80;
	s26 =	simm.s32 $0x3580  }
0x4f: {  	[tilespmem:s26], [sflag:$0x2] =	stream.indirect.gather [hbm4b:s3+s10], $0x1, s25, s10, $0xb8;
	[tilespmem:$0x6400] =	vst v63  }
0x50: {  	s25 =	simm.s32 $0xE00;
	s26 =	simm.s32 $0x3600  }
0x51: {  	[tilespmem:s26], [sflag:$0x2] =	stream.indirect.gather [hbm4b:s3+s10], $0x1, s25, s10, $0xb8;
	[tilespmem:$0x6400] =	vst v63  }
0x52: {  	s25 =	simm.s32 $0xE80;
	s26 =	simm.s32 $0x3680  }
0x53: {  	[tilespmem:s26], [sflag:$0x2] =	stream.indirect.gather [hbm4b:s3+s10], $0x1, s25, s10, $0xb8;
	[tilespmem:$0x6400] =	vst v63  }
0x54: {  	s25 =	simm.s32 $0xF00;
	s26 =	simm.s32 $0x3700  }
0x55: {  	[tilespmem:s26], [sflag:$0x2] =	stream.indirect.gather [hbm4b:s3+s10], $0x1, s25, s10, $0xb8;
	[tilespmem:$0x6400] =	vst v63  }
0x56: {  	s25 =	simm.s32 $0xF80;
	s26 =	simm.s32 $0x3780  }
0x57: {  	[tilespmem:s26], [sflag:$0x2] =	stream.indirect.gather [hbm4b:s3+s10], $0x1, s25, s10, $0xb8;
	[tilespmem:$0x6400] =	vst v63  }
0x58: {  	_ = 	snop  }
0x59: {  	[tilespmem:s29], [sflag:$0x2] =	stream.indirect.gather [hbm4b:s3+s10], $0x1, s28, s10, $0xb8;
	[tilespmem:$0x6400] =	vst v63  }
0x5a: {  	_ = 	snop  }
0x5b: {  	[tilespmem:s31], [sflag:$0x2] =	stream.indirect.gather [hbm4b:s3+s10], $0x1, s30, s10, $0xb8;
	[tilespmem:$0x6400] =	vst v63  }
0x5c: {  	_ = 	snop  }
0x5d: {  	[tilespmem:s0], [sflag:$0x2] =	stream.indirect.gather [hbm4b:s3+s10], $0x1, s1, s10, $0xb8;
	[tilespmem:$0x6400] =	vst v63  }
0x5e: {  	_ = 	snop  }
0x5f: {  	[tilespmem:s11], [sflag:$0x2] =	stream.indirect.gather [hbm4b:s3+s10], $0x1, s9, s10, $0xb8;
	[tilespmem:$0x6400] =	vst v63  }
0x60: {  	_ = 	snop  }
0x61: {  	[tilespmem:s13], [sflag:$0x2] =	stream.indirect.gather [hbm4b:s3+s10], $0x1, s12, s10, $0xb8;
	[tilespmem:$0x6400] =	vst v63  }
0x62: {  	_ = 	snop  }
0x63: {  	[tilespmem:s15], [sflag:$0x2] =	stream.indirect.gather [hbm4b:s3+s10], $0x1, s14, s10, $0xb8;
	[tilespmem:$0x6400] =	vst v63  }
0x64: {  	_ = 	snop  }
0x65: {  	[tilespmem:s17], [sflag:$0x2] =	stream.indirect.gather [hbm4b:s3+s10], $0x1, s16, s10, $0xb8;
	[tilespmem:$0x6400] =	vst v63  }
0x66: {  	s24 =	simm.s32 $0x40;
	s25 =	simm.s32 $0x0  }
0x67: {  	[tilespmem:s19], [sflag:$0x2] =	stream.indirect.gather [hbm4b:s3+s10], $0x1, s18, s10, $0xb8;
	[tilespmem:$0x6400] =	vst v63  }
.LBB2_2:
0x68: {  	p0 =	sne.s32 s24, $0x9FC0;
	[tilespmem:s25+$0x3C00] =	vst v3;
	s25 =	smov.u32 s24;
	s24 =	sadd.s32 $0x40, s24  }
.Ltmp0:
0x69: {  	(pc) =	sbr.rel @p0 .LBB2_2-.Ltmp0, $2  }
0x6a: {  	_ =	sdelay $0x2  }
0x6b: {  	s25 =	sshra.s32 s25, $0x2  }
0x6c: {  	[tilespmem:s25+$0x3C00] =	vst v3  }
0x6d: {  	_ =	swait.ge [sflag:s20], $0x80  }
0x6e: {  	[sflag:s20] =	ssyncset.done $0x0  }
0x6f: {  	[sflag:s20] =	ssyncadd.s32 $0xFFFFFF80  }
0x70: {  	_ =	swait.ge [sflag:s20], $0x80  }
0x71: {  	[sflag:s20] =	ssyncset.done $0x0  }
0x72: {  	[sflag:s20] =	ssyncadd.s32 $0xFFFFFF80  }
0x73: {  	_ =	swait.ge [sflag:s20], $0x80  }
0x74: {  	[sflag:s20] =	ssyncset.done $0x0  }
0x75: {  	[sflag:s20] =	ssyncadd.s32 $0xFFFFFF80  }
0x76: {  	_ =	swait.ge [sflag:s20], $0x80  }
0x77: {  	[sflag:s20] =	ssyncset.done $0x0  }
0x78: {  	[sflag:s20] =	ssyncadd.s32 $0xFFFFFF80  }
0x79: {  	_ =	swait.ge [sflag:s20], $0x80  }
0x7a: {  	[sflag:s20] =	ssyncset.done $0x0  }
0x7b: {  	[sflag:s20] =	ssyncadd.s32 $0xFFFFFF80  }
0x7c: {  	_ =	swait.ge [sflag:s20], $0x80  }
0x7d: {  	[sflag:s20] =	ssyncset.done $0x0  }
0x7e: {  	[sflag:s20] =	ssyncadd.s32 $0xFFFFFF80  }
0x7f: {  	_ =	swait.ge [sflag:s20], $0x80  }
0x80: {  	[sflag:s20] =	ssyncset.done $0x0  }
0x81: {  	[sflag:s20] =	ssyncadd.s32 $0xFFFFFF80  }
0x82: {  	_ =	swait.ge [sflag:s20], $0x80  }
0x83: {  	[sflag:s20] =	ssyncset.done $0x0  }
0x84: {  	[sflag:s20] =	ssyncadd.s32 $0xFFFFFF80  }
0x85: {  	_ =	swait.ge [sflag:s20], $0x80  }
0x86: {  	[sflag:s20] =	ssyncset.done $0x0  }
0x87: {  	[sflag:s20] =	ssyncadd.s32 $0xFFFFFF80  }
0x88: {  	_ =	swait.ge [sflag:s20], $0x80  }
0x89: {  	[sflag:s20] =	ssyncset.done $0x0  }
0x8a: {  	[sflag:s20] =	ssyncadd.s32 $0xFFFFFF80  }
0x8b: {  	_ =	swait.ge [sflag:s20], $0x80  }
0x8c: {  	[sflag:s20] =	ssyncset.done $0x0  }
0x8d: {  	[sflag:s20] =	ssyncadd.s32 $0xFFFFFF80  }
0x8e: {  	_ =	swait.ge [sflag:s20], $0x80  }
0x8f: {  	[sflag:s20] =	ssyncset.done $0x0  }
0x90: {  	[sflag:s20] =	ssyncadd.s32 $0xFFFFFF80  }
0x91: {  	_ =	swait.ge [sflag:s20], $0x80  }
0x92: {  	[sflag:s20] =	ssyncset.done $0x0  }
0x93: {  	[sflag:s20] =	ssyncadd.s32 $0xFFFFFF80  }
0x94: {  	_ =	swait.ge [sflag:s20], $0x80  }
0x95: {  	[sflag:s20] =	ssyncset.done $0x0  }
0x96: {  	[sflag:s20] =	ssyncadd.s32 $0xFFFFFF80  }
0x97: {  	_ =	swait.ge [sflag:s20], $0x80  }
0x98: {  	[sflag:s20] =	ssyncset.done $0x0  }
0x99: {  	[sflag:s20] =	ssyncadd.s32 $0xFFFFFF80  }
0x9a: {  	_ =	swait.ge [sflag:s20], $0x80  }
0x9b: {  	[sflag:s20] =	ssyncset.done $0x0  }
0x9c: {  	[sflag:s20] =	ssyncadd.s32 $0xFFFFFF80  }
0x9d: {  	_ =	swait.ge [sflag:s20], $0x80  }
0x9e: {  	[sflag:s20] =	ssyncset.done $0x0  }
0x9f: {  	[sflag:s20] =	ssyncadd.s32 $0xFFFFFF80  }
0xa0: {  	_ =	swait.ge [sflag:s20], $0x80  }
0xa1: {  	[sflag:s20] =	ssyncset.done $0x0  }
0xa2: {  	[sflag:s20] =	ssyncadd.s32 $0xFFFFFF80  }
0xa3: {  	_ =	swait.ge [sflag:s20], $0x80  }
0xa4: {  	[sflag:s20] =	ssyncset.done $0x0  }
0xa5: {  	[sflag:s20] =	ssyncadd.s32 $0xFFFFFF80  }
0xa6: {  	_ =	swait.ge [sflag:s20], $0x80  }
0xa7: {  	[sflag:s20] =	ssyncset.done $0x0  }
0xa8: {  	s24 =	simm.s32 $0x0;
	[sflag:s20] =	ssyncadd.s32 $0xFFFFFF80  }
0xa9: {  	v6 =	vld [tilespmem:s24+$0x1400]  }
0xaa: {  	v7 =	vld [tilespmem:s24+$0x2800];
	_ =	sdelay $0x3  }
0xab: {  	v8 =	vperm.xlane v6, v0  }
0xac: {  	v9 =	vperm.xlane v7, v0  }
0xad: {  	vm5 =	veq.s32 v8, v6  }
0xae: {  	v8 =	vperm.xlane v6, v5;
	v9 =	vmax.f32 v7, v9;
	vm5 =	vmand vm5, vm0  }
0xaf: {  	v10 =	vperm.xlane v6, v1;
	v7 =	vsel vm5, v9, v7  }
0xb0: {  	vm5 =	vne.s32 v8, v6;
	v8 =	vperm.xlane v7, v1  }
0xb1: {  	vm6 =	veq.s32 v10, v6;
	vm5 =	vmor vm5, vm4  }
0xb2: {  	vm6 =	vmand vm6, vm1;
	v8 =	vmax.f32 v7, v8  }
0xb3: {  	v26 =	vperm.xlane v6, v2;
	v7 =	vsel vm6, v8, v7  }
0xb4: {  	v8 =	vperm.xlane v7, v2  }
0xb5: {  	vm6 =	veq.s32 v26, v6  }
0xb6: {  	vm6 =	vmand vm6, vm2;
	v8 =	vmax.f32 v7, v8  }
0xb7: {  	v27 =	vperm.xlane v6, v4;
	v28 =	vld.idx.msk [tilespmem:v6+s21+$0x0], vm5;
	v7 =	vsel vm6, v8, v7  }
0xb8: {  	v8 =	vperm.xlane v7, v4  }
0xb9: {  	vm6 =	veq.s32 v27, v6  }
0xba: {  	vm6 =	vmand vm6, vm3;
	v8 =	vmax.f32 v7, v8  }
0xbb: {  	v7 =	vsel vm6, v8, v7  }
0xbc: {  	v7 =	vmax.f32 v28, v7  }
0xbd: {  	[tilespmem:v6+s21+$0x0] =	vst.idx.msk vm5, v7  }
0xbe: {  	v6 =	vld [tilespmem:s24+$0x1410]  }
0xbf: {  	v7 =	vld [tilespmem:s24+$0x2810];
	_ =	sdelay $0x3  }
0xc0: {  	v8 =	vperm.xlane v6, v0  }
0xc1: {  	v29 =	vperm.xlane v7, v0  }
0xc2: {  	vm5 =	veq.s32 v8, v6  }
0xc3: {  	v8 =	vperm.xlane v6, v5;
	v9 =	vmax.f32 v7, v29;
	vm5 =	vmand vm5, vm0  }
0xc4: {  	v30 =	vperm.xlane v6, v1;
	v7 =	vsel vm5, v9, v7  }
0xc5: {  	vm5 =	vne.s32 v8, v6;
	v8 =	vperm.xlane v7, v1  }
0xc6: {  	vm6 =	veq.s32 v30, v6;
	vm5 =	vmor vm5, vm4  }
0xc7: {  	vm6 =	vmand vm6, vm1;
	v8 =	vmax.f32 v7, v8  }
0xc8: {  	v31 =	vperm.xlane v6, v2;
	v7 =	vsel vm6, v8, v7  }
0xc9: {  	v8 =	vperm.xlane v7, v2  }
0xca: {  	vm6 =	veq.s32 v31, v6  }
0xcb: {  	vm6 =	vmand vm6, vm2;
	v8 =	vmax.f32 v7, v8  }
0xcc: {  	v32 =	vperm.xlane v6, v4;
	v33 =	vld.idx.msk [tilespmem:v6+s21+$0x0], vm5;
	v7 =	vsel vm6, v8, v7  }
0xcd: {  	v8 =	vperm.xlane v7, v4  }
0xce: {  	vm6 =	veq.s32 v32, v6  }
0xcf: {  	vm6 =	vmand vm6, vm3;
	v8 =	vmax.f32 v7, v8  }
0xd0: {  	v7 =	vsel vm6, v8, v7  }
0xd1: {  	v7 =	vmax.f32 v33, v7  }
0xd2: {  	[tilespmem:v6+s21+$0x0] =	vst.idx.msk vm5, v7  }
0xd3: {  	v6 =	vld [tilespmem:s24+$0x1420]  }
0xd4: {  	v7 =	vld [tilespmem:s24+$0x2820];
	_ =	sdelay $0x3  }
0xd5: {  	v8 =	vperm.xlane v6, v0  }
0xd6: {  	v34 =	vperm.xlane v7, v0  }
0xd7: {  	vm5 =	veq.s32 v8, v6  }
0xd8: {  	v8 =	vperm.xlane v6, v5;
	v9 =	vmax.f32 v7, v34;
	vm5 =	vmand vm5, vm0  }
0xd9: {  	v35 =	vperm.xlane v6, v1;
	v7 =	vsel vm5, v9, v7  }
0xda: {  	vm5 =	vne.s32 v8, v6;
	v8 =	vperm.xlane v7, v1  }
0xdb: {  	vm6 =	veq.s32 v35, v6;
	vm5 =	vmor vm5, vm4  }
0xdc: {  	vm6 =	vmand vm6, vm1;
	v8 =	vmax.f32 v7, v8  }
0xdd: {  	v36 =	vperm.xlane v6, v2;
	v7 =	vsel vm6, v8, v7  }
0xde: {  	v8 =	vperm.xlane v7, v2  }
0xdf: {  	vm6 =	veq.s32 v36, v6  }
0xe0: {  	vm6 =	vmand vm6, vm2;
	v8 =	vmax.f32 v7, v8  }
0xe1: {  	v37 =	vperm.xlane v6, v4;
	v38 =	vld.idx.msk [tilespmem:v6+s21+$0x0], vm5;
	v7 =	vsel vm6, v8, v7  }
0xe2: {  	v8 =	vperm.xlane v7, v4  }
0xe3: {  	vm6 =	veq.s32 v37, v6  }
0xe4: {  	vm6 =	vmand vm6, vm3;
	v8 =	vmax.f32 v7, v8  }
0xe5: {  	v7 =	vsel vm6, v8, v7  }
0xe6: {  	v7 =	vmax.f32 v38, v7  }
0xe7: {  	[tilespmem:v6+s21+$0x0] =	vst.idx.msk vm5, v7  }
0xe8: {  	v6 =	vld [tilespmem:s24+$0x1430]  }
0xe9: {  	v7 =	vld [tilespmem:s24+$0x2830];
	_ =	sdelay $0x3  }
0xea: {  	v8 =	vperm.xlane v6, v0  }
0xeb: {  	v39 =	vperm.xlane v7, v0  }
0xec: {  	vm5 =	veq.s32 v8, v6  }
0xed: {  	v8 =	vperm.xlane v6, v5;
	v9 =	vmax.f32 v7, v39;
	vm5 =	vmand vm5, vm0  }
0xee: {  	v40 =	vperm.xlane v6, v1;
	v7 =	vsel vm5, v9, v7  }
0xef: {  	vm5 =	vne.s32 v8, v6;
	v8 =	vperm.xlane v7, v1  }
0xf0: {  	vm6 =	veq.s32 v40, v6;
	vm5 =	vmor vm5, vm4  }
0xf1: {  	vm6 =	vmand vm6, vm1;
	v8 =	vmax.f32 v7, v8  }
0xf2: {  	v41 =	vperm.xlane v6, v2;
	v7 =	vsel vm6, v8, v7  }
0xf3: {  	v8 =	vperm.xlane v7, v2  }
0xf4: {  	vm6 =	veq.s32 v41, v6  }
0xf5: {  	vm6 =	vmand vm6, vm2;
	v8 =	vmax.f32 v7, v8  }
0xf6: {  	v42 =	vperm.xlane v6, v4;
	v43 =	vld.idx.msk [tilespmem:v6+s21+$0x0], vm5;
	v7 =	vsel vm6, v8, v7  }
0xf7: {  	v8 =	vperm.xlane v7, v4  }
0xf8: {  	vm6 =	veq.s32 v42, v6  }
0xf9: {  	vm6 =	vmand vm6, vm3;
	v8 =	vmax.f32 v7, v8  }
0xfa: {  	v7 =	vsel vm6, v8, v7  }
0xfb: {  	v7 =	vmax.f32 v43, v7  }
0xfc: {  	[tilespmem:v6+s21+$0x0] =	vst.idx.msk vm5, v7  }
0xfd: {  	v6 =	vld [tilespmem:s24+$0x1440]  }
0xfe: {  	v7 =	vld [tilespmem:s24+$0x2840];
	_ =	sdelay $0x3  }
0xff: {  	v8 =	vperm.xlane v6, v0  }
0x100: {  	v44 =	vperm.xlane v7, v0  }
0x101: {  	vm5 =	veq.s32 v8, v6  }
0x102: {  	v8 =	vperm.xlane v6, v5;
	v9 =	vmax.f32 v7, v44;
	vm5 =	vmand vm5, vm0  }
0x103: {  	v45 =	vperm.xlane v6, v1;
	v7 =	vsel vm5, v9, v7  }
0x104: {  	vm5 =	vne.s32 v8, v6;
	v8 =	vperm.xlane v7, v1  }
0x105: {  	vm6 =	veq.s32 v45, v6;
	vm5 =	vmor vm5, vm4  }
0x106: {  	vm6 =	vmand vm6, vm1;
	v8 =	vmax.f32 v7, v8  }
0x107: {  	v46 =	vperm.xlane v6, v2;
	v7 =	vsel vm6, v8, v7  }
0x108: {  	v8 =	vperm.xlane v7, v2  }
0x109: {  	vm6 =	veq.s32 v46, v6  }
0x10a: {  	vm6 =	vmand vm6, vm2;
	v8 =	vmax.f32 v7, v8  }
0x10b: {  	v47 =	vperm.xlane v6, v4;
	v48 =	vld.idx.msk [tilespmem:v6+s21+$0x0], vm5;
	v7 =	vsel vm6, v8, v7  }
0x10c: {  	v8 =	vperm.xlane v7, v4  }
0x10d: {  	vm6 =	veq.s32 v47, v6  }
0x10e: {  	vm6 =	vmand vm6, vm3;
	v8 =	vmax.f32 v7, v8  }
0x10f: {  	v7 =	vsel vm6, v8, v7  }
0x110: {  	v7 =	vmax.f32 v48, v7  }
0x111: {  	[tilespmem:v6+s21+$0x0] =	vst.idx.msk vm5, v7  }
0x112: {  	v6 =	vld [tilespmem:s24+$0x1450]  }
0x113: {  	v7 =	vld [tilespmem:s24+$0x2850];
	_ =	sdelay $0x3  }
0x114: {  	v8 =	vperm.xlane v6, v0  }
0x115: {  	v49 =	vperm.xlane v7, v0  }
0x116: {  	vm5 =	veq.s32 v8, v6  }
0x117: {  	v8 =	vperm.xlane v6, v5;
	v9 =	vmax.f32 v7, v49;
	vm5 =	vmand vm5, vm0  }
0x118: {  	v50 =	vperm.xlane v6, v1;
	v7 =	vsel vm5, v9, v7  }
0x119: {  	vm5 =	vne.s32 v8, v6;
	v8 =	vperm.xlane v7, v1  }
0x11a: {  	vm6 =	veq.s32 v50, v6;
	vm5 =	vmor vm5, vm4  }
0x11b: {  	vm6 =	vmand vm6, vm1;
	v8 =	vmax.f32 v7, v8  }
0x11c: {  	v51 =	vperm.xlane v6, v2;
	v7 =	vsel vm6, v8, v7  }
0x11d: {  	v8 =	vperm.xlane v7, v2  }
0x11e: {  	vm6 =	veq.s32 v51, v6  }
0x11f: {  	vm6 =	vmand vm6, vm2;
	v8 =	vmax.f32 v7, v8  }
0x120: {  	v52 =	vperm.xlane v6, v4;
	v53 =	vld.idx.msk [tilespmem:v6+s21+$0x0], vm5;
	v7 =	vsel vm6, v8, v7  }
0x121: {  	v8 =	vperm.xlane v7, v4  }
0x122: {  	vm6 =	veq.s32 v52, v6  }
0x123: {  	vm6 =	vmand vm6, vm3;
	v8 =	vmax.f32 v7, v8  }
0x124: {  	v7 =	vsel vm6, v8, v7  }
0x125: {  	v7 =	vmax.f32 v53, v7  }
0x126: {  	[tilespmem:v6+s21+$0x0] =	vst.idx.msk vm5, v7  }
0x127: {  	v6 =	vld [tilespmem:s24+$0x1460]  }
0x128: {  	v7 =	vld [tilespmem:s24+$0x2860];
	_ =	sdelay $0x3  }
0x129: {  	v8 =	vperm.xlane v6, v0  }
0x12a: {  	v54 =	vperm.xlane v7, v0  }
0x12b: {  	vm5 =	veq.s32 v8, v6  }
0x12c: {  	v8 =	vperm.xlane v6, v5;
	v9 =	vmax.f32 v7, v54;
	vm5 =	vmand vm5, vm0  }
0x12d: {  	v55 =	vperm.xlane v6, v1;
	v7 =	vsel vm5, v9, v7  }
0x12e: {  	vm5 =	vne.s32 v8, v6;
	v8 =	vperm.xlane v7, v1  }
0x12f: {  	vm6 =	veq.s32 v55, v6;
	vm5 =	vmor vm5, vm4  }
0x130: {  	vm6 =	vmand vm6, vm1;
	v8 =	vmax.f32 v7, v8  }
0x131: {  	v56 =	vperm.xlane v6, v2;
	v7 =	vsel vm6, v8, v7  }
0x132: {  	v8 =	vperm.xlane v7, v2  }
0x133: {  	vm6 =	veq.s32 v56, v6  }
0x134: {  	vm6 =	vmand vm6, vm2;
	v8 =	vmax.f32 v7, v8  }
0x135: {  	v57 =	vperm.xlane v6, v4;
	v58 =	vld.idx.msk [tilespmem:v6+s21+$0x0], vm5;
	v7 =	vsel vm6, v8, v7  }
0x136: {  	v8 =	vperm.xlane v7, v4  }
0x137: {  	vm6 =	veq.s32 v57, v6  }
0x138: {  	vm6 =	vmand vm6, vm3;
	v8 =	vmax.f32 v7, v8  }
0x139: {  	v7 =	vsel vm6, v8, v7  }
0x13a: {  	v7 =	vmax.f32 v58, v7  }
0x13b: {  	[tilespmem:v6+s21+$0x0] =	vst.idx.msk vm5, v7  }
0x13c: {  	v6 =	vld [tilespmem:s24+$0x1470]  }
0x13d: {  	v7 =	vld [tilespmem:s24+$0x2870];
	_ =	sdelay $0x3  }
0x13e: {  	v8 =	vperm.xlane v6, v0  }
0x13f: {  	v59 =	vperm.xlane v7, v0  }
0x140: {  	vm5 =	veq.s32 v8, v6  }
0x141: {  	v8 =	vperm.xlane v6, v5;
	v9 =	vmax.f32 v7, v59;
	vm5 =	vmand vm5, vm0  }
0x142: {  	v60 =	vperm.xlane v6, v1;
	v7 =	vsel vm5, v9, v7  }
0x143: {  	vm5 =	vne.s32 v8, v6;
	v8 =	vperm.xlane v7, v1  }
0x144: {  	vm6 =	veq.s32 v60, v6;
	vm5 =	vmor vm5, vm4  }
0x145: {  	vm6 =	vmand vm6, vm1;
	v8 =	vmax.f32 v7, v8  }
0x146: {  	v61 =	vperm.xlane v6, v2;
	v7 =	vsel vm6, v8, v7  }
0x147: {  	v8 =	vperm.xlane v7, v2  }
0x148: {  	vm6 =	veq.s32 v61, v6  }
0x149: {  	vm6 =	vmand vm6, vm2;
	v8 =	vmax.f32 v7, v8  }
0x14a: {  	v62 =	vperm.xlane v6, v4;
	v63 =	vld.idx.msk [tilespmem:v6+s21+$0x0], vm5;
	v7 =	vsel vm6, v8, v7  }
0x14b: {  	v8 =	vperm.xlane v7, v4  }
0x14c: {  	vm6 =	veq.s32 v62, v6  }
0x14d: {  	vm6 =	vmand vm6, vm3;
	v8 =	vmax.f32 v7, v8  }
0x14e: {  	v7 =	vsel vm6, v8, v7  }
0x14f: {  	s25 =	simm.s32 $0x400;
	s24 =	simm.s32 $0x200;
	v7 =	vmax.f32 v63, v7  }
.LBB2_4:
0x150: {  	p0 =	sne.s32 s25, $0x2600  }
0x151: {  	s26 =	sshra.s32 s24, $0x2;
	[tilespmem:v6+s21+$0x0] =	vst.idx.msk vm5, v7;
	s24 =	smov.u32 s25;
	s25 =	sadd.s32 $0x200, s25  }
0x152: {  	v6 =	vld [tilespmem:s26+$0x1400]  }
0x153: {  	v7 =	vld [tilespmem:s26+$0x2800];
	_ =	sdelay $0x3  }
0x154: {  	v8 =	vperm.xlane v6, v0;
	v9 =	vperm.xlane v6, v5  }
0x155: {  	v11 =	vperm.xlane v6, v1;
	v10 =	vperm.xlane v7, v0  }
0x156: {  	vm5 =	veq.s32 v8, v6;
	v8 =	vperm.xlane v6, v2;
	vm6 =	vne.s32 v9, v6  }
0x157: {  	vm7 =	veq.s32 v11, v6;
	vm5 =	vmand vm5, vm0;
	v9 =	vmax.f32 v7, v10  }
0x158: {  	v7 =	vsel vm5, v9, v7;
	vm5 =	veq.s32 v8, v6;
	v8 =	vperm.xlane v6, v4  }
0x159: {  	vm6 =	vmor vm6, vm4;
	v9 =	vperm.xlane v7, v1  }
0x15a: {  	vm8 =	veq.s32 v8, v6  }
0x15b: {  	vm7 =	vmand vm7, vm1;
	v8 =	vmax.f32 v7, v9  }
0x15c: {  	v7 =	vsel vm7, v8, v7  }
0x15d: {  	v8 =	vperm.xlane v7, v2;
	_ =	sdelay $0x1  }
0x15e: {  	vm5 =	vmand vm5, vm2;
	v8 =	vmax.f32 v7, v8;
	v9 =	vld.idx.msk [tilespmem:v6+s21+$0x0], vm6  }
0x15f: {  	v7 =	vsel vm5, v8, v7  }
0x160: {  	v8 =	vperm.xlane v7, v4;
	_ =	sdelay $0x1  }
0x161: {  	vm5 =	vmand vm8, vm3;
	v8 =	vmax.f32 v7, v8  }
0x162: {  	v7 =	vsel vm5, v8, v7  }
0x163: {  	v7 =	vmax.f32 v9, v7  }
0x164: {  	[tilespmem:v6+s21+$0x0] =	vst.idx.msk vm6, v7  }
0x165: {  	v6 =	vld [tilespmem:s26+$0x1410]  }
0x166: {  	v7 =	vld [tilespmem:s26+$0x2810];
	_ =	sdelay $0x3  }
0x167: {  	v8 =	vperm.xlane v6, v0;
	v9 =	vperm.xlane v6, v5  }
0x168: {  	v11 =	vperm.xlane v6, v1;
	v10 =	vperm.xlane v7, v0  }
0x169: {  	vm5 =	veq.s32 v8, v6;
	v8 =	vperm.xlane v6, v2;
	vm6 =	vne.s32 v9, v6  }
0x16a: {  	vm7 =	veq.s32 v11, v6;
	vm5 =	vmand vm5, vm0;
	v9 =	vmax.f32 v7, v10  }
0x16b: {  	v7 =	vsel vm5, v9, v7;
	vm5 =	veq.s32 v8, v6;
	v8 =	vperm.xlane v6, v4  }
0x16c: {  	vm6 =	vmor vm6, vm4;
	v9 =	vperm.xlane v7, v1  }
0x16d: {  	vm8 =	veq.s32 v8, v6  }
0x16e: {  	vm7 =	vmand vm7, vm1;
	v8 =	vmax.f32 v7, v9  }
0x16f: {  	v7 =	vsel vm7, v8, v7  }
0x170: {  	v8 =	vperm.xlane v7, v2;
	_ =	sdelay $0x1  }
0x171: {  	vm5 =	vmand vm5, vm2;
	v8 =	vmax.f32 v7, v8;
	v9 =	vld.idx.msk [tilespmem:v6+s21+$0x0], vm6  }
0x172: {  	v7 =	vsel vm5, v8, v7  }
0x173: {  	v8 =	vperm.xlane v7, v4;
	_ =	sdelay $0x1  }
0x174: {  	vm5 =	vmand vm8, vm3;
	v8 =	vmax.f32 v7, v8  }
0x175: {  	v7 =	vsel vm5, v8, v7  }
0x176: {  	v7 =	vmax.f32 v9, v7  }
0x177: {  	[tilespmem:v6+s21+$0x0] =	vst.idx.msk vm6, v7  }
0x178: {  	v6 =	vld [tilespmem:s26+$0x1420]  }
0x179: {  	v7 =	vld [tilespmem:s26+$0x2820];
	_ =	sdelay $0x3  }
0x17a: {  	v8 =	vperm.xlane v6, v0;
	v9 =	vperm.xlane v6, v5  }
0x17b: {  	v11 =	vperm.xlane v6, v1;
	v10 =	vperm.xlane v7, v0  }
0x17c: {  	vm5 =	veq.s32 v8, v6;
	v8 =	vperm.xlane v6, v2;
	vm6 =	vne.s32 v9, v6  }
0x17d: {  	vm7 =	veq.s32 v11, v6;
	vm5 =	vmand vm5, vm0;
	v9 =	vmax.f32 v7, v10  }
0x17e: {  	v7 =	vsel vm5, v9, v7;
	vm5 =	veq.s32 v8, v6;
	v8 =	vperm.xlane v6, v4  }
0x17f: {  	vm6 =	vmor vm6, vm4;
	v9 =	vperm.xlane v7, v1  }
0x180: {  	vm8 =	veq.s32 v8, v6  }
0x181: {  	vm7 =	vmand vm7, vm1;
	v8 =	vmax.f32 v7, v9  }
0x182: {  	v7 =	vsel vm7, v8, v7  }
0x183: {  	v8 =	vperm.xlane v7, v2;
	_ =	sdelay $0x1  }
0x184: {  	vm5 =	vmand vm5, vm2;
	v8 =	vmax.f32 v7, v8;
	v9 =	vld.idx.msk [tilespmem:v6+s21+$0x0], vm6  }
0x185: {  	v7 =	vsel vm5, v8, v7  }
0x186: {  	v8 =	vperm.xlane v7, v4;
	_ =	sdelay $0x1  }
0x187: {  	vm5 =	vmand vm8, vm3;
	v8 =	vmax.f32 v7, v8  }
0x188: {  	v7 =	vsel vm5, v8, v7  }
0x189: {  	v7 =	vmax.f32 v9, v7  }
0x18a: {  	[tilespmem:v6+s21+$0x0] =	vst.idx.msk vm6, v7  }
0x18b: {  	v6 =	vld [tilespmem:s26+$0x1430]  }
0x18c: {  	v7 =	vld [tilespmem:s26+$0x2830];
	_ =	sdelay $0x3  }
0x18d: {  	v8 =	vperm.xlane v6, v0;
	v9 =	vperm.xlane v6, v5  }
0x18e: {  	v11 =	vperm.xlane v6, v1;
	v10 =	vperm.xlane v7, v0  }
0x18f: {  	vm5 =	veq.s32 v8, v6;
	v8 =	vperm.xlane v6, v2;
	vm6 =	vne.s32 v9, v6  }
0x190: {  	vm7 =	veq.s32 v11, v6;
	vm5 =	vmand vm5, vm0;
	v9 =	vmax.f32 v7, v10  }
0x191: {  	v7 =	vsel vm5, v9, v7;
	vm5 =	veq.s32 v8, v6;
	v8 =	vperm.xlane v6, v4  }
0x192: {  	vm6 =	vmor vm6, vm4;
	v9 =	vperm.xlane v7, v1  }
0x193: {  	vm8 =	veq.s32 v8, v6  }
0x194: {  	vm7 =	vmand vm7, vm1;
	v8 =	vmax.f32 v7, v9  }
0x195: {  	v7 =	vsel vm7, v8, v7  }
0x196: {  	v8 =	vperm.xlane v7, v2;
	_ =	sdelay $0x1  }
0x197: {  	vm5 =	vmand vm5, vm2;
	v8 =	vmax.f32 v7, v8;
	v9 =	vld.idx.msk [tilespmem:v6+s21+$0x0], vm6  }
0x198: {  	v7 =	vsel vm5, v8, v7  }
0x199: {  	v8 =	vperm.xlane v7, v4;
	_ =	sdelay $0x1  }
0x19a: {  	vm5 =	vmand vm8, vm3;
	v8 =	vmax.f32 v7, v8  }
0x19b: {  	v7 =	vsel vm5, v8, v7  }
0x19c: {  	v7 =	vmax.f32 v9, v7  }
0x19d: {  	[tilespmem:v6+s21+$0x0] =	vst.idx.msk vm6, v7  }
0x19e: {  	v6 =	vld [tilespmem:s26+$0x1440]  }
0x19f: {  	v7 =	vld [tilespmem:s26+$0x2840];
	_ =	sdelay $0x3  }
0x1a0: {  	v8 =	vperm.xlane v6, v0;
	v9 =	vperm.xlane v6, v5  }
0x1a1: {  	v11 =	vperm.xlane v6, v1;
	v10 =	vperm.xlane v7, v0  }
0x1a2: {  	vm5 =	veq.s32 v8, v6;
	v8 =	vperm.xlane v6, v2;
	vm6 =	vne.s32 v9, v6  }
0x1a3: {  	vm7 =	veq.s32 v11, v6;
	vm5 =	vmand vm5, vm0;
	v9 =	vmax.f32 v7, v10  }
0x1a4: {  	v7 =	vsel vm5, v9, v7;
	vm5 =	veq.s32 v8, v6;
	v8 =	vperm.xlane v6, v4  }
0x1a5: {  	vm6 =	vmor vm6, vm4;
	v9 =	vperm.xlane v7, v1  }
0x1a6: {  	vm8 =	veq.s32 v8, v6  }
0x1a7: {  	vm7 =	vmand vm7, vm1;
	v8 =	vmax.f32 v7, v9  }
0x1a8: {  	v7 =	vsel vm7, v8, v7  }
0x1a9: {  	v8 =	vperm.xlane v7, v2;
	_ =	sdelay $0x1  }
0x1aa: {  	vm5 =	vmand vm5, vm2;
	v8 =	vmax.f32 v7, v8;
	v9 =	vld.idx.msk [tilespmem:v6+s21+$0x0], vm6  }
0x1ab: {  	v7 =	vsel vm5, v8, v7  }
0x1ac: {  	v8 =	vperm.xlane v7, v4;
	_ =	sdelay $0x1  }
0x1ad: {  	vm5 =	vmand vm8, vm3;
	v8 =	vmax.f32 v7, v8  }
0x1ae: {  	v7 =	vsel vm5, v8, v7  }
0x1af: {  	v7 =	vmax.f32 v9, v7  }
0x1b0: {  	[tilespmem:v6+s21+$0x0] =	vst.idx.msk vm6, v7  }
0x1b1: {  	v6 =	vld [tilespmem:s26+$0x1450]  }
0x1b2: {  	v7 =	vld [tilespmem:s26+$0x2850];
	_ =	sdelay $0x3  }
0x1b3: {  	v8 =	vperm.xlane v6, v0;
	v9 =	vperm.xlane v6, v5  }
0x1b4: {  	v11 =	vperm.xlane v6, v1;
	v10 =	vperm.xlane v7, v0  }
0x1b5: {  	vm5 =	veq.s32 v8, v6;
	v8 =	vperm.xlane v6, v2;
	vm6 =	vne.s32 v9, v6  }
0x1b6: {  	vm7 =	veq.s32 v11, v6;
	vm5 =	vmand vm5, vm0;
	v9 =	vmax.f32 v7, v10  }
0x1b7: {  	v7 =	vsel vm5, v9, v7;
	vm5 =	veq.s32 v8, v6;
	v8 =	vperm.xlane v6, v4  }
0x1b8: {  	vm6 =	vmor vm6, vm4;
	v9 =	vperm.xlane v7, v1  }
0x1b9: {  	vm8 =	veq.s32 v8, v6  }
0x1ba: {  	vm7 =	vmand vm7, vm1;
	v8 =	vmax.f32 v7, v9  }
0x1bb: {  	v7 =	vsel vm7, v8, v7  }
0x1bc: {  	v8 =	vperm.xlane v7, v2;
	_ =	sdelay $0x1  }
0x1bd: {  	vm5 =	vmand vm5, vm2;
	v8 =	vmax.f32 v7, v8;
	v9 =	vld.idx.msk [tilespmem:v6+s21+$0x0], vm6  }
0x1be: {  	v7 =	vsel vm5, v8, v7  }
0x1bf: {  	v8 =	vperm.xlane v7, v4;
	_ =	sdelay $0x1  }
0x1c0: {  	vm5 =	vmand vm8, vm3;
	v8 =	vmax.f32 v7, v8  }
0x1c1: {  	v7 =	vsel vm5, v8, v7  }
0x1c2: {  	v7 =	vmax.f32 v9, v7  }
0x1c3: {  	[tilespmem:v6+s21+$0x0] =	vst.idx.msk vm6, v7  }
0x1c4: {  	v6 =	vld [tilespmem:s26+$0x1460]  }
0x1c5: {  	v7 =	vld [tilespmem:s26+$0x2860];
	_ =	sdelay $0x3  }
0x1c6: {  	v8 =	vperm.xlane v6, v0;
	v9 =	vperm.xlane v6, v5  }
0x1c7: {  	v11 =	vperm.xlane v6, v1;
	v10 =	vperm.xlane v7, v0  }
0x1c8: {  	vm5 =	veq.s32 v8, v6;
	v8 =	vperm.xlane v6, v2;
	vm6 =	vne.s32 v9, v6  }
0x1c9: {  	vm7 =	veq.s32 v11, v6;
	vm5 =	vmand vm5, vm0;
	v9 =	vmax.f32 v7, v10  }
0x1ca: {  	v7 =	vsel vm5, v9, v7;
	vm5 =	veq.s32 v8, v6;
	v8 =	vperm.xlane v6, v4  }
0x1cb: {  	vm6 =	vmor vm6, vm4;
	v9 =	vperm.xlane v7, v1  }
0x1cc: {  	vm8 =	veq.s32 v8, v6  }
0x1cd: {  	vm7 =	vmand vm7, vm1;
	v8 =	vmax.f32 v7, v9  }
0x1ce: {  	v7 =	vsel vm7, v8, v7  }
0x1cf: {  	v8 =	vperm.xlane v7, v2;
	_ =	sdelay $0x1  }
0x1d0: {  	vm5 =	vmand vm5, vm2;
	v8 =	vmax.f32 v7, v8;
	v9 =	vld.idx.msk [tilespmem:v6+s21+$0x0], vm6  }
0x1d1: {  	v7 =	vsel vm5, v8, v7  }
0x1d2: {  	v8 =	vperm.xlane v7, v4;
	_ =	sdelay $0x1  }
0x1d3: {  	vm5 =	vmand vm8, vm3;
	v8 =	vmax.f32 v7, v8  }
0x1d4: {  	v7 =	vsel vm5, v8, v7  }
0x1d5: {  	v7 =	vmax.f32 v9, v7  }
0x1d6: {  	[tilespmem:v6+s21+$0x0] =	vst.idx.msk vm6, v7  }
0x1d7: {  	v6 =	vld [tilespmem:s26+$0x1470]  }
0x1d8: {  	v7 =	vld [tilespmem:s26+$0x2870];
	_ =	sdelay $0x3  }
0x1d9: {  	v8 =	vperm.xlane v6, v0;
	v9 =	vperm.xlane v6, v5  }
0x1da: {  	v11 =	vperm.xlane v6, v1;
	v10 =	vperm.xlane v7, v0  }
0x1db: {  	vm5 =	veq.s32 v8, v6;
	v8 =	vperm.xlane v6, v2;
	vm6 =	vne.s32 v9, v6  }
0x1dc: {  	vm7 =	veq.s32 v11, v6;
	vm5 =	vmand vm5, vm0;
	v9 =	vmax.f32 v7, v10  }
0x1dd: {  	v7 =	vsel vm5, v9, v7;
	vm8 =	veq.s32 v8, v6;
	v8 =	vperm.xlane v6, v4  }
0x1de: {  	vm5 =	vmor vm6, vm4;
	v9 =	vperm.xlane v7, v1  }
0x1df: {  	vm6 =	veq.s32 v8, v6  }
0x1e0: {  	vm7 =	vmand vm7, vm1;
	v8 =	vmax.f32 v7, v9  }
0x1e1: {  	v7 =	vsel vm7, v8, v7  }
0x1e2: {  	v8 =	vperm.xlane v7, v2;
	_ =	sdelay $0x1  }
0x1e3: {  	vm7 =	vmand vm8, vm2;
	v8 =	vmax.f32 v7, v8;
	v9 =	vld.idx.msk [tilespmem:v6+s21+$0x0], vm5  }
0x1e4: {  	v7 =	vsel vm7, v8, v7  }
.Ltmp1:
0x1e5: {  	v8 =	vperm.xlane v7, v4;
	(pc) =	sbr.rel @p0 .LBB2_4-.Ltmp1, $4  }
0x1e6: {  	_ = 	snop  }
0x1e7: {  	vm6 =	vmand vm6, vm3;
	v8 =	vmax.f32 v7, v8  }
0x1e8: {  	v7 =	vsel vm6, v8, v7  }
0x1e9: {  	v7 =	vmax.f32 v9, v7  }
0x1ea: {  	_ =	sdelay $0x4  }
0x1eb: {  	s24 =	sshra.s32 s24, $0x2;
	[tilespmem:v6+s21+$0x0] =	vst.idx.msk vm5, v7  }
0x1ec: {  	v6 =	vld [tilespmem:s24+$0x1400]  }
0x1ed: {  	v7 =	vld [tilespmem:s24+$0x2800];
	_ =	sdelay $0x3  }
0x1ee: {  	v8 =	vperm.xlane v6, v0  }
0x1ef: {  	v9 =	vperm.xlane v7, v0  }
0x1f0: {  	vm5 =	veq.s32 v8, v6  }
0x1f1: {  	v8 =	vperm.xlane v6, v5;
	v9 =	vmax.f32 v7, v9;
	vm5 =	vmand vm5, vm0  }
0x1f2: {  	v10 =	vperm.xlane v6, v1;
	v7 =	vsel vm5, v9, v7  }
0x1f3: {  	vm5 =	vne.s32 v8, v6;
	v8 =	vperm.xlane v7, v1  }
0x1f4: {  	vm6 =	veq.s32 v10, v6;
	vm5 =	vmor vm5, vm4  }
0x1f5: {  	vm6 =	vmand vm6, vm1;
	v8 =	vmax.f32 v7, v8  }
0x1f6: {  	v38 =	vperm.xlane v6, v2;
	v7 =	vsel vm6, v8, v7  }
0x1f7: {  	v8 =	vperm.xlane v7, v2  }
0x1f8: {  	vm6 =	veq.s32 v38, v6  }
0x1f9: {  	vm6 =	vmand vm6, vm2;
	v8 =	vmax.f32 v7, v8  }
0x1fa: {  	v39 =	vperm.xlane v6, v4;
	v40 =	vld.idx.msk [tilespmem:v6+s21+$0x0], vm5;
	v7 =	vsel vm6, v8, v7  }
0x1fb: {  	v8 =	vperm.xlane v7, v4  }
0x1fc: {  	vm6 =	veq.s32 v39, v6  }
0x1fd: {  	vm6 =	vmand vm6, vm3;
	v8 =	vmax.f32 v7, v8  }
0x1fe: {  	v7 =	vsel vm6, v8, v7  }
0x1ff: {  	v7 =	vmax.f32 v40, v7  }
0x200: {  	[tilespmem:v6+s21+$0x0] =	vst.idx.msk vm5, v7  }
0x201: {  	v6 =	vld [tilespmem:s24+$0x1410]  }
0x202: {  	v7 =	vld [tilespmem:s24+$0x2810];
	_ =	sdelay $0x3  }
0x203: {  	v8 =	vperm.xlane v6, v0  }
0x204: {  	v41 =	vperm.xlane v7, v0  }
0x205: {  	vm5 =	veq.s32 v8, v6  }
0x206: {  	v8 =	vperm.xlane v6, v5;
	v9 =	vmax.f32 v7, v41;
	vm5 =	vmand vm5, vm0  }
0x207: {  	v42 =	vperm.xlane v6, v1;
	v7 =	vsel vm5, v9, v7  }
0x208: {  	vm5 =	vne.s32 v8, v6;
	v8 =	vperm.xlane v7, v1  }
0x209: {  	vm6 =	veq.s32 v42, v6;
	vm5 =	vmor vm5, vm4  }
0x20a: {  	vm6 =	vmand vm6, vm1;
	v8 =	vmax.f32 v7, v8  }
0x20b: {  	v43 =	vperm.xlane v6, v2;
	v7 =	vsel vm6, v8, v7  }
0x20c: {  	v8 =	vperm.xlane v7, v2  }
0x20d: {  	vm6 =	veq.s32 v43, v6  }
0x20e: {  	vm6 =	vmand vm6, vm2;
	v8 =	vmax.f32 v7, v8  }
0x20f: {  	v44 =	vperm.xlane v6, v4;
	v45 =	vld.idx.msk [tilespmem:v6+s21+$0x0], vm5;
	v7 =	vsel vm6, v8, v7  }
0x210: {  	v8 =	vperm.xlane v7, v4  }
0x211: {  	vm6 =	veq.s32 v44, v6  }
0x212: {  	vm6 =	vmand vm6, vm3;
	v8 =	vmax.f32 v7, v8  }
0x213: {  	v7 =	vsel vm6, v8, v7  }
0x214: {  	v7 =	vmax.f32 v45, v7  }
0x215: {  	[tilespmem:v6+s21+$0x0] =	vst.idx.msk vm5, v7  }
0x216: {  	v6 =	vld [tilespmem:s24+$0x1420]  }
0x217: {  	v7 =	vld [tilespmem:s24+$0x2820];
	_ =	sdelay $0x3  }
0x218: {  	v8 =	vperm.xlane v6, v0  }
0x219: {  	v46 =	vperm.xlane v7, v0  }
0x21a: {  	vm5 =	veq.s32 v8, v6  }
0x21b: {  	v8 =	vperm.xlane v6, v5;
	v9 =	vmax.f32 v7, v46;
	vm5 =	vmand vm5, vm0  }
0x21c: {  	v47 =	vperm.xlane v6, v1;
	v7 =	vsel vm5, v9, v7  }
0x21d: {  	vm5 =	vne.s32 v8, v6;
	v8 =	vperm.xlane v7, v1  }
0x21e: {  	vm6 =	veq.s32 v47, v6;
	vm5 =	vmor vm5, vm4  }
0x21f: {  	vm6 =	vmand vm6, vm1;
	v8 =	vmax.f32 v7, v8  }
0x220: {  	v48 =	vperm.xlane v6, v2;
	v7 =	vsel vm6, v8, v7  }
0x221: {  	v8 =	vperm.xlane v7, v2  }
0x222: {  	vm6 =	veq.s32 v48, v6  }
0x223: {  	vm6 =	vmand vm6, vm2;
	v8 =	vmax.f32 v7, v8  }
0x224: {  	v49 =	vperm.xlane v6, v4;
	v50 =	vld.idx.msk [tilespmem:v6+s21+$0x0], vm5;
	v7 =	vsel vm6, v8, v7  }
0x225: {  	v8 =	vperm.xlane v7, v4  }
0x226: {  	vm6 =	veq.s32 v49, v6  }
0x227: {  	vm6 =	vmand vm6, vm3;
	v8 =	vmax.f32 v7, v8  }
0x228: {  	v7 =	vsel vm6, v8, v7  }
0x229: {  	v7 =	vmax.f32 v50, v7  }
0x22a: {  	[tilespmem:v6+s21+$0x0] =	vst.idx.msk vm5, v7  }
0x22b: {  	v6 =	vld [tilespmem:s24+$0x1430]  }
0x22c: {  	v7 =	vld [tilespmem:s24+$0x2830];
	_ =	sdelay $0x3  }
0x22d: {  	v8 =	vperm.xlane v6, v0  }
0x22e: {  	v51 =	vperm.xlane v7, v0  }
0x22f: {  	vm5 =	veq.s32 v8, v6  }
0x230: {  	v8 =	vperm.xlane v6, v5;
	v9 =	vmax.f32 v7, v51;
	vm5 =	vmand vm5, vm0  }
0x231: {  	v52 =	vperm.xlane v6, v1;
	v7 =	vsel vm5, v9, v7  }
0x232: {  	vm5 =	vne.s32 v8, v6;
	v8 =	vperm.xlane v7, v1  }
0x233: {  	vm6 =	veq.s32 v52, v6;
	vm5 =	vmor vm5, vm4  }
0x234: {  	vm6 =	vmand vm6, vm1;
	v8 =	vmax.f32 v7, v8  }
0x235: {  	v53 =	vperm.xlane v6, v2;
	v7 =	vsel vm6, v8, v7  }
0x236: {  	v8 =	vperm.xlane v7, v2  }
0x237: {  	vm6 =	veq.s32 v53, v6  }
0x238: {  	vm6 =	vmand vm6, vm2;
	v8 =	vmax.f32 v7, v8  }
0x239: {  	v54 =	vperm.xlane v6, v4;
	v55 =	vld.idx.msk [tilespmem:v6+s21+$0x0], vm5;
	v7 =	vsel vm6, v8, v7  }
0x23a: {  	v8 =	vperm.xlane v7, v4  }
0x23b: {  	vm6 =	veq.s32 v54, v6  }
0x23c: {  	vm6 =	vmand vm6, vm3;
	v8 =	vmax.f32 v7, v8  }
0x23d: {  	v7 =	vsel vm6, v8, v7  }
0x23e: {  	v7 =	vmax.f32 v55, v7  }
0x23f: {  	[tilespmem:v6+s21+$0x0] =	vst.idx.msk vm5, v7  }
0x240: {  	v6 =	vld [tilespmem:s24+$0x1440]  }
0x241: {  	v7 =	vld [tilespmem:s24+$0x2840];
	_ =	sdelay $0x3  }
0x242: {  	v8 =	vperm.xlane v6, v0  }
0x243: {  	v56 =	vperm.xlane v7, v0  }
0x244: {  	vm5 =	veq.s32 v8, v6  }
0x245: {  	v8 =	vperm.xlane v6, v5;
	v9 =	vmax.f32 v7, v56;
	vm5 =	vmand vm5, vm0  }
0x246: {  	v57 =	vperm.xlane v6, v1;
	v7 =	vsel vm5, v9, v7  }
0x247: {  	vm5 =	vne.s32 v8, v6;
	v8 =	vperm.xlane v7, v1  }
0x248: {  	vm6 =	veq.s32 v57, v6;
	vm5 =	vmor vm5, vm4  }
0x249: {  	vm6 =	vmand vm6, vm1;
	v8 =	vmax.f32 v7, v8  }
0x24a: {  	v58 =	vperm.xlane v6, v2;
	v7 =	vsel vm6, v8, v7  }
0x24b: {  	v8 =	vperm.xlane v7, v2  }
0x24c: {  	vm6 =	veq.s32 v58, v6  }
0x24d: {  	vm6 =	vmand vm6, vm2;
	v8 =	vmax.f32 v7, v8  }
0x24e: {  	v59 =	vperm.xlane v6, v4;
	v60 =	vld.idx.msk [tilespmem:v6+s21+$0x0], vm5;
	v7 =	vsel vm6, v8, v7  }
0x24f: {  	v8 =	vperm.xlane v7, v4  }
0x250: {  	vm6 =	veq.s32 v59, v6  }
0x251: {  	vm6 =	vmand vm6, vm3;
	v8 =	vmax.f32 v7, v8  }
0x252: {  	v7 =	vsel vm6, v8, v7  }
0x253: {  	v7 =	vmax.f32 v60, v7  }
0x254: {  	[tilespmem:v6+s21+$0x0] =	vst.idx.msk vm5, v7  }
0x255: {  	v6 =	vld [tilespmem:s24+$0x1450]  }
0x256: {  	v7 =	vld [tilespmem:s24+$0x2850];
	_ =	sdelay $0x3  }
0x257: {  	v8 =	vperm.xlane v6, v0  }
0x258: {  	v61 =	vperm.xlane v7, v0  }
0x259: {  	vm5 =	veq.s32 v8, v6  }
0x25a: {  	v8 =	vperm.xlane v6, v5;
	v9 =	vmax.f32 v7, v61;
	vm5 =	vmand vm5, vm0  }
0x25b: {  	v62 =	vperm.xlane v6, v1;
	v7 =	vsel vm5, v9, v7  }
0x25c: {  	vm5 =	vne.s32 v8, v6;
	v8 =	vperm.xlane v7, v1  }
0x25d: {  	vm6 =	veq.s32 v62, v6;
	vm5 =	vmor vm5, vm4  }
0x25e: {  	vm6 =	vmand vm6, vm1;
	v8 =	vmax.f32 v7, v8  }
0x25f: {  	v63 =	vperm.xlane v6, v2;
	v7 =	vsel vm6, v8, v7  }
0x260: {  	v8 =	vperm.xlane v7, v2  }
0x261: {  	vm6 =	veq.s32 v63, v6  }
0x262: {  	vm6 =	vmand vm6, vm2;
	v8 =	vmax.f32 v7, v8  }
0x263: {  	v12 =	vperm.xlane v6, v4;
	v13 =	vld.idx.msk [tilespmem:v6+s21+$0x0], vm5;
	v7 =	vsel vm6, v8, v7  }
0x264: {  	v8 =	vperm.xlane v7, v4  }
0x265: {  	vm6 =	veq.s32 v12, v6  }
0x266: {  	vm6 =	vmand vm6, vm3;
	v8 =	vmax.f32 v7, v8  }
0x267: {  	v7 =	vsel vm6, v8, v7  }
0x268: {  	v7 =	vmax.f32 v13, v7  }
0x269: {  	[tilespmem:v6+s21+$0x0] =	vst.idx.msk vm5, v7  }
0x26a: {  	v6 =	vld [tilespmem:s24+$0x1460]  }
0x26b: {  	v7 =	vld [tilespmem:s24+$0x2860];
	_ =	sdelay $0x3  }
0x26c: {  	v8 =	vperm.xlane v6, v0  }
0x26d: {  	v14 =	vperm.xlane v7, v0  }
0x26e: {  	vm5 =	veq.s32 v8, v6  }
0x26f: {  	v8 =	vperm.xlane v6, v5;
	v9 =	vmax.f32 v7, v14;
	vm5 =	vmand vm5, vm0  }
0x270: {  	v15 =	vperm.xlane v6, v1;
	v7 =	vsel vm5, v9, v7  }
0x271: {  	vm5 =	vne.s32 v8, v6;
	v8 =	vperm.xlane v7, v1  }
0x272: {  	vm6 =	veq.s32 v15, v6;
	vm5 =	vmor vm5, vm4  }
0x273: {  	vm6 =	vmand vm6, vm1;
	v8 =	vmax.f32 v7, v8  }
0x274: {  	v16 =	vperm.xlane v6, v2;
	v7 =	vsel vm6, v8, v7  }
0x275: {  	v8 =	vperm.xlane v7, v2  }
0x276: {  	vm6 =	veq.s32 v16, v6  }
0x277: {  	vm6 =	vmand vm6, vm2;
	v8 =	vmax.f32 v7, v8  }
0x278: {  	v17 =	vperm.xlane v6, v4;
	v18 =	vld.idx.msk [tilespmem:v6+s21+$0x0], vm5;
	v7 =	vsel vm6, v8, v7  }
0x279: {  	v8 =	vperm.xlane v7, v4  }
0x27a: {  	vm6 =	veq.s32 v17, v6  }
0x27b: {  	vm6 =	vmand vm6, vm3;
	v8 =	vmax.f32 v7, v8  }
0x27c: {  	v7 =	vsel vm6, v8, v7  }
0x27d: {  	v7 =	vmax.f32 v18, v7  }
0x27e: {  	[tilespmem:v6+s21+$0x0] =	vst.idx.msk vm5, v7  }
0x27f: {  	v6 =	vld [tilespmem:s24+$0x1470]  }
0x280: {  	v7 =	vld [tilespmem:s24+$0x2870];
	_ =	sdelay $0x3  }
0x281: {  	v8 =	vperm.xlane v6, v0  }
0x282: {  	v19 =	vperm.xlane v7, v0  }
0x283: {  	vm5 =	veq.s32 v8, v6  }
0x284: {  	v8 =	vperm.xlane v6, v5;
	v9 =	vmax.f32 v7, v19;
	vm5 =	vmand vm5, vm0  }
0x285: {  	v20 =	vperm.xlane v6, v1;
	v7 =	vsel vm5, v9, v7  }
0x286: {  	vm5 =	vne.s32 v8, v6;
	v8 =	vperm.xlane v7, v1  }
0x287: {  	vm6 =	veq.s32 v20, v6;
	vm5 =	vmor vm5, vm4  }
0x288: {  	vm6 =	vmand vm6, vm1;
	v8 =	vmax.f32 v7, v8  }
0x289: {  	v21 =	vperm.xlane v6, v2;
	v7 =	vsel vm6, v8, v7  }
0x28a: {  	v8 =	vperm.xlane v7, v2  }
0x28b: {  	vm6 =	veq.s32 v21, v6  }
0x28c: {  	vm6 =	vmand vm6, vm2;
	v8 =	vmax.f32 v7, v8  }
0x28d: {  	v22 =	vperm.xlane v6, v4;
	v23 =	vld.idx.msk [tilespmem:v6+s21+$0x0], vm5;
	v7 =	vsel vm6, v8, v7  }
0x28e: {  	v8 =	vperm.xlane v7, v4  }
0x28f: {  	vm6 =	veq.s32 v22, v6  }
0x290: {  	vm6 =	vmand vm6, vm3;
	v8 =	vmax.f32 v7, v8  }
0x291: {  	v7 =	vsel vm6, v8, v7  }
0x292: {  	v7 =	vmax.f32 v23, v7  }
0x293: {  	[tilespmem:v6+s21+$0x0] =	vst.idx.msk vm5, v7  }
0x294: {  	_ =	swait.ge [sflag:s22], $0x80  }
0x295: {  	[sflag:s22] =	ssyncset.done $0x0  }
0x296: {  	[sflag:s22] =	ssyncadd.s32 $0xFFFFFF80  }
0x297: {  	_ =	swait.ge [sflag:s22], $0x80  }
0x298: {  	[sflag:s22] =	ssyncset.done $0x0  }
0x299: {  	[sflag:s22] =	ssyncadd.s32 $0xFFFFFF80  }
0x29a: {  	_ =	swait.ge [sflag:s22], $0x80  }
0x29b: {  	[sflag:s22] =	ssyncset.done $0x0  }
0x29c: {  	[sflag:s22] =	ssyncadd.s32 $0xFFFFFF80  }
0x29d: {  	_ =	swait.ge [sflag:s22], $0x80  }
0x29e: {  	[sflag:s22] =	ssyncset.done $0x0  }
0x29f: {  	[sflag:s22] =	ssyncadd.s32 $0xFFFFFF80  }
0x2a0: {  	_ =	swait.ge [sflag:s22], $0x80  }
0x2a1: {  	[sflag:s22] =	ssyncset.done $0x0  }
0x2a2: {  	[sflag:s22] =	ssyncadd.s32 $0xFFFFFF80  }
0x2a3: {  	_ =	swait.ge [sflag:s22], $0x80  }
0x2a4: {  	[sflag:s22] =	ssyncset.done $0x0  }
0x2a5: {  	[sflag:s22] =	ssyncadd.s32 $0xFFFFFF80  }
0x2a6: {  	_ =	swait.ge [sflag:s22], $0x80  }
0x2a7: {  	[sflag:s22] =	ssyncset.done $0x0  }
0x2a8: {  	[sflag:s22] =	ssyncadd.s32 $0xFFFFFF80  }
0x2a9: {  	_ =	swait.ge [sflag:s22], $0x80  }
0x2aa: {  	[sflag:s22] =	ssyncset.done $0x0  }
0x2ab: {  	[sflag:s22] =	ssyncadd.s32 $0xFFFFFF80  }
0x2ac: {  	_ =	swait.ge [sflag:s22], $0x80  }
0x2ad: {  	[sflag:s22] =	ssyncset.done $0x0  }
0x2ae: {  	[sflag:s22] =	ssyncadd.s32 $0xFFFFFF80  }
0x2af: {  	_ =	swait.ge [sflag:s22], $0x80  }
0x2b0: {  	[sflag:s22] =	ssyncset.done $0x0  }
0x2b1: {  	[sflag:s22] =	ssyncadd.s32 $0xFFFFFF80  }
0x2b2: {  	_ =	swait.ge [sflag:s22], $0x80  }
0x2b3: {  	[sflag:s22] =	ssyncset.done $0x0  }
0x2b4: {  	[sflag:s22] =	ssyncadd.s32 $0xFFFFFF80  }
0x2b5: {  	_ =	swait.ge [sflag:s22], $0x80  }
0x2b6: {  	[sflag:s22] =	ssyncset.done $0x0  }
0x2b7: {  	[sflag:s22] =	ssyncadd.s32 $0xFFFFFF80  }
0x2b8: {  	_ =	swait.ge [sflag:s22], $0x80  }
0x2b9: {  	[sflag:s22] =	ssyncset.done $0x0  }
0x2ba: {  	[sflag:s22] =	ssyncadd.s32 $0xFFFFFF80  }
0x2bb: {  	_ =	swait.ge [sflag:s22], $0x80  }
0x2bc: {  	[sflag:s22] =	ssyncset.done $0x0  }
0x2bd: {  	[sflag:s22] =	ssyncadd.s32 $0xFFFFFF80  }
0x2be: {  	_ =	swait.ge [sflag:s22], $0x80  }
0x2bf: {  	[sflag:s22] =	ssyncset.done $0x0  }
0x2c0: {  	[sflag:s22] =	ssyncadd.s32 $0xFFFFFF80  }
0x2c1: {  	_ =	swait.ge [sflag:s22], $0x80  }
0x2c2: {  	[sflag:s22] =	ssyncset.done $0x0  }
0x2c3: {  	[sflag:s22] =	ssyncadd.s32 $0xFFFFFF80  }
0x2c4: {  	_ =	swait.ge [sflag:s22], $0x80  }
0x2c5: {  	[sflag:s22] =	ssyncset.done $0x0  }
0x2c6: {  	[sflag:s22] =	ssyncadd.s32 $0xFFFFFF80  }
0x2c7: {  	_ =	swait.ge [sflag:s22], $0x80  }
0x2c8: {  	[sflag:s22] =	ssyncset.done $0x0  }
0x2c9: {  	[sflag:s22] =	ssyncadd.s32 $0xFFFFFF80  }
0x2ca: {  	_ =	swait.ge [sflag:s22], $0x80  }
0x2cb: {  	[sflag:s22] =	ssyncset.done $0x0  }
0x2cc: {  	[sflag:s22] =	ssyncadd.s32 $0xFFFFFF80  }
0x2cd: {  	_ =	swait.ge [sflag:s22], $0x80  }
0x2ce: {  	[sflag:s22] =	ssyncset.done $0x0  }
0x2cf: {  	s26 =	simm.s32 $0x0;
	[sflag:s22] =	ssyncadd.s32 $0xFFFFFF80  }
0x2d0: {  	v6 =	vld [tilespmem:s26+$0x1E00]  }
0x2d1: {  	v7 =	vld [tilespmem:s26+$0x3200];
	_ =	sdelay $0x3  }
0x2d2: {  	v8 =	vperm.xlane v6, v0  }
0x2d3: {  	v24 =	vperm.xlane v7, v0  }
0x2d4: {  	vm5 =	veq.s32 v8, v6  }
0x2d5: {  	v8 =	vperm.xlane v6, v5;
	v9 =	vmax.f32 v7, v24;
	vm5 =	vmand vm5, vm0  }
0x2d6: {  	v25 =	vperm.xlane v6, v1;
	v7 =	vsel vm5, v9, v7  }
0x2d7: {  	vm5 =	vne.s32 v8, v6;
	v8 =	vperm.xlane v7, v1  }
0x2d8: {  	vm6 =	veq.s32 v25, v6;
	vm5 =	vmor vm5, vm4  }
0x2d9: {  	vm6 =	vmand vm6, vm1;
	v8 =	vmax.f32 v7, v8  }
0x2da: {  	v26 =	vperm.xlane v6, v2;
	v7 =	vsel vm6, v8, v7  }
0x2db: {  	v8 =	vperm.xlane v7, v2  }
0x2dc: {  	vm6 =	veq.s32 v26, v6  }
0x2dd: {  	vm6 =	vmand vm6, vm2;
	v8 =	vmax.f32 v7, v8  }
0x2de: {  	v27 =	vperm.xlane v6, v4;
	v28 =	vld.idx.msk [tilespmem:v6+s21+$0x0], vm5;
	v7 =	vsel vm6, v8, v7  }
0x2df: {  	v8 =	vperm.xlane v7, v4  }
0x2e0: {  	vm6 =	veq.s32 v27, v6  }
0x2e1: {  	vm6 =	vmand vm6, vm3;
	v8 =	vmax.f32 v7, v8  }
0x2e2: {  	v7 =	vsel vm6, v8, v7  }
0x2e3: {  	v7 =	vmax.f32 v28, v7  }
0x2e4: {  	[tilespmem:v6+s21+$0x0] =	vst.idx.msk vm5, v7  }
0x2e5: {  	v6 =	vld [tilespmem:s26+$0x1E10]  }
0x2e6: {  	v7 =	vld [tilespmem:s26+$0x3210];
	_ =	sdelay $0x3  }
0x2e7: {  	v8 =	vperm.xlane v6, v0  }
0x2e8: {  	v29 =	vperm.xlane v7, v0  }
0x2e9: {  	vm5 =	veq.s32 v8, v6  }
0x2ea: {  	v8 =	vperm.xlane v6, v5;
	v9 =	vmax.f32 v7, v29;
	vm5 =	vmand vm5, vm0  }
0x2eb: {  	v30 =	vperm.xlane v6, v1;
	v7 =	vsel vm5, v9, v7  }
0x2ec: {  	vm5 =	vne.s32 v8, v6;
	v8 =	vperm.xlane v7, v1  }
0x2ed: {  	vm6 =	veq.s32 v30, v6;
	vm5 =	vmor vm5, vm4  }
0x2ee: {  	vm6 =	vmand vm6, vm1;
	v8 =	vmax.f32 v7, v8  }
0x2ef: {  	v31 =	vperm.xlane v6, v2;
	v7 =	vsel vm6, v8, v7  }
0x2f0: {  	v8 =	vperm.xlane v7, v2  }
0x2f1: {  	vm6 =	veq.s32 v31, v6  }
0x2f2: {  	vm6 =	vmand vm6, vm2;
	v8 =	vmax.f32 v7, v8  }
0x2f3: {  	v32 =	vperm.xlane v6, v4;
	v33 =	vld.idx.msk [tilespmem:v6+s21+$0x0], vm5;
	v7 =	vsel vm6, v8, v7  }
0x2f4: {  	v8 =	vperm.xlane v7, v4  }
0x2f5: {  	vm6 =	veq.s32 v32, v6  }
0x2f6: {  	vm6 =	vmand vm6, vm3;
	v8 =	vmax.f32 v7, v8  }
0x2f7: {  	v7 =	vsel vm6, v8, v7  }
0x2f8: {  	v7 =	vmax.f32 v33, v7  }
0x2f9: {  	[tilespmem:v6+s21+$0x0] =	vst.idx.msk vm5, v7  }
0x2fa: {  	v6 =	vld [tilespmem:s26+$0x1E20]  }
0x2fb: {  	v7 =	vld [tilespmem:s26+$0x3220];
	_ =	sdelay $0x3  }
0x2fc: {  	v8 =	vperm.xlane v6, v0  }
0x2fd: {  	v34 =	vperm.xlane v7, v0  }
0x2fe: {  	vm5 =	veq.s32 v8, v6  }
0x2ff: {  	v8 =	vperm.xlane v6, v5;
	v9 =	vmax.f32 v7, v34;
	vm5 =	vmand vm5, vm0  }
0x300: {  	v35 =	vperm.xlane v6, v1;
	v7 =	vsel vm5, v9, v7  }
0x301: {  	vm5 =	vne.s32 v8, v6;
	v8 =	vperm.xlane v7, v1  }
0x302: {  	vm6 =	veq.s32 v35, v6;
	vm5 =	vmor vm5, vm4  }
0x303: {  	vm6 =	vmand vm6, vm1;
	v8 =	vmax.f32 v7, v8  }
0x304: {  	v36 =	vperm.xlane v6, v2;
	v7 =	vsel vm6, v8, v7  }
0x305: {  	v8 =	vperm.xlane v7, v2  }
0x306: {  	vm6 =	veq.s32 v36, v6  }
0x307: {  	vm6 =	vmand vm6, vm2;
	v8 =	vmax.f32 v7, v8  }
0x308: {  	v37 =	vperm.xlane v6, v4;
	v38 =	vld.idx.msk [tilespmem:v6+s21+$0x0], vm5;
	v7 =	vsel vm6, v8, v7  }
0x309: {  	v8 =	vperm.xlane v7, v4  }
0x30a: {  	vm6 =	veq.s32 v37, v6  }
0x30b: {  	vm6 =	vmand vm6, vm3;
	v8 =	vmax.f32 v7, v8  }
0x30c: {  	v7 =	vsel vm6, v8, v7  }
0x30d: {  	v7 =	vmax.f32 v38, v7  }
0x30e: {  	[tilespmem:v6+s21+$0x0] =	vst.idx.msk vm5, v7  }
0x30f: {  	v6 =	vld [tilespmem:s26+$0x1E30]  }
0x310: {  	v7 =	vld [tilespmem:s26+$0x3230];
	_ =	sdelay $0x3  }
0x311: {  	v8 =	vperm.xlane v6, v0  }
0x312: {  	v39 =	vperm.xlane v7, v0  }
0x313: {  	vm5 =	veq.s32 v8, v6  }
0x314: {  	v8 =	vperm.xlane v6, v5;
	v9 =	vmax.f32 v7, v39;
	vm5 =	vmand vm5, vm0  }
0x315: {  	v40 =	vperm.xlane v6, v1;
	v7 =	vsel vm5, v9, v7  }
0x316: {  	vm5 =	vne.s32 v8, v6;
	v8 =	vperm.xlane v7, v1  }
0x317: {  	vm6 =	veq.s32 v40, v6;
	vm5 =	vmor vm5, vm4  }
0x318: {  	vm6 =	vmand vm6, vm1;
	v8 =	vmax.f32 v7, v8  }
0x319: {  	v41 =	vperm.xlane v6, v2;
	v7 =	vsel vm6, v8, v7  }
0x31a: {  	v8 =	vperm.xlane v7, v2  }
0x31b: {  	vm6 =	veq.s32 v41, v6  }
0x31c: {  	vm6 =	vmand vm6, vm2;
	v8 =	vmax.f32 v7, v8  }
0x31d: {  	v42 =	vperm.xlane v6, v4;
	v43 =	vld.idx.msk [tilespmem:v6+s21+$0x0], vm5;
	v7 =	vsel vm6, v8, v7  }
0x31e: {  	v8 =	vperm.xlane v7, v4  }
0x31f: {  	vm6 =	veq.s32 v42, v6  }
0x320: {  	vm6 =	vmand vm6, vm3;
	v8 =	vmax.f32 v7, v8  }
0x321: {  	v7 =	vsel vm6, v8, v7  }
0x322: {  	v7 =	vmax.f32 v43, v7  }
0x323: {  	[tilespmem:v6+s21+$0x0] =	vst.idx.msk vm5, v7  }
0x324: {  	v6 =	vld [tilespmem:s26+$0x1E40]  }
0x325: {  	v7 =	vld [tilespmem:s26+$0x3240];
	_ =	sdelay $0x3  }
0x326: {  	v8 =	vperm.xlane v6, v0  }
0x327: {  	v44 =	vperm.xlane v7, v0  }
0x328: {  	vm5 =	veq.s32 v8, v6  }
0x329: {  	v8 =	vperm.xlane v6, v5;
	v9 =	vmax.f32 v7, v44;
	vm5 =	vmand vm5, vm0  }
0x32a: {  	v45 =	vperm.xlane v6, v1;
	v7 =	vsel vm5, v9, v7  }
0x32b: {  	vm5 =	vne.s32 v8, v6;
	v8 =	vperm.xlane v7, v1  }
0x32c: {  	vm6 =	veq.s32 v45, v6;
	vm5 =	vmor vm5, vm4  }
0x32d: {  	vm6 =	vmand vm6, vm1;
	v8 =	vmax.f32 v7, v8  }
0x32e: {  	v46 =	vperm.xlane v6, v2;
	v7 =	vsel vm6, v8, v7  }
0x32f: {  	v8 =	vperm.xlane v7, v2  }
0x330: {  	vm6 =	veq.s32 v46, v6  }
0x331: {  	vm6 =	vmand vm6, vm2;
	v8 =	vmax.f32 v7, v8  }
0x332: {  	v47 =	vperm.xlane v6, v4;
	v48 =	vld.idx.msk [tilespmem:v6+s21+$0x0], vm5;
	v7 =	vsel vm6, v8, v7  }
0x333: {  	v8 =	vperm.xlane v7, v4  }
0x334: {  	vm6 =	veq.s32 v47, v6  }
0x335: {  	vm6 =	vmand vm6, vm3;
	v8 =	vmax.f32 v7, v8  }
0x336: {  	v7 =	vsel vm6, v8, v7  }
0x337: {  	v7 =	vmax.f32 v48, v7  }
0x338: {  	[tilespmem:v6+s21+$0x0] =	vst.idx.msk vm5, v7  }
0x339: {  	v6 =	vld [tilespmem:s26+$0x1E50]  }
0x33a: {  	v7 =	vld [tilespmem:s26+$0x3250];
	_ =	sdelay $0x3  }
0x33b: {  	v8 =	vperm.xlane v6, v0  }
0x33c: {  	v49 =	vperm.xlane v7, v0  }
0x33d: {  	vm5 =	veq.s32 v8, v6  }
0x33e: {  	v8 =	vperm.xlane v6, v5;
	v9 =	vmax.f32 v7, v49;
	vm5 =	vmand vm5, vm0  }
0x33f: {  	v50 =	vperm.xlane v6, v1;
	v7 =	vsel vm5, v9, v7  }
0x340: {  	vm5 =	vne.s32 v8, v6;
	v8 =	vperm.xlane v7, v1  }
0x341: {  	vm6 =	veq.s32 v50, v6;
	vm5 =	vmor vm5, vm4  }
0x342: {  	vm6 =	vmand vm6, vm1;
	v8 =	vmax.f32 v7, v8  }
0x343: {  	v51 =	vperm.xlane v6, v2;
	v7 =	vsel vm6, v8, v7  }
0x344: {  	v8 =	vperm.xlane v7, v2  }
0x345: {  	vm6 =	veq.s32 v51, v6  }
0x346: {  	vm6 =	vmand vm6, vm2;
	v8 =	vmax.f32 v7, v8  }
0x347: {  	v52 =	vperm.xlane v6, v4;
	v53 =	vld.idx.msk [tilespmem:v6+s21+$0x0], vm5;
	v7 =	vsel vm6, v8, v7  }
0x348: {  	v8 =	vperm.xlane v7, v4  }
0x349: {  	vm6 =	veq.s32 v52, v6  }
0x34a: {  	vm6 =	vmand vm6, vm3;
	v8 =	vmax.f32 v7, v8  }
0x34b: {  	v7 =	vsel vm6, v8, v7  }
0x34c: {  	v7 =	vmax.f32 v53, v7  }
0x34d: {  	[tilespmem:v6+s21+$0x0] =	vst.idx.msk vm5, v7  }
0x34e: {  	v6 =	vld [tilespmem:s26+$0x1E60]  }
0x34f: {  	v7 =	vld [tilespmem:s26+$0x3260];
	_ =	sdelay $0x3  }
0x350: {  	v8 =	vperm.xlane v6, v0  }
0x351: {  	v54 =	vperm.xlane v7, v0  }
0x352: {  	vm5 =	veq.s32 v8, v6  }
0x353: {  	v8 =	vperm.xlane v6, v5;
	v9 =	vmax.f32 v7, v54;
	vm5 =	vmand vm5, vm0  }
0x354: {  	v55 =	vperm.xlane v6, v1;
	v7 =	vsel vm5, v9, v7  }
0x355: {  	vm5 =	vne.s32 v8, v6;
	v8 =	vperm.xlane v7, v1  }
0x356: {  	vm6 =	veq.s32 v55, v6;
	vm5 =	vmor vm5, vm4  }
0x357: {  	vm6 =	vmand vm6, vm1;
	v8 =	vmax.f32 v7, v8  }
0x358: {  	v56 =	vperm.xlane v6, v2;
	v7 =	vsel vm6, v8, v7  }
0x359: {  	v8 =	vperm.xlane v7, v2  }
0x35a: {  	vm6 =	veq.s32 v56, v6  }
0x35b: {  	vm6 =	vmand vm6, vm2;
	v8 =	vmax.f32 v7, v8  }
0x35c: {  	v57 =	vperm.xlane v6, v4;
	v58 =	vld.idx.msk [tilespmem:v6+s21+$0x0], vm5;
	v7 =	vsel vm6, v8, v7  }
0x35d: {  	v8 =	vperm.xlane v7, v4  }
0x35e: {  	vm6 =	veq.s32 v57, v6  }
0x35f: {  	vm6 =	vmand vm6, vm3;
	v8 =	vmax.f32 v7, v8  }
0x360: {  	v7 =	vsel vm6, v8, v7  }
0x361: {  	v7 =	vmax.f32 v58, v7  }
0x362: {  	[tilespmem:v6+s21+$0x0] =	vst.idx.msk vm5, v7  }
0x363: {  	v6 =	vld [tilespmem:s26+$0x1E70]  }
0x364: {  	v7 =	vld [tilespmem:s26+$0x3270];
	_ =	sdelay $0x3  }
0x365: {  	v8 =	vperm.xlane v6, v0  }
0x366: {  	v59 =	vperm.xlane v7, v0  }
0x367: {  	vm5 =	veq.s32 v8, v6  }
0x368: {  	v8 =	vperm.xlane v6, v5;
	v9 =	vmax.f32 v7, v59;
	vm5 =	vmand vm5, vm0  }
0x369: {  	v60 =	vperm.xlane v6, v1;
	v7 =	vsel vm5, v9, v7  }
0x36a: {  	vm5 =	vne.s32 v8, v6;
	v8 =	vperm.xlane v7, v1  }
0x36b: {  	vm6 =	veq.s32 v60, v6;
	vm5 =	vmor vm5, vm4  }
0x36c: {  	vm6 =	vmand vm6, vm1;
	v8 =	vmax.f32 v7, v8  }
0x36d: {  	v61 =	vperm.xlane v6, v2;
	v7 =	vsel vm6, v8, v7  }
0x36e: {  	v8 =	vperm.xlane v7, v2  }
0x36f: {  	vm6 =	veq.s32 v61, v6  }
0x370: {  	vm6 =	vmand vm6, vm2;
	v8 =	vmax.f32 v7, v8  }
0x371: {  	v62 =	vperm.xlane v6, v4;
	v63 =	vld.idx.msk [tilespmem:v6+s21+$0x0], vm5;
	v7 =	vsel vm6, v8, v7  }
0x372: {  	v8 =	vperm.xlane v7, v4  }
0x373: {  	vm6 =	veq.s32 v62, v6  }
0x374: {  	vm6 =	vmand vm6, vm3;
	v8 =	vmax.f32 v7, v8  }
0x375: {  	v7 =	vsel vm6, v8, v7  }
0x376: {  	s25 =	simm.s32 $0x400;
	s24 =	simm.s32 $0x200;
	v7 =	vmax.f32 v63, v7  }
.LBB2_6:
0x377: {  	p0 =	sne.s32 s25, $0x2600  }
0x378: {  	s26 =	sshra.s32 s24, $0x2;
	[tilespmem:v6+s21+$0x0] =	vst.idx.msk vm5, v7;
	s24 =	smov.u32 s25;
	s25 =	sadd.s32 $0x200, s25  }
0x379: {  	v6 =	vld [tilespmem:s26+$0x1E00]  }
0x37a: {  	v7 =	vld [tilespmem:s26+$0x3200];
	_ =	sdelay $0x3  }
0x37b: {  	v8 =	vperm.xlane v6, v0;
	v9 =	vperm.xlane v6, v5  }
0x37c: {  	v11 =	vperm.xlane v6, v1;
	v10 =	vperm.xlane v7, v0  }
0x37d: {  	vm5 =	veq.s32 v8, v6;
	v8 =	vperm.xlane v6, v2;
	vm6 =	vne.s32 v9, v6  }
0x37e: {  	vm7 =	veq.s32 v11, v6;
	vm5 =	vmand vm5, vm0;
	v9 =	vmax.f32 v7, v10  }
0x37f: {  	v7 =	vsel vm5, v9, v7;
	vm5 =	veq.s32 v8, v6;
	v8 =	vperm.xlane v6, v4  }
0x380: {  	vm6 =	vmor vm6, vm4;
	v9 =	vperm.xlane v7, v1  }
0x381: {  	vm8 =	veq.s32 v8, v6  }
0x382: {  	vm7 =	vmand vm7, vm1;
	v8 =	vmax.f32 v7, v9  }
0x383: {  	v7 =	vsel vm7, v8, v7  }
0x384: {  	v8 =	vperm.xlane v7, v2;
	_ =	sdelay $0x1  }
0x385: {  	vm5 =	vmand vm5, vm2;
	v8 =	vmax.f32 v7, v8;
	v9 =	vld.idx.msk [tilespmem:v6+s21+$0x0], vm6  }
0x386: {  	v7 =	vsel vm5, v8, v7  }
0x387: {  	v8 =	vperm.xlane v7, v4;
	_ =	sdelay $0x1  }
0x388: {  	vm5 =	vmand vm8, vm3;
	v8 =	vmax.f32 v7, v8  }
0x389: {  	v7 =	vsel vm5, v8, v7  }
0x38a: {  	v7 =	vmax.f32 v9, v7  }
0x38b: {  	[tilespmem:v6+s21+$0x0] =	vst.idx.msk vm6, v7  }
0x38c: {  	v6 =	vld [tilespmem:s26+$0x1E10]  }
0x38d: {  	v7 =	vld [tilespmem:s26+$0x3210];
	_ =	sdelay $0x3  }
0x38e: {  	v8 =	vperm.xlane v6, v0;
	v9 =	vperm.xlane v6, v5  }
0x38f: {  	v11 =	vperm.xlane v6, v1;
	v10 =	vperm.xlane v7, v0  }
0x390: {  	vm5 =	veq.s32 v8, v6;
	v8 =	vperm.xlane v6, v2;
	vm6 =	vne.s32 v9, v6  }
0x391: {  	vm7 =	veq.s32 v11, v6;
	vm5 =	vmand vm5, vm0;
	v9 =	vmax.f32 v7, v10  }
0x392: {  	v7 =	vsel vm5, v9, v7;
	vm5 =	veq.s32 v8, v6;
	v8 =	vperm.xlane v6, v4  }
0x393: {  	vm6 =	vmor vm6, vm4;
	v9 =	vperm.xlane v7, v1  }
0x394: {  	vm8 =	veq.s32 v8, v6  }
0x395: {  	vm7 =	vmand vm7, vm1;
	v8 =	vmax.f32 v7, v9  }
0x396: {  	v7 =	vsel vm7, v8, v7  }
0x397: {  	v8 =	vperm.xlane v7, v2;
	_ =	sdelay $0x1  }
0x398: {  	vm5 =	vmand vm5, vm2;
	v8 =	vmax.f32 v7, v8;
	v9 =	vld.idx.msk [tilespmem:v6+s21+$0x0], vm6  }
0x399: {  	v7 =	vsel vm5, v8, v7  }
0x39a: {  	v8 =	vperm.xlane v7, v4;
	_ =	sdelay $0x1  }
0x39b: {  	vm5 =	vmand vm8, vm3;
	v8 =	vmax.f32 v7, v8  }
0x39c: {  	v7 =	vsel vm5, v8, v7  }
0x39d: {  	v7 =	vmax.f32 v9, v7  }
0x39e: {  	[tilespmem:v6+s21+$0x0] =	vst.idx.msk vm6, v7  }
0x39f: {  	v6 =	vld [tilespmem:s26+$0x1E20]  }
0x3a0: {  	v7 =	vld [tilespmem:s26+$0x3220];
	_ =	sdelay $0x3  }
0x3a1: {  	v8 =	vperm.xlane v6, v0;
	v9 =	vperm.xlane v6, v5  }
0x3a2: {  	v11 =	vperm.xlane v6, v1;
	v10 =	vperm.xlane v7, v0  }
0x3a3: {  	vm5 =	veq.s32 v8, v6;
	v8 =	vperm.xlane v6, v2;
	vm6 =	vne.s32 v9, v6  }
0x3a4: {  	vm7 =	veq.s32 v11, v6;
	vm5 =	vmand vm5, vm0;
	v9 =	vmax.f32 v7, v10  }
0x3a5: {  	v7 =	vsel vm5, v9, v7;
	vm5 =	veq.s32 v8, v6;
	v8 =	vperm.xlane v6, v4  }
0x3a6: {  	vm6 =	vmor vm6, vm4;
	v9 =	vperm.xlane v7, v1  }
0x3a7: {  	vm8 =	veq.s32 v8, v6  }
0x3a8: {  	vm7 =	vmand vm7, vm1;
	v8 =	vmax.f32 v7, v9  }
0x3a9: {  	v7 =	vsel vm7, v8, v7  }
0x3aa: {  	v8 =	vperm.xlane v7, v2;
	_ =	sdelay $0x1  }
0x3ab: {  	vm5 =	vmand vm5, vm2;
	v8 =	vmax.f32 v7, v8;
	v9 =	vld.idx.msk [tilespmem:v6+s21+$0x0], vm6  }
0x3ac: {  	v7 =	vsel vm5, v8, v7  }
0x3ad: {  	v8 =	vperm.xlane v7, v4;
	_ =	sdelay $0x1  }
0x3ae: {  	vm5 =	vmand vm8, vm3;
	v8 =	vmax.f32 v7, v8  }
0x3af: {  	v7 =	vsel vm5, v8, v7  }
0x3b0: {  	v7 =	vmax.f32 v9, v7  }
0x3b1: {  	[tilespmem:v6+s21+$0x0] =	vst.idx.msk vm6, v7  }
0x3b2: {  	v6 =	vld [tilespmem:s26+$0x1E30]  }
0x3b3: {  	v7 =	vld [tilespmem:s26+$0x3230];
	_ =	sdelay $0x3  }
0x3b4: {  	v8 =	vperm.xlane v6, v0;
	v9 =	vperm.xlane v6, v5  }
0x3b5: {  	v11 =	vperm.xlane v6, v1;
	v10 =	vperm.xlane v7, v0  }
0x3b6: {  	vm5 =	veq.s32 v8, v6;
	v8 =	vperm.xlane v6, v2;
	vm6 =	vne.s32 v9, v6  }
0x3b7: {  	vm7 =	veq.s32 v11, v6;
	vm5 =	vmand vm5, vm0;
	v9 =	vmax.f32 v7, v10  }
0x3b8: {  	v7 =	vsel vm5, v9, v7;
	vm5 =	veq.s32 v8, v6;
	v8 =	vperm.xlane v6, v4  }
0x3b9: {  	vm6 =	vmor vm6, vm4;
	v9 =	vperm.xlane v7, v1  }
0x3ba: {  	vm8 =	veq.s32 v8, v6  }
0x3bb: {  	vm7 =	vmand vm7, vm1;
	v8 =	vmax.f32 v7, v9  }
0x3bc: {  	v7 =	vsel vm7, v8, v7  }
0x3bd: {  	v8 =	vperm.xlane v7, v2;
	_ =	sdelay $0x1  }
0x3be: {  	vm5 =	vmand vm5, vm2;
	v8 =	vmax.f32 v7, v8;
	v9 =	vld.idx.msk [tilespmem:v6+s21+$0x0], vm6  }
0x3bf: {  	v7 =	vsel vm5, v8, v7  }
0x3c0: {  	v8 =	vperm.xlane v7, v4;
	_ =	sdelay $0x1  }
0x3c1: {  	vm5 =	vmand vm8, vm3;
	v8 =	vmax.f32 v7, v8  }
0x3c2: {  	v7 =	vsel vm5, v8, v7  }
0x3c3: {  	v7 =	vmax.f32 v9, v7  }
0x3c4: {  	[tilespmem:v6+s21+$0x0] =	vst.idx.msk vm6, v7  }
0x3c5: {  	v6 =	vld [tilespmem:s26+$0x1E40]  }
0x3c6: {  	v7 =	vld [tilespmem:s26+$0x3240];
	_ =	sdelay $0x3  }
0x3c7: {  	v8 =	vperm.xlane v6, v0;
	v9 =	vperm.xlane v6, v5  }
0x3c8: {  	v11 =	vperm.xlane v6, v1;
	v10 =	vperm.xlane v7, v0  }
0x3c9: {  	vm5 =	veq.s32 v8, v6;
	v8 =	vperm.xlane v6, v2;
	vm6 =	vne.s32 v9, v6  }
0x3ca: {  	vm7 =	veq.s32 v11, v6;
	vm5 =	vmand vm5, vm0;
	v9 =	vmax.f32 v7, v10  }
0x3cb: {  	v7 =	vsel vm5, v9, v7;
	vm5 =	veq.s32 v8, v6;
	v8 =	vperm.xlane v6, v4  }
0x3cc: {  	vm6 =	vmor vm6, vm4;
	v9 =	vperm.xlane v7, v1  }
0x3cd: {  	vm8 =	veq.s32 v8, v6  }
0x3ce: {  	vm7 =	vmand vm7, vm1;
	v8 =	vmax.f32 v7, v9  }
0x3cf: {  	v7 =	vsel vm7, v8, v7  }
0x3d0: {  	v8 =	vperm.xlane v7, v2;
	_ =	sdelay $0x1  }
0x3d1: {  	vm5 =	vmand vm5, vm2;
	v8 =	vmax.f32 v7, v8;
	v9 =	vld.idx.msk [tilespmem:v6+s21+$0x0], vm6  }
0x3d2: {  	v7 =	vsel vm5, v8, v7  }
0x3d3: {  	v8 =	vperm.xlane v7, v4;
	_ =	sdelay $0x1  }
0x3d4: {  	vm5 =	vmand vm8, vm3;
	v8 =	vmax.f32 v7, v8  }
0x3d5: {  	v7 =	vsel vm5, v8, v7  }
0x3d6: {  	v7 =	vmax.f32 v9, v7  }
0x3d7: {  	[tilespmem:v6+s21+$0x0] =	vst.idx.msk vm6, v7  }
0x3d8: {  	v6 =	vld [tilespmem:s26+$0x1E50]  }
0x3d9: {  	v7 =	vld [tilespmem:s26+$0x3250];
	_ =	sdelay $0x3  }
0x3da: {  	v8 =	vperm.xlane v6, v0;
	v9 =	vperm.xlane v6, v5  }
0x3db: {  	v11 =	vperm.xlane v6, v1;
	v10 =	vperm.xlane v7, v0  }
0x3dc: {  	vm5 =	veq.s32 v8, v6;
	v8 =	vperm.xlane v6, v2;
	vm6 =	vne.s32 v9, v6  }
0x3dd: {  	vm7 =	veq.s32 v11, v6;
	vm5 =	vmand vm5, vm0;
	v9 =	vmax.f32 v7, v10  }
0x3de: {  	v7 =	vsel vm5, v9, v7;
	vm5 =	veq.s32 v8, v6;
	v8 =	vperm.xlane v6, v4  }
0x3df: {  	vm6 =	vmor vm6, vm4;
	v9 =	vperm.xlane v7, v1  }
0x3e0: {  	vm8 =	veq.s32 v8, v6  }
0x3e1: {  	vm7 =	vmand vm7, vm1;
	v8 =	vmax.f32 v7, v9  }
0x3e2: {  	v7 =	vsel vm7, v8, v7  }
0x3e3: {  	v8 =	vperm.xlane v7, v2;
	_ =	sdelay $0x1  }
0x3e4: {  	vm5 =	vmand vm5, vm2;
	v8 =	vmax.f32 v7, v8;
	v9 =	vld.idx.msk [tilespmem:v6+s21+$0x0], vm6  }
0x3e5: {  	v7 =	vsel vm5, v8, v7  }
0x3e6: {  	v8 =	vperm.xlane v7, v4;
	_ =	sdelay $0x1  }
0x3e7: {  	vm5 =	vmand vm8, vm3;
	v8 =	vmax.f32 v7, v8  }
0x3e8: {  	v7 =	vsel vm5, v8, v7  }
0x3e9: {  	v7 =	vmax.f32 v9, v7  }
0x3ea: {  	[tilespmem:v6+s21+$0x0] =	vst.idx.msk vm6, v7  }
0x3eb: {  	v6 =	vld [tilespmem:s26+$0x1E60]  }
0x3ec: {  	v7 =	vld [tilespmem:s26+$0x3260];
	_ =	sdelay $0x3  }
0x3ed: {  	v8 =	vperm.xlane v6, v0;
	v9 =	vperm.xlane v6, v5  }
0x3ee: {  	v11 =	vperm.xlane v6, v1;
	v10 =	vperm.xlane v7, v0  }
0x3ef: {  	vm5 =	veq.s32 v8, v6;
	v8 =	vperm.xlane v6, v2;
	vm6 =	vne.s32 v9, v6  }
0x3f0: {  	vm7 =	veq.s32 v11, v6;
	vm5 =	vmand vm5, vm0;
	v9 =	vmax.f32 v7, v10  }
0x3f1: {  	v7 =	vsel vm5, v9, v7;
	vm5 =	veq.s32 v8, v6;
	v8 =	vperm.xlane v6, v4  }
0x3f2: {  	vm6 =	vmor vm6, vm4;
	v9 =	vperm.xlane v7, v1  }
0x3f3: {  	vm8 =	veq.s32 v8, v6  }
0x3f4: {  	vm7 =	vmand vm7, vm1;
	v8 =	vmax.f32 v7, v9  }
0x3f5: {  	v7 =	vsel vm7, v8, v7  }
0x3f6: {  	v8 =	vperm.xlane v7, v2;
	_ =	sdelay $0x1  }
0x3f7: {  	vm5 =	vmand vm5, vm2;
	v8 =	vmax.f32 v7, v8;
	v9 =	vld.idx.msk [tilespmem:v6+s21+$0x0], vm6  }
0x3f8: {  	v7 =	vsel vm5, v8, v7  }
0x3f9: {  	v8 =	vperm.xlane v7, v4;
	_ =	sdelay $0x1  }
0x3fa: {  	vm5 =	vmand vm8, vm3;
	v8 =	vmax.f32 v7, v8  }
0x3fb: {  	v7 =	vsel vm5, v8, v7  }
0x3fc: {  	v7 =	vmax.f32 v9, v7  }
0x3fd: {  	[tilespmem:v6+s21+$0x0] =	vst.idx.msk vm6, v7  }
0x3fe: {  	v6 =	vld [tilespmem:s26+$0x1E70]  }
0x3ff: {  	v7 =	vld [tilespmem:s26+$0x3270];
	_ =	sdelay $0x3  }
0x400: {  	v8 =	vperm.xlane v6, v0;
	v9 =	vperm.xlane v6, v5  }
0x401: {  	v11 =	vperm.xlane v6, v1;
	v10 =	vperm.xlane v7, v0  }
0x402: {  	vm5 =	veq.s32 v8, v6;
	v8 =	vperm.xlane v6, v2;
	vm6 =	vne.s32 v9, v6  }
0x403: {  	vm7 =	veq.s32 v11, v6;
	vm5 =	vmand vm5, vm0;
	v9 =	vmax.f32 v7, v10  }
0x404: {  	v7 =	vsel vm5, v9, v7;
	vm8 =	veq.s32 v8, v6;
	v8 =	vperm.xlane v6, v4  }
0x405: {  	vm5 =	vmor vm6, vm4;
	v9 =	vperm.xlane v7, v1  }
0x406: {  	vm6 =	veq.s32 v8, v6  }
0x407: {  	vm7 =	vmand vm7, vm1;
	v8 =	vmax.f32 v7, v9  }
0x408: {  	v7 =	vsel vm7, v8, v7  }
0x409: {  	v8 =	vperm.xlane v7, v2;
	_ =	sdelay $0x1  }
0x40a: {  	vm7 =	vmand vm8, vm2;
	v8 =	vmax.f32 v7, v8;
	v9 =	vld.idx.msk [tilespmem:v6+s21+$0x0], vm5  }
0x40b: {  	v7 =	vsel vm7, v8, v7  }
.Ltmp2:
0x40c: {  	v8 =	vperm.xlane v7, v4;
	(pc) =	sbr.rel @p0 .LBB2_6-.Ltmp2, $4  }
0x40d: {  	_ = 	snop  }
0x40e: {  	vm6 =	vmand vm6, vm3;
	v8 =	vmax.f32 v7, v8  }
0x40f: {  	v7 =	vsel vm6, v8, v7  }
0x410: {  	v7 =	vmax.f32 v9, v7  }
0x411: {  	_ =	sdelay $0x4  }
0x412: {  	s24 =	sshra.s32 s24, $0x2;
	[tilespmem:v6+s21+$0x0] =	vst.idx.msk vm5, v7  }
0x413: {  	v6 =	vld [tilespmem:s24+$0x1E00]  }
0x414: {  	v7 =	vld [tilespmem:s24+$0x3200];
	_ =	sdelay $0x3  }
0x415: {  	v8 =	vperm.xlane v6, v0  }
0x416: {  	v9 =	vperm.xlane v7, v0  }
0x417: {  	vm5 =	veq.s32 v8, v6  }
0x418: {  	v55 =	vperm.xlane v6, v5;
	v9 =	vmax.f32 v7, v9;
	vm5 =	vmand vm5, vm0  }
0x419: {  	v10 =	vperm.xlane v6, v1;
	v7 =	vsel vm5, v9, v7  }
0x41a: {  	vm5 =	vne.s32 v55, v6;
	v56 =	vperm.xlane v7, v1  }
0x41b: {  	vm6 =	veq.s32 v10, v6;
	vm5 =	vmor vm5, vm4  }
0x41c: {  	vm6 =	vmand vm6, vm1;
	v8 =	vmax.f32 v7, v56  }
0x41d: {  	v57 =	vperm.xlane v6, v2;
	v7 =	vsel vm6, v8, v7  }
0x41e: {  	v8 =	vperm.xlane v7, v2  }
0x41f: {  	vm6 =	veq.s32 v57, v6  }
0x420: {  	vm6 =	vmand vm6, vm2;
	v8 =	vmax.f32 v7, v8  }
0x421: {  	v58 =	vperm.xlane v6, v4;
	v59 =	vld.idx.msk [tilespmem:v6+s21+$0x0], vm5;
	v7 =	vsel vm6, v8, v7  }
0x422: {  	v8 =	vperm.xlane v7, v4  }
0x423: {  	vm6 =	veq.s32 v58, v6  }
0x424: {  	vm6 =	vmand vm6, vm3;
	v8 =	vmax.f32 v7, v8  }
0x425: {  	v7 =	vsel vm6, v8, v7  }
0x426: {  	v7 =	vmax.f32 v59, v7  }
0x427: {  	[tilespmem:v6+s21+$0x0] =	vst.idx.msk vm5, v7  }
0x428: {  	v6 =	vld [tilespmem:s24+$0x1E10]  }
0x429: {  	v7 =	vld [tilespmem:s24+$0x3210];
	_ =	sdelay $0x3  }
0x42a: {  	v60 =	vperm.xlane v6, v0  }
0x42b: {  	v61 =	vperm.xlane v7, v0  }
0x42c: {  	vm5 =	veq.s32 v60, v6  }
0x42d: {  	v62 =	vperm.xlane v6, v5;
	v9 =	vmax.f32 v7, v61;
	vm5 =	vmand vm5, vm0  }
0x42e: {  	v63 =	vperm.xlane v6, v1;
	v7 =	vsel vm5, v9, v7  }
0x42f: {  	vm5 =	vne.s32 v62, v6;
	v12 =	vperm.xlane v7, v1  }
0x430: {  	vm6 =	veq.s32 v63, v6;
	vm5 =	vmor vm5, vm4  }
0x431: {  	vm6 =	vmand vm6, vm1;
	v8 =	vmax.f32 v7, v12  }
0x432: {  	v13 =	vperm.xlane v6, v2;
	v7 =	vsel vm6, v8, v7  }
0x433: {  	v8 =	vperm.xlane v7, v2  }
0x434: {  	vm6 =	veq.s32 v13, v6  }
0x435: {  	vm6 =	vmand vm6, vm2;
	v8 =	vmax.f32 v7, v8  }
0x436: {  	v14 =	vperm.xlane v6, v4;
	v15 =	vld.idx.msk [tilespmem:v6+s21+$0x0], vm5;
	v7 =	vsel vm6, v8, v7  }
0x437: {  	v8 =	vperm.xlane v7, v4  }
0x438: {  	vm6 =	veq.s32 v14, v6  }
0x439: {  	vm6 =	vmand vm6, vm3;
	v8 =	vmax.f32 v7, v8  }
0x43a: {  	v7 =	vsel vm6, v8, v7  }
0x43b: {  	v7 =	vmax.f32 v15, v7  }
0x43c: {  	[tilespmem:v6+s21+$0x0] =	vst.idx.msk vm5, v7  }
0x43d: {  	v6 =	vld [tilespmem:s24+$0x1E20]  }
0x43e: {  	v7 =	vld [tilespmem:s24+$0x3220];
	_ =	sdelay $0x3  }
0x43f: {  	v16 =	vperm.xlane v6, v0  }
0x440: {  	v17 =	vperm.xlane v7, v0  }
0x441: {  	vm5 =	veq.s32 v16, v6  }
0x442: {  	v18 =	vperm.xlane v6, v5;
	v9 =	vmax.f32 v7, v17;
	vm5 =	vmand vm5, vm0  }
0x443: {  	v19 =	vperm.xlane v6, v1;
	v7 =	vsel vm5, v9, v7  }
0x444: {  	vm5 =	vne.s32 v18, v6;
	v20 =	vperm.xlane v7, v1  }
0x445: {  	vm6 =	veq.s32 v19, v6;
	vm5 =	vmor vm5, vm4  }
0x446: {  	vm6 =	vmand vm6, vm1;
	v8 =	vmax.f32 v7, v20  }
0x447: {  	v21 =	vperm.xlane v6, v2;
	v7 =	vsel vm6, v8, v7  }
0x448: {  	v8 =	vperm.xlane v7, v2  }
0x449: {  	vm6 =	veq.s32 v21, v6  }
0x44a: {  	vm6 =	vmand vm6, vm2;
	v8 =	vmax.f32 v7, v8  }
0x44b: {  	v22 =	vperm.xlane v6, v4;
	v23 =	vld.idx.msk [tilespmem:v6+s21+$0x0], vm5;
	v7 =	vsel vm6, v8, v7  }
0x44c: {  	v8 =	vperm.xlane v7, v4  }
0x44d: {  	vm6 =	veq.s32 v22, v6  }
0x44e: {  	vm6 =	vmand vm6, vm3;
	v8 =	vmax.f32 v7, v8  }
0x44f: {  	v7 =	vsel vm6, v8, v7  }
0x450: {  	v7 =	vmax.f32 v23, v7  }
0x451: {  	[tilespmem:v6+s21+$0x0] =	vst.idx.msk vm5, v7  }
0x452: {  	v6 =	vld [tilespmem:s24+$0x1E30]  }
0x453: {  	v7 =	vld [tilespmem:s24+$0x3230];
	_ =	sdelay $0x3  }
0x454: {  	v24 =	vperm.xlane v6, v0  }
0x455: {  	v25 =	vperm.xlane v7, v0  }
0x456: {  	vm5 =	veq.s32 v24, v6  }
0x457: {  	v26 =	vperm.xlane v6, v5;
	v9 =	vmax.f32 v7, v25;
	vm5 =	vmand vm5, vm0  }
0x458: {  	v27 =	vperm.xlane v6, v1;
	v7 =	vsel vm5, v9, v7  }
0x459: {  	vm5 =	vne.s32 v26, v6;
	v28 =	vperm.xlane v7, v1  }
0x45a: {  	vm6 =	veq.s32 v27, v6;
	vm5 =	vmor vm5, vm4  }
0x45b: {  	vm6 =	vmand vm6, vm1;
	v8 =	vmax.f32 v7, v28  }
0x45c: {  	v29 =	vperm.xlane v6, v2;
	v7 =	vsel vm6, v8, v7  }
0x45d: {  	v8 =	vperm.xlane v7, v2  }
0x45e: {  	vm6 =	veq.s32 v29, v6  }
0x45f: {  	vm6 =	vmand vm6, vm2;
	v8 =	vmax.f32 v7, v8  }
0x460: {  	v30 =	vperm.xlane v6, v4;
	v31 =	vld.idx.msk [tilespmem:v6+s21+$0x0], vm5;
	v7 =	vsel vm6, v8, v7  }
0x461: {  	v8 =	vperm.xlane v7, v4  }
0x462: {  	vm6 =	veq.s32 v30, v6  }
0x463: {  	vm6 =	vmand vm6, vm3;
	v8 =	vmax.f32 v7, v8  }
0x464: {  	v7 =	vsel vm6, v8, v7  }
0x465: {  	v7 =	vmax.f32 v31, v7  }
0x466: {  	[tilespmem:v6+s21+$0x0] =	vst.idx.msk vm5, v7  }
0x467: {  	v6 =	vld [tilespmem:s24+$0x1E40]  }
0x468: {  	v7 =	vld [tilespmem:s24+$0x3240];
	_ =	sdelay $0x3  }
0x469: {  	v32 =	vperm.xlane v6, v0  }
0x46a: {  	v33 =	vperm.xlane v7, v0  }
0x46b: {  	vm5 =	veq.s32 v32, v6  }
0x46c: {  	v34 =	vperm.xlane v6, v5;
	v9 =	vmax.f32 v7, v33;
	vm5 =	vmand vm5, vm0  }
0x46d: {  	v35 =	vperm.xlane v6, v1;
	v7 =	vsel vm5, v9, v7  }
0x46e: {  	vm5 =	vne.s32 v34, v6;
	v36 =	vperm.xlane v7, v1  }
0x46f: {  	vm6 =	veq.s32 v35, v6;
	vm5 =	vmor vm5, vm4  }
0x470: {  	vm6 =	vmand vm6, vm1;
	v8 =	vmax.f32 v7, v36  }
0x471: {  	v37 =	vperm.xlane v6, v2;
	v7 =	vsel vm6, v8, v7  }
0x472: {  	v8 =	vperm.xlane v7, v2  }
0x473: {  	vm6 =	veq.s32 v37, v6  }
0x474: {  	vm6 =	vmand vm6, vm2;
	v8 =	vmax.f32 v7, v8  }
0x475: {  	v38 =	vperm.xlane v6, v4;
	v39 =	vld.idx.msk [tilespmem:v6+s21+$0x0], vm5;
	v7 =	vsel vm6, v8, v7  }
0x476: {  	v8 =	vperm.xlane v7, v4  }
0x477: {  	vm6 =	veq.s32 v38, v6  }
0x478: {  	vm6 =	vmand vm6, vm3;
	v8 =	vmax.f32 v7, v8  }
0x479: {  	v7 =	vsel vm6, v8, v7  }
0x47a: {  	v7 =	vmax.f32 v39, v7  }
0x47b: {  	[tilespmem:v6+s21+$0x0] =	vst.idx.msk vm5, v7  }
0x47c: {  	v6 =	vld [tilespmem:s24+$0x1E50]  }
0x47d: {  	v7 =	vld [tilespmem:s24+$0x3250];
	_ =	sdelay $0x3  }
0x47e: {  	v40 =	vperm.xlane v6, v0  }
0x47f: {  	v41 =	vperm.xlane v7, v0  }
0x480: {  	vm5 =	veq.s32 v40, v6  }
0x481: {  	v42 =	vperm.xlane v6, v5;
	v9 =	vmax.f32 v7, v41;
	vm5 =	vmand vm5, vm0  }
0x482: {  	v43 =	vperm.xlane v6, v1;
	v7 =	vsel vm5, v9, v7  }
0x483: {  	vm5 =	vne.s32 v42, v6;
	v44 =	vperm.xlane v7, v1  }
0x484: {  	vm6 =	veq.s32 v43, v6;
	vm5 =	vmor vm5, vm4  }
0x485: {  	vm6 =	vmand vm6, vm1;
	v8 =	vmax.f32 v7, v44  }
0x486: {  	v45 =	vperm.xlane v6, v2;
	v7 =	vsel vm6, v8, v7  }
0x487: {  	v8 =	vperm.xlane v7, v2  }
0x488: {  	vm6 =	veq.s32 v45, v6  }
0x489: {  	vm6 =	vmand vm6, vm2;
	v8 =	vmax.f32 v7, v8  }
0x48a: {  	v46 =	vperm.xlane v6, v4;
	v47 =	vld.idx.msk [tilespmem:v6+s21+$0x0], vm5;
	v7 =	vsel vm6, v8, v7  }
0x48b: {  	v8 =	vperm.xlane v7, v4  }
0x48c: {  	vm6 =	veq.s32 v46, v6  }
0x48d: {  	vm6 =	vmand vm6, vm3;
	v8 =	vmax.f32 v7, v8  }
0x48e: {  	v7 =	vsel vm6, v8, v7  }
0x48f: {  	v7 =	vmax.f32 v47, v7  }
0x490: {  	[tilespmem:v6+s21+$0x0] =	vst.idx.msk vm5, v7  }
0x491: {  	v6 =	vld [tilespmem:s24+$0x1E60]  }
0x492: {  	v7 =	vld [tilespmem:s24+$0x3260];
	_ =	sdelay $0x3  }
0x493: {  	v48 =	vperm.xlane v6, v0  }
0x494: {  	v49 =	vperm.xlane v7, v0  }
0x495: {  	vm5 =	veq.s32 v48, v6  }
0x496: {  	v50 =	vperm.xlane v6, v5;
	v9 =	vmax.f32 v7, v49;
	vm5 =	vmand vm5, vm0  }
0x497: {  	v51 =	vperm.xlane v6, v1;
	v7 =	vsel vm5, v9, v7  }
0x498: {  	vm5 =	vne.s32 v50, v6;
	v52 =	vperm.xlane v7, v1  }
0x499: {  	vm6 =	veq.s32 v51, v6;
	vm5 =	vmor vm5, vm4  }
0x49a: {  	vm6 =	vmand vm6, vm1;
	v8 =	vmax.f32 v7, v52  }
0x49b: {  	v53 =	vperm.xlane v6, v2;
	v7 =	vsel vm6, v8, v7  }
0x49c: {  	v8 =	vperm.xlane v7, v2  }
0x49d: {  	vm6 =	veq.s32 v53, v6  }
0x49e: {  	vm6 =	vmand vm6, vm2;
	v8 =	vmax.f32 v7, v8  }
0x49f: {  	v54 =	vperm.xlane v6, v4;
	v55 =	vld.idx.msk [tilespmem:v6+s21+$0x0], vm5;
	v7 =	vsel vm6, v8, v7  }
0x4a0: {  	v8 =	vperm.xlane v7, v4  }
0x4a1: {  	vm6 =	veq.s32 v54, v6  }
0x4a2: {  	vm6 =	vmand vm6, vm3;
	v8 =	vmax.f32 v7, v8  }
0x4a3: {  	v7 =	vsel vm6, v8, v7  }
0x4a4: {  	v7 =	vmax.f32 v55, v7  }
0x4a5: {  	[tilespmem:v6+s21+$0x0] =	vst.idx.msk vm5, v7  }
0x4a6: {  	v6 =	vld [tilespmem:s24+$0x1E70]  }
0x4a7: {  	v7 =	vld [tilespmem:s24+$0x3270];
	_ =	sdelay $0x3  }
0x4a8: {  	v56 =	vperm.xlane v6, v0  }
0x4a9: {  	v57 =	vperm.xlane v7, v0  }
0x4aa: {  	vm5 =	veq.s32 v56, v6  }
0x4ab: {  	v58 =	vperm.xlane v6, v5;
	v9 =	vmax.f32 v7, v57;
	vm5 =	vmand vm5, vm0  }
0x4ac: {  	v59 =	vperm.xlane v6, v1;
	v7 =	vsel vm5, v9, v7  }
0x4ad: {  	vm5 =	vne.s32 v58, v6;
	v60 =	vperm.xlane v7, v1  }
0x4ae: {  	vm6 =	veq.s32 v59, v6;
	vm5 =	vmor vm5, vm4  }
0x4af: {  	vm6 =	vmand vm6, vm1;
	v8 =	vmax.f32 v7, v60  }
0x4b0: {  	v61 =	vperm.xlane v6, v2;
	v7 =	vsel vm6, v8, v7  }
0x4b1: {  	v8 =	vperm.xlane v7, v2  }
0x4b2: {  	vm6 =	veq.s32 v61, v6  }
0x4b3: {  	vm6 =	vmand vm6, vm2;
	v8 =	vmax.f32 v7, v8  }
0x4b4: {  	v62 =	vperm.xlane v6, v4;
	v63 =	vld.idx.msk [tilespmem:v6+s21+$0x0], vm5;
	v7 =	vsel vm6, v8, v7  }
0x4b5: {  	v8 =	vperm.xlane v7, v4  }
0x4b6: {  	vm6 =	veq.s32 v62, v6  }
0x4b7: {  	vm6 =	vmand vm6, vm3;
	v8 =	vmax.f32 v7, v8  }
0x4b8: {  	s23 =	sadd.s32 $0x1, s23;
	v7 =	vsel vm6, v8, v7  }
0x4b9: {  	p0 =	sne.s32 s23, s7;
	v7 =	vmax.f32 v63, v7  }
.Ltmp3:
0x4ba: {  	[tilespmem:v6+s21+$0x0] =	vst.idx.msk vm5, v7;
	(pc) =	sbr.rel @p0 .LBB2_1-.Ltmp3, $4  }
0x4bb: {  	[hbm4b:s6+s2] =	stream.linear.scatter [tilespmem:s21], [sflag:$0x3], $0x2800, $0x38;
	[tilespmem:$0x6400] =	vst v63  }
0x4bc: {  	_ =	swait.ge [sflag:s8], $0x2800  }
0x4bd: {  	[sflag:s8] =	ssyncset.done $0x0  }
0x4be: {  	[sflag:s8] =	ssyncadd.s32 $0xFFFFD800  }
0x4bf: {  	_ =	sfence.sel $0x180000  }
0x4c0: {  	[bflag:$0x0] =	sbarrier.arrive $0xFFFF  }
0x4c1: {  	_ =	strace $0x90000047  }
0x4c2: {  	s0 =	stileid.u32;
	[bflag:$0x2] =	sbarrier.arrive $0xFFFF  }
0x4c3: {  	p0 =	sne.s32 s0, $0x0;
	s0 =	rddreg [dreg:$0x1]  }
0x4c4: {  	s0 =	sadd.s32 @!p0 $0x100000, s0  }
0x4c5: {  	[sflag:s0] =	ssyncadd.tile.s32 @!p0 $0x1;
	_ =	shalt  }
.Lfunc_end2:
_tile_overlayer_lowered:
.L_overlay_start_2:
0x4c6: {  	(tag) =	ssettag $0x2  }
0x4c7: {  	s0 =	rddreg [dreg:$0x0];
	s2 =	stileid.u32  }
0x4c8: {  	s1 =	rddreg [dreg:$0x1];
	p0 =	sne.s32 s2, $0x0  }
0x4c9: {  	s3 =	rddreg [dreg:$0x2];
	[bflag:$0x3] =	sbarrier.arrive $0xFFFF;
	s2 =	simm.s32 @!p0 $0x1C03  }
0x4ca: {  	[timem:s3], [sflag:s2] =	dma.local @!p0 [hbm:s0], s1  }
0x4cb: {  	s0 =	simm.s32 @!p0 $0x3  }
0x4cc: {  	_ =	swait.ge @!p0 [sflag:s0], s1  }
0x4cd: {  	s1 =	ssub.s32 @!p0 $0x0, s1;
	[sflag:s0] =	ssyncset.done @!p0 $0x0  }
0x4ce: {  	[sflag:s0] =	ssyncadd.s32 @!p0 s1  }
0x4cf: {  	[bflag:$0x3] =	sbarrier.arrive $0xFFFF  }
0x4d0: {  	_ =	shalt  }

// kernel: kernel.8.cloned.1.call-start
scs
__scs_entry_jumppad:
0x0: {  	(pc) =	sbr.rel $0x88, $3  }
0x1: {  	(tag) =	ssettag $0x0;
	lr =	simm.s32 $0x1  }
0x2: {  	[smem:$0x3F9B] =	sst lr;
	_ =	strace $0xD0000000  }
0x3: {  	_ = 	snop  }
0x4: {  	_ = 	snop  }
0x5: {  	_ = 	snop  }
0x6: {  	_ = 	snop  }
0x7: {  	_ = 	snop  }
__scs_overlays_trampoline_lowered:
0x8: {  	[smem:$0x3FAA] =	sst s0  }
0x9: {  	[smem:$0x3FAB] =	sst s1  }
0xa: {  	[smem:$0x3FAC] =	sst s2  }
0xb: {  	[smem:$0x3FAD] =	sst s3  }
0xc: {  	[smem:$0x3FAE] =	sst s4  }
0xd: {  	[smem:$0x3FAF] =	sst s5  }
0xe: {  	[smem:$0x3FB0] =	sst s6  }
0xf: {  	[smem:$0x3FB1] =	sst s7  }
0x10: {  	[smem:$0x3FB2] =	sst s8  }
0x11: {  	[smem:$0x3FB3] =	sst s9;
	s0 =	simm.s32 @!p0 $0x0  }
0x12: {  	s1 =	sld [smem:$0x3F99];
	s0 =	simm.s32 @p0 $0x1  }
0x13: {  	[smem:$0x3FB4] =	sst s0;
	s0 =	simm.s32 @!p1 $0x0  }
0x14: {  	s2 =	sld [smem:$0x3F98];
	s0 =	simm.s32 @p1 $0x1  }
0x15: {  	[smem:$0x3FB5] =	sst s0;
	s0 =	simm.s32 @!p2 $0x0  }
0x16: {  	s3 =	sld [smem:$0x3FDB];
	s0 =	simm.s32 @p2 $0x1  }
0x17: {  	s4 =	simm.s32 $0x1BF5;
	[smem:$0x3FB7] =	sst s0  }
0x18: {  	s0 =	sld [smem:$0x3F9A];
	_ =	swait.ge [sflag:s4], $0x0  }
0x19: {  	s7 =	sld [smem:$0x3F9B]  }
0x1a: {  	s8 =	sadd.s32 $0xFFFFE003, lr  }
0x1b: {  	s9 =	sadd.s32 $0xFFFFFEF7, lr;
	s5 =	simm.s32 $0xFFFFFFFF;
	p2 =	slt.u32 s8, $0xFFFFF086  }
0x1c: {  	p1 =	slt.u32 s9, $0xF7A;
	s5 =	simm.s32 @!p2 $0x0  }
0x1d: {  	s5 =	simm.s32 @p1 $0x1;
	p0 =	seq.s32 s7, s2  }
0x1e: {  	s7 =	smul.u32 @!p0 $0xF7A, s2;
	p2 =	seq.s32 @!p0 s5, $0x0  }
0x1f: {  	s9 =	smul.u32 $0xF7A, s1;
	s8 =	simm.s32 @!p0 $0x1BF5;
	p2 =	por !p2, p0  }
0x20: {  	[sflag:s8] =	ssyncset.s32 @!p0 $0xFFFFF086;
	s6 =	sadd.s32 @!p0 s3, s7;
	s7 =	simm.s32 @!p0 $0x108  }
0x21: {  	s3 =	sadd.s32 s3, s9;
	s6 =	sadd.s32 @!p0 $0x88, s6;
	s7 =	simm.s32 @p2 $0x1082  }
0x22: {  	[simem:s7], [sflag:s8] =	dma.local @!p0 [hbm:s6], $0xF7A  }
0x23: {  	s9 =	sor.u32 $0xD0000000, s2;
	s6 =	simm.s32 $0x108;
	_ =	swait.ge @!p0 [sflag:s8], $0x0  }
0x24: {  	s3 =	sadd.s32 $0x88, s3;
	s6 =	simm.s32 @!p1 $0x1082;
	[sflag:s4] =	ssyncset.s32 $0xFFFFF086  }
0x25: {  	[simem:s6], [sflag:s4] =	dma.local [hbm:s3], $0xF7A  }
0x26: {  	[smem:$0x3F9B] =	sst s1;
	(tag) =	ssettag s2;
	_ =	strace s9  }
0x27: {  	s1 =	sld [smem:$0x3FAB]  }
0x28: {  	s2 =	sld [smem:$0x3FAC]  }
0x29: {  	s4 =	sld [smem:$0x3FAE]  }
0x2a: {  	p0 =	seq.s32 s5, $0x0;
	s5 =	sld [smem:$0x3FAF]  }
0x2b: {  	s6 =	sld [smem:$0x3FB0]  }
0x2c: {  	s7 =	sld [smem:$0x3FB1]  }
0x2d: {  	s3 =	simm.s32 $0x108;
	s8 =	sld [smem:$0x3FB2]  }
0x2e: {  	s3 =	simm.s32 @!p0 $0x1082;
	s9 =	sld [smem:$0x3FB3]  }
0x2f: {  	lr =	sadd.s32 s0, s3;
	s0 =	sld [smem:$0x3FAA]  }
0x30: {  	s3 =	sld [smem:$0x3FAD]  }
0x31: {  	[smem:$0x3FB6] =	sst s10  }
0x32: {  	s10 =	sld [smem:$0x3FB4];
	_ =	sdelay $0x3  }
0x33: {  	p0 =	seq.s32 s10, $0x1;
	s10 =	sld [smem:$0x3FB6];
	_ =	sdelay $0x3  }
0x34: {  	[smem:$0x3FB6] =	sst s10  }
0x35: {  	s10 =	sld [smem:$0x3FB5];
	_ =	sdelay $0x3  }
0x36: {  	p1 =	seq.s32 s10, $0x1;
	s10 =	sld [smem:$0x3FB6];
	_ =	sdelay $0x3  }
0x37: {  	[smem:$0x3FB6] =	sst s10  }
0x38: {  	s10 =	sld [smem:$0x3FB7]  }
0x39: {  	_ = 	snop;
	(pc) =	sbr.ind lr, $3  }
0x3a: {  	_ = 	snop  }
0x3b: {  	_ = 	snop  }
0x3c: {  	p2 =	seq.s32 s10, $0x1;
	s10 =	sld [smem:$0x3FB6]  }
0x3d: {  	_ =	shalt  }
0x3e: {  	_ =	shalt  }
0x3f: {  	_ =	shalt  }
0x40: {  	_ =	shalt  }
0x41: {  	_ =	shalt  }
0x42: {  	_ =	shalt  }
0x43: {  	_ =	shalt  }
0x44: {  	_ =	shalt  }
0x45: {  	_ =	shalt  }
0x46: {  	_ =	shalt  }
0x47: {  	_ =	shalt  }
0x48: {  	_ =	shalt  }
0x49: {  	_ =	shalt  }
0x4a: {  	_ =	shalt  }
0x4b: {  	_ =	shalt  }
0x4c: {  	_ =	shalt  }
0x4d: {  	_ =	shalt  }
0x4e: {  	_ =	shalt  }
0x4f: {  	_ =	shalt  }
0x50: {  	_ =	shalt  }
0x51: {  	_ =	shalt  }
0x52: {  	_ =	shalt  }
0x53: {  	_ =	shalt  }
0x54: {  	_ =	shalt  }
0x55: {  	_ =	shalt  }
0x56: {  	_ =	shalt  }
0x57: {  	_ =	shalt  }
0x58: {  	_ =	shalt  }
0x59: {  	_ =	shalt  }
0x5a: {  	_ =	shalt  }
0x5b: {  	_ =	shalt  }
0x5c: {  	_ =	shalt  }
0x5d: {  	_ =	shalt  }
0x5e: {  	_ =	shalt  }
0x5f: {  	_ =	shalt  }
0x60: {  	_ =	shalt  }
0x61: {  	_ =	shalt  }
0x62: {  	_ =	shalt  }
0x63: {  	_ =	shalt  }
0x64: {  	_ =	shalt  }
0x65: {  	_ =	shalt  }
0x66: {  	_ =	shalt  }
0x67: {  	_ =	shalt  }
0x68: {  	_ =	shalt  }
0x69: {  	_ =	shalt  }
0x6a: {  	_ =	shalt  }
0x6b: {  	_ =	shalt  }
0x6c: {  	_ =	shalt  }
0x6d: {  	_ =	shalt  }
0x6e: {  	_ =	shalt  }
0x6f: {  	_ =	shalt  }
0x70: {  	_ =	shalt  }
0x71: {  	_ =	shalt  }
0x72: {  	_ =	shalt  }
0x73: {  	_ =	shalt  }
0x74: {  	_ =	shalt  }
0x75: {  	_ =	shalt  }
0x76: {  	_ =	shalt  }
0x77: {  	_ =	shalt  }
0x78: {  	_ =	shalt  }
0x79: {  	_ =	shalt  }
0x7a: {  	_ =	shalt  }
0x7b: {  	_ =	shalt  }
0x7c: {  	_ =	shalt  }
0x7d: {  	_ =	shalt  }
0x7e: {  	_ =	shalt  }
0x7f: {  	_ =	shalt  }
0x80: {  	_ =	shalt  }
0x81: {  	_ =	shalt  }
0x82: {  	_ =	shalt  }
0x83: {  	_ =	shalt  }
0x84: {  	_ =	shalt  }
0x85: {  	_ =	shalt  }
0x86: {  	_ =	shalt  }
0x87: {  	_ =	shalt  }
.Lfunc_end0:
.L_simem_size_0:
called_computation.1_lowered:
.L_overlay_start_0:
0x88: {  	s2 =	sld [smem:$0x3FD9]  }
0x89: {  	s3 =	sld [smem:$0x3FFE];
	_ =	sdelay $0x1  }
0x8a: {  	s1 =	srdreg.scid  }
0x8b: {  	s0 =	sand.u32 $0x1, s1  }
0x8c: {  	s16 =	sshll.u32 s0, $0xA;
	s2 =	sadd.s32 s3, s2  }
0x8d: {  	s2 =	sadd.s32 s2, s16  }
0x8e: {  	[smem:$0x3FC2] =	sst s2  }
0x8f: {  	_ = 	snop  }
0x90: {  	(tm) =	ssettm $0x1  }
0x91: {  	s17 =	sld [smem:$0x3FFB];
	_ =	sdelay $0x3  }
0x92: {  	_ =	strace s17  }
0x93: {  	s2 =	sld [smem:$0x3FFC];
	_ =	sdelay $0x3  }
0x94: {  	_ =	strace s2  }
0x95: {  	s2 =	sld [smem:$0x3FFD];
	_ =	sdelay $0x3  }
0x96: {  	_ =	strace s2  }
0x97: {  	_ =	strace $0x8FFFFFFF  }
0x98: {  	s18 =	sld [smem:$0x3FDB];
	_ =	sdelay $0x1  }
0x99: {  	s19 =	simm.s32 $_scs_section_size  }
0x9a: {  	s4 =	simm.s32 $_size__tile_overlayer_lowered;
	s5 =	simm.s32 $_tile_overlayer_lowered  }
0x9b: {  	s22 =	simm.s32 $0x1BFF;
	s21 =	sshll.u32 s5, $0x1;
	s2 =	sadd.s32 s19, s18  }
0x9c: {  	s6 =	simm.s32 $0x0;
	s20 =	sshll.u32 s4, $0x1;
	s4 =	sadd.s32 s21, s2  }
0x9d: {  	[timem:s6], [sflag:s22] =	dma.local [hbm:s4], s20  }
0x9e: {  	_ =	swait.ge [sflag:s22], s20  }
0x9f: {  	s3 =	ssub.s32 $0x0, s20;
	[sflag:s22] =	ssyncset.done $0x0  }
0xa0: {  	[sflag:s22] =	ssyncadd.s32 s3;
	_ =	sdelay $0x1  }
0xa1: {  	s23 =	simm.s32 $0x1B8B  }
0xa2: {  	_ =	swait.ge [sflag:s23], $0x1  }
0xa3: {  	[sflag:s23] =	ssyncset.done $0x0  }
0xa4: {  	s25 =	simm.s32 $0x1B8E;
	s24 =	sld [smem:$0x3FFE];
	[sflag:s23] =	ssyncadd.s32 $0xFFFFFFFF  }
0xa5: {  	s26 =	simm.s32 $execute0_lowered;
	[smem:$0x3FD2] =	sst s25  }
0xa6: {  	s4 =	sshll.u32 s26, $0x1;
	_ =	strace $0x80000049;
	[dreg:$0x1] =	wrdreg $0xFFFFFFFF  }
0xa7: {  	s28 =	simm.s32 $_size_execute0_lowered;
	s2 =	sadd.s32 s2, s4;
	[dreg:$0x0] =	wrdreg $0x0  }
0xa8: {  	s4 =	sshll.u32 s28, $0x1;
	[dreg:$0x2] =	wrdreg s2  }
0xa9: {  	[dreg:$0x3] =	wrdreg s4  }
0xaa: {  	[dreg:$0x4] =	wrdreg $0xC0  }
0xab: {  	_ =	task [dreg:s6], $0x5FFFF  }
0xac: {  	[dreg:$0x1] =	wrdreg $0xFFFFFFFF  }
0xad: {  	[dreg:$0x0] =	wrdreg $0x60  }
0xae: {  	[dreg:$0x2] =	wrdreg s24  }
0xaf: {  	[dreg:$0x3] =	wrdreg $0x9  }
0xb0: {  	_ =	task.clear_ibuf [dreg:s6], $0x4FFFF;
	_ =	strace $0x90000049  }
0xb1: {  	s29 =	simm.s32 $0x9;
	_ =	strace $0x8000004B  }
0xb2: {  	_ =	swait.ge [sflag:s29], $0x1  }
0xb3: {  	[sflag:s29] =	ssyncadd.s32 $0xFFFFFFFF  }
0xb4: {  	_ =	strace $0x9000004B  }
0xb5: {  	_ =	sfence  }
0xb6: {  	s30 =	sld [smem:$0x0];
	_ =	sdelay $0x2  }
0xb7: {  	s31 =	sshll.u32 s1, $0xD;
	s1 =	sshrl.u32 s1, $0x2  }
0xb8: {  	s3 =	sand.u32 $0x4000, s31;
	s1 =	sadd.s32 s1, s30  }
0xb9: {  	s0 =	sor.u32 s3, s0;
	s1 =	sshll.u32 s1, $0x11  }
0xba: {  	s0 =	sor.u32 s1, s0  }
0xbb: {  	s0 =	sadd.s32 $0x8F2B, s0  }
0xbc: {  	[sflag:s0] =	ssyncadd.remote.s32 $0x1  }
0xbd: {  	_ =	sfence.sel $0xFFFF  }
0xbe: {  	[dreg:$0x0] =	wrdreg $0xFFFFFFFF;
	(pc) =	sbr.abs _section_cstart, $3  }
0xbf: {  	[dreg:$0x1] =	wrdreg $0xFFFFFFFF  }
0xc0: {  	_ =	task.clear_ibuf [dreg:s6], $0x2FFFF;
	_ =	strace $0x9FFFFFFF  }
0xc1: {  	(tm) =	ssettm $0x7FFFFFFF  }
tec
execute0_lowered:
.L_overlay_start_1:
0x0: {  	(tag) =	ssettag $0x1  }
0x1: {  	s1 =	srdreg.scid  }
0x2: {  	s0 =	stileid.u32;
	s4 =	rddreg [dreg:$0x0];
	s2 =	simm.s32 $0x0  }
0x3: {  	s6 =	simm.s32 $0x140;
	s3 =	sand.u32 $0x1, s1;
	s30 =	sshll.u32 s0, $0x1  }
0x4: {  	s7 =	simm.s32 $0x2800;
	s8 =	simm.s32 $0x1;
	s1 =	sor.u32 s3, s30  }
0x5: {  	[smem:$0x7FF] =	sst s2;
	s3 =	ssub.s32 $0x2, s3;
	s5 =	smul.u32 $0x28, s1  }
0x6: {  	s9 =	simm.s32 $0x0;
	s1 =	rddreg [dreg:$0x1];
	s31 =	sshrl.u32 s3, $0x1  }
0x7: {  	_ =	strace $0x8000004A;
	s4 =	sadd.s32 s5, s4;
	s5 =	ssub.s32 s3, s31  }
0x8: {  	s3 =	sadd.s32 $0xFE00, s4;
	s4 =	sadd.s32 $0xE00, s4;
	s5 =	smax.u32 s5, $0x1  }
.LBB2_1:
0x9: {  	[tilespmem:s2], [sflag:$0x1] =	stream.strided.gather [hbm4b:s3+s6], $0x2800, s7, s6, $0x38;
	[tilespmem:$0x2940] =	vst v63  }
0xa: {  	_ =	swait.ge [sflag:s8], $0x2800  }
0xb: {  	[sflag:s8] =	ssyncset.done $0x0  }
0xc: {  	s10 =	simm.s32 $0x0;
	[sflag:s8] =	ssyncadd.s32 $0xFFFFD800  }
0xd: {  	v0 =	vld [tilespmem:s10+$0x0]  }
0xe: {  	v1 =	vld [tilespmem:s10+$0x140]  }
0xf: {  	v2 =	vld [tilespmem:s10+$0x280]  }
0x10: {  	v3 =	vld [tilespmem:s10+$0x3C0]  }
0x11: {  	v4 =	vld [tilespmem:s10+$0x500]  }
0x12: {  	v5 =	vld [tilespmem:s10+$0x640]  }
0x13: {  	v0 =	vmax.f32 v0, v1;
	v1 =	vld [tilespmem:s10+$0x780]  }
0x14: {  	v0 =	vmax.f32 v0, v2;
	v2 =	vld [tilespmem:s10+$0x8C0]  }
0x15: {  	v0 =	vmax.f32 v0, v3;
	v3 =	vld [tilespmem:s10+$0xA00]  }
0x16: {  	v0 =	vmax.f32 v0, v4;
	v4 =	vld [tilespmem:s10+$0xB40]  }
0x17: {  	v0 =	vmax.f32 v0, v5;
	v5 =	vld [tilespmem:s10+$0xC80]  }
0x18: {  	v0 =	vmax.f32 v0, v1;
	v1 =	vld [tilespmem:s10+$0xDC0]  }
0x19: {  	v0 =	vmax.f32 v0, v2;
	v2 =	vld [tilespmem:s10+$0xF00]  }
0x1a: {  	v0 =	vmax.f32 v0, v3;
	v3 =	vld [tilespmem:s10+$0x1040]  }
0x1b: {  	v0 =	vmax.f32 v0, v4;
	v4 =	vld [tilespmem:s10+$0x1180]  }
0x1c: {  	v0 =	vmax.f32 v0, v5;
	v5 =	vld [tilespmem:s10+$0x12C0]  }
0x1d: {  	v0 =	vmax.f32 v0, v1;
	v1 =	vld [tilespmem:s10+$0x1400]  }
0x1e: {  	v0 =	vmax.f32 v0, v2;
	v2 =	vld [tilespmem:s10+$0x1540]  }
0x1f: {  	v0 =	vmax.f32 v0, v3;
	v3 =	vld [tilespmem:s10+$0x1680]  }
0x20: {  	v0 =	vmax.f32 v0, v4;
	v4 =	vld [tilespmem:s10+$0x17C0]  }
0x21: {  	v0 =	vmax.f32 v0, v5;
	v5 =	vld [tilespmem:s10+$0x1900]  }
0x22: {  	v0 =	vmax.f32 v0, v1;
	v1 =	vld [tilespmem:s10+$0x1A40]  }
0x23: {  	v0 =	vmax.f32 v0, v2;
	v2 =	vld [tilespmem:s10+$0x1B80]  }
0x24: {  	v0 =	vmax.f32 v0, v3;
	v3 =	vld [tilespmem:s10+$0x1CC0]  }
0x25: {  	v0 =	vmax.f32 v0, v4;
	v4 =	vld [tilespmem:s10+$0x1E00]  }
0x26: {  	v0 =	vmax.f32 v0, v5;
	v5 =	vld [tilespmem:s10+$0x1F40]  }
0x27: {  	v6 =	vld [tilespmem:s10+$0x2080];
	v0 =	vmax.f32 v0, v1  }
0x28: {  	v7 =	vld [tilespmem:s10+$0x21C0];
	v0 =	vmax.f32 v0, v2  }
0x29: {  	v1 =	vld [tilespmem:s10+$0x2300];
	v0 =	vmax.f32 v0, v3  }
0x2a: {  	v2 =	vld [tilespmem:s10+$0x2440];
	v0 =	vmax.f32 v0, v4  }
0x2b: {  	v3 =	vld [tilespmem:s10+$0x2580];
	v0 =	vmax.f32 v0, v5  }
0x2c: {  	s12 =	simm.s32 $0x10;
	v4 =	vld [tilespmem:s10+$0x26C0];
	v5 =	vmax.f32 v0, v6  }
0x2d: {  	s11 =	simm.s32 $0x80;
	v0 =	vld [tilespmem:s12+$0x0];
	v5 =	vmax.f32 v5, v7  }
.LBB2_2:
0x2e: {  	p0 =	sne.s32 s11, $0x4C0;
	v6 =	vld [tilespmem:s12+$0x140];
	v1 =	vmax.f32 v5, v1  }
0x2f: {  	v5 =	vld [tilespmem:s12+$0x280];
	v1 =	vmax.f32 v1, v2  }
0x30: {  	v2 =	vld [tilespmem:s12+$0x3C0];
	v1 =	vmax.f32 v1, v3  }
0x31: {  	v3 =	vld [tilespmem:s12+$0x500];
	v1 =	vmax.f32 v1, v4  }
0x32: {  	v4 =	vld [tilespmem:s12+$0x640];
	[tilespmem:s10+$0x2800] =	vst v1;
	s10 =	smov.u32 s12  }
0x33: {  	v0 =	vmax.f32 v0, v6;
	v1 =	vld [tilespmem:s10+$0x780]  }
0x34: {  	v0 =	vmax.f32 v0, v5;
	v5 =	vld [tilespmem:s10+$0x8C0]  }
0x35: {  	v0 =	vmax.f32 v0, v2;
	v2 =	vld [tilespmem:s10+$0xA00]  }
0x36: {  	v0 =	vmax.f32 v0, v3;
	v3 =	vld [tilespmem:s10+$0xB40]  }
0x37: {  	v0 =	vmax.f32 v0, v4;
	v4 =	vld [tilespmem:s10+$0xC80]  }
0x38: {  	v0 =	vmax.f32 v0, v1;
	v1 =	vld [tilespmem:s10+$0xDC0]  }
0x39: {  	v0 =	vmax.f32 v0, v5;
	v5 =	vld [tilespmem:s10+$0xF00]  }
0x3a: {  	v0 =	vmax.f32 v0, v2;
	v2 =	vld [tilespmem:s10+$0x1040]  }
0x3b: {  	v0 =	vmax.f32 v0, v3;
	v3 =	vld [tilespmem:s10+$0x1180]  }
0x3c: {  	v0 =	vmax.f32 v0, v4;
	v4 =	vld [tilespmem:s10+$0x12C0]  }
0x3d: {  	v0 =	vmax.f32 v0, v1;
	v1 =	vld [tilespmem:s10+$0x1400]  }
0x3e: {  	v0 =	vmax.f32 v0, v5;
	v5 =	vld [tilespmem:s10+$0x1540]  }
0x3f: {  	v0 =	vmax.f32 v0, v2;
	v2 =	vld [tilespmem:s10+$0x1680]  }
0x40: {  	v0 =	vmax.f32 v0, v3;
	v3 =	vld [tilespmem:s10+$0x17C0]  }
0x41: {  	v0 =	vmax.f32 v0, v4;
	v4 =	vld [tilespmem:s10+$0x1900]  }
0x42: {  	v0 =	vmax.f32 v0, v1;
	v1 =	vld [tilespmem:s10+$0x1A40]  }
0x43: {  	v0 =	vmax.f32 v0, v5;
	v5 =	vld [tilespmem:s10+$0x1B80]  }
0x44: {  	v0 =	vmax.f32 v0, v2;
	v2 =	vld [tilespmem:s10+$0x1CC0]  }
0x45: {  	v0 =	vmax.f32 v0, v3;
	v3 =	vld [tilespmem:s10+$0x1E00]  }
0x46: {  	v0 =	vmax.f32 v0, v4;
	v4 =	vld [tilespmem:s10+$0x1F40]  }
0x47: {  	v0 =	vmax.f32 v0, v1;
	v6 =	vld [tilespmem:s10+$0x2080]  }
0x48: {  	v0 =	vmax.f32 v0, v5;
	v5 =	vld [tilespmem:s10+$0x21C0]  }
.Ltmp0:
0x49: {  	v0 =	vmax.f32 v0, v2;
	v1 =	vld [tilespmem:s10+$0x2300];
	(pc) =	sbr.rel @p0 .LBB2_2-.Ltmp0, $4  }
0x4a: {  	v0 =	vmax.f32 v0, v3;
	v2 =	vld [tilespmem:s10+$0x2440]  }
0x4b: {  	v0 =	vmax.f32 v0, v4;
	v3 =	vld [tilespmem:s10+$0x2580]  }
0x4c: {  	s12 =	sshra.s32 s11, $0x2;
	v6 =	vmax.f32 v0, v6;
	v4 =	vld [tilespmem:s10+$0x26C0]  }
0x4d: {  	s11 =	sadd.s32 $0x40, s11;
	v0 =	vld [tilespmem:s12+$0x0];
	v5 =	vmax.f32 v6, v5  }
0x4e: {  	v6 =	vld [tilespmem:s12+$0x140];
	v1 =	vmax.f32 v5, v1  }
0x4f: {  	v35 =	vld [tilespmem:s12+$0x280];
	v1 =	vmax.f32 v1, v2  }
0x50: {  	v36 =	vld [tilespmem:s12+$0x3C0];
	v1 =	vmax.f32 v1, v3  }
0x51: {  	v37 =	vld [tilespmem:s12+$0x500];
	v1 =	vmax.f32 v1, v4  }
0x52: {  	v38 =	vld [tilespmem:s12+$0x640];
	[tilespmem:s10+$0x2800] =	vst v1  }
0x53: {  	v0 =	vmax.f32 v0, v6;
	v1 =	vld [tilespmem:s12+$0x780]  }
0x54: {  	v39 =	vld [tilespmem:s12+$0x8C0];
	v0 =	vmax.f32 v0, v35  }
0x55: {  	v40 =	vld [tilespmem:s12+$0xA00];
	v0 =	vmax.f32 v0, v36  }
0x56: {  	v41 =	vld [tilespmem:s12+$0xB40];
	v0 =	vmax.f32 v0, v37  }
0x57: {  	v42 =	vld [tilespmem:s12+$0xC80];
	v0 =	vmax.f32 v0, v38  }
0x58: {  	v43 =	vld [tilespmem:s12+$0xDC0];
	v0 =	vmax.f32 v0, v1  }
0x59: {  	v44 =	vld [tilespmem:s12+$0xF00];
	v0 =	vmax.f32 v0, v39  }
0x5a: {  	v45 =	vld [tilespmem:s12+$0x1040];
	v0 =	vmax.f32 v0, v40  }
0x5b: {  	v46 =	vld [tilespmem:s12+$0x1180];
	v0 =	vmax.f32 v0, v41  }
0x5c: {  	v47 =	vld [tilespmem:s12+$0x12C0];
	v0 =	vmax.f32 v0, v42  }
0x5d: {  	v48 =	vld [tilespmem:s12+$0x1400];
	v0 =	vmax.f32 v0, v43  }
0x5e: {  	v49 =	vld [tilespmem:s12+$0x1540];
	v0 =	vmax.f32 v0, v44  }
0x5f: {  	v50 =	vld [tilespmem:s12+$0x1680];
	v0 =	vmax.f32 v0, v45  }
0x60: {  	v51 =	vld [tilespmem:s12+$0x17C0];
	v0 =	vmax.f32 v0, v46  }
0x61: {  	v52 =	vld [tilespmem:s12+$0x1900];
	v0 =	vmax.f32 v0, v47  }
0x62: {  	v53 =	vld [tilespmem:s12+$0x1A40];
	v0 =	vmax.f32 v0, v48  }
0x63: {  	v54 =	vld [tilespmem:s12+$0x1B80];
	v0 =	vmax.f32 v0, v49  }
0x64: {  	v55 =	vld [tilespmem:s12+$0x1CC0];
	v0 =	vmax.f32 v0, v50  }
0x65: {  	v56 =	vld [tilespmem:s12+$0x1E00];
	v0 =	vmax.f32 v0, v51  }
0x66: {  	v57 =	vld [tilespmem:s12+$0x1F40];
	v0 =	vmax.f32 v0, v52  }
0x67: {  	v58 =	vld [tilespmem:s12+$0x2080];
	v0 =	vmax.f32 v0, v53  }
0x68: {  	v59 =	vld [tilespmem:s12+$0x21C0];
	v0 =	vmax.f32 v0, v54  }
0x69: {  	v60 =	vld [tilespmem:s12+$0x2300];
	v0 =	vmax.f32 v0, v55  }
0x6a: {  	v61 =	vld [tilespmem:s12+$0x2440];
	v0 =	vmax.f32 v0, v56  }
0x6b: {  	v62 =	vld [tilespmem:s12+$0x2580];
	v0 =	vmax.f32 v0, v57  }
0x6c: {  	v63 =	vld [tilespmem:s12+$0x26C0];
	v0 =	vmax.f32 v0, v58  }
0x6d: {  	v0 =	vmax.f32 v0, v59  }
0x6e: {  	v0 =	vmax.f32 v0, v60  }
0x6f: {  	v0 =	vmax.f32 v0, v61  }
0x70: {  	s9 =	sadd.s32 $0x1, s9;
	v0 =	vmax.f32 v0, v62  }
0x71: {  	p0 =	sne.s32 s9, s5;
	v0 =	vmax.f32 v0, v63  }
.Ltmp1:
0x72: {  	[tilespmem:s12+$0x2800] =	vst v0;
	(pc) =	sbr.rel @p0 .LBB2_1-.Ltmp1, $4  }
0x73: {  	[hbm4b:s4+s2] =	stream.linear.scatter [tilespmem:s7], [sflag:$0x1], $0x140, $0x38;
	[tilespmem:$0x2940] =	vst v63  }
0x74: {  	_ =	swait.ge [sflag:s8], $0x140  }
0x75: {  	[sflag:s8] =	ssyncset.done $0x0  }
0x76: {  	[sflag:s8] =	ssyncadd.s32 $0xFFFFFEC0  }
0x77: {  	_ =	sfence.sel $0x180000  }
0x78: {  	[bflag:$0x0] =	sbarrier.arrive $0xFFFF  }
0x79: {  	p0 =	sne.s32 s0, $0x0;
	_ =	strace $0x9000004A  }
0x7a: {  	s0 =	sadd.s32 @!p0 $0x100000, s1;
	[bflag:$0x2] =	sbarrier.arrive $0xFFFF  }
0x7b: {  	[sflag:s0] =	ssyncadd.tile.s32 @!p0 $0x1;
	_ =	shalt  }
.Lfunc_end2:
_tile_overlayer_lowered:
.L_overlay_start_2:
0x7c: {  	(tag) =	ssettag $0x2  }
0x7d: {  	s0 =	rddreg [dreg:$0x0];
	s2 =	stileid.u32  }
0x7e: {  	s1 =	rddreg [dreg:$0x1];
	p0 =	sne.s32 s2, $0x0  }
0x7f: {  	s3 =	rddreg [dreg:$0x2];
	[bflag:$0x3] =	sbarrier.arrive $0xFFFF;
	s2 =	simm.s32 @!p0 $0x1C01  }
0x80: {  	[timem:s3], [sflag:s2] =	dma.local @!p0 [hbm:s0], s1  }
0x81: {  	s0 =	simm.s32 @!p0 $0x1  }
0x82: {  	_ =	swait.ge @!p0 [sflag:s0], s1  }
0x83: {  	s1 =	ssub.s32 @!p0 $0x0, s1;
	[sflag:s0] =	ssyncset.done @!p0 $0x0  }
0x84: {  	[sflag:s0] =	ssyncadd.s32 @!p0 s1  }
0x85: {  	[bflag:$0x3] =	sbarrier.arrive $0xFFFF  }
0x86: {  	_ =	shalt  }

</sc_bundles>
